<compile_context>
chip_gen: v7x
topology: tpu7x:2x2x1
jax: 0.10.2.dev20260603
libtpu: 0.0.44.dev20260713+nightly
codegen_flags: <defaults>
</compile_context>

<pallas_src>
import functools

import jax
import jax.numpy as jnp
from jax import lax
from jax.experimental import pallas as pl
from jax.experimental.pallas import tpu as pltpu
from jax.experimental.pallas import tpu_sc as plsc

N = 10000
E = 320000
D = 128

NC = 2
NS = 16
NW = NC * NS
EPW = E // NW
CH = 100
NCHUNK = EPW // CH
NBUF = 2
UNROLL = 20
RPT = N // NS
RCH = 5
ZCH = 125

DEG_ROWS = 640

_sc_mesh = functools.partial(
    plsc.VectorSubcoreMesh, core_axis_name="c", subcore_axis_name="s")
_sc_params = pltpu.CompilerParams(
    needs_layout_passes=False, use_tc_tiling_on_sc=False)


def _deg_body(dst_hbm, out_hbm, dst_v, acc_v):
  wid = lax.axis_index("s") * NC + lax.axis_index("c")
  pltpu.sync_copy(dst_hbm.at[wid], dst_v)

  def zero(i, _):
    acc_v[pl.ds(i * 16, 16)] = jnp.zeros((16,), jnp.float32)
    return 0
  lax.fori_loop(0, DEG_ROWS, zero, 0)

  ones = jnp.ones((16,), jnp.float32)

  def acc(i, _):
    d = dst_v[i, :]
    plsc.addupdate_scatter(acc_v, [d], ones)
    return 0
  lax.fori_loop(0, EPW // 16, acc, 0)

  pltpu.sync_copy(acc_v, out_hbm.at[wid])


def _deg_partials(dst):
  k = pl.kernel(
      _deg_body,
      out_type=jax.ShapeDtypeStruct((NW, DEG_ROWS * 16), jnp.float32),
      mesh=_sc_mesh(),
      scratch_types=[
          pltpu.VMEM((EPW // 16, 16), jnp.int32),
          pltpu.VMEM((DEG_ROWS * 16,), jnp.float32),
      ],
      compiler_params=_sc_params,
  )
  return k(dst)


def _prop_body(g_hbm, src_hbm, dst_hbm, out_hbm, src_v, dst_v,
               r0_v, r1_v, acc_sh, g0, g1, s0, s1):
  rows = (r0_v, r1_v)
  gsem = (g0, g1)
  ssem = (s0, s1)
  c = lax.axis_index("c")
  s = lax.axis_index("s")
  wid = s * NC + c
  hsrc = pltpu.async_copy(src_hbm.at[wid], src_v, s0)
  hdst = pltpu.async_copy(dst_hbm.at[wid], dst_v, s1)

  def zero(i, _):
    for b in range(D // 16):
      r0_v[i, pl.ds(b * 16, 16)] = jnp.zeros((16,), jnp.float32)
    return 0
  lax.fori_loop(0, CH, zero, 0)
  hz = [pltpu.async_copy(r0_v, acc_sh.at[pl.ds(s * RPT + k * CH, CH)],
                         gsem[k % 2]) for k in range(6)]
  hz.append(pltpu.async_copy(r0_v.at[pl.ds(0, RPT - 6 * CH)],
                             acc_sh.at[pl.ds(s * RPT + 6 * CH, RPT - 6 * CH)],
                             gsem[0]))
  for h in hz:
    h.wait()
  hsrc.wait()
  hdst.wait()
  plsc.subcore_barrier()

  def step(t, _):
    j = t * UNROLL
    hg = pltpu.async_copy(g_hbm.at[src_v.at[j]], rows[0], gsem[0])
    hs = None
    for i in range(UNROLL):
      if hs is not None:
        hs.wait()
      hg_next = None
      if i + 1 < UNROLL:
        hg_next = pltpu.async_copy(
            g_hbm.at[src_v.at[j + i + 1]], rows[(i + 1) % 2], gsem[(i + 1) % 2])
      hg.wait()
      hs = pltpu.async_copy(rows[i % 2], acc_sh.at[dst_v.at[j + i]],
                            ssem[0], add=True)
      hg = hg_next
    hs.wait()
    return 0
  lax.fori_loop(0, NCHUNK // UNROLL, step, 0)
  plsc.subcore_barrier()

  pltpu.sync_copy(acc_sh.at[pl.ds(s * RPT, RPT)],
                  out_hbm.at[c].at[pl.ds(s * RPT, RPT)])


def _propagate(g, src, dst):
  k = pl.kernel(
      _prop_body,
      out_type=jax.ShapeDtypeStruct((NC, N, D), jnp.float32),
      mesh=_sc_mesh(),
      scratch_types=[
          pltpu.VMEM((NCHUNK, CH), jnp.int32),
          pltpu.VMEM((NCHUNK, CH), jnp.int32),
          pltpu.VMEM((CH, D), jnp.float32),
          pltpu.VMEM((CH, D), jnp.float32),
          pltpu.VMEM_SHARED((N, D), jnp.float32),
      ] + [pltpu.SemaphoreType.DMA] * (2 * NBUF),
      compiler_params=_sc_params,
  )
  return k(g, src, dst)


def _tc1_body(x_ref, w_ref, dinv_ref, o_ref):
  h = jnp.dot(x_ref[...], w_ref[...], preferred_element_type=jnp.float32)
  o_ref[...] = h * dinv_ref[...]


def _tc2_body(p_ref, g_ref, dinv_ref, b_ref, w_ref, o_ref):
  agg = (p_ref[0] + p_ref[1] + g_ref[...]) * dinv_ref[...] + b_ref[...]
  h1 = jnp.maximum(agg, 0.0)
  h2 = jnp.dot(h1, w_ref[...], preferred_element_type=jnp.float32)
  o_ref[...] = h2 * dinv_ref[...]


def _tc3_body(p_ref, g_ref, dinv_ref, b_ref, o_ref):
  o_ref[...] = (p_ref[0] + p_ref[1] + g_ref[...]) * dinv_ref[...] + b_ref[...]


def _tc_call(body, *args):
  return pl.pallas_call(
      body, out_shape=jax.ShapeDtypeStruct((N, D), jnp.float32))(*args)


@jax.jit
def kernel(x, edge_index, W1, b1, W2, b2):
  src = edge_index[0].reshape(NW, NCHUNK, CH)
  dst = edge_index[1].reshape(NW, NCHUNK, CH)
  dst16 = edge_index[1].reshape(NW, EPW // 16, 16)

  degp = _deg_partials(dst16)
  deg = 1.0 + jnp.sum(degp, axis=0)[:N]
  dinv = lax.rsqrt(deg).reshape(N, 1)

  g1 = _tc_call(_tc1_body, x, W1, dinv)
  p1 = _propagate(g1, src, dst)
  g2 = _tc_call(_tc2_body, p1, g1, dinv, b1.reshape(1, D), W2)
  p2 = _propagate(g2, src, dst)
  out = _tc_call(_tc3_body, p2, g2, dinv, b2.reshape(1, D))
  return out

# --- scband reference (transcript-rebuilt; emitter-appended) ---
"""Pipeline reference for scband-gcn-53360673686003 (READ-ONLY COPY).

The authoritative reference and input builder live on the scoring server;
editing this copy changes nothing except your own understanding.
"""

import jax, jax.numpy as jnp
import numpy as np

N = 10000
E = 320000
D_IN = 128
D_HID = 128
D_OUT = 128


def setup_inputs(seed: int = 0) -> dict:
    key = jax.random.key(seed)
    k1, k2, k3, k4, k5, k6 = jax.random.split(key, 6)
    x = jax.random.normal(k1, (N, D_IN), dtype=jnp.float32)
    edge_index = jax.random.randint(k2, (2, E), 0, N, dtype=jnp.int32)
    W1 = jax.random.normal(k3, (D_IN, D_HID), dtype=jnp.float32) / np.sqrt(D_IN)
    b1 = jnp.zeros((D_HID,), dtype=jnp.float32)
    W2 = jax.random.normal(k4, (D_HID, D_OUT), dtype=jnp.float32) / np.sqrt(D_HID)
    b2 = jnp.zeros((D_OUT,), dtype=jnp.float32)
    return {"x": x, "edge_index": edge_index, "W1": W1, "b1": b1, "W2": W2, "b2": b2}


def _gcn_conv(x, W, b, src, dst, norm):
    h = x @ W
    msg = h[src] * norm[:, None]
    agg = jnp.zeros((N, h.shape[1]), dtype=h.dtype).at[dst].add(msg)
    return agg + b


def reference(x, edge_index, W1, b1, W2, b2):
    # GCNConv with added self-loops and symmetric normalization (PyG semantics)
    loop = jnp.arange(N, dtype=edge_index.dtype)
    src = jnp.concatenate([edge_index[0], loop])
    dst = jnp.concatenate([edge_index[1], loop])
    deg = jnp.zeros((N,), dtype=jnp.float32).at[dst].add(1.0)
    deg_inv_sqrt = jnp.where(deg > 0, 1.0 / jnp.sqrt(deg), 0.0)
    norm = deg_inv_sqrt[src] * deg_inv_sqrt[dst]
    h1 = jax.nn.relu(_gcn_conv(x, W1, b1, src, dst, norm))
    out = _gcn_conv(h1, W2, b2, src, dst, norm)
    return out

if __name__ == "__main__":
    import jax
    _d = setup_inputs()
    print(jax.jit(kernel)(*tuple(_d.values())))

</pallas_src>

<mosaic_0001>
#map = affine_map<(d0, d1) -> (0, 0)>
#map1 = affine_map<(d0, d1) -> (0, 0, 0)>
module attributes {stable_mosaic.version = 14 : i64} {
  func.func @_prop_body(%arg0: i32, %arg1: i32, %arg2: memref<10000x128xf32, #tpu.memory_space<hbm>>, %arg3: memref<32x100x100xi32, #tpu.memory_space<hbm>>, %arg4: memref<32x100x100xi32, #tpu.memory_space<hbm>>, %arg5: memref<2x10000x128xf32, #tpu.memory_space<hbm>>, %arg6: memref<100x100xi32, #tpu.memory_space<vmem>>, %arg7: memref<100x100xi32, #tpu.memory_space<vmem>>, %arg8: memref<100x128xf32, #tpu.memory_space<vmem>>, %arg9: memref<100x128xf32, #tpu.memory_space<vmem>>, %arg10: memref<10000x128xf32, #tpu.memory_space<vmem_shared>>, %arg11: memref<!tpu.dma_semaphore, #tpu.memory_space<semaphore_mem>>, %arg12: memref<!tpu.dma_semaphore, #tpu.memory_space<semaphore_mem>>, %arg13: memref<!tpu.dma_semaphore, #tpu.memory_space<semaphore_mem>>, %arg14: memref<!tpu.dma_semaphore, #tpu.memory_space<semaphore_mem>>) attributes {dimension_semantics = [#tpu.dimension_semantics<core_parallel>, #tpu.dimension_semantics<subcore_parallel>], iteration_bounds = array<i64: 2, 16>, scalar_prefetch = 0 : i64, scratch_operands = 9 : i64, tpu.core_type = #tpu.core_type<sc_vector_subcore>, window_params = [{transform_indices = #map}, {transform_indices = #map1}, {transform_indices = #map1}, {transform_indices = #map1}]} {
    %mul3A = arith.constant 2 : i32
    %mul3A_0 = arith.muli %arg1, %mul3A : i32
    %add3A = arith.addi %mul3A_0, %arg0 : i32
    %dma_start3A = arith.constant 0 : i32
    %dma_start3A_1 = arith.constant 0 : i32
    %dma_start3A_2 = tpu.memref_slice %arg3[%add3A, %dma_start3A, %dma_start3A_1] : memref<32x100x100xi32, #tpu.memory_space<hbm>> -> memref<1x100x100xi32, #tpu.memory_space<hbm>>
    %dma_start3A_3 = tpu.memref_squeeze %dma_start3A_2 : memref<1x100x100xi32, #tpu.memory_space<hbm>> -> memref<100x100xi32, #tpu.memory_space<hbm>>
    %dma_start3A_4 = arith.constant 0 : i32
    %dma_start3A_5 = arith.constant 0 : i32
    %dma_start3A_6 = tpu.memref_slice %arg3[%add3A, %dma_start3A_4, %dma_start3A_5] : memref<32x100x100xi32, #tpu.memory_space<hbm>> -> memref<1x100x100xi32, #tpu.memory_space<hbm>>
    %dma_start3A_7 = tpu.memref_squeeze %dma_start3A_6 : memref<1x100x100xi32, #tpu.memory_space<hbm>> -> memref<100x100xi32, #tpu.memory_space<hbm>>
    tpu.enqueue_dma source(%dma_start3A_7 : memref<100x100xi32, #tpu.memory_space<hbm>>) target(%arg6 : memref<100x100xi32, #tpu.memory_space<vmem>>) target_semaphore(%arg13 : memref<!tpu.dma_semaphore, #tpu.memory_space<semaphore_mem>>)
    %dma_start3A_8 = arith.constant 0 : i32
    %dma_start3A_9 = arith.constant 0 : i32
    %dma_start3A_10 = tpu.memref_slice %arg4[%add3A, %dma_start3A_8, %dma_start3A_9] : memref<32x100x100xi32, #tpu.memory_space<hbm>> -> memref<1x100x100xi32, #tpu.memory_space<hbm>>
    %dma_start3A_11 = tpu.memref_squeeze %dma_start3A_10 : memref<1x100x100xi32, #tpu.memory_space<hbm>> -> memref<100x100xi32, #tpu.memory_space<hbm>>
    %dma_start3A_12 = arith.constant 0 : i32
    %dma_start3A_13 = arith.constant 0 : i32
    %dma_start3A_14 = tpu.memref_slice %arg4[%add3A, %dma_start3A_12, %dma_start3A_13] : memref<32x100x100xi32, #tpu.memory_space<hbm>> -> memref<1x100x100xi32, #tpu.memory_space<hbm>>
    %dma_start3A_15 = tpu.memref_squeeze %dma_start3A_14 : memref<1x100x100xi32, #tpu.memory_space<hbm>> -> memref<100x100xi32, #tpu.memory_space<hbm>>
    tpu.enqueue_dma source(%dma_start3A_15 : memref<100x100xi32, #tpu.memory_space<hbm>>) target(%arg7 : memref<100x100xi32, #tpu.memory_space<vmem>>) target_semaphore(%arg14 : memref<!tpu.dma_semaphore, #tpu.memory_space<semaphore_mem>>)
    %scan3A = arith.constant 0 : i32
    %scan3A_16 = arith.constant 0 : i32
    %scan3A_17 = arith.constant 100 : i32
    %scan3A_18 = arith.addi %scan3A_16, %scan3A_17 : i32
    %scan3A_19 = arith.constant 1 : i32
    %scan3A_20 = scf.for %scan3A_145 = %scan3A_16 to %scan3A_18 step %scan3A_19 iter_args(%scan3A_146 = %scan3A) -> (i32)  : i32 {
      %broadcast_in_dim3A = arith.constant 0.000000e+00 : f32
      %broadcast_in_dim3A_147 = vector.broadcast %broadcast_in_dim3A : f32 to vector<16xf32>
      %swap3A = arith.index_cast %scan3A_145 : i32 to index
      %swap3A_148 = arith.constant 0 : index
      %swap3A_149 = tpu.vector_load %arg8[%swap3A, %swap3A_148] {strides = array<i32>} : memref<100x128xf32, #tpu.memory_space<vmem>>, vector<16xf32>,
      tpu.vector_store %arg8[%swap3A, %swap3A_148], %broadcast_in_dim3A_147 {strides = array<i32>} : memref<100x128xf32, #tpu.memory_space<vmem>>, vector<16xf32>,
      %broadcast_in_dim3A_150 = arith.constant 0.000000e+00 : f32
      %broadcast_in_dim3A_151 = vector.broadcast %broadcast_in_dim3A_150 : f32 to vector<16xf32>
      %swap3A_152 = arith.index_cast %scan3A_145 : i32 to index
      %swap3A_153 = arith.constant 16 : index
      %swap3A_154 = tpu.vector_load %arg8[%swap3A_152, %swap3A_153] {strides = array<i32>} : memref<100x128xf32, #tpu.memory_space<vmem>>, vector<16xf32>,
      tpu.vector_store %arg8[%swap3A_152, %swap3A_153], %broadcast_in_dim3A_151 {strides = array<i32>} : memref<100x128xf32, #tpu.memory_space<vmem>>, vector<16xf32>,
      %broadcast_in_dim3A_155 = arith.constant 0.000000e+00 : f32
      %broadcast_in_dim3A_156 = vector.broadcast %broadcast_in_dim3A_155 : f32 to vector<16xf32>
      %swap3A_157 = arith.index_cast %scan3A_145 : i32 to index
      %swap3A_158 = arith.constant 32 : index
      %swap3A_159 = tpu.vector_load %arg8[%swap3A_157, %swap3A_158] {strides = array<i32>} : memref<100x128xf32, #tpu.memory_space<vmem>>, vector<16xf32>,
      tpu.vector_store %arg8[%swap3A_157, %swap3A_158], %broadcast_in_dim3A_156 {strides = array<i32>} : memref<100x128xf32, #tpu.memory_space<vmem>>, vector<16xf32>,
      %broadcast_in_dim3A_160 = arith.constant 0.000000e+00 : f32
      %broadcast_in_dim3A_161 = vector.broadcast %broadcast_in_dim3A_160 : f32 to vector<16xf32>
      %swap3A_162 = arith.index_cast %scan3A_145 : i32 to index
      %swap3A_163 = arith.constant 48 : index
      %swap3A_164 = tpu.vector_load %arg8[%swap3A_162, %swap3A_163] {strides = array<i32>} : memref<100x128xf32, #tpu.memory_space<vmem>>, vector<16xf32>,
      tpu.vector_store %arg8[%swap3A_162, %swap3A_163], %broadcast_in_dim3A_161 {strides = array<i32>} : memref<100x128xf32, #tpu.memory_space<vmem>>, vector<16xf32>,
      %broadcast_in_dim3A_165 = arith.constant 0.000000e+00 : f32
      %broadcast_in_dim3A_166 = vector.broadcast %broadcast_in_dim3A_165 : f32 to vector<16xf32>
      %swap3A_167 = arith.index_cast %scan3A_145 : i32 to index
      %swap3A_168 = arith.constant 64 : index
      %swap3A_169 = tpu.vector_load %arg8[%swap3A_167, %swap3A_168] {strides = array<i32>} : memref<100x128xf32, #tpu.memory_space<vmem>>, vector<16xf32>,
      tpu.vector_store %arg8[%swap3A_167, %swap3A_168], %broadcast_in_dim3A_166 {strides = array<i32>} : memref<100x128xf32, #tpu.memory_space<vmem>>, vector<16xf32>,
      %broadcast_in_dim3A_170 = arith.constant 0.000000e+00 : f32
      %broadcast_in_dim3A_171 = vector.broadcast %broadcast_in_dim3A_170 : f32 to vector<16xf32>
      %swap3A_172 = arith.index_cast %scan3A_145 : i32 to index
      %swap3A_173 = arith.constant 80 : index
      %swap3A_174 = tpu.vector_load %arg8[%swap3A_172, %swap3A_173] {strides = array<i32>} : memref<100x128xf32, #tpu.memory_space<vmem>>, vector<16xf32>,
      tpu.vector_store %arg8[%swap3A_172, %swap3A_173], %broadcast_in_dim3A_171 {strides = array<i32>} : memref<100x128xf32, #tpu.memory_space<vmem>>, vector<16xf32>,
      %broadcast_in_dim3A_175 = arith.constant 0.000000e+00 : f32
      %broadcast_in_dim3A_176 = vector.broadcast %broadcast_in_dim3A_175 : f32 to vector<16xf32>
      %swap3A_177 = arith.index_cast %scan3A_145 : i32 to index
      %swap3A_178 = arith.constant 96 : index
      %swap3A_179 = tpu.vector_load %arg8[%swap3A_177, %swap3A_178] {strides = array<i32>} : memref<100x128xf32, #tpu.memory_space<vmem>>, vector<16xf32>,
      tpu.vector_store %arg8[%swap3A_177, %swap3A_178], %broadcast_in_dim3A_176 {strides = array<i32>} : memref<100x128xf32, #tpu.memory_space<vmem>>, vector<16xf32>,
      %broadcast_in_dim3A_180 = arith.constant 0.000000e+00 : f32
      %broadcast_in_dim3A_181 = vector.broadcast %broadcast_in_dim3A_180 : f32 to vector<16xf32>
      %swap3A_182 = arith.index_cast %scan3A_145 : i32 to index
      %swap3A_183 = arith.constant 112 : index
      %swap3A_184 = tpu.vector_load %arg8[%swap3A_182, %swap3A_183] {strides = array<i32>} : memref<100x128xf32, #tpu.memory_space<vmem>>, vector<16xf32>,
      tpu.vector_store %arg8[%swap3A_182, %swap3A_183], %broadcast_in_dim3A_181 {strides = array<i32>} : memref<100x128xf32, #tpu.memory_space<vmem>>, vector<16xf32>,
      %scan3A_185 = arith.constant 0 : i32
      scf.yield %scan3A_185 : i32
    }
    %scan3A_21 = arith.constant 100 : i32
    %mul3A_22 = arith.constant 625 : i32
    %mul3A_23 = arith.muli %arg1, %mul3A_22 : i32
    %add3A_24 = arith.constant 0 : i32
    %add3A_25 = arith.addi %mul3A_23, %add3A_24 : i32
    %dma_start3A_26 = arith.constant 0 : i32
    %dma_start3A_27 = tpu.memref_slice %arg10[%add3A_25, %dma_start3A_26] : memref<10000x128xf32, #tpu.memory_space<vmem_shared>> -> memref<100x128xf32, #tpu.memory_space<vmem_shared>>
    %dma_start3A_28 = arith.constant 0 : i32
    %dma_start3A_29 = tpu.memref_slice %arg10[%add3A_25, %dma_start3A_28] : memref<10000x128xf32, #tpu.memory_space<vmem_shared>> -> memref<100x128xf32, #tpu.memory_space<vmem_shared>>
    tpu.enqueue_dma source(%arg8 : memref<100x128xf32, #tpu.memory_space<vmem>>) target(%dma_start3A_29 : memref<100x128xf32, #tpu.memory_space<vmem_shared>>) target_semaphore(%arg11 : memref<!tpu.dma_semaphore, #tpu.memory_space<semaphore_mem>>)
    %mul3A_30 = arith.constant 625 : i32
    %mul3A_31 = arith.muli %arg1, %mul3A_30 : i32
    %add3A_32 = arith.constant 100 : i32
    %add3A_33 = arith.addi %mul3A_31, %add3A_32 : i32
    %dma_start3A_34 = arith.constant 0 : i32
    %dma_start3A_35 = tpu.memref_slice %arg10[%add3A_33, %dma_start3A_34] : memref<10000x128xf32, #tpu.memory_space<vmem_shared>> -> memref<100x128xf32, #tpu.memory_space<vmem_shared>>
    %dma_start3A_36 = arith.constant 0 : i32
    %dma_start3A_37 = tpu.memref_slice %arg10[%add3A_33, %dma_start3A_36] : memref<10000x128xf32, #tpu.memory_space<vmem_shared>> -> memref<100x128xf32, #tpu.memory_space<vmem_shared>>
    tpu.enqueue_dma source(%arg8 : memref<100x128xf32, #tpu.memory_space<vmem>>) target(%dma_start3A_37 : memref<100x128xf32, #tpu.memory_space<vmem_shared>>) target_semaphore(%arg12 : memref<!tpu.dma_semaphore, #tpu.memory_space<semaphore_mem>>)
    %mul3A_38 = arith.constant 625 : i32
    %mul3A_39 = arith.muli %arg1, %mul3A_38 : i32
    %add3A_40 = arith.constant 200 : i32
    %add3A_41 = arith.addi %mul3A_39, %add3A_40 : i32
    %dma_start3A_42 = arith.constant 0 : i32
    %dma_start3A_43 = tpu.memref_slice %arg10[%add3A_41, %dma_start3A_42] : memref<10000x128xf32, #tpu.memory_space<vmem_shared>> -> memref<100x128xf32, #tpu.memory_space<vmem_shared>>
    %dma_start3A_44 = arith.constant 0 : i32
    %dma_start3A_45 = tpu.memref_slice %arg10[%add3A_41, %dma_start3A_44] : memref<10000x128xf32, #tpu.memory_space<vmem_shared>> -> memref<100x128xf32, #tpu.memory_space<vmem_shared>>
    tpu.enqueue_dma source(%arg8 : memref<100x128xf32, #tpu.memory_space<vmem>>) target(%dma_start3A_45 : memref<100x128xf32, #tpu.memory_space<vmem_shared>>) target_semaphore(%arg11 : memref<!tpu.dma_semaphore, #tpu.memory_space<semaphore_mem>>)
    %mul3A_46 = arith.constant 625 : i32
    %mul3A_47 = arith.muli %arg1, %mul3A_46 : i32
    %add3A_48 = arith.constant 300 : i32
    %add3A_49 = arith.addi %mul3A_47, %add3A_48 : i32
    %dma_start3A_50 = arith.constant 0 : i32
    %dma_start3A_51 = tpu.memref_slice %arg10[%add3A_49, %dma_start3A_50] : memref<10000x128xf32, #tpu.memory_space<vmem_shared>> -> memref<100x128xf32, #tpu.memory_space<vmem_shared>>
    %dma_start3A_52 = arith.constant 0 : i32
    %dma_start3A_53 = tpu.memref_slice %arg10[%add3A_49, %dma_start3A_52] : memref<10000x128xf32, #tpu.memory_space<vmem_shared>> -> memref<100x128xf32, #tpu.memory_space<vmem_shared>>
    tpu.enqueue_dma source(%arg8 : memref<100x128xf32, #tpu.memory_space<vmem>>) target(%dma_start3A_53 : memref<100x128xf32, #tpu.memory_space<vmem_shared>>) target_semaphore(%arg12 : memref<!tpu.dma_semaphore, #tpu.memory_space<semaphore_mem>>)
    %mul3A_54 = arith.constant 625 : i32
    %mul3A_55 = arith.muli %arg1, %mul3A_54 : i32
    %add3A_56 = arith.constant 400 : i32
    %add3A_57 = arith.addi %mul3A_55, %add3A_56 : i32
    %dma_start3A_58 = arith.constant 0 : i32
    %dma_start3A_59 = tpu.memref_slice %arg10[%add3A_57, %dma_start3A_58] : memref<10000x128xf32, #tpu.memory_space<vmem_shared>> -> memref<100x128xf32, #tpu.memory_space<vmem_shared>>
    %dma_start3A_60 = arith.constant 0 : i32
    %dma_start3A_61 = tpu.memref_slice %arg10[%add3A_57, %dma_start3A_60] : memref<10000x128xf32, #tpu.memory_space<vmem_shared>> -> memref<100x128xf32, #tpu.memory_space<vmem_shared>>
    tpu.enqueue_dma source(%arg8 : memref<100x128xf32, #tpu.memory_space<vmem>>) target(%dma_start3A_61 : memref<100x128xf32, #tpu.memory_space<vmem_shared>>) target_semaphore(%arg11 : memref<!tpu.dma_semaphore, #tpu.memory_space<semaphore_mem>>)
    %mul3A_62 = arith.constant 625 : i32
    %mul3A_63 = arith.muli %arg1, %mul3A_62 : i32
    %add3A_64 = arith.constant 500 : i32
    %add3A_65 = arith.addi %mul3A_63, %add3A_64 : i32
    %dma_start3A_66 = arith.constant 0 : i32
    %dma_start3A_67 = tpu.memref_slice %arg10[%add3A_65, %dma_start3A_66] : memref<10000x128xf32, #tpu.memory_space<vmem_shared>> -> memref<100x128xf32, #tpu.memory_space<vmem_shared>>
    %dma_start3A_68 = arith.constant 0 : i32
    %dma_start3A_69 = tpu.memref_slice %arg10[%add3A_65, %dma_start3A_68] : memref<10000x128xf32, #tpu.memory_space<vmem_shared>> -> memref<100x128xf32, #tpu.memory_space<vmem_shared>>
    tpu.enqueue_dma source(%arg8 : memref<100x128xf32, #tpu.memory_space<vmem>>) target(%dma_start3A_69 : memref<100x128xf32, #tpu.memory_space<vmem_shared>>) target_semaphore(%arg12 : memref<!tpu.dma_semaphore, #tpu.memory_space<semaphore_mem>>)
    %mul3A_70 = arith.constant 625 : i32
    %mul3A_71 = arith.muli %arg1, %mul3A_70 : i32
    %add3A_72 = arith.constant 600 : i32
    %add3A_73 = arith.addi %mul3A_71, %add3A_72 : i32
    %dma_start3A_74 = arith.constant 0 : i32
    %dma_start3A_75 = arith.constant 0 : i32
    %dma_start3A_76 = tpu.memref_slice %arg8[%dma_start3A_74, %dma_start3A_75] : memref<100x128xf32, #tpu.memory_space<vmem>> -> memref<25x128xf32, #tpu.memory_space<vmem>>
    %dma_start3A_77 = arith.constant 0 : i32
    %dma_start3A_78 = tpu.memref_slice %arg10[%add3A_73, %dma_start3A_77] : memref<10000x128xf32, #tpu.memory_space<vmem_shared>> -> memref<25x128xf32, #tpu.memory_space<vmem_shared>>
    %dma_start3A_79 = arith.constant 0 : i32
    %dma_start3A_80 = tpu.memref_slice %arg10[%add3A_73, %dma_start3A_79] : memref<10000x128xf32, #tpu.memory_space<vmem_shared>> -> memref<25x128xf32, #tpu.memory_space<vmem_shared>>
    %dma_start3A_81 = arith.constant 0 : i32
    %dma_start3A_82 = arith.constant 0 : i32
    %dma_start3A_83 = tpu.memref_slice %arg8[%dma_start3A_81, %dma_start3A_82] : memref<100x128xf32, #tpu.memory_space<vmem>> -> memref<25x128xf32, #tpu.memory_space<vmem>>
    tpu.enqueue_dma source(%dma_start3A_83 : memref<25x128xf32, #tpu.memory_space<vmem>>) target(%dma_start3A_80 : memref<25x128xf32, #tpu.memory_space<vmem_shared>>) target_semaphore(%arg11 : memref<!tpu.dma_semaphore, #tpu.memory_space<semaphore_mem>>)
    %dma_wait3A = arith.constant 0 : i32
    %dma_wait3A_84 = tpu.memref_slice %arg10[%add3A_25, %dma_wait3A] : memref<10000x128xf32, #tpu.memory_space<vmem_shared>> -> memref<100x128xf32, #tpu.memory_space<vmem_shared>>
    %dma_wait3A_85 = arith.constant 0 : i32
    %dma_wait3A_86 = tpu.memref_slice %arg10[%add3A_25, %dma_wait3A_85] : memref<10000x128xf32, #tpu.memory_space<vmem_shared>> -> memref<100x128xf32, #tpu.memory_space<vmem_shared>>
    tpu.wait_dma2 semaphore(%arg11 : memref<!tpu.dma_semaphore, #tpu.memory_space<semaphore_mem>>) src(%arg8 : memref<100x128xf32, #tpu.memory_space<vmem>>) dst(%dma_wait3A_86 : memref<100x128xf32, #tpu.memory_space<vmem_shared>>)
    %dma_wait3A_87 = arith.constant 0 : i32
    %dma_wait3A_88 = tpu.memref_slice %arg10[%add3A_33, %dma_wait3A_87] : memref<10000x128xf32, #tpu.memory_space<vmem_shared>> -> memref<100x128xf32, #tpu.memory_space<vmem_shared>>
    %dma_wait3A_89 = arith.constant 0 : i32
    %dma_wait3A_90 = tpu.memref_slice %arg10[%add3A_33, %dma_wait3A_89] : memref<10000x128xf32, #tpu.memory_space<vmem_shared>> -> memref<100x128xf32, #tpu.memory_space<vmem_shared>>
    tpu.wait_dma2 semaphore(%arg12 : memref<!tpu.dma_semaphore, #tpu.memory_space<semaphore_mem>>) src(%arg8 : memref<100x128xf32, #tpu.memory_space<vmem>>) dst(%dma_wait3A_90 : memref<100x128xf32, #tpu.memory_space<vmem_shared>>)
    %dma_wait3A_91 = arith.constant 0 : i32
    %dma_wait3A_92 = tpu.memref_slice %arg10[%add3A_41, %dma_wait3A_91] : memref<10000x128xf32, #tpu.memory_space<vmem_shared>> -> memref<100x128xf32, #tpu.memory_space<vmem_shared>>
    %dma_wait3A_93 = arith.constant 0 : i32
    %dma_wait3A_94 = tpu.memref_slice %arg10[%add3A_41, %dma_wait3A_93] : memref<10000x128xf32, #tpu.memory_space<vmem_shared>> -> memref<100x128xf32, #tpu.memory_space<vmem_shared>>
    tpu.wait_dma2 semaphore(%arg11 : memref<!tpu.dma_semaphore, #tpu.memory_space<semaphore_mem>>) src(%arg8 : memref<100x128xf32, #tpu.memory_space<vmem>>) dst(%dma_wait3A_94 : memref<100x128xf32, #tpu.memory_space<vmem_shared>>)
    %dma_wait3A_95 = arith.constant 0 : i32
    %dma_wait3A_96 = tpu.memref_slice %arg10[%add3A_49, %dma_wait3A_95] : memref<10000x128xf32, #tpu.memory_space<vmem_shared>> -> memref<100x128xf32, #tpu.memory_space<vmem_shared>>
    %dma_wait3A_97 = arith.constant 0 : i32
    %dma_wait3A_98 = tpu.memref_slice %arg10[%add3A_49, %dma_wait3A_97] : memref<10000x128xf32, #tpu.memory_space<vmem_shared>> -> memref<100x128xf32, #tpu.memory_space<vmem_shared>>
    tpu.wait_dma2 semaphore(%arg12 : memref<!tpu.dma_semaphore, #tpu.memory_space<semaphore_mem>>) src(%arg8 : memref<100x128xf32, #tpu.memory_space<vmem>>) dst(%dma_wait3A_98 : memref<100x128xf32, #tpu.memory_space<vmem_shared>>)
    %dma_wait3A_99 = arith.constant 0 : i32
    %dma_wait3A_100 = tpu.memref_slice %arg10[%add3A_57, %dma_wait3A_99] : memref<10000x128xf32, #tpu.memory_space<vmem_shared>> -> memref<100x128xf32, #tpu.memory_space<vmem_shared>>
    %dma_wait3A_101 = arith.constant 0 : i32
    %dma_wait3A_102 = tpu.memref_slice %arg10[%add3A_57, %dma_wait3A_101] : memref<10000x128xf32, #tpu.memory_space<vmem_shared>> -> memref<100x128xf32, #tpu.memory_space<vmem_shared>>
    tpu.wait_dma2 semaphore(%arg11 : memref<!tpu.dma_semaphore, #tpu.memory_space<semaphore_mem>>) src(%arg8 : memref<100x128xf32, #tpu.memory_space<vmem>>) dst(%dma_wait3A_102 : memref<100x128xf32, #tpu.memory_space<vmem_shared>>)
    %dma_wait3A_103 = arith.constant 0 : i32
    %dma_wait3A_104 = tpu.memref_slice %arg10[%add3A_65, %dma_wait3A_103] : memref<10000x128xf32, #tpu.memory_space<vmem_shared>> -> memref<100x128xf32, #tpu.memory_space<vmem_shared>>
    %dma_wait3A_105 = arith.constant 0 : i32
    %dma_wait3A_106 = tpu.memref_slice %arg10[%add3A_65, %dma_wait3A_105] : memref<10000x128xf32, #tpu.memory_space<vmem_shared>> -> memref<100x128xf32, #tpu.memory_space<vmem_shared>>
    tpu.wait_dma2 semaphore(%arg12 : memref<!tpu.dma_semaphore, #tpu.memory_space<semaphore_mem>>) src(%arg8 : memref<100x128xf32, #tpu.memory_space<vmem>>) dst(%dma_wait3A_106 : memref<100x128xf32, #tpu.memory_space<vmem_shared>>)
    %dma_wait3A_107 = arith.constant 0 : i32
    %dma_wait3A_108 = arith.constant 0 : i32
    %dma_wait3A_109 = tpu.memref_slice %arg8[%dma_wait3A_107, %dma_wait3A_108] : memref<100x128xf32, #tpu.memory_space<vmem>> -> memref<25x128xf32, #tpu.memory_space<vmem>>
    %dma_wait3A_110 = arith.constant 0 : i32
    %dma_wait3A_111 = tpu.memref_slice %arg10[%add3A_73, %dma_wait3A_110] : memref<10000x128xf32, #tpu.memory_space<vmem_shared>> -> memref<25x128xf32, #tpu.memory_space<vmem_shared>>
    %dma_wait3A_112 = arith.constant 0 : i32
    %dma_wait3A_113 = tpu.memref_slice %arg10[%add3A_73, %dma_wait3A_112] : memref<10000x128xf32, #tpu.memory_space<vmem_shared>> -> memref<25x128xf32, #tpu.memory_space<vmem_shared>>
    %dma_wait3A_114 = arith.constant 0 : i32
    %dma_wait3A_115 = arith.constant 0 : i32
    %dma_wait3A_116 = tpu.memref_slice %arg8[%dma_wait3A_114, %dma_wait3A_115] : memref<100x128xf32, #tpu.memory_space<vmem>> -> memref<25x128xf32, #tpu.memory_space<vmem>>
    tpu.wait_dma2 semaphore(%arg11 : memref<!tpu.dma_semaphore, #tpu.memory_space<semaphore_mem>>) src(%dma_wait3A_116 : memref<25x128xf32, #tpu.memory_space<vmem>>) dst(%dma_wait3A_113 : memref<25x128xf32, #tpu.memory_space<vmem_shared>>)
    %dma_wait3A_117 = arith.constant 0 : i32
    %dma_wait3A_118 = arith.constant 0 : i32
    %dma_wait3A_119 = tpu.memref_slice %arg3[%add3A, %dma_wait3A_117, %dma_wait3A_118] : memref<32x100x100xi32, #tpu.memory_space<hbm>> -> memref<1x100x100xi32, #tpu.memory_space<hbm>>
    %dma_wait3A_120 = tpu.memref_squeeze %dma_wait3A_119 : memref<1x100x100xi32, #tpu.memory_space<hbm>> -> memref<100x100xi32, #tpu.memory_space<hbm>>
    %dma_wait3A_121 = arith.constant 0 : i32
    %dma_wait3A_122 = arith.constant 0 : i32
    %dma_wait3A_123 = tpu.memref_slice %arg3[%add3A, %dma_wait3A_121, %dma_wait3A_122] : memref<32x100x100xi32, #tpu.memory_space<hbm>> -> memref<1x100x100xi32, #tpu.memory_space<hbm>>
    %dma_wait3A_124 = tpu.memref_squeeze %dma_wait3A_123 : memref<1x100x100xi32, #tpu.memory_space<hbm>> -> memref<100x100xi32, #tpu.memory_space<hbm>>
    tpu.wait_dma2 semaphore(%arg13 : memref<!tpu.dma_semaphore, #tpu.memory_space<semaphore_mem>>) src(%dma_wait3A_124 : memref<100x100xi32, #tpu.memory_space<hbm>>) dst(%arg6 : memref<100x100xi32, #tpu.memory_space<vmem>>)
    %dma_wait3A_125 = arith.constant 0 : i32
    %dma_wait3A_126 = arith.constant 0 : i32
    %dma_wait3A_127 = tpu.memref_slice %arg4[%add3A, %dma_wait3A_125, %dma_wait3A_126] : memref<32x100x100xi32, #tpu.memory_space<hbm>> -> memref<1x100x100xi32, #tpu.memory_space<hbm>>
    %dma_wait3A_128 = tpu.memref_squeeze %dma_wait3A_127 : memref<1x100x100xi32, #tpu.memory_space<hbm>> -> memref<100x100xi32, #tpu.memory_space<hbm>>
    %dma_wait3A_129 = arith.constant 0 : i32
    %dma_wait3A_130 = arith.constant 0 : i32
    %dma_wait3A_131 = tpu.memref_slice %arg4[%add3A, %dma_wait3A_129, %dma_wait3A_130] : memref<32x100x100xi32, #tpu.memory_space<hbm>> -> memref<1x100x100xi32, #tpu.memory_space<hbm>>
    %dma_wait3A_132 = tpu.memref_squeeze %dma_wait3A_131 : memref<1x100x100xi32, #tpu.memory_space<hbm>> -> memref<100x100xi32, #tpu.memory_space<hbm>>
    tpu.wait_dma2 semaphore(%arg14 : memref<!tpu.dma_semaphore, #tpu.memory_space<semaphore_mem>>) src(%dma_wait3A_132 : memref<100x100xi32, #tpu.memory_space<hbm>>) dst(%arg7 : memref<100x100xi32, #tpu.memory_space<vmem>>)
    %barrier3A = arith.constant 0 : index
    tpu.barrier barrier_id(%barrier3A)
    %scan3A_133 = arith.constant 0 : i32
    %scan3A_134 = arith.constant 0 : i32
    %scan3A_135 = arith.constant 5 : i32
    %scan3A_136 = arith.addi %scan3A_134, %scan3A_135 : i32
    %scan3A_137 = arith.constant 1 : i32
    %scan3A_138 = scf.for %scan3A_145 = %scan3A_134 to %scan3A_136 step %scan3A_137 iter_args(%scan3A_146 = %scan3A_133) -> (i32)  : i32 {
      %mul3A_147 = arith.constant 20 : i32
      %mul3A_148 = arith.muli %scan3A_145, %mul3A_147 : i32
      %dma_start3A_149 = arith.constant 0 : i32
      %dma_start3A_150 = tpu.memref_slice %arg6[%mul3A_148, %dma_start3A_149] : memref<100x100xi32, #tpu.memory_space<vmem>> -> memref<1x100xi32, #tpu.memory_space<vmem>>
      %dma_start3A_151 = tpu.memref_squeeze %dma_start3A_150 : memref<1x100xi32, #tpu.memory_space<vmem>> -> memref<100xi32, #tpu.memory_space<vmem>>
      %dma_start3A_152 = arith.constant 0 : i32
      %dma_start3A_153 = arith.constant 0 : i32
      %dma_start3A_154 = tpu.memref_slice %arg2[%dma_start3A_152, %dma_start3A_153] : memref<10000x128xf32, #tpu.memory_space<hbm>> -> memref<10000x128xf32, #tpu.memory_space<hbm>>
      tpu.enqueue_indirect_dma source(%dma_start3A_154 : memref<10000x128xf32, #tpu.memory_space<hbm>>) target(%arg8 : memref<100x128xf32, #tpu.memory_space<vmem>>) offsets(%dma_start3A_151 : memref<100xi32, #tpu.memory_space<vmem>>) semaphore(%arg11 : memref<!tpu.dma_semaphore, #tpu.memory_space<semaphore_mem>>)
      %add3A_155 = arith.constant 0 : i32
      %add3A_156 = arith.addi %mul3A_148, %add3A_155 : i32
      %add3A_157 = arith.constant 1 : i32
      %add3A_158 = arith.addi %add3A_156, %add3A_157 : i32
      %dma_start3A_159 = arith.constant 0 : i32
      %dma_start3A_160 = tpu.memref_slice %arg6[%add3A_158, %dma_start3A_159] : memref<100x100xi32, #tpu.memory_space<vmem>> -> memref<1x100xi32, #tpu.memory_space<vmem>>
      %dma_start3A_161 = tpu.memref_squeeze %dma_start3A_160 : memref<1x100xi32, #tpu.memory_space<vmem>> -> memref<100xi32, #tpu.memory_space<vmem>>
      %dma_start3A_162 = arith.constant 0 : i32
      %dma_start3A_163 = arith.constant 0 : i32
      %dma_start3A_164 = tpu.memref_slice %arg2[%dma_start3A_162, %dma_start3A_163] : memref<10000x128xf32, #tpu.memory_space<hbm>> -> memref<10000x128xf32, #tpu.memory_space<hbm>>
      tpu.enqueue_indirect_dma source(%dma_start3A_164 : memref<10000x128xf32, #tpu.memory_space<hbm>>) target(%arg9 : memref<100x128xf32, #tpu.memory_space<vmem>>) offsets(%dma_start3A_161 : memref<100xi32, #tpu.memory_space<vmem>>) semaphore(%arg12 : memref<!tpu.dma_semaphore, #tpu.memory_space<semaphore_mem>>)
      %dma_wait3A_165 = arith.constant 0 : i32
      %dma_wait3A_166 = tpu.memref_slice %arg6[%mul3A_148, %dma_wait3A_165] : memref<100x100xi32, #tpu.memory_space<vmem>> -> memref<1x100xi32, #tpu.memory_space<vmem>>
      %dma_wait3A_167 = tpu.memref_squeeze %dma_wait3A_166 : memref<1x100xi32, #tpu.memory_space<vmem>> -> memref<100xi32, #tpu.memory_space<vmem>>
      %dma_wait3A_168 = arith.constant 0 : i32
      %dma_wait3A_169 = arith.constant 0 : i32
      %dma_wait3A_170 = tpu.memref_slice %arg2[%dma_wait3A_168, %dma_wait3A_169] : memref<10000x128xf32, #tpu.memory_space<hbm>> -> memref<10000x128xf32, #tpu.memory_space<hbm>>
      tpu.wait_indirect_dma semaphore(%arg11 : memref<!tpu.dma_semaphore, #tpu.memory_space<semaphore_mem>>) src(%dma_wait3A_170 : memref<10000x128xf32, #tpu.memory_space<hbm>>) dst(%arg8 : memref<100x128xf32, #tpu.memory_space<vmem>>)
      %add3A_171 = arith.constant 0 : i32
      %add3A_172 = arith.addi %mul3A_148, %add3A_171 : i32
      %dma_start3A_173 = arith.constant 0 : i32
      %dma_start3A_174 = tpu.memref_slice %arg7[%add3A_172, %dma_start3A_173] : memref<100x100xi32, #tpu.memory_space<vmem>> -> memref<1x100xi32, #tpu.memory_space<vmem>>
      %dma_start3A_175 = tpu.memref_squeeze %dma_start3A_174 : memref<1x100xi32, #tpu.memory_space<vmem>> -> memref<100xi32, #tpu.memory_space<vmem>>
      %dma_start3A_176 = arith.constant 0 : i32
      %dma_start3A_177 = arith.constant 0 : i32
      %dma_start3A_178 = tpu.memref_slice %arg10[%dma_start3A_176, %dma_start3A_177] : memref<10000x128xf32, #tpu.memory_space<vmem_shared>> -> memref<10000x128xf32, #tpu.memory_space<vmem_shared>>
      tpu.enqueue_indirect_dma source(%arg8 : memref<100x128xf32, #tpu.memory_space<vmem>>) target(%dma_start3A_178 : memref<10000x128xf32, #tpu.memory_space<vmem_shared>>) offsets(%dma_start3A_175 : memref<100xi32, #tpu.memory_space<vmem>>) semaphore(%arg13 : memref<!tpu.dma_semaphore, #tpu.memory_space<semaphore_mem>>) {add = true}
      %dma_wait3A_179 = arith.constant 0 : i32
      %dma_wait3A_180 = tpu.memref_slice %arg7[%add3A_172, %dma_wait3A_179] : memref<100x100xi32, #tpu.memory_space<vmem>> -> memref<1x100xi32, #tpu.memory_space<vmem>>
      %dma_wait3A_181 = tpu.memref_squeeze %dma_wait3A_180 : memref<1x100xi32, #tpu.memory_space<vmem>> -> memref<100xi32, #tpu.memory_space<vmem>>
      %dma_wait3A_182 = arith.constant 0 : i32
      %dma_wait3A_183 = arith.constant 0 : i32
      %dma_wait3A_184 = tpu.memref_slice %arg10[%dma_wait3A_182, %dma_wait3A_183] : memref<10000x128xf32, #tpu.memory_space<vmem_shared>> -> memref<10000x128xf32, #tpu.memory_space<vmem_shared>>
      tpu.wait_indirect_dma semaphore(%arg13 : memref<!tpu.dma_semaphore, #tpu.memory_space<semaphore_mem>>) src(%arg8 : memref<100x128xf32, #tpu.memory_space<vmem>>) dst(%dma_wait3A_184 : memref<10000x128xf32, #tpu.memory_space<vmem_shared>>)
      %add3A_185 = arith.constant 1 : i32
      %add3A_186 = arith.addi %mul3A_148, %add3A_185 : i32
      %add3A_187 = arith.constant 1 : i32
      %add3A_188 = arith.addi %add3A_186, %add3A_187 : i32
      %dma_start3A_189 = arith.constant 0 : i32
      %dma_start3A_190 = tpu.memref_slice %arg6[%add3A_188, %dma_start3A_189] : memref<100x100xi32, #tpu.memory_space<vmem>> -> memref<1x100xi32, #tpu.memory_space<vmem>>
      %dma_start3A_191 = tpu.memref_squeeze %dma_start3A_190 : memref<1x100xi32, #tpu.memory_space<vmem>> -> memref<100xi32, #tpu.memory_space<vmem>>
      %dma_start3A_192 = arith.constant 0 : i32
      %dma_start3A_193 = arith.constant 0 : i32
      %dma_start3A_194 = tpu.memref_slice %arg2[%dma_start3A_192, %dma_start3A_193] : memref<10000x128xf32, #tpu.memory_space<hbm>> -> memref<10000x128xf32, #tpu.memory_space<hbm>>
      tpu.enqueue_indirect_dma source(%dma_start3A_194 : memref<10000x128xf32, #tpu.memory_space<hbm>>) target(%arg8 : memref<100x128xf32, #tpu.memory_space<vmem>>) offsets(%dma_start3A_191 : memref<100xi32, #tpu.memory_space<vmem>>) semaphore(%arg11 : memref<!tpu.dma_semaphore, #tpu.memory_space<semaphore_mem>>)
      %dma_wait3A_195 = arith.constant 0 : i32
      %dma_wait3A_196 = tpu.memref_slice %arg6[%add3A_158, %dma_wait3A_195] : memref<100x100xi32, #tpu.memory_space<vmem>> -> memref<1x100xi32, #tpu.memory_space<vmem>>
      %dma_wait3A_197 = tpu.memref_squeeze %dma_wait3A_196 : memref<1x100xi32, #tpu.memory_space<vmem>> -> memref<100xi32, #tpu.memory_space<vmem>>
      %dma_wait3A_198 = arith.constant 0 : i32
      %dma_wait3A_199 = arith.constant 0 : i32
      %dma_wait3A_200 = tpu.memref_slice %arg2[%dma_wait3A_198, %dma_wait3A_199] : memref<10000x128xf32, #tpu.memory_space<hbm>> -> memref<10000x128xf32, #tpu.memory_space<hbm>>
      tpu.wait_indirect_dma semaphore(%arg12 : memref<!tpu.dma_semaphore, #tpu.memory_space<semaphore_mem>>) src(%dma_wait3A_200 : memref<10000x128xf32, #tpu.memory_space<hbm>>) dst(%arg9 : memref<100x128xf32, #tpu.memory_space<vmem>>)
      %add3A_201 = arith.constant 1 : i32
      %add3A_202 = arith.addi %mul3A_148, %add3A_201 : i32
      %dma_start3A_203 = arith.constant 0 : i32
      %dma_start3A_204 = tpu.memref_slice %arg7[%add3A_202, %dma_start3A_203] : memref<100x100xi32, #tpu.memory_space<vmem>> -> memref<1x100xi32, #tpu.memory_space<vmem>>
      %dma_start3A_205 = tpu.memref_squeeze %dma_start3A_204 : memref<1x100xi32, #tpu.memory_space<vmem>> -> memref<100xi32, #tpu.memory_space<vmem>>
      %dma_start3A_206 = arith.constant 0 : i32
      %dma_start3A_207 = arith.constant 0 : i32
      %dma_start3A_208 = tpu.memref_slice %arg10[%dma_start3A_206, %dma_start3A_207] : memref<10000x128xf32, #tpu.memory_space<vmem_shared>> -> memref<10000x128xf32, #tpu.memory_space<vmem_shared>>
      tpu.enqueue_indirect_dma source(%arg9 : memref<100x128xf32, #tpu.memory_space<vmem>>) target(%dma_start3A_208 : memref<10000x128xf32, #tpu.memory_space<vmem_shared>>) offsets(%dma_start3A_205 : memref<100xi32, #tpu.memory_space<vmem>>) semaphore(%arg13 : memref<!tpu.dma_semaphore, #tpu.memory_space<semaphore_mem>>) {add = true}
      %dma_wait3A_209 = arith.constant 0 : i32
      %dma_wait3A_210 = tpu.memref_slice %arg7[%add3A_202, %dma_wait3A_209] : memref<100x100xi32, #tpu.memory_space<vmem>> -> memref<1x100xi32, #tpu.memory_space<vmem>>
      %dma_wait3A_211 = tpu.memref_squeeze %dma_wait3A_210 : memref<1x100xi32, #tpu.memory_space<vmem>> -> memref<100xi32, #tpu.memory_space<vmem>>
      %dma_wait3A_212 = arith.constant 0 : i32
      %dma_wait3A_213 = arith.constant 0 : i32
      %dma_wait3A_214 = tpu.memref_slice %arg10[%dma_wait3A_212, %dma_wait3A_213] : memref<10000x128xf32, #tpu.memory_space<vmem_shared>> -> memref<10000x128xf32, #tpu.memory_space<vmem_shared>>
      tpu.wait_indirect_dma semaphore(%arg13 : memref<!tpu.dma_semaphore, #tpu.memory_space<semaphore_mem>>) src(%arg9 : memref<100x128xf32, #tpu.memory_space<vmem>>) dst(%dma_wait3A_214 : memref<10000x128xf32, #tpu.memory_space<vmem_shared>>)
      %add3A_215 = arith.constant 2 : i32
      %add3A_216 = arith.addi %mul3A_148, %add3A_215 : i32
      %add3A_217 = arith.constant 1 : i32
      %add3A_218 = arith.addi %add3A_216, %add3A_217 : i32
      %dma_start3A_219 = arith.constant 0 : i32
      %dma_start3A_220 = tpu.memref_slice %arg6[%add3A_218, %dma_start3A_219] : memref<100x100xi32, #tpu.memory_space<vmem>> -> memref<1x100xi32, #tpu.memory_space<vmem>>
      %dma_start3A_221 = tpu.memref_squeeze %dma_start3A_220 : memref<1x100xi32, #tpu.memory_space<vmem>> -> memref<100xi32, #tpu.memory_space<vmem>>
      %dma_start3A_222 = arith.constant 0 : i32
      %dma_start3A_223 = arith.constant 0 : i32
      %dma_start3A_224 = tpu.memref_slice %arg2[%dma_start3A_222, %dma_start3A_223] : memref<10000x128xf32, #tpu.memory_space<hbm>> -> memref<10000x128xf32, #tpu.memory_space<hbm>>
      tpu.enqueue_indirect_dma source(%dma_start3A_224 : memref<10000x128xf32, #tpu.memory_space<hbm>>) target(%arg9 : memref<100x128xf32, #tpu.memory_space<vmem>>) offsets(%dma_start3A_221 : memref<100xi32, #tpu.memory_space<vmem>>) semaphore(%arg12 : memref<!tpu.dma_semaphore, #tpu.memory_space<semaphore_mem>>)
      %dma_wait3A_225 = arith.constant 0 : i32
      %dma_wait3A_226 = tpu.memref_slice %arg6[%add3A_188, %dma_wait3A_225] : memref<100x100xi32, #tpu.memory_space<vmem>> -> memref<1x100xi32, #tpu.memory_space<vmem>>
      %dma_wait3A_227 = tpu.memref_squeeze %dma_wait3A_226 : memref<1x100xi32, #tpu.memory_space<vmem>> -> memref<100xi32, #tpu.memory_space<vmem>>
      %dma_wait3A_228 = arith.constant 0 : i32
      %dma_wait3A_229 = arith.constant 0 : i32
      %dma_wait3A_230 = tpu.memref_slice %arg2[%dma_wait3A_228, %dma_wait3A_229] : memref<10000x128xf32, #tpu.memory_space<hbm>> -> memref<10000x128xf32, #tpu.memory_space<hbm>>
      tpu.wait_indirect_dma semaphore(%arg11 : memref<!tpu.dma_semaphore, #tpu.memory_space<semaphore_mem>>) src(%dma_wait3A_230 : memref<10000x128xf32, #tpu.memory_space<hbm>>) dst(%arg8 : memref<100x128xf32, #tpu.memory_space<vmem>>)
      %add3A_231 = arith.constant 2 : i32
      %add3A_232 = arith.addi %mul3A_148, %add3A_231 : i32
      %dma_start3A_233 = arith.constant 0 : i32
      %dma_start3A_234 = tpu.memref_slice %arg7[%add3A_232, %dma_start3A_233] : memref<100x100xi32, #tpu.memory_space<vmem>> -> memref<1x100xi32, #tpu.memory_space<vmem>>
      %dma_start3A_235 = tpu.memref_squeeze %dma_start3A_234 : memref<1x100xi32, #tpu.memory_space<vmem>> -> memref<100xi32, #tpu.memory_space<vmem>>
      %dma_start3A_236 = arith.constant 0 : i32
      %dma_start3A_237 = arith.constant 0 : i32
      %dma_start3A_238 = tpu.memref_slice %arg10[%dma_start3A_236, %dma_start3A_237] : memref<10000x128xf32, #tpu.memory_space<vmem_shared>> -> memref<10000x128xf32, #tpu.memory_space<vmem_shared>>
      tpu.enqueue_indirect_dma source(%arg8 : memref<100x128xf32, #tpu.memory_space<vmem>>) target(%dma_start3A_238 : memref<10000x128xf32, #tpu.memory_space<vmem_shared>>) offsets(%dma_start3A_235 : memref<100xi32, #tpu.memory_space<vmem>>) semaphore(%arg13 : memref<!tpu.dma_semaphore, #tpu.memory_space<semaphore_mem>>) {add = true}
      %dma_wait3A_239 = arith.constant 0 : i32
      %dma_wait3A_240 = tpu.memref_slice %arg7[%add3A_232, %dma_wait3A_239] : memref<100x100xi32, #tpu.memory_space<vmem>> -> memref<1x100xi32, #tpu.memory_space<vmem>>
      %dma_wait3A_241 = tpu.memref_squeeze %dma_wait3A_240 : memref<1x100xi32, #tpu.memory_space<vmem>> -> memref<100xi32, #tpu.memory_space<vmem>>
      %dma_wait3A_242 = arith.constant 0 : i32
      %dma_wait3A_243 = arith.constant 0 : i32
      %dma_wait3A_244 = tpu.memref_slice %arg10[%dma_wait3A_242, %dma_wait3A_243] : memref<10000x128xf32, #tpu.memory_space<vmem_shared>> -> memref<10000x128xf32, #tpu.memory_space<vmem_shared>>
      tpu.wait_indirect_dma semaphore(%arg13 : memref<!tpu.dma_semaphore, #tpu.memory_space<semaphore_mem>>) src(%arg8 : memref<100x128xf32, #tpu.memory_space<vmem>>) dst(%dma_wait3A_244 : memref<10000x128xf32, #tpu.memory_space<vmem_shared>>)
      %add3A_245 = arith.constant 3 : i32
      %add3A_246 = arith.addi %mul3A_148, %add3A_245 : i32
      %add3A_247 = arith.constant 1 : i32
      %add3A_248 = arith.addi %add3A_246, %add3A_247 : i32
      %dma_start3A_249 = arith.constant 0 : i32
      %dma_start3A_250 = tpu.memref_slice %arg6[%add3A_248, %dma_start3A_249] : memref<100x100xi32, #tpu.memory_space<vmem>> -> memref<1x100xi32, #tpu.memory_space<vmem>>
      %dma_start3A_251 = tpu.memref_squeeze %dma_start3A_250 : memref<1x100xi32, #tpu.memory_space<vmem>> -> memref<100xi32, #tpu.memory_space<vmem>>
      %dma_start3A_252 = arith.constant 0 : i32
      %dma_start3A_253 = arith.constant 0 : i32
      %dma_start3A_254 = tpu.memref_slice %arg2[%dma_start3A_252, %dma_start3A_253] : memref<10000x128xf32, #tpu.memory_space<hbm>> -> memref<10000x128xf32, #tpu.memory_space<hbm>>
      tpu.enqueue_indirect_dma source(%dma_start3A_254 : memref<10000x128xf32, #tpu.memory_space<hbm>>) target(%arg8 : memref<100x128xf32, #tpu.memory_space<vmem>>) offsets(%dma_start3A_251 : memref<100xi32, #tpu.memory_space<vmem>>) semaphore(%arg11 : memref<!tpu.dma_semaphore, #tpu.memory_space<semaphore_mem>>)
      %dma_wait3A_255 = arith.constant 0 : i32
      %dma_wait3A_256 = tpu.memref_slice %arg6[%add3A_218, %dma_wait3A_255] : memref<100x100xi32, #tpu.memory_space<vmem>> -> memref<1x100xi32, #tpu.memory_space<vmem>>
      %dma_wait3A_257 = tpu.memref_squeeze %dma_wait3A_256 : memref<1x100xi32, #tpu.memory_space<vmem>> -> memref<100xi32, #tpu.memory_space<vmem>>
      %dma_wait3A_258 = arith.constant 0 : i32
      %dma_wait3A_259 = arith.constant 0 : i32
      %dma_wait3A_260 = tpu.memref_slice %arg2[%dma_wait3A_258, %dma_wait3A_259] : memref<10000x128xf32, #tpu.memory_space<hbm>> -> memref<10000x128xf32, #tpu.memory_space<hbm>>
      tpu.wait_indirect_dma semaphore(%arg12 : memref<!tpu.dma_semaphore, #tpu.memory_space<semaphore_mem>>) src(%dma_wait3A_260 : memref<10000x128xf32, #tpu.memory_space<hbm>>) dst(%arg9 : memref<100x128xf32, #tpu.memory_space<vmem>>)
      %add3A_261 = arith.constant 3 : i32
      %add3A_262 = arith.addi %mul3A_148, %add3A_261 : i32
      %dma_start3A_263 = arith.constant 0 : i32
      %dma_start3A_264 = tpu.memref_slice %arg7[%add3A_262, %dma_start3A_263] : memref<100x100xi32, #tpu.memory_space<vmem>> -> memref<1x100xi32, #tpu.memory_space<vmem>>
      %dma_start3A_265 = tpu.memref_squeeze %dma_start3A_264 : memref<1x100xi32, #tpu.memory_space<vmem>> -> memref<100xi32, #tpu.memory_space<vmem>>
      %dma_start3A_266 = arith.constant 0 : i32
      %dma_start3A_267 = arith.constant 0 : i32
      %dma_start3A_268 = tpu.memref_slice %arg10[%dma_start3A_266, %dma_start3A_267] : memref<10000x128xf32, #tpu.memory_space<vmem_shared>> -> memref<10000x128xf32, #tpu.memory_space<vmem_shared>>
      tpu.enqueue_indirect_dma source(%arg9 : memref<100x128xf32, #tpu.memory_space<vmem>>) target(%dma_start3A_268 : memref<10000x128xf32, #tpu.memory_space<vmem_shared>>) offsets(%dma_start3A_265 : memref<100xi32, #tpu.memory_space<vmem>>) semaphore(%arg13 : memref<!tpu.dma_semaphore, #tpu.memory_space<semaphore_mem>>) {add = true}
      %dma_wait3A_269 = arith.constant 0 : i32
      %dma_wait3A_270 = tpu.memref_slice %arg7[%add3A_262, %dma_wait3A_269] : memref<100x100xi32, #tpu.memory_space<vmem>> -> memref<1x100xi32, #tpu.memory_space<vmem>>
      %dma_wait3A_271 = tpu.memref_squeeze %dma_wait3A_270 : memref<1x100xi32, #tpu.memory_space<vmem>> -> memref<100xi32, #tpu.memory_space<vmem>>
      %dma_wait3A_272 = arith.constant 0 : i32
      %dma_wait3A_273 = arith.constant 0 : i32
      %dma_wait3A_274 = tpu.memref_slice %arg10[%dma_wait3A_272, %dma_wait3A_273] : memref<10000x128xf32, #tpu.memory_space<vmem_shared>> -> memref<10000x128xf32, #tpu.memory_space<vmem_shared>>
      tpu.wait_indirect_dma semaphore(%arg13 : memref<!tpu.dma_semaphore, #tpu.memory_space<semaphore_mem>>) src(%arg9 : memref<100x128xf32, #tpu.memory_space<vmem>>) dst(%dma_wait3A_274 : memref<10000x128xf32, #tpu.memory_space<vmem_shared>>)
      %add3A_275 = arith.constant 4 : i32
      %add3A_276 = arith.addi %mul3A_148, %add3A_275 : i32
      %add3A_277 = arith.constant 1 : i32
      %add3A_278 = arith.addi %add3A_276, %add3A_277 : i32
      %dma_start3A_279 = arith.constant 0 : i32
      %dma_start3A_280 = tpu.memref_slice %arg6[%add3A_278, %dma_start3A_279] : memref<100x100xi32, #tpu.memory_space<vmem>> -> memref<1x100xi32, #tpu.memory_space<vmem>>
      %dma_start3A_281 = tpu.memref_squeeze %dma_start3A_280 : memref<1x100xi32, #tpu.memory_space<vmem>> -> memref<100xi32, #tpu.memory_space<vmem>>
      %dma_start3A_282 = arith.constant 0 : i32
      %dma_start3A_283 = arith.constant 0 : i32
      %dma_start3A_284 = tpu.memref_slice %arg2[%dma_start3A_282, %dma_start3A_283] : memref<10000x128xf32, #tpu.memory_space<hbm>> -> memref<10000x128xf32, #tpu.memory_space<hbm>>
      tpu.enqueue_indirect_dma source(%dma_start3A_284 : memref<10000x128xf32, #tpu.memory_space<hbm>>) target(%arg9 : memref<100x128xf32, #tpu.memory_space<vmem>>) offsets(%dma_start3A_281 : memref<100xi32, #tpu.memory_space<vmem>>) semaphore(%arg12 : memref<!tpu.dma_semaphore, #tpu.memory_space<semaphore_mem>>)
      %dma_wait3A_285 = arith.constant 0 : i32
      %dma_wait3A_286 = tpu.memref_slice %arg6[%add3A_248, %dma_wait3A_285] : memref<100x100xi32, #tpu.memory_space<vmem>> -> memref<1x100xi32, #tpu.memory_space<vmem>>
      %dma_wait3A_287 = tpu.memref_squeeze %dma_wait3A_286 : memref<1x100xi32, #tpu.memory_space<vmem>> -> memref<100xi32, #tpu.memory_space<vmem>>
      %dma_wait3A_288 = arith.constant 0 : i32
      %dma_wait3A_289 = arith.constant 0 : i32
      %dma_wait3A_290 = tpu.memref_slice %arg2[%dma_wait3A_288, %dma_wait3A_289] : memref<10000x128xf32, #tpu.memory_space<hbm>> -> memref<10000x128xf32, #tpu.memory_space<hbm>>
      tpu.wait_indirect_dma semaphore(%arg11 : memref<!tpu.dma_semaphore, #tpu.memory_space<semaphore_mem>>) src(%dma_wait3A_290 : memref<10000x128xf32, #tpu.memory_space<hbm>>) dst(%arg8 : memref<100x128xf32, #tpu.memory_space<vmem>>)
      %add3A_291 = arith.constant 4 : i32
      %add3A_292 = arith.addi %mul3A_148, %add3A_291 : i32
      %dma_start3A_293 = arith.constant 0 : i32
      %dma_start3A_294 = tpu.memref_slice %arg7[%add3A_292, %dma_start3A_293] : memref<100x100xi32, #tpu.memory_space<vmem>> -> memref<1x100xi32, #tpu.memory_space<vmem>>
      %dma_start3A_295 = tpu.memref_squeeze %dma_start3A_294 : memref<1x100xi32, #tpu.memory_space<vmem>> -> memref<100xi32, #tpu.memory_space<vmem>>
      %dma_start3A_296 = arith.constant 0 : i32
      %dma_start3A_297 = arith.constant 0 : i32
      %dma_start3A_298 = tpu.memref_slice %arg10[%dma_start3A_296, %dma_start3A_297] : memref<10000x128xf32, #tpu.memory_space<vmem_shared>> -> memref<10000x128xf32, #tpu.memory_space<vmem_shared>>
      tpu.enqueue_indirect_dma source(%arg8 : memref<100x128xf32, #tpu.memory_space<vmem>>) target(%dma_start3A_298 : memref<10000x128xf32, #tpu.memory_space<vmem_shared>>) offsets(%dma_start3A_295 : memref<100xi32, #tpu.memory_space<vmem>>) semaphore(%arg13 : memref<!tpu.dma_semaphore, #tpu.memory_space<semaphore_mem>>) {add = true}
      %dma_wait3A_299 = arith.constant 0 : i32
      %dma_wait3A_300 = tpu.memref_slice %arg7[%add3A_292, %dma_wait3A_299] : memref<100x100xi32, #tpu.memory_space<vmem>> -> memref<1x100xi32, #tpu.memory_space<vmem>>
      %dma_wait3A_301 = tpu.memref_squeeze %dma_wait3A_300 : memref<1x100xi32, #tpu.memory_space<vmem>> -> memref<100xi32, #tpu.memory_space<vmem>>
      %dma_wait3A_302 = arith.constant 0 : i32
      %dma_wait3A_303 = arith.constant 0 : i32
      %dma_wait3A_304 = tpu.memref_slice %arg10[%dma_wait3A_302, %dma_wait3A_303] : memref<10000x128xf32, #tpu.memory_space<vmem_shared>> -> memref<10000x128xf32, #tpu.memory_space<vmem_shared>>
      tpu.wait_indirect_dma semaphore(%arg13 : memref<!tpu.dma_semaphore, #tpu.memory_space<semaphore_mem>>) src(%arg8 : memref<100x128xf32, #tpu.memory_space<vmem>>) dst(%dma_wait3A_304 : memref<10000x128xf32, #tpu.memory_space<vmem_shared>>)
      %add3A_305 = arith.constant 5 : i32
      %add3A_306 = arith.addi %mul3A_148, %add3A_305 : i32
      %add3A_307 = arith.constant 1 : i32
      %add3A_308 = arith.addi %add3A_306, %add3A_307 : i32
      %dma_start3A_309 = arith.constant 0 : i32
      %dma_start3A_310 = tpu.memref_slice %arg6[%add3A_308, %dma_start3A_309] : memref<100x100xi32, #tpu.memory_space<vmem>> -> memref<1x100xi32, #tpu.memory_space<vmem>>
      %dma_start3A_311 = tpu.memref_squeeze %dma_start3A_310 : memref<1x100xi32, #tpu.memory_space<vmem>> -> memref<100xi32, #tpu.memory_space<vmem>>
      %dma_start3A_312 = arith.constant 0 : i32
      %dma_start3A_313 = arith.constant 0 : i32
      %dma_start3A_314 = tpu.memref_slice %arg2[%dma_start3A_312, %dma_start3A_313] : memref<10000x128xf32, #tpu.memory_space<hbm>> -> memref<10000x128xf32, #tpu.memory_space<hbm>>
      tpu.enqueue_indirect_dma source(%dma_start3A_314 : memref<10000x128xf32, #tpu.memory_space<hbm>>) target(%arg8 : memref<100x128xf32, #tpu.memory_space<vmem>>) offsets(%dma_start3A_311 : memref<100xi32, #tpu.memory_space<vmem>>) semaphore(%arg11 : memref<!tpu.dma_semaphore, #tpu.memory_space<semaphore_mem>>)
      %dma_wait3A_315 = arith.constant 0 : i32
      %dma_wait3A_316 = tpu.memref_slice %arg6[%add3A_278, %dma_wait3A_315] : memref<100x100xi32, #tpu.memory_space<vmem>> -> memref<1x100xi32, #tpu.memory_space<vmem>>
      %dma_wait3A_317 = tpu.memref_squeeze %dma_wait3A_316 : memref<1x100xi32, #tpu.memory_space<vmem>> -> memref<100xi32, #tpu.memory_space<vmem>>
      %dma_wait3A_318 = arith.constant 0 : i32
      %dma_wait3A_319 = arith.constant 0 : i32
      %dma_wait3A_320 = tpu.memref_slice %arg2[%dma_wait3A_318, %dma_wait3A_319] : memref<10000x128xf32, #tpu.memory_space<hbm>> -> memref<10000x128xf32, #tpu.memory_space<hbm>>
      tpu.wait_indirect_dma semaphore(%arg12 : memref<!tpu.dma_semaphore, #tpu.memory_space<semaphore_mem>>) src(%dma_wait3A_320 : memref<10000x128xf32, #tpu.memory_space<hbm>>) dst(%arg9 : memref<100x128xf32, #tpu.memory_space<vmem>>)
      %add3A_321 = arith.constant 5 : i32
      %add3A_322 = arith.addi %mul3A_148, %add3A_321 : i32
      %dma_start3A_323 = arith.constant 0 : i32
      %dma_start3A_324 = tpu.memref_slice %arg7[%add3A_322, %dma_start3A_323] : memref<100x100xi32, #tpu.memory_space<vmem>> -> memref<1x100xi32, #tpu.memory_space<vmem>>
      %dma_start3A_325 = tpu.memref_squeeze %dma_start3A_324 : memref<1x100xi32, #tpu.memory_space<vmem>> -> memref<100xi32, #tpu.memory_space<vmem>>
      %dma_start3A_326 = arith.constant 0 : i32
      %dma_start3A_327 = arith.constant 0 : i32
      %dma_start3A_328 = tpu.memref_slice %arg10[%dma_start3A_326, %dma_start3A_327] : memref<10000x128xf32, #tpu.memory_space<vmem_shared>> -> memref<10000x128xf32, #tpu.memory_space<vmem_shared>>
      tpu.enqueue_indirect_dma source(%arg9 : memref<100x128xf32, #tpu.memory_space<vmem>>) target(%dma_start3A_328 : memref<10000x128xf32, #tpu.memory_space<vmem_shared>>) offsets(%dma_start3A_325 : memref<100xi32, #tpu.memory_space<vmem>>) semaphore(%arg13 : memref<!tpu.dma_semaphore, #tpu.memory_space<semaphore_mem>>) {add = true}
      %dma_wait3A_329 = arith.constant 0 : i32
      %dma_wait3A_330 = tpu.memref_slice %arg7[%add3A_322, %dma_wait3A_329] : memref<100x100xi32, #tpu.memory_space<vmem>> -> memref<1x100xi32, #tpu.memory_space<vmem>>
      %dma_wait3A_331 = tpu.memref_squeeze %dma_wait3A_330 : memref<1x100xi32, #tpu.memory_space<vmem>> -> memref<100xi32, #tpu.memory_space<vmem>>
      %dma_wait3A_332 = arith.constant 0 : i32
      %dma_wait3A_333 = arith.constant 0 : i32
      %dma_wait3A_334 = tpu.memref_slice %arg10[%dma_wait3A_332, %dma_wait3A_333] : memref<10000x128xf32, #tpu.memory_space<vmem_shared>> -> memref<10000x128xf32, #tpu.memory_space<vmem_shared>>
      tpu.wait_indirect_dma semaphore(%arg13 : memref<!tpu.dma_semaphore, #tpu.memory_space<semaphore_mem>>) src(%arg9 : memref<100x128xf32, #tpu.memory_space<vmem>>) dst(%dma_wait3A_334 : memref<10000x128xf32, #tpu.memory_space<vmem_shared>>)
      %add3A_335 = arith.constant 6 : i32
      %add3A_336 = arith.addi %mul3A_148, %add3A_335 : i32
      %add3A_337 = arith.constant 1 : i32
      %add3A_338 = arith.addi %add3A_336, %add3A_337 : i32
      %dma_start3A_339 = arith.constant 0 : i32
      %dma_start3A_340 = tpu.memref_slice %arg6[%add3A_338, %dma_start3A_339] : memref<100x100xi32, #tpu.memory_space<vmem>> -> memref<1x100xi32, #tpu.memory_space<vmem>>
      %dma_start3A_341 = tpu.memref_squeeze %dma_start3A_340 : memref<1x100xi32, #tpu.memory_space<vmem>> -> memref<100xi32, #tpu.memory_space<vmem>>
      %dma_start3A_342 = arith.constant 0 : i32
      %dma_start3A_343 = arith.constant 0 : i32
      %dma_start3A_344 = tpu.memref_slice %arg2[%dma_start3A_342, %dma_start3A_343] : memref<10000x128xf32, #tpu.memory_space<hbm>> -> memref<10000x128xf32, #tpu.memory_space<hbm>>
      tpu.enqueue_indirect_dma source(%dma_start3A_344 : memref<10000x128xf32, #tpu.memory_space<hbm>>) target(%arg9 : memref<100x128xf32, #tpu.memory_space<vmem>>) offsets(%dma_start3A_341 : memref<100xi32, #tpu.memory_space<vmem>>) semaphore(%arg12 : memref<!tpu.dma_semaphore, #tpu.memory_space<semaphore_mem>>)
      %dma_wait3A_345 = arith.constant 0 : i32
      %dma_wait3A_346 = tpu.memref_slice %arg6[%add3A_308, %dma_wait3A_345] : memref<100x100xi32, #tpu.memory_space<vmem>> -> memref<1x100xi32, #tpu.memory_space<vmem>>
      %dma_wait3A_347 = tpu.memref_squeeze %dma_wait3A_346 : memref<1x100xi32, #tpu.memory_space<vmem>> -> memref<100xi32, #tpu.memory_space<vmem>>
      %dma_wait3A_348 = arith.constant 0 : i32
      %dma_wait3A_349 = arith.constant 0 : i32
      %dma_wait3A_350 = tpu.memref_slice %arg2[%dma_wait3A_348, %dma_wait3A_349] : memref<10000x128xf32, #tpu.memory_space<hbm>> -> memref<10000x128xf32, #tpu.memory_space<hbm>>
      tpu.wait_indirect_dma semaphore(%arg11 : memref<!tpu.dma_semaphore, #tpu.memory_space<semaphore_mem>>) src(%dma_wait3A_350 : memref<10000x128xf32, #tpu.memory_space<hbm>>) dst(%arg8 : memref<100x128xf32, #tpu.memory_space<vmem>>)
      %add3A_351 = arith.constant 6 : i32
      %add3A_352 = arith.addi %mul3A_148, %add3A_351 : i32
      %dma_start3A_353 = arith.constant 0 : i32
      %dma_start3A_354 = tpu.memref_slice %arg7[%add3A_352, %dma_start3A_353] : memref<100x100xi32, #tpu.memory_space<vmem>> -> memref<1x100xi32, #tpu.memory_space<vmem>>
      %dma_start3A_355 = tpu.memref_squeeze %dma_start3A_354 : memref<1x100xi32, #tpu.memory_space<vmem>> -> memref<100xi32, #tpu.memory_space<vmem>>
      %dma_start3A_356 = arith.constant 0 : i32
      %dma_start3A_357 = arith.constant 0 : i32
      %dma_start3A_358 = tpu.memref_slice %arg10[%dma_start3A_356, %dma_start3A_357] : memref<10000x128xf32, #tpu.memory_space<vmem_shared>> -> memref<10000x128xf32, #tpu.memory_space<vmem_shared>>
      tpu.enqueue_indirect_dma source(%arg8 : memref<100x128xf32, #tpu.memory_space<vmem>>) target(%dma_start3A_358 : memref<10000x128xf32, #tpu.memory_space<vmem_shared>>) offsets(%dma_start3A_355 : memref<100xi32, #tpu.memory_space<vmem>>) semaphore(%arg13 : memref<!tpu.dma_semaphore, #tpu.memory_space<semaphore_mem>>) {add = true}
      %dma_wait3A_359 = arith.constant 0 : i32
      %dma_wait3A_360 = tpu.memref_slice %arg7[%add3A_352, %dma_wait3A_359] : memref<100x100xi32, #tpu.memory_space<vmem>> -> memref<1x100xi32, #tpu.memory_space<vmem>>
      %dma_wait3A_361 = tpu.memref_squeeze %dma_wait3A_360 : memref<1x100xi32, #tpu.memory_space<vmem>> -> memref<100xi32, #tpu.memory_space<vmem>>
      %dma_wait3A_362 = arith.constant 0 : i32
      %dma_wait3A_363 = arith.constant 0 : i32
      %dma_wait3A_364 = tpu.memref_slice %arg10[%dma_wait3A_362, %dma_wait3A_363] : memref<10000x128xf32, #tpu.memory_space<vmem_shared>> -> memref<10000x128xf32, #tpu.memory_space<vmem_shared>>
      tpu.wait_indirect_dma semaphore(%arg13 : memref<!tpu.dma_semaphore, #tpu.memory_space<semaphore_mem>>) src(%arg8 : memref<100x128xf32, #tpu.memory_space<vmem>>) dst(%dma_wait3A_364 : memref<10000x128xf32, #tpu.memory_space<vmem_shared>>)
      %add3A_365 = arith.constant 7 : i32
      %add3A_366 = arith.addi %mul3A_148, %add3A_365 : i32
      %add3A_367 = arith.constant 1 : i32
      %add3A_368 = arith.addi %add3A_366, %add3A_367 : i32
      %dma_start3A_369 = arith.constant 0 : i32
      %dma_start3A_370 = tpu.memref_slice %arg6[%add3A_368, %dma_start3A_369] : memref<100x100xi32, #tpu.memory_space<vmem>> -> memref<1x100xi32, #tpu.memory_space<vmem>>
      %dma_start3A_371 = tpu.memref_squeeze %dma_start3A_370 : memref<1x100xi32, #tpu.memory_space<vmem>> -> memref<100xi32, #tpu.memory_space<vmem>>
      %dma_start3A_372 = arith.constant 0 : i32
      %dma_start3A_373 = arith.constant 0 : i32
      %dma_start3A_374 = tpu.memref_slice %arg2[%dma_start3A_372, %dma_start3A_373] : memref<10000x128xf32, #tpu.memory_space<hbm>> -> memref<10000x128xf32, #tpu.memory_space<hbm>>
      tpu.enqueue_indirect_dma source(%dma_start3A_374 : memref<10000x128xf32, #tpu.memory_space<hbm>>) target(%arg8 : memref<100x128xf32, #tpu.memory_space<vmem>>) offsets(%dma_start3A_371 : memref<100xi32, #tpu.memory_space<vmem>>) semaphore(%arg11 : memref<!tpu.dma_semaphore, #tpu.memory_space<semaphore_mem>>)
      %dma_wait3A_375 = arith.constant 0 : i32
      %dma_wait3A_376 = tpu.memref_slice %arg6[%add3A_338, %dma_wait3A_375] : memref<100x100xi32, #tpu.memory_space<vmem>> -> memref<1x100xi32, #tpu.memory_space<vmem>>
      %dma_wait3A_377 = tpu.memref_squeeze %dma_wait3A_376 : memref<1x100xi32, #tpu.memory_space<vmem>> -> memref<100xi32, #tpu.memory_space<vmem>>
      %dma_wait3A_378 = arith.constant 0 : i32
      %dma_wait3A_379 = arith.constant 0 : i32
      %dma_wait3A_380 = tpu.memref_slice %arg2[%dma_wait3A_378, %dma_wait3A_379] : memref<10000x128xf32, #tpu.memory_space<hbm>> -> memref<10000x128xf32, #tpu.memory_space<hbm>>
      tpu.wait_indirect_dma semaphore(%arg12 : memref<!tpu.dma_semaphore, #tpu.memory_space<semaphore_mem>>) src(%dma_wait3A_380 : memref<10000x128xf32, #tpu.memory_space<hbm>>) dst(%arg9 : memref<100x128xf32, #tpu.memory_space<vmem>>)
      %add3A_381 = arith.constant 7 : i32
      %add3A_382 = arith.addi %mul3A_148, %add3A_381 : i32
      %dma_start3A_383 = arith.constant 0 : i32
      %dma_start3A_384 = tpu.memref_slice %arg7[%add3A_382, %dma_start3A_383] : memref<100x100xi32, #tpu.memory_space<vmem>> -> memref<1x100xi32, #tpu.memory_space<vmem>>
      %dma_start3A_385 = tpu.memref_squeeze %dma_start3A_384 : memref<1x100xi32, #tpu.memory_space<vmem>> -> memref<100xi32, #tpu.memory_space<vmem>>
      %dma_start3A_386 = arith.constant 0 : i32
      %dma_start3A_387 = arith.constant 0 : i32
      %dma_start3A_388 = tpu.memref_slice %arg10[%dma_start3A_386, %dma_start3A_387] : memref<10000x128xf32, #tpu.memory_space<vmem_shared>> -> memref<10000x128xf32, #tpu.memory_space<vmem_shared>>
      tpu.enqueue_indirect_dma source(%arg9 : memref<100x128xf32, #tpu.memory_space<vmem>>) target(%dma_start3A_388 : memref<10000x128xf32, #tpu.memory_space<vmem_shared>>) offsets(%dma_start3A_385 : memref<100xi32, #tpu.memory_space<vmem>>) semaphore(%arg13 : memref<!tpu.dma_semaphore, #tpu.memory_space<semaphore_mem>>) {add = true}
      %dma_wait3A_389 = arith.constant 0 : i32
      %dma_wait3A_390 = tpu.memref_slice %arg7[%add3A_382, %dma_wait3A_389] : memref<100x100xi32, #tpu.memory_space<vmem>> -> memref<1x100xi32, #tpu.memory_space<vmem>>
      %dma_wait3A_391 = tpu.memref_squeeze %dma_wait3A_390 : memref<1x100xi32, #tpu.memory_space<vmem>> -> memref<100xi32, #tpu.memory_space<vmem>>
      %dma_wait3A_392 = arith.constant 0 : i32
      %dma_wait3A_393 = arith.constant 0 : i32
      %dma_wait3A_394 = tpu.memref_slice %arg10[%dma_wait3A_392, %dma_wait3A_393] : memref<10000x128xf32, #tpu.memory_space<vmem_shared>> -> memref<10000x128xf32, #tpu.memory_space<vmem_shared>>
      tpu.wait_indirect_dma semaphore(%arg13 : memref<!tpu.dma_semaphore, #tpu.memory_space<semaphore_mem>>) src(%arg9 : memref<100x128xf32, #tpu.memory_space<vmem>>) dst(%dma_wait3A_394 : memref<10000x128xf32, #tpu.memory_space<vmem_shared>>)
      %add3A_395 = arith.constant 8 : i32
      %add3A_396 = arith.addi %mul3A_148, %add3A_395 : i32
      %add3A_397 = arith.constant 1 : i32
      %add3A_398 = arith.addi %add3A_396, %add3A_397 : i32
      %dma_start3A_399 = arith.constant 0 : i32
      %dma_start3A_400 = tpu.memref_slice %arg6[%add3A_398, %dma_start3A_399] : memref<100x100xi32, #tpu.memory_space<vmem>> -> memref<1x100xi32, #tpu.memory_space<vmem>>
      %dma_start3A_401 = tpu.memref_squeeze %dma_start3A_400 : memref<1x100xi32, #tpu.memory_space<vmem>> -> memref<100xi32, #tpu.memory_space<vmem>>
      %dma_start3A_402 = arith.constant 0 : i32
      %dma_start3A_403 = arith.constant 0 : i32
      %dma_start3A_404 = tpu.memref_slice %arg2[%dma_start3A_402, %dma_start3A_403] : memref<10000x128xf32, #tpu.memory_space<hbm>> -> memref<10000x128xf32, #tpu.memory_space<hbm>>
      tpu.enqueue_indirect_dma source(%dma_start3A_404 : memref<10000x128xf32, #tpu.memory_space<hbm>>) target(%arg9 : memref<100x128xf32, #tpu.memory_space<vmem>>) offsets(%dma_start3A_401 : memref<100xi32, #tpu.memory_space<vmem>>) semaphore(%arg12 : memref<!tpu.dma_semaphore, #tpu.memory_space<semaphore_mem>>)
      %dma_wait3A_405 = arith.constant 0 : i32
      %dma_wait3A_406 = tpu.memref_slice %arg6[%add3A_368, %dma_wait3A_405] : memref<100x100xi32, #tpu.memory_space<vmem>> -> memref<1x100xi32, #tpu.memory_space<vmem>>
      %dma_wait3A_407 = tpu.memref_squeeze %dma_wait3A_406 : memref<1x100xi32, #tpu.memory_space<vmem>> -> memref<100xi32, #tpu.memory_space<vmem>>
      %dma_wait3A_408 = arith.constant 0 : i32
      %dma_wait3A_409 = arith.constant 0 : i32
      %dma_wait3A_410 = tpu.memref_slice %arg2[%dma_wait3A_408, %dma_wait3A_409] : memref<10000x128xf32, #tpu.memory_space<hbm>> -> memref<10000x128xf32, #tpu.memory_space<hbm>>
      tpu.wait_indirect_dma semaphore(%arg11 : memref<!tpu.dma_semaphore, #tpu.memory_space<semaphore_mem>>) src(%dma_wait3A_410 : memref<10000x128xf32, #tpu.memory_space<hbm>>) dst(%arg8 : memref<100x128xf32, #tpu.memory_space<vmem>>)
      %add3A_411 = arith.constant 8 : i32
      %add3A_412 = arith.addi %mul3A_148, %add3A_411 : i32
      %dma_start3A_413 = arith.constant 0 : i32
      %dma_start3A_414 = tpu.memref_slice %arg7[%add3A_412, %dma_start3A_413] : memref<100x100xi32, #tpu.memory_space<vmem>> -> memref<1x100xi32, #tpu.memory_space<vmem>>
      %dma_start3A_415 = tpu.memref_squeeze %dma_start3A_414 : memref<1x100xi32, #tpu.memory_space<vmem>> -> memref<100xi32, #tpu.memory_space<vmem>>
      %dma_start3A_416 = arith.constant 0 : i32
      %dma_start3A_417 = arith.constant 0 : i32
      %dma_start3A_418 = tpu.memref_slice %arg10[%dma_start3A_416, %dma_start3A_417] : memref<10000x128xf32, #tpu.memory_space<vmem_shared>> -> memref<10000x128xf32, #tpu.memory_space<vmem_shared>>
      tpu.enqueue_indirect_dma source(%arg8 : memref<100x128xf32, #tpu.memory_space<vmem>>) target(%dma_start3A_418 : memref<10000x128xf32, #tpu.memory_space<vmem_shared>>) offsets(%dma_start3A_415 : memref<100xi32, #tpu.memory_space<vmem>>) semaphore(%arg13 : memref<!tpu.dma_semaphore, #tpu.memory_space<semaphore_mem>>) {add = true}
      %dma_wait3A_419 = arith.constant 0 : i32
      %dma_wait3A_420 = tpu.memref_slice %arg7[%add3A_412, %dma_wait3A_419] : memref<100x100xi32, #tpu.memory_space<vmem>> -> memref<1x100xi32, #tpu.memory_space<vmem>>
      %dma_wait3A_421 = tpu.memref_squeeze %dma_wait3A_420 : memref<1x100xi32, #tpu.memory_space<vmem>> -> memref<100xi32, #tpu.memory_space<vmem>>
      %dma_wait3A_422 = arith.constant 0 : i32
      %dma_wait3A_423 = arith.constant 0 : i32
      %dma_wait3A_424 = tpu.memref_slice %arg10[%dma_wait3A_422, %dma_wait3A_423] : memref<10000x128xf32, #tpu.memory_space<vmem_shared>> -> memref<10000x128xf32, #tpu.memory_space<vmem_shared>>
      tpu.wait_indirect_dma semaphore(%arg13 : memref<!tpu.dma_semaphore, #tpu.memory_space<semaphore_mem>>) src(%arg8 : memref<100x128xf32, #tpu.memory_space<vmem>>) dst(%dma_wait3A_424 : memref<10000x128xf32, #tpu.memory_space<vmem_shared>>)
      %add3A_425 = arith.constant 9 : i32
      %add3A_426 = arith.addi %mul3A_148, %add3A_425 : i32
      %add3A_427 = arith.constant 1 : i32
      %add3A_428 = arith.addi %add3A_426, %add3A_427 : i32
      %dma_start3A_429 = arith.constant 0 : i32
      %dma_start3A_430 = tpu.memref_slice %arg6[%add3A_428, %dma_start3A_429] : memref<100x100xi32, #tpu.memory_space<vmem>> -> memref<1x100xi32, #tpu.memory_space<vmem>>
      %dma_start3A_431 = tpu.memref_squeeze %dma_start3A_430 : memref<1x100xi32, #tpu.memory_space<vmem>> -> memref<100xi32, #tpu.memory_space<vmem>>
      %dma_start3A_432 = arith.constant 0 : i32
      %dma_start3A_433 = arith.constant 0 : i32
      %dma_start3A_434 = tpu.memref_slice %arg2[%dma_start3A_432, %dma_start3A_433] : memref<10000x128xf32, #tpu.memory_space<hbm>> -> memref<10000x128xf32, #tpu.memory_space<hbm>>
      tpu.enqueue_indirect_dma source(%dma_start3A_434 : memref<10000x128xf32, #tpu.memory_space<hbm>>) target(%arg8 : memref<100x128xf32, #tpu.memory_space<vmem>>) offsets(%dma_start3A_431 : memref<100xi32, #tpu.memory_space<vmem>>) semaphore(%arg11 : memref<!tpu.dma_semaphore, #tpu.memory_space<semaphore_mem>>)
      %dma_wait3A_435 = arith.constant 0 : i32
      %dma_wait3A_436 = tpu.memref_slice %arg6[%add3A_398, %dma_wait3A_435] : memref<100x100xi32, #tpu.memory_space<vmem>> -> memref<1x100xi32, #tpu.memory_space<vmem>>
      %dma_wait3A_437 = tpu.memref_squeeze %dma_wait3A_436 : memref<1x100xi32, #tpu.memory_space<vmem>> -> memref<100xi32, #tpu.memory_space<vmem>>
      %dma_wait3A_438 = arith.constant 0 : i32
      %dma_wait3A_439 = arith.constant 0 : i32
      %dma_wait3A_440 = tpu.memref_slice %arg2[%dma_wait3A_438, %dma_wait3A_439] : memref<10000x128xf32, #tpu.memory_space<hbm>> -> memref<10000x128xf32, #tpu.memory_space<hbm>>
      tpu.wait_indirect_dma semaphore(%arg12 : memref<!tpu.dma_semaphore, #tpu.memory_space<semaphore_mem>>) src(%dma_wait3A_440 : memref<10000x128xf32, #tpu.memory_space<hbm>>) dst(%arg9 : memref<100x128xf32, #tpu.memory_space<vmem>>)
      %add3A_441 = arith.constant 9 : i32
      %add3A_442 = arith.addi %mul3A_148, %add3A_441 : i32
      %dma_start3A_443 = arith.constant 0 : i32
      %dma_start3A_444 = tpu.memref_slice %arg7[%add3A_442, %dma_start3A_443] : memref<100x100xi32, #tpu.memory_space<vmem>> -> memref<1x100xi32, #tpu.memory_space<vmem>>
      %dma_start3A_445 = tpu.memref_squeeze %dma_start3A_444 : memref<1x100xi32, #tpu.memory_space<vmem>> -> memref<100xi32, #tpu.memory_space<vmem>>
      %dma_start3A_446 = arith.constant 0 : i32
      %dma_start3A_447 = arith.constant 0 : i32
      %dma_start3A_448 = tpu.memref_slice %arg10[%dma_start3A_446, %dma_start3A_447] : memref<10000x128xf32, #tpu.memory_space<vmem_shared>> -> memref<10000x128xf32, #tpu.memory_space<vmem_shared>>
      tpu.enqueue_indirect_dma source(%arg9 : memref<100x128xf32, #tpu.memory_space<vmem>>) target(%dma_start3A_448 : memref<10000x128xf32, #tpu.memory_space<vmem_shared>>) offsets(%dma_start3A_445 : memref<100xi32, #tpu.memory_space<vmem>>) semaphore(%arg13 : memref<!tpu.dma_semaphore, #tpu.memory_space<semaphore_mem>>) {add = true}
      %dma_wait3A_449 = arith.constant 0 : i32
      %dma_wait3A_450 = tpu.memref_slice %arg7[%add3A_442, %dma_wait3A_449] : memref<100x100xi32, #tpu.memory_space<vmem>> -> memref<1x100xi32, #tpu.memory_space<vmem>>
      %dma_wait3A_451 = tpu.memref_squeeze %dma_wait3A_450 : memref<1x100xi32, #tpu.memory_space<vmem>> -> memref<100xi32, #tpu.memory_space<vmem>>
      %dma_wait3A_452 = arith.constant 0 : i32
      %dma_wait3A_453 = arith.constant 0 : i32
      %dma_wait3A_454 = tpu.memref_slice %arg10[%dma_wait3A_452, %dma_wait3A_453] : memref<10000x128xf32, #tpu.memory_space<vmem_shared>> -> memref<10000x128xf32, #tpu.memory_space<vmem_shared>>
      tpu.wait_indirect_dma semaphore(%arg13 : memref<!tpu.dma_semaphore, #tpu.memory_space<semaphore_mem>>) src(%arg9 : memref<100x128xf32, #tpu.memory_space<vmem>>) dst(%dma_wait3A_454 : memref<10000x128xf32, #tpu.memory_space<vmem_shared>>)
      %add3A_455 = arith.constant 10 : i32
      %add3A_456 = arith.addi %mul3A_148, %add3A_455 : i32
      %add3A_457 = arith.constant 1 : i32
      %add3A_458 = arith.addi %add3A_456, %add3A_457 : i32
      %dma_start3A_459 = arith.constant 0 : i32
      %dma_start3A_460 = tpu.memref_slice %arg6[%add3A_458, %dma_start3A_459] : memref<100x100xi32, #tpu.memory_space<vmem>> -> memref<1x100xi32, #tpu.memory_space<vmem>>
      %dma_start3A_461 = tpu.memref_squeeze %dma_start3A_460 : memref<1x100xi32, #tpu.memory_space<vmem>> -> memref<100xi32, #tpu.memory_space<vmem>>
      %dma_start3A_462 = arith.constant 0 : i32
      %dma_start3A_463 = arith.constant 0 : i32
      %dma_start3A_464 = tpu.memref_slice %arg2[%dma_start3A_462, %dma_start3A_463] : memref<10000x128xf32, #tpu.memory_space<hbm>> -> memref<10000x128xf32, #tpu.memory_space<hbm>>
      tpu.enqueue_indirect_dma source(%dma_start3A_464 : memref<10000x128xf32, #tpu.memory_space<hbm>>) target(%arg9 : memref<100x128xf32, #tpu.memory_space<vmem>>) offsets(%dma_start3A_461 : memref<100xi32, #tpu.memory_space<vmem>>) semaphore(%arg12 : memref<!tpu.dma_semaphore, #tpu.memory_space<semaphore_mem>>)
      %dma_wait3A_465 = arith.constant 0 : i32
      %dma_wait3A_466 = tpu.memref_slice %arg6[%add3A_428, %dma_wait3A_465] : memref<100x100xi32, #tpu.memory_space<vmem>> -> memref<1x100xi32, #tpu.memory_space<vmem>>
      %dma_wait3A_467 = tpu.memref_squeeze %dma_wait3A_466 : memref<1x100xi32, #tpu.memory_space<vmem>> -> memref<100xi32, #tpu.memory_space<vmem>>
      %dma_wait3A_468 = arith.constant 0 : i32
      %dma_wait3A_469 = arith.constant 0 : i32
      %dma_wait3A_470 = tpu.memref_slice %arg2[%dma_wait3A_468, %dma_wait3A_469] : memref<10000x128xf32, #tpu.memory_space<hbm>> -> memref<10000x128xf32, #tpu.memory_space<hbm>>
      tpu.wait_indirect_dma semaphore(%arg11 : memref<!tpu.dma_semaphore, #tpu.memory_space<semaphore_mem>>) src(%dma_wait3A_470 : memref<10000x128xf32, #tpu.memory_space<hbm>>) dst(%arg8 : memref<100x128xf32, #tpu.memory_space<vmem>>)
      %add3A_471 = arith.constant 10 : i32
      %add3A_472 = arith.addi %mul3A_148, %add3A_471 : i32
      %dma_start3A_473 = arith.constant 0 : i32
      %dma_start3A_474 = tpu.memref_slice %arg7[%add3A_472, %dma_start3A_473] : memref<100x100xi32, #tpu.memory_space<vmem>> -> memref<1x100xi32, #tpu.memory_space<vmem>>
      %dma_start3A_475 = tpu.memref_squeeze %dma_start3A_474 : memref<1x100xi32, #tpu.memory_space<vmem>> -> memref<100xi32, #tpu.memory_space<vmem>>
      %dma_start3A_476 = arith.constant 0 : i32
      %dma_start3A_477 = arith.constant 0 : i32
      %dma_start3A_478 = tpu.memref_slice %arg10[%dma_start3A_476, %dma_start3A_477] : memref<10000x128xf32, #tpu.memory_space<vmem_shared>> -> memref<10000x128xf32, #tpu.memory_space<vmem_shared>>
      tpu.enqueue_indirect_dma source(%arg8 : memref<100x128xf32, #tpu.memory_space<vmem>>) target(%dma_start3A_478 : memref<10000x128xf32, #tpu.memory_space<vmem_shared>>) offsets(%dma_start3A_475 : memref<100xi32, #tpu.memory_space<vmem>>) semaphore(%arg13 : memref<!tpu.dma_semaphore, #tpu.memory_space<semaphore_mem>>) {add = true}
      %dma_wait3A_479 = arith.constant 0 : i32
      %dma_wait3A_480 = tpu.memref_slice %arg7[%add3A_472, %dma_wait3A_479] : memref<100x100xi32, #tpu.memory_space<vmem>> -> memref<1x100xi32, #tpu.memory_space<vmem>>
      %dma_wait3A_481 = tpu.memref_squeeze %dma_wait3A_480 : memref<1x100xi32, #tpu.memory_space<vmem>> -> memref<100xi32, #tpu.memory_space<vmem>>
      %dma_wait3A_482 = arith.constant 0 : i32
      %dma_wait3A_483 = arith.constant 0 : i32
      %dma_wait3A_484 = tpu.memref_slice %arg10[%dma_wait3A_482, %dma_wait3A_483] : memref<10000x128xf32, #tpu.memory_space<vmem_shared>> -> memref<10000x128xf32, #tpu.memory_space<vmem_shared>>
      tpu.wait_indirect_dma semaphore(%arg13 : memref<!tpu.dma_semaphore, #tpu.memory_space<semaphore_mem>>) src(%arg8 : memref<100x128xf32, #tpu.memory_space<vmem>>) dst(%dma_wait3A_484 : memref<10000x128xf32, #tpu.memory_space<vmem_shared>>)
      %add3A_485 = arith.constant 11 : i32
      %add3A_486 = arith.addi %mul3A_148, %add3A_485 : i32
      %add3A_487 = arith.constant 1 : i32
      %add3A_488 = arith.addi %add3A_486, %add3A_487 : i32
      %dma_start3A_489 = arith.constant 0 : i32
      %dma_start3A_490 = tpu.memref_slice %arg6[%add3A_488, %dma_start3A_489] : memref<100x100xi32, #tpu.memory_space<vmem>> -> memref<1x100xi32, #tpu.memory_space<vmem>>
      %dma_start3A_491 = tpu.memref_squeeze %dma_start3A_490 : memref<1x100xi32, #tpu.memory_space<vmem>> -> memref<100xi32, #tpu.memory_space<vmem>>
      %dma_start3A_492 = arith.constant 0 : i32
      %dma_start3A_493 = arith.constant 0 : i32
      %dma_start3A_494 = tpu.memref_slice %arg2[%dma_start3A_492, %dma_start3A_493] : memref<10000x128xf32, #tpu.memory_space<hbm>> -> memref<10000x128xf32, #tpu.memory_space<hbm>>
      tpu.enqueue_indirect_dma source(%dma_start3A_494 : memref<10000x128xf32, #tpu.memory_space<hbm>>) target(%arg8 : memref<100x128xf32, #tpu.memory_space<vmem>>) offsets(%dma_start3A_491 : memref<100xi32, #tpu.memory_space<vmem>>) semaphore(%arg11 : memref<!tpu.dma_semaphore, #tpu.memory_space<semaphore_mem>>)
      %dma_wait3A_495 = arith.constant 0 : i32
      %dma_wait3A_496 = tpu.memref_slice %arg6[%add3A_458, %dma_wait3A_495] : memref<100x100xi32, #tpu.memory_space<vmem>> -> memref<1x100xi32, #tpu.memory_space<vmem>>
      %dma_wait3A_497 = tpu.memref_squeeze %dma_wait3A_496 : memref<1x100xi32, #tpu.memory_space<vmem>> -> memref<100xi32, #tpu.memory_space<vmem>>
      %dma_wait3A_498 = arith.constant 0 : i32
      %dma_wait3A_499 = arith.constant 0 : i32
      %dma_wait3A_500 = tpu.memref_slice %arg2[%dma_wait3A_498, %dma_wait3A_499] : memref<10000x128xf32, #tpu.memory_space<hbm>> -> memref<10000x128xf32, #tpu.memory_space<hbm>>
      tpu.wait_indirect_dma semaphore(%arg12 : memref<!tpu.dma_semaphore, #tpu.memory_space<semaphore_mem>>) src(%dma_wait3A_500 : memref<10000x128xf32, #tpu.memory_space<hbm>>) dst(%arg9 : memref<100x128xf32, #tpu.memory_space<vmem>>)
      %add3A_501 = arith.constant 11 : i32
      %add3A_502 = arith.addi %mul3A_148, %add3A_501 : i32
      %dma_start3A_503 = arith.constant 0 : i32
      %dma_start3A_504 = tpu.memref_slice %arg7[%add3A_502, %dma_start3A_503] : memref<100x100xi32, #tpu.memory_space<vmem>> -> memref<1x100xi32, #tpu.memory_space<vmem>>
      %dma_start3A_505 = tpu.memref_squeeze %dma_start3A_504 : memref<1x100xi32, #tpu.memory_space<vmem>> -> memref<100xi32, #tpu.memory_space<vmem>>
      %dma_start3A_506 = arith.constant 0 : i32
      %dma_start3A_507 = arith.constant 0 : i32
      %dma_start3A_508 = tpu.memref_slice %arg10[%dma_start3A_506, %dma_start3A_507] : memref<10000x128xf32, #tpu.memory_space<vmem_shared>> -> memref<10000x128xf32, #tpu.memory_space<vmem_shared>>
      tpu.enqueue_indirect_dma source(%arg9 : memref<100x128xf32, #tpu.memory_space<vmem>>) target(%dma_start3A_508 : memref<10000x128xf32, #tpu.memory_space<vmem_shared>>) offsets(%dma_start3A_505 : memref<100xi32, #tpu.memory_space<vmem>>) semaphore(%arg13 : memref<!tpu.dma_semaphore, #tpu.memory_space<semaphore_mem>>) {add = true}
      %dma_wait3A_509 = arith.constant 0 : i32
      %dma_wait3A_510 = tpu.memref_slice %arg7[%add3A_502, %dma_wait3A_509] : memref<100x100xi32, #tpu.memory_space<vmem>> -> memref<1x100xi32, #tpu.memory_space<vmem>>
      %dma_wait3A_511 = tpu.memref_squeeze %dma_wait3A_510 : memref<1x100xi32, #tpu.memory_space<vmem>> -> memref<100xi32, #tpu.memory_space<vmem>>
      %dma_wait3A_512 = arith.constant 0 : i32
      %dma_wait3A_513 = arith.constant 0 : i32
      %dma_wait3A_514 = tpu.memref_slice %arg10[%dma_wait3A_512, %dma_wait3A_513] : memref<10000x128xf32, #tpu.memory_space<vmem_shared>> -> memref<10000x128xf32, #tpu.memory_space<vmem_shared>>
      tpu.wait_indirect_dma semaphore(%arg13 : memref<!tpu.dma_semaphore, #tpu.memory_space<semaphore_mem>>) src(%arg9 : memref<100x128xf32, #tpu.memory_space<vmem>>) dst(%dma_wait3A_514 : memref<10000x128xf32, #tpu.memory_space<vmem_shared>>)
      %add3A_515 = arith.constant 12 : i32
      %add3A_516 = arith.addi %mul3A_148, %add3A_515 : i32
      %add3A_517 = arith.constant 1 : i32
      %add3A_518 = arith.addi %add3A_516, %add3A_517 : i32
      %dma_start3A_519 = arith.constant 0 : i32
      %dma_start3A_520 = tpu.memref_slice %arg6[%add3A_518, %dma_start3A_519] : memref<100x100xi32, #tpu.memory_space<vmem>> -> memref<1x100xi32, #tpu.memory_space<vmem>>
      %dma_start3A_521 = tpu.memref_squeeze %dma_start3A_520 : memref<1x100xi32, #tpu.memory_space<vmem>> -> memref<100xi32, #tpu.memory_space<vmem>>
      %dma_start3A_522 = arith.constant 0 : i32
      %dma_start3A_523 = arith.constant 0 : i32
      %dma_start3A_524 = tpu.memref_slice %arg2[%dma_start3A_522, %dma_start3A_523] : memref<10000x128xf32, #tpu.memory_space<hbm>> -> memref<10000x128xf32, #tpu.memory_space<hbm>>
      tpu.enqueue_indirect_dma source(%dma_start3A_524 : memref<10000x128xf32, #tpu.memory_space<hbm>>) target(%arg9 : memref<100x128xf32, #tpu.memory_space<vmem>>) offsets(%dma_start3A_521 : memref<100xi32, #tpu.memory_space<vmem>>) semaphore(%arg12 : memref<!tpu.dma_semaphore, #tpu.memory_space<semaphore_mem>>)
      %dma_wait3A_525 = arith.constant 0 : i32
      %dma_wait3A_526 = tpu.memref_slice %arg6[%add3A_488, %dma_wait3A_525] : memref<100x100xi32, #tpu.memory_space<vmem>> -> memref<1x100xi32, #tpu.memory_space<vmem>>
      %dma_wait3A_527 = tpu.memref_squeeze %dma_wait3A_526 : memref<1x100xi32, #tpu.memory_space<vmem>> -> memref<100xi32, #tpu.memory_space<vmem>>
      %dma_wait3A_528 = arith.constant 0 : i32
      %dma_wait3A_529 = arith.constant 0 : i32
      %dma_wait3A_530 = tpu.memref_slice %arg2[%dma_wait3A_528, %dma_wait3A_529] : memref<10000x128xf32, #tpu.memory_space<hbm>> -> memref<10000x128xf32, #tpu.memory_space<hbm>>
      tpu.wait_indirect_dma semaphore(%arg11 : memref<!tpu.dma_semaphore, #tpu.memory_space<semaphore_mem>>) src(%dma_wait3A_530 : memref<10000x128xf32, #tpu.memory_space<hbm>>) dst(%arg8 : memref<100x128xf32, #tpu.memory_space<vmem>>)
      %add3A_531 = arith.constant 12 : i32
      %add3A_532 = arith.addi %mul3A_148, %add3A_531 : i32
      %dma_start3A_533 = arith.constant 0 : i32
      %dma_start3A_534 = tpu.memref_slice %arg7[%add3A_532, %dma_start3A_533] : memref<100x100xi32, #tpu.memory_space<vmem>> -> memref<1x100xi32, #tpu.memory_space<vmem>>
      %dma_start3A_535 = tpu.memref_squeeze %dma_start3A_534 : memref<1x100xi32, #tpu.memory_space<vmem>> -> memref<100xi32, #tpu.memory_space<vmem>>
      %dma_start3A_536 = arith.constant 0 : i32
      %dma_start3A_537 = arith.constant 0 : i32
      %dma_start3A_538 = tpu.memref_slice %arg10[%dma_start3A_536, %dma_start3A_537] : memref<10000x128xf32, #tpu.memory_space<vmem_shared>> -> memref<10000x128xf32, #tpu.memory_space<vmem_shared>>
      tpu.enqueue_indirect_dma source(%arg8 : memref<100x128xf32, #tpu.memory_space<vmem>>) target(%dma_start3A_538 : memref<10000x128xf32, #tpu.memory_space<vmem_shared>>) offsets(%dma_start3A_535 : memref<100xi32, #tpu.memory_space<vmem>>) semaphore(%arg13 : memref<!tpu.dma_semaphore, #tpu.memory_space<semaphore_mem>>) {add = true}
      %dma_wait3A_539 = arith.constant 0 : i32
      %dma_wait3A_540 = tpu.memref_slice %arg7[%add3A_532, %dma_wait3A_539] : memref<100x100xi32, #tpu.memory_space<vmem>> -> memref<1x100xi32, #tpu.memory_space<vmem>>
      %dma_wait3A_541 = tpu.memref_squeeze %dma_wait3A_540 : memref<1x100xi32, #tpu.memory_space<vmem>> -> memref<100xi32, #tpu.memory_space<vmem>>
      %dma_wait3A_542 = arith.constant 0 : i32
      %dma_wait3A_543 = arith.constant 0 : i32
      %dma_wait3A_544 = tpu.memref_slice %arg10[%dma_wait3A_542, %dma_wait3A_543] : memref<10000x128xf32, #tpu.memory_space<vmem_shared>> -> memref<10000x128xf32, #tpu.memory_space<vmem_shared>>
      tpu.wait_indirect_dma semaphore(%arg13 : memref<!tpu.dma_semaphore, #tpu.memory_space<semaphore_mem>>) src(%arg8 : memref<100x128xf32, #tpu.memory_space<vmem>>) dst(%dma_wait3A_544 : memref<10000x128xf32, #tpu.memory_space<vmem_shared>>)
      %add3A_545 = arith.constant 13 : i32
      %add3A_546 = arith.addi %mul3A_148, %add3A_545 : i32
      %add3A_547 = arith.constant 1 : i32
      %add3A_548 = arith.addi %add3A_546, %add3A_547 : i32
      %dma_start3A_549 = arith.constant 0 : i32
      %dma_start3A_550 = tpu.memref_slice %arg6[%add3A_548, %dma_start3A_549] : memref<100x100xi32, #tpu.memory_space<vmem>> -> memref<1x100xi32, #tpu.memory_space<vmem>>
      %dma_start3A_551 = tpu.memref_squeeze %dma_start3A_550 : memref<1x100xi32, #tpu.memory_space<vmem>> -> memref<100xi32, #tpu.memory_space<vmem>>
      %dma_start3A_552 = arith.constant 0 : i32
      %dma_start3A_553 = arith.constant 0 : i32
      %dma_start3A_554 = tpu.memref_slice %arg2[%dma_start3A_552, %dma_start3A_553] : memref<10000x128xf32, #tpu.memory_space<hbm>> -> memref<10000x128xf32, #tpu.memory_space<hbm>>
      tpu.enqueue_indirect_dma source(%dma_start3A_554 : memref<10000x128xf32, #tpu.memory_space<hbm>>) target(%arg8 : memref<100x128xf32, #tpu.memory_space<vmem>>) offsets(%dma_start3A_551 : memref<100xi32, #tpu.memory_space<vmem>>) semaphore(%arg11 : memref<!tpu.dma_semaphore, #tpu.memory_space<semaphore_mem>>)
      %dma_wait3A_555 = arith.constant 0 : i32
      %dma_wait3A_556 = tpu.memref_slice %arg6[%add3A_518, %dma_wait3A_555] : memref<100x100xi32, #tpu.memory_space<vmem>> -> memref<1x100xi32, #tpu.memory_space<vmem>>
      %dma_wait3A_557 = tpu.memref_squeeze %dma_wait3A_556 : memref<1x100xi32, #tpu.memory_space<vmem>> -> memref<100xi32, #tpu.memory_space<vmem>>
      %dma_wait3A_558 = arith.constant 0 : i32
      %dma_wait3A_559 = arith.constant 0 : i32
      %dma_wait3A_560 = tpu.memref_slice %arg2[%dma_wait3A_558, %dma_wait3A_559] : memref<10000x128xf32, #tpu.memory_space<hbm>> -> memref<10000x128xf32, #tpu.memory_space<hbm>>
      tpu.wait_indirect_dma semaphore(%arg12 : memref<!tpu.dma_semaphore, #tpu.memory_space<semaphore_mem>>) src(%dma_wait3A_560 : memref<10000x128xf32, #tpu.memory_space<hbm>>) dst(%arg9 : memref<100x128xf32, #tpu.memory_space<vmem>>)
      %add3A_561 = arith.constant 13 : i32
      %add3A_562 = arith.addi %mul3A_148, %add3A_561 : i32
      %dma_start3A_563 = arith.constant 0 : i32
      %dma_start3A_564 = tpu.memref_slice %arg7[%add3A_562, %dma_start3A_563] : memref<100x100xi32, #tpu.memory_space<vmem>> -> memref<1x100xi32, #tpu.memory_space<vmem>>
      %dma_start3A_565 = tpu.memref_squeeze %dma_start3A_564 : memref<1x100xi32, #tpu.memory_space<vmem>> -> memref<100xi32, #tpu.memory_space<vmem>>
      %dma_start3A_566 = arith.constant 0 : i32
      %dma_start3A_567 = arith.constant 0 : i32
      %dma_start3A_568 = tpu.memref_slice %arg10[%dma_start3A_566, %dma_start3A_567] : memref<10000x128xf32, #tpu.memory_space<vmem_shared>> -> memref<10000x128xf32, #tpu.memory_space<vmem_shared>>
      tpu.enqueue_indirect_dma source(%arg9 : memref<100x128xf32, #tpu.memory_space<vmem>>) target(%dma_start3A_568 : memref<10000x128xf32, #tpu.memory_space<vmem_shared>>) offsets(%dma_start3A_565 : memref<100xi32, #tpu.memory_space<vmem>>) semaphore(%arg13 : memref<!tpu.dma_semaphore, #tpu.memory_space<semaphore_mem>>) {add = true}
      %dma_wait3A_569 = arith.constant 0 : i32
      %dma_wait3A_570 = tpu.memref_slice %arg7[%add3A_562, %dma_wait3A_569] : memref<100x100xi32, #tpu.memory_space<vmem>> -> memref<1x100xi32, #tpu.memory_space<vmem>>
      %dma_wait3A_571 = tpu.memref_squeeze %dma_wait3A_570 : memref<1x100xi32, #tpu.memory_space<vmem>> -> memref<100xi32, #tpu.memory_space<vmem>>
      %dma_wait3A_572 = arith.constant 0 : i32
      %dma_wait3A_573 = arith.constant 0 : i32
      %dma_wait3A_574 = tpu.memref_slice %arg10[%dma_wait3A_572, %dma_wait3A_573] : memref<10000x128xf32, #tpu.memory_space<vmem_shared>> -> memref<10000x128xf32, #tpu.memory_space<vmem_shared>>
      tpu.wait_indirect_dma semaphore(%arg13 : memref<!tpu.dma_semaphore, #tpu.memory_space<semaphore_mem>>) src(%arg9 : memref<100x128xf32, #tpu.memory_space<vmem>>) dst(%dma_wait3A_574 : memref<10000x128xf32, #tpu.memory_space<vmem_shared>>)
      %add3A_575 = arith.constant 14 : i32
      %add3A_576 = arith.addi %mul3A_148, %add3A_575 : i32
      %add3A_577 = arith.constant 1 : i32
      %add3A_578 = arith.addi %add3A_576, %add3A_577 : i32
      %dma_start3A_579 = arith.constant 0 : i32
      %dma_start3A_580 = tpu.memref_slice %arg6[%add3A_578, %dma_start3A_579] : memref<100x100xi32, #tpu.memory_space<vmem>> -> memref<1x100xi32, #tpu.memory_space<vmem>>
      %dma_start3A_581 = tpu.memref_squeeze %dma_start3A_580 : memref<1x100xi32, #tpu.memory_space<vmem>> -> memref<100xi32, #tpu.memory_space<vmem>>
      %dma_start3A_582 = arith.constant 0 : i32
      %dma_start3A_583 = arith.constant 0 : i32
      %dma_start3A_584 = tpu.memref_slice %arg2[%dma_start3A_582, %dma_start3A_583] : memref<10000x128xf32, #tpu.memory_space<hbm>> -> memref<10000x128xf32, #tpu.memory_space<hbm>>
      tpu.enqueue_indirect_dma source(%dma_start3A_584 : memref<10000x128xf32, #tpu.memory_space<hbm>>) target(%arg9 : memref<100x128xf32, #tpu.memory_space<vmem>>) offsets(%dma_start3A_581 : memref<100xi32, #tpu.memory_space<vmem>>) semaphore(%arg12 : memref<!tpu.dma_semaphore, #tpu.memory_space<semaphore_mem>>)
      %dma_wait3A_585 = arith.constant 0 : i32
      %dma_wait3A_586 = tpu.memref_slice %arg6[%add3A_548, %dma_wait3A_585] : memref<100x100xi32, #tpu.memory_space<vmem>> -> memref<1x100xi32, #tpu.memory_space<vmem>>
      %dma_wait3A_587 = tpu.memref_squeeze %dma_wait3A_586 : memref<1x100xi32, #tpu.memory_space<vmem>> -> memref<100xi32, #tpu.memory_space<vmem>>
      %dma_wait3A_588 = arith.constant 0 : i32
      %dma_wait3A_589 = arith.constant 0 : i32
      %dma_wait3A_590 = tpu.memref_slice %arg2[%dma_wait3A_588, %dma_wait3A_589] : memref<10000x128xf32, #tpu.memory_space<hbm>> -> memref<10000x128xf32, #tpu.memory_space<hbm>>
      tpu.wait_indirect_dma semaphore(%arg11 : memref<!tpu.dma_semaphore, #tpu.memory_space<semaphore_mem>>) src(%dma_wait3A_590 : memref<10000x128xf32, #tpu.memory_space<hbm>>) dst(%arg8 : memref<100x128xf32, #tpu.memory_space<vmem>>)
      %add3A_591 = arith.constant 14 : i32
      %add3A_592 = arith.addi %mul3A_148, %add3A_591 : i32
      %dma_start3A_593 = arith.constant 0 : i32
      %dma_start3A_594 = tpu.memref_slice %arg7[%add3A_592, %dma_start3A_593] : memref<100x100xi32, #tpu.memory_space<vmem>> -> memref<1x100xi32, #tpu.memory_space<vmem>>
      %dma_start3A_595 = tpu.memref_squeeze %dma_start3A_594 : memref<1x100xi32, #tpu.memory_space<vmem>> -> memref<100xi32, #tpu.memory_space<vmem>>
      %dma_start3A_596 = arith.constant 0 : i32
      %dma_start3A_597 = arith.constant 0 : i32
      %dma_start3A_598 = tpu.memref_slice %arg10[%dma_start3A_596, %dma_start3A_597] : memref<10000x128xf32, #tpu.memory_space<vmem_shared>> -> memref<10000x128xf32, #tpu.memory_space<vmem_shared>>
      tpu.enqueue_indirect_dma source(%arg8 : memref<100x128xf32, #tpu.memory_space<vmem>>) target(%dma_start3A_598 : memref<10000x128xf32, #tpu.memory_space<vmem_shared>>) offsets(%dma_start3A_595 : memref<100xi32, #tpu.memory_space<vmem>>) semaphore(%arg13 : memref<!tpu.dma_semaphore, #tpu.memory_space<semaphore_mem>>) {add = true}
      %dma_wait3A_599 = arith.constant 0 : i32
      %dma_wait3A_600 = tpu.memref_slice %arg7[%add3A_592, %dma_wait3A_599] : memref<100x100xi32, #tpu.memory_space<vmem>> -> memref<1x100xi32, #tpu.memory_space<vmem>>
      %dma_wait3A_601 = tpu.memref_squeeze %dma_wait3A_600 : memref<1x100xi32, #tpu.memory_space<vmem>> -> memref<100xi32, #tpu.memory_space<vmem>>
      %dma_wait3A_602 = arith.constant 0 : i32
      %dma_wait3A_603 = arith.constant 0 : i32
      %dma_wait3A_604 = tpu.memref_slice %arg10[%dma_wait3A_602, %dma_wait3A_603] : memref<10000x128xf32, #tpu.memory_space<vmem_shared>> -> memref<10000x128xf32, #tpu.memory_space<vmem_shared>>
      tpu.wait_indirect_dma semaphore(%arg13 : memref<!tpu.dma_semaphore, #tpu.memory_space<semaphore_mem>>) src(%arg8 : memref<100x128xf32, #tpu.memory_space<vmem>>) dst(%dma_wait3A_604 : memref<10000x128xf32, #tpu.memory_space<vmem_shared>>)
      %add3A_605 = arith.constant 15 : i32
      %add3A_606 = arith.addi %mul3A_148, %add3A_605 : i32
      %add3A_607 = arith.constant 1 : i32
      %add3A_608 = arith.addi %add3A_606, %add3A_607 : i32
      %dma_start3A_609 = arith.constant 0 : i32
      %dma_start3A_610 = tpu.memref_slice %arg6[%add3A_608, %dma_start3A_609] : memref<100x100xi32, #tpu.memory_space<vmem>> -> memref<1x100xi32, #tpu.memory_space<vmem>>
      %dma_start3A_611 = tpu.memref_squeeze %dma_start3A_610 : memref<1x100xi32, #tpu.memory_space<vmem>> -> memref<100xi32, #tpu.memory_space<vmem>>
      %dma_start3A_612 = arith.constant 0 : i32
      %dma_start3A_613 = arith.constant 0 : i32
      %dma_start3A_614 = tpu.memref_slice %arg2[%dma_start3A_612, %dma_start3A_613] : memref<10000x128xf32, #tpu.memory_space<hbm>> -> memref<10000x128xf32, #tpu.memory_space<hbm>>
      tpu.enqueue_indirect_dma source(%dma_start3A_614 : memref<10000x128xf32, #tpu.memory_space<hbm>>) target(%arg8 : memref<100x128xf32, #tpu.memory_space<vmem>>) offsets(%dma_start3A_611 : memref<100xi32, #tpu.memory_space<vmem>>) semaphore(%arg11 : memref<!tpu.dma_semaphore, #tpu.memory_space<semaphore_mem>>)
      %dma_wait3A_615 = arith.constant 0 : i32
      %dma_wait3A_616 = tpu.memref_slice %arg6[%add3A_578, %dma_wait3A_615] : memref<100x100xi32, #tpu.memory_space<vmem>> -> memref<1x100xi32, #tpu.memory_space<vmem>>
      %dma_wait3A_617 = tpu.memref_squeeze %dma_wait3A_616 : memref<1x100xi32, #tpu.memory_space<vmem>> -> memref<100xi32, #tpu.memory_space<vmem>>
      %dma_wait3A_618 = arith.constant 0 : i32
      %dma_wait3A_619 = arith.constant 0 : i32
      %dma_wait3A_620 = tpu.memref_slice %arg2[%dma_wait3A_618, %dma_wait3A_619] : memref<10000x128xf32, #tpu.memory_space<hbm>> -> memref<10000x128xf32, #tpu.memory_space<hbm>>
      tpu.wait_indirect_dma semaphore(%arg12 : memref<!tpu.dma_semaphore, #tpu.memory_space<semaphore_mem>>) src(%dma_wait3A_620 : memref<10000x128xf32, #tpu.memory_space<hbm>>) dst(%arg9 : memref<100x128xf32, #tpu.memory_space<vmem>>)
      %add3A_621 = arith.constant 15 : i32
      %add3A_622 = arith.addi %mul3A_148, %add3A_621 : i32
      %dma_start3A_623 = arith.constant 0 : i32
      %dma_start3A_624 = tpu.memref_slice %arg7[%add3A_622, %dma_start3A_623] : memref<100x100xi32, #tpu.memory_space<vmem>> -> memref<1x100xi32, #tpu.memory_space<vmem>>
      %dma_start3A_625 = tpu.memref_squeeze %dma_start3A_624 : memref<1x100xi32, #tpu.memory_space<vmem>> -> memref<100xi32, #tpu.memory_space<vmem>>
      %dma_start3A_626 = arith.constant 0 : i32
      %dma_start3A_627 = arith.constant 0 : i32
      %dma_start3A_628 = tpu.memref_slice %arg10[%dma_start3A_626, %dma_start3A_627] : memref<10000x128xf32, #tpu.memory_space<vmem_shared>> -> memref<10000x128xf32, #tpu.memory_space<vmem_shared>>
      tpu.enqueue_indirect_dma source(%arg9 : memref<100x128xf32, #tpu.memory_space<vmem>>) target(%dma_start3A_628 : memref<10000x128xf32, #tpu.memory_space<vmem_shared>>) offsets(%dma_start3A_625 : memref<100xi32, #tpu.memory_space<vmem>>) semaphore(%arg13 : memref<!tpu.dma_semaphore, #tpu.memory_space<semaphore_mem>>) {add = true}
      %dma_wait3A_629 = arith.constant 0 : i32
      %dma_wait3A_630 = tpu.memref_slice %arg7[%add3A_622, %dma_wait3A_629] : memref<100x100xi32, #tpu.memory_space<vmem>> -> memref<1x100xi32, #tpu.memory_space<vmem>>
      %dma_wait3A_631 = tpu.memref_squeeze %dma_wait3A_630 : memref<1x100xi32, #tpu.memory_space<vmem>> -> memref<100xi32, #tpu.memory_space<vmem>>
      %dma_wait3A_632 = arith.constant 0 : i32
      %dma_wait3A_633 = arith.constant 0 : i32
      %dma_wait3A_634 = tpu.memref_slice %arg10[%dma_wait3A_632, %dma_wait3A_633] : memref<10000x128xf32, #tpu.memory_space<vmem_shared>> -> memref<10000x128xf32, #tpu.memory_space<vmem_shared>>
      tpu.wait_indirect_dma semaphore(%arg13 : memref<!tpu.dma_semaphore, #tpu.memory_space<semaphore_mem>>) src(%arg9 : memref<100x128xf32, #tpu.memory_space<vmem>>) dst(%dma_wait3A_634 : memref<10000x128xf32, #tpu.memory_space<vmem_shared>>)
      %add3A_635 = arith.constant 16 : i32
      %add3A_636 = arith.addi %mul3A_148, %add3A_635 : i32
      %add3A_637 = arith.constant 1 : i32
      %add3A_638 = arith.addi %add3A_636, %add3A_637 : i32
      %dma_start3A_639 = arith.constant 0 : i32
      %dma_start3A_640 = tpu.memref_slice %arg6[%add3A_638, %dma_start3A_639] : memref<100x100xi32, #tpu.memory_space<vmem>> -> memref<1x100xi32, #tpu.memory_space<vmem>>
      %dma_start3A_641 = tpu.memref_squeeze %dma_start3A_640 : memref<1x100xi32, #tpu.memory_space<vmem>> -> memref<100xi32, #tpu.memory_space<vmem>>
      %dma_start3A_642 = arith.constant 0 : i32
      %dma_start3A_643 = arith.constant 0 : i32
      %dma_start3A_644 = tpu.memref_slice %arg2[%dma_start3A_642, %dma_start3A_643] : memref<10000x128xf32, #tpu.memory_space<hbm>> -> memref<10000x128xf32, #tpu.memory_space<hbm>>
      tpu.enqueue_indirect_dma source(%dma_start3A_644 : memref<10000x128xf32, #tpu.memory_space<hbm>>) target(%arg9 : memref<100x128xf32, #tpu.memory_space<vmem>>) offsets(%dma_start3A_641 : memref<100xi32, #tpu.memory_space<vmem>>) semaphore(%arg12 : memref<!tpu.dma_semaphore, #tpu.memory_space<semaphore_mem>>)
      %dma_wait3A_645 = arith.constant 0 : i32
      %dma_wait3A_646 = tpu.memref_slice %arg6[%add3A_608, %dma_wait3A_645] : memref<100x100xi32, #tpu.memory_space<vmem>> -> memref<1x100xi32, #tpu.memory_space<vmem>>
      %dma_wait3A_647 = tpu.memref_squeeze %dma_wait3A_646 : memref<1x100xi32, #tpu.memory_space<vmem>> -> memref<100xi32, #tpu.memory_space<vmem>>
      %dma_wait3A_648 = arith.constant 0 : i32
      %dma_wait3A_649 = arith.constant 0 : i32
      %dma_wait3A_650 = tpu.memref_slice %arg2[%dma_wait3A_648, %dma_wait3A_649] : memref<10000x128xf32, #tpu.memory_space<hbm>> -> memref<10000x128xf32, #tpu.memory_space<hbm>>
      tpu.wait_indirect_dma semaphore(%arg11 : memref<!tpu.dma_semaphore, #tpu.memory_space<semaphore_mem>>) src(%dma_wait3A_650 : memref<10000x128xf32, #tpu.memory_space<hbm>>) dst(%arg8 : memref<100x128xf32, #tpu.memory_space<vmem>>)
      %add3A_651 = arith.constant 16 : i32
      %add3A_652 = arith.addi %mul3A_148, %add3A_651 : i32
      %dma_start3A_653 = arith.constant 0 : i32
      %dma_start3A_654 = tpu.memref_slice %arg7[%add3A_652, %dma_start3A_653] : memref<100x100xi32, #tpu.memory_space<vmem>> -> memref<1x100xi32, #tpu.memory_space<vmem>>
      %dma_start3A_655 = tpu.memref_squeeze %dma_start3A_654 : memref<1x100xi32, #tpu.memory_space<vmem>> -> memref<100xi32, #tpu.memory_space<vmem>>
      %dma_start3A_656 = arith.constant 0 : i32
      %dma_start3A_657 = arith.constant 0 : i32
      %dma_start3A_658 = tpu.memref_slice %arg10[%dma_start3A_656, %dma_start3A_657] : memref<10000x128xf32, #tpu.memory_space<vmem_shared>> -> memref<10000x128xf32, #tpu.memory_space<vmem_shared>>
      tpu.enqueue_indirect_dma source(%arg8 : memref<100x128xf32, #tpu.memory_space<vmem>>) target(%dma_start3A_658 : memref<10000x128xf32, #tpu.memory_space<vmem_shared>>) offsets(%dma_start3A_655 : memref<100xi32, #tpu.memory_space<vmem>>) semaphore(%arg13 : memref<!tpu.dma_semaphore, #tpu.memory_space<semaphore_mem>>) {add = true}
      %dma_wait3A_659 = arith.constant 0 : i32
      %dma_wait3A_660 = tpu.memref_slice %arg7[%add3A_652, %dma_wait3A_659] : memref<100x100xi32, #tpu.memory_space<vmem>> -> memref<1x100xi32, #tpu.memory_space<vmem>>
      %dma_wait3A_661 = tpu.memref_squeeze %dma_wait3A_660 : memref<1x100xi32, #tpu.memory_space<vmem>> -> memref<100xi32, #tpu.memory_space<vmem>>
      %dma_wait3A_662 = arith.constant 0 : i32
      %dma_wait3A_663 = arith.constant 0 : i32
      %dma_wait3A_664 = tpu.memref_slice %arg10[%dma_wait3A_662, %dma_wait3A_663] : memref<10000x128xf32, #tpu.memory_space<vmem_shared>> -> memref<10000x128xf32, #tpu.memory_space<vmem_shared>>
      tpu.wait_indirect_dma semaphore(%arg13 : memref<!tpu.dma_semaphore, #tpu.memory_space<semaphore_mem>>) src(%arg8 : memref<100x128xf32, #tpu.memory_space<vmem>>) dst(%dma_wait3A_664 : memref<10000x128xf32, #tpu.memory_space<vmem_shared>>)
      %add3A_665 = arith.constant 17 : i32
      %add3A_666 = arith.addi %mul3A_148, %add3A_665 : i32
      %add3A_667 = arith.constant 1 : i32
      %add3A_668 = arith.addi %add3A_666, %add3A_667 : i32
      %dma_start3A_669 = arith.constant 0 : i32
      %dma_start3A_670 = tpu.memref_slice %arg6[%add3A_668, %dma_start3A_669] : memref<100x100xi32, #tpu.memory_space<vmem>> -> memref<1x100xi32, #tpu.memory_space<vmem>>
      %dma_start3A_671 = tpu.memref_squeeze %dma_start3A_670 : memref<1x100xi32, #tpu.memory_space<vmem>> -> memref<100xi32, #tpu.memory_space<vmem>>
      %dma_start3A_672 = arith.constant 0 : i32
      %dma_start3A_673 = arith.constant 0 : i32
      %dma_start3A_674 = tpu.memref_slice %arg2[%dma_start3A_672, %dma_start3A_673] : memref<10000x128xf32, #tpu.memory_space<hbm>> -> memref<10000x128xf32, #tpu.memory_space<hbm>>
      tpu.enqueue_indirect_dma source(%dma_start3A_674 : memref<10000x128xf32, #tpu.memory_space<hbm>>) target(%arg8 : memref<100x128xf32, #tpu.memory_space<vmem>>) offsets(%dma_start3A_671 : memref<100xi32, #tpu.memory_space<vmem>>) semaphore(%arg11 : memref<!tpu.dma_semaphore, #tpu.memory_space<semaphore_mem>>)
      %dma_wait3A_675 = arith.constant 0 : i32
      %dma_wait3A_676 = tpu.memref_slice %arg6[%add3A_638, %dma_wait3A_675] : memref<100x100xi32, #tpu.memory_space<vmem>> -> memref<1x100xi32, #tpu.memory_space<vmem>>
      %dma_wait3A_677 = tpu.memref_squeeze %dma_wait3A_676 : memref<1x100xi32, #tpu.memory_space<vmem>> -> memref<100xi32, #tpu.memory_space<vmem>>
      %dma_wait3A_678 = arith.constant 0 : i32
      %dma_wait3A_679 = arith.constant 0 : i32
      %dma_wait3A_680 = tpu.memref_slice %arg2[%dma_wait3A_678, %dma_wait3A_679] : memref<10000x128xf32, #tpu.memory_space<hbm>> -> memref<10000x128xf32, #tpu.memory_space<hbm>>
      tpu.wait_indirect_dma semaphore(%arg12 : memref<!tpu.dma_semaphore, #tpu.memory_space<semaphore_mem>>) src(%dma_wait3A_680 : memref<10000x128xf32, #tpu.memory_space<hbm>>) dst(%arg9 : memref<100x128xf32, #tpu.memory_space<vmem>>)
      %add3A_681 = arith.constant 17 : i32
      %add3A_682 = arith.addi %mul3A_148, %add3A_681 : i32
      %dma_start3A_683 = arith.constant 0 : i32
      %dma_start3A_684 = tpu.memref_slice %arg7[%add3A_682, %dma_start3A_683] : memref<100x100xi32, #tpu.memory_space<vmem>> -> memref<1x100xi32, #tpu.memory_space<vmem>>
      %dma_start3A_685 = tpu.memref_squeeze %dma_start3A_684 : memref<1x100xi32, #tpu.memory_space<vmem>> -> memref<100xi32, #tpu.memory_space<vmem>>
      %dma_start3A_686 = arith.constant 0 : i32
      %dma_start3A_687 = arith.constant 0 : i32
      %dma_start3A_688 = tpu.memref_slice %arg10[%dma_start3A_686, %dma_start3A_687] : memref<10000x128xf32, #tpu.memory_space<vmem_shared>> -> memref<10000x128xf32, #tpu.memory_space<vmem_shared>>
      tpu.enqueue_indirect_dma source(%arg9 : memref<100x128xf32, #tpu.memory_space<vmem>>) target(%dma_start3A_688 : memref<10000x128xf32, #tpu.memory_space<vmem_shared>>) offsets(%dma_start3A_685 : memref<100xi32, #tpu.memory_space<vmem>>) semaphore(%arg13 : memref<!tpu.dma_semaphore, #tpu.memory_space<semaphore_mem>>) {add = true}
      %dma_wait3A_689 = arith.constant 0 : i32
      %dma_wait3A_690 = tpu.memref_slice %arg7[%add3A_682, %dma_wait3A_689] : memref<100x100xi32, #tpu.memory_space<vmem>> -> memref<1x100xi32, #tpu.memory_space<vmem>>
      %dma_wait3A_691 = tpu.memref_squeeze %dma_wait3A_690 : memref<1x100xi32, #tpu.memory_space<vmem>> -> memref<100xi32, #tpu.memory_space<vmem>>
      %dma_wait3A_692 = arith.constant 0 : i32
      %dma_wait3A_693 = arith.constant 0 : i32
      %dma_wait3A_694 = tpu.memref_slice %arg10[%dma_wait3A_692, %dma_wait3A_693] : memref<10000x128xf32, #tpu.memory_space<vmem_shared>> -> memref<10000x128xf32, #tpu.memory_space<vmem_shared>>
      tpu.wait_indirect_dma semaphore(%arg13 : memref<!tpu.dma_semaphore, #tpu.memory_space<semaphore_mem>>) src(%arg9 : memref<100x128xf32, #tpu.memory_space<vmem>>) dst(%dma_wait3A_694 : memref<10000x128xf32, #tpu.memory_space<vmem_shared>>)
      %add3A_695 = arith.constant 18 : i32
      %add3A_696 = arith.addi %mul3A_148, %add3A_695 : i32
      %add3A_697 = arith.constant 1 : i32
      %add3A_698 = arith.addi %add3A_696, %add3A_697 : i32
      %dma_start3A_699 = arith.constant 0 : i32
      %dma_start3A_700 = tpu.memref_slice %arg6[%add3A_698, %dma_start3A_699] : memref<100x100xi32, #tpu.memory_space<vmem>> -> memref<1x100xi32, #tpu.memory_space<vmem>>
      %dma_start3A_701 = tpu.memref_squeeze %dma_start3A_700 : memref<1x100xi32, #tpu.memory_space<vmem>> -> memref<100xi32, #tpu.memory_space<vmem>>
      %dma_start3A_702 = arith.constant 0 : i32
      %dma_start3A_703 = arith.constant 0 : i32
      %dma_start3A_704 = tpu.memref_slice %arg2[%dma_start3A_702, %dma_start3A_703] : memref<10000x128xf32, #tpu.memory_space<hbm>> -> memref<10000x128xf32, #tpu.memory_space<hbm>>
      tpu.enqueue_indirect_dma source(%dma_start3A_704 : memref<10000x128xf32, #tpu.memory_space<hbm>>) target(%arg9 : memref<100x128xf32, #tpu.memory_space<vmem>>) offsets(%dma_start3A_701 : memref<100xi32, #tpu.memory_space<vmem>>) semaphore(%arg12 : memref<!tpu.dma_semaphore, #tpu.memory_space<semaphore_mem>>)
      %dma_wait3A_705 = arith.constant 0 : i32
      %dma_wait3A_706 = tpu.memref_slice %arg6[%add3A_668, %dma_wait3A_705] : memref<100x100xi32, #tpu.memory_space<vmem>> -> memref<1x100xi32, #tpu.memory_space<vmem>>
      %dma_wait3A_707 = tpu.memref_squeeze %dma_wait3A_706 : memref<1x100xi32, #tpu.memory_space<vmem>> -> memref<100xi32, #tpu.memory_space<vmem>>
      %dma_wait3A_708 = arith.constant 0 : i32
      %dma_wait3A_709 = arith.constant 0 : i32
      %dma_wait3A_710 = tpu.memref_slice %arg2[%dma_wait3A_708, %dma_wait3A_709] : memref<10000x128xf32, #tpu.memory_space<hbm>> -> memref<10000x128xf32, #tpu.memory_space<hbm>>
      tpu.wait_indirect_dma semaphore(%arg11 : memref<!tpu.dma_semaphore, #tpu.memory_space<semaphore_mem>>) src(%dma_wait3A_710 : memref<10000x128xf32, #tpu.memory_space<hbm>>) dst(%arg8 : memref<100x128xf32, #tpu.memory_space<vmem>>)
      %add3A_711 = arith.constant 18 : i32
      %add3A_712 = arith.addi %mul3A_148, %add3A_711 : i32
      %dma_start3A_713 = arith.constant 0 : i32
      %dma_start3A_714 = tpu.memref_slice %arg7[%add3A_712, %dma_start3A_713] : memref<100x100xi32, #tpu.memory_space<vmem>> -> memref<1x100xi32, #tpu.memory_space<vmem>>
      %dma_start3A_715 = tpu.memref_squeeze %dma_start3A_714 : memref<1x100xi32, #tpu.memory_space<vmem>> -> memref<100xi32, #tpu.memory_space<vmem>>
      %dma_start3A_716 = arith.constant 0 : i32
      %dma_start3A_717 = arith.constant 0 : i32
      %dma_start3A_718 = tpu.memref_slice %arg10[%dma_start3A_716, %dma_start3A_717] : memref<10000x128xf32, #tpu.memory_space<vmem_shared>> -> memref<10000x128xf32, #tpu.memory_space<vmem_shared>>
      tpu.enqueue_indirect_dma source(%arg8 : memref<100x128xf32, #tpu.memory_space<vmem>>) target(%dma_start3A_718 : memref<10000x128xf32, #tpu.memory_space<vmem_shared>>) offsets(%dma_start3A_715 : memref<100xi32, #tpu.memory_space<vmem>>) semaphore(%arg13 : memref<!tpu.dma_semaphore, #tpu.memory_space<semaphore_mem>>) {add = true}
      %dma_wait3A_719 = arith.constant 0 : i32
      %dma_wait3A_720 = tpu.memref_slice %arg7[%add3A_712, %dma_wait3A_719] : memref<100x100xi32, #tpu.memory_space<vmem>> -> memref<1x100xi32, #tpu.memory_space<vmem>>
      %dma_wait3A_721 = tpu.memref_squeeze %dma_wait3A_720 : memref<1x100xi32, #tpu.memory_space<vmem>> -> memref<100xi32, #tpu.memory_space<vmem>>
      %dma_wait3A_722 = arith.constant 0 : i32
      %dma_wait3A_723 = arith.constant 0 : i32
      %dma_wait3A_724 = tpu.memref_slice %arg10[%dma_wait3A_722, %dma_wait3A_723] : memref<10000x128xf32, #tpu.memory_space<vmem_shared>> -> memref<10000x128xf32, #tpu.memory_space<vmem_shared>>
      tpu.wait_indirect_dma semaphore(%arg13 : memref<!tpu.dma_semaphore, #tpu.memory_space<semaphore_mem>>) src(%arg8 : memref<100x128xf32, #tpu.memory_space<vmem>>) dst(%dma_wait3A_724 : memref<10000x128xf32, #tpu.memory_space<vmem_shared>>)
      %dma_wait3A_725 = arith.constant 0 : i32
      %dma_wait3A_726 = tpu.memref_slice %arg6[%add3A_698, %dma_wait3A_725] : memref<100x100xi32, #tpu.memory_space<vmem>> -> memref<1x100xi32, #tpu.memory_space<vmem>>
      %dma_wait3A_727 = tpu.memref_squeeze %dma_wait3A_726 : memref<1x100xi32, #tpu.memory_space<vmem>> -> memref<100xi32, #tpu.memory_space<vmem>>
      %dma_wait3A_728 = arith.constant 0 : i32
      %dma_wait3A_729 = arith.constant 0 : i32
      %dma_wait3A_730 = tpu.memref_slice %arg2[%dma_wait3A_728, %dma_wait3A_729] : memref<10000x128xf32, #tpu.memory_space<hbm>> -> memref<10000x128xf32, #tpu.memory_space<hbm>>
      tpu.wait_indirect_dma semaphore(%arg12 : memref<!tpu.dma_semaphore, #tpu.memory_space<semaphore_mem>>) src(%dma_wait3A_730 : memref<10000x128xf32, #tpu.memory_space<hbm>>) dst(%arg9 : memref<100x128xf32, #tpu.memory_space<vmem>>)
      %add3A_731 = arith.constant 19 : i32
      %add3A_732 = arith.addi %mul3A_148, %add3A_731 : i32
      %dma_start3A_733 = arith.constant 0 : i32
      %dma_start3A_734 = tpu.memref_slice %arg7[%add3A_732, %dma_start3A_733] : memref<100x100xi32, #tpu.memory_space<vmem>> -> memref<1x100xi32, #tpu.memory_space<vmem>>
      %dma_start3A_735 = tpu.memref_squeeze %dma_start3A_734 : memref<1x100xi32, #tpu.memory_space<vmem>> -> memref<100xi32, #tpu.memory_space<vmem>>
      %dma_start3A_736 = arith.constant 0 : i32
      %dma_start3A_737 = arith.constant 0 : i32
      %dma_start3A_738 = tpu.memref_slice %arg10[%dma_start3A_736, %dma_start3A_737] : memref<10000x128xf32, #tpu.memory_space<vmem_shared>> -> memref<10000x128xf32, #tpu.memory_space<vmem_shared>>
      tpu.enqueue_indirect_dma source(%arg9 : memref<100x128xf32, #tpu.memory_space<vmem>>) target(%dma_start3A_738 : memref<10000x128xf32, #tpu.memory_space<vmem_shared>>) offsets(%dma_start3A_735 : memref<100xi32, #tpu.memory_space<vmem>>) semaphore(%arg13 : memref<!tpu.dma_semaphore, #tpu.memory_space<semaphore_mem>>) {add = true}
      %dma_wait3A_739 = arith.constant 0 : i32
      %dma_wait3A_740 = tpu.memref_slice %arg7[%add3A_732, %dma_wait3A_739] : memref<100x100xi32, #tpu.memory_space<vmem>> -> memref<1x100xi32, #tpu.memory_space<vmem>>
      %dma_wait3A_741 = tpu.memref_squeeze %dma_wait3A_740 : memref<1x100xi32, #tpu.memory_space<vmem>> -> memref<100xi32, #tpu.memory_space<vmem>>
      %dma_wait3A_742 = arith.constant 0 : i32
      %dma_wait3A_743 = arith.constant 0 : i32
      %dma_wait3A_744 = tpu.memref_slice %arg10[%dma_wait3A_742, %dma_wait3A_743] : memref<10000x128xf32, #tpu.memory_space<vmem_shared>> -> memref<10000x128xf32, #tpu.memory_space<vmem_shared>>
      tpu.wait_indirect_dma semaphore(%arg13 : memref<!tpu.dma_semaphore, #tpu.memory_space<semaphore_mem>>) src(%arg9 : memref<100x128xf32, #tpu.memory_space<vmem>>) dst(%dma_wait3A_744 : memref<10000x128xf32, #tpu.memory_space<vmem_shared>>)
      %scan3A_745 = arith.constant 0 : i32
      scf.yield %scan3A_745 : i32
    }
    %scan3A_139 = arith.constant 5 : i32
    %barrier3A_140 = arith.constant 0 : index
    tpu.barrier barrier_id(%barrier3A_140)
    %mul3A_141 = arith.constant 625 : i32
    %mul3A_142 = arith.muli %arg1, %mul3A_141 : i32
    %mul3A_143 = arith.constant 625 : i32
    %mul3A_144 = arith.muli %arg1, %mul3A_143 : i32
    "tpu.region"() ({
      %run_scoped3A = tpu.sem_alloc : memref<!tpu.dma_semaphore, #tpu.memory_space<semaphore_mem>>
      %dma_start3A_145 = arith.constant 0 : i32
      %dma_start3A_146 = arith.constant 0 : i32
      %dma_start3A_147 = tpu.memref_slice %arg5[%arg0, %dma_start3A_145, %dma_start3A_146] : memref<2x10000x128xf32, #tpu.memory_space<hbm>> -> memref<1x10000x128xf32, #tpu.memory_space<hbm>>
      %dma_start3A_148 = tpu.memref_squeeze %dma_start3A_147 : memref<1x10000x128xf32, #tpu.memory_space<hbm>> -> memref<10000x128xf32, #tpu.memory_space<hbm>>
      %dma_start3A_149 = arith.constant 0 : i32
      %dma_start3A_150 = tpu.memref_slice %dma_start3A_148[%mul3A_144, %dma_start3A_149] : memref<10000x128xf32, #tpu.memory_space<hbm>> -> memref<625x128xf32, #tpu.memory_space<hbm>>
      %dma_start3A_151 = arith.constant 0 : i32
      %dma_start3A_152 = tpu.memref_slice %arg10[%mul3A_142, %dma_start3A_151] : memref<10000x128xf32, #tpu.memory_space<vmem_shared>> -> memref<625x128xf32, #tpu.memory_space<vmem_shared>>
      tpu.enqueue_dma source(%dma_start3A_152 : memref<625x128xf32, #tpu.memory_space<vmem_shared>>) target(%dma_start3A_150 : memref<625x128xf32, #tpu.memory_space<hbm>>) target_semaphore(%run_scoped3A : memref<!tpu.dma_semaphore, #tpu.memory_space<semaphore_mem>>)
      %dma_wait3A_153 = arith.constant 0 : i32
      %dma_wait3A_154 = arith.constant 0 : i32
      %dma_wait3A_155 = tpu.memref_slice %arg5[%arg0, %dma_wait3A_153, %dma_wait3A_154] : memref<2x10000x128xf32, #tpu.memory_space<hbm>> -> memref<1x10000x128xf32, #tpu.memory_space<hbm>>
      %dma_wait3A_156 = tpu.memref_squeeze %dma_wait3A_155 : memref<1x10000x128xf32, #tpu.memory_space<hbm>> -> memref<10000x128xf32, #tpu.memory_space<hbm>>
      %dma_wait3A_157 = arith.constant 0 : i32
      %dma_wait3A_158 = tpu.memref_slice %dma_wait3A_156[%mul3A_144, %dma_wait3A_157] : memref<10000x128xf32, #tpu.memory_space<hbm>> -> memref<625x128xf32, #tpu.memory_space<hbm>>
      %dma_wait3A_159 = arith.constant 0 : i32
      %dma_wait3A_160 = tpu.memref_slice %arg10[%mul3A_142, %dma_wait3A_159] : memref<10000x128xf32, #tpu.memory_space<vmem_shared>> -> memref<625x128xf32, #tpu.memory_space<vmem_shared>>
      tpu.wait_dma2 semaphore(%run_scoped3A : memref<!tpu.dma_semaphore, #tpu.memory_space<semaphore_mem>>) src(%dma_wait3A_160 : memref<625x128xf32, #tpu.memory_space<vmem_shared>>) dst(%dma_wait3A_158 : memref<625x128xf32, #tpu.memory_space<hbm>>)
      tpu.yield
    }) : () -> ()
    return
  }
}

#map = affine_map<(d0, d1) -> (0, 0, 0)>
#map1 = affine_map<(d0, d1) -> (0, 0)>
module attributes {stable_mosaic.version = 14 : i64} {
  func.func @_deg_body(%arg0: i32, %arg1: i32, %arg2: memref<32x625x16xi32, #tpu.memory_space<hbm>>, %arg3: memref<32x10240xf32, #tpu.memory_space<hbm>>, %arg4: memref<625x16xi32, #tpu.memory_space<vmem>>, %arg5: memref<10240xf32, #tpu.memory_space<vmem>>) attributes {dimension_semantics = [#tpu.dimension_semantics<core_parallel>, #tpu.dimension_semantics<subcore_parallel>], iteration_bounds = array<i64: 2, 16>, scalar_prefetch = 0 : i64, scratch_operands = 2 : i64, tpu.core_type = #tpu.core_type<sc_vector_subcore>, window_params = [{transform_indices = #map}, {transform_indices = #map1}]} {
    %mul3A = arith.constant 2 : i32
    %mul3A_0 = arith.muli %arg1, %mul3A : i32
    %add3A = arith.addi %mul3A_0, %arg0 : i32
    "tpu.region"() ({
      %run_scoped3A = tpu.sem_alloc : memref<!tpu.dma_semaphore, #tpu.memory_space<semaphore_mem>>
      %dma_start3A = arith.constant 0 : i32
      %dma_start3A_15 = arith.constant 0 : i32
      %dma_start3A_16 = tpu.memref_slice %arg2[%add3A, %dma_start3A, %dma_start3A_15] : memref<32x625x16xi32, #tpu.memory_space<hbm>> -> memref<1x625x16xi32, #tpu.memory_space<hbm>>
      %dma_start3A_17 = tpu.memref_squeeze %dma_start3A_16 : memref<1x625x16xi32, #tpu.memory_space<hbm>> -> memref<625x16xi32, #tpu.memory_space<hbm>>
      %dma_start3A_18 = arith.constant 0 : i32
      %dma_start3A_19 = arith.constant 0 : i32
      %dma_start3A_20 = tpu.memref_slice %arg2[%add3A, %dma_start3A_18, %dma_start3A_19] : memref<32x625x16xi32, #tpu.memory_space<hbm>> -> memref<1x625x16xi32, #tpu.memory_space<hbm>>
      %dma_start3A_21 = tpu.memref_squeeze %dma_start3A_20 : memref<1x625x16xi32, #tpu.memory_space<hbm>> -> memref<625x16xi32, #tpu.memory_space<hbm>>
      tpu.enqueue_dma source(%dma_start3A_21 : memref<625x16xi32, #tpu.memory_space<hbm>>) target(%arg4 : memref<625x16xi32, #tpu.memory_space<vmem>>) target_semaphore(%run_scoped3A : memref<!tpu.dma_semaphore, #tpu.memory_space<semaphore_mem>>)
      %dma_wait3A = arith.constant 0 : i32
      %dma_wait3A_22 = arith.constant 0 : i32
      %dma_wait3A_23 = tpu.memref_slice %arg2[%add3A, %dma_wait3A, %dma_wait3A_22] : memref<32x625x16xi32, #tpu.memory_space<hbm>> -> memref<1x625x16xi32, #tpu.memory_space<hbm>>
      %dma_wait3A_24 = tpu.memref_squeeze %dma_wait3A_23 : memref<1x625x16xi32, #tpu.memory_space<hbm>> -> memref<625x16xi32, #tpu.memory_space<hbm>>
      %dma_wait3A_25 = arith.constant 0 : i32
      %dma_wait3A_26 = arith.constant 0 : i32
      %dma_wait3A_27 = tpu.memref_slice %arg2[%add3A, %dma_wait3A_25, %dma_wait3A_26] : memref<32x625x16xi32, #tpu.memory_space<hbm>> -> memref<1x625x16xi32, #tpu.memory_space<hbm>>
      %dma_wait3A_28 = tpu.memref_squeeze %dma_wait3A_27 : memref<1x625x16xi32, #tpu.memory_space<hbm>> -> memref<625x16xi32, #tpu.memory_space<hbm>>
      tpu.wait_dma2 semaphore(%run_scoped3A : memref<!tpu.dma_semaphore, #tpu.memory_space<semaphore_mem>>) src(%dma_wait3A_28 : memref<625x16xi32, #tpu.memory_space<hbm>>) dst(%arg4 : memref<625x16xi32, #tpu.memory_space<vmem>>)
      tpu.yield
    }) : () -> ()
    %scan3A = arith.constant 0 : i32
    %scan3A_1 = arith.constant 0 : i32
    %scan3A_2 = arith.constant 640 : i32
    %scan3A_3 = arith.addi %scan3A_1, %scan3A_2 : i32
    %scan3A_4 = arith.constant 1 : i32
    %scan3A_5 = scf.for %scan3A_15 = %scan3A_1 to %scan3A_3 step %scan3A_4 iter_args(%scan3A_16 = %scan3A) -> (i32)  : i32 {
      %broadcast_in_dim3A_17 = arith.constant 0.000000e+00 : f32
      %broadcast_in_dim3A_18 = vector.broadcast %broadcast_in_dim3A_17 : f32 to vector<16xf32>
      %mul3A_19 = arith.constant 16 : i32
      %mul3A_20 = arith.muli %scan3A_15, %mul3A_19 : i32
      %swap3A = arith.index_cast %mul3A_20 : i32 to index
      %swap3A_21 = tpu.vector_load %arg5[%swap3A] {strides = array<i32>} : memref<10240xf32, #tpu.memory_space<vmem>>, vector<16xf32>,
      tpu.vector_store %arg5[%swap3A], %broadcast_in_dim3A_18 {strides = array<i32>} : memref<10240xf32, #tpu.memory_space<vmem>>, vector<16xf32>,
      %scan3A_22 = arith.constant 0 : i32
      scf.yield %scan3A_22 : i32
    }
    %scan3A_6 = arith.constant 640 : i32
    %broadcast_in_dim3A = arith.constant 1.000000e+00 : f32
    %broadcast_in_dim3A_7 = vector.broadcast %broadcast_in_dim3A : f32 to vector<16xf32>
    %scan3A_8 = arith.constant 0 : i32
    %scan3A_9 = arith.constant 0 : i32
    %scan3A_10 = arith.constant 625 : i32
    %scan3A_11 = arith.addi %scan3A_9, %scan3A_10 : i32
    %scan3A_12 = arith.constant 1 : i32
    %scan3A_13 = scf.for %scan3A_15 = %scan3A_9 to %scan3A_11 step %scan3A_12 iter_args(%scan3A_16 = %scan3A_8) -> (i32)  : i32 {
      %get3A = arith.index_cast %scan3A_15 : i32 to index
      %get3A_17 = arith.constant 0 : index
      %get3A_18 = tpu.vector_load %arg4[%get3A, %get3A_17] {strides = array<i32>} : memref<625x16xi32, #tpu.memory_space<vmem>>, vector<16xi32>,
      tpu.vector_store_idx %arg5[%get3A_18], %broadcast_in_dim3A_7 {add = true} : memref<10240xf32, #tpu.memory_space<vmem>>[vector<16xi32>], vector<16xf32>,
      %scan3A_19 = arith.constant 0 : i32
      scf.yield %scan3A_19 : i32
    }
    %scan3A_14 = arith.constant 625 : i32
    "tpu.region"() ({
      %run_scoped3A = tpu.sem_alloc : memref<!tpu.dma_semaphore, #tpu.memory_space<semaphore_mem>>
      %dma_start3A = arith.constant 0 : i32
      %dma_start3A_15 = tpu.memref_slice %arg3[%add3A, %dma_start3A] : memref<32x10240xf32, #tpu.memory_space<hbm>> -> memref<1x10240xf32, #tpu.memory_space<hbm>>
      %dma_start3A_16 = tpu.memref_squeeze %dma_start3A_15 : memref<1x10240xf32, #tpu.memory_space<hbm>> -> memref<10240xf32, #tpu.memory_space<hbm>>
      %dma_start3A_17 = arith.constant 0 : i32
      %dma_start3A_18 = tpu.memref_slice %arg3[%add3A, %dma_start3A_17] : memref<32x10240xf32, #tpu.memory_space<hbm>> -> memref<1x10240xf32, #tpu.memory_space<hbm>>
      %dma_start3A_19 = tpu.memref_squeeze %dma_start3A_18 : memref<1x10240xf32, #tpu.memory_space<hbm>> -> memref<10240xf32, #tpu.memory_space<hbm>>
      tpu.enqueue_dma source(%arg5 : memref<10240xf32, #tpu.memory_space<vmem>>) target(%dma_start3A_19 : memref<10240xf32, #tpu.memory_space<hbm>>) target_semaphore(%run_scoped3A : memref<!tpu.dma_semaphore, #tpu.memory_space<semaphore_mem>>)
      %dma_wait3A = arith.constant 0 : i32
      %dma_wait3A_20 = tpu.memref_slice %arg3[%add3A, %dma_wait3A] : memref<32x10240xf32, #tpu.memory_space<hbm>> -> memref<1x10240xf32, #tpu.memory_space<hbm>>
      %dma_wait3A_21 = tpu.memref_squeeze %dma_wait3A_20 : memref<1x10240xf32, #tpu.memory_space<hbm>> -> memref<10240xf32, #tpu.memory_space<hbm>>
      %dma_wait3A_22 = arith.constant 0 : i32
      %dma_wait3A_23 = tpu.memref_slice %arg3[%add3A, %dma_wait3A_22] : memref<32x10240xf32, #tpu.memory_space<hbm>> -> memref<1x10240xf32, #tpu.memory_space<hbm>>
      %dma_wait3A_24 = tpu.memref_squeeze %dma_wait3A_23 : memref<1x10240xf32, #tpu.memory_space<hbm>> -> memref<10240xf32, #tpu.memory_space<hbm>>
      tpu.wait_dma2 semaphore(%run_scoped3A : memref<!tpu.dma_semaphore, #tpu.memory_space<semaphore_mem>>) src(%arg5 : memref<10240xf32, #tpu.memory_space<vmem>>) dst(%dma_wait3A_24 : memref<10240xf32, #tpu.memory_space<hbm>>)
      tpu.yield
    }) : () -> ()
    return
  }
}

#map = affine_map<(d0, d1) -> (0, 0)>
#map1 = affine_map<(d0, d1) -> (0, 0, 0)>
module attributes {stable_mosaic.version = 14 : i64} {
  func.func @_prop_body(%arg0: i32, %arg1: i32, %arg2: memref<10000x128xf32, #tpu.memory_space<hbm>>, %arg3: memref<32x100x100xi32, #tpu.memory_space<hbm>>, %arg4: memref<32x100x100xi32, #tpu.memory_space<hbm>>, %arg5: memref<2x10000x128xf32, #tpu.memory_space<hbm>>, %arg6: memref<100x100xi32, #tpu.memory_space<vmem>>, %arg7: memref<100x100xi32, #tpu.memory_space<vmem>>, %arg8: memref<100x128xf32, #tpu.memory_space<vmem>>, %arg9: memref<100x128xf32, #tpu.memory_space<vmem>>, %arg10: memref<10000x128xf32, #tpu.memory_space<vmem_shared>>, %arg11: memref<!tpu.dma_semaphore, #tpu.memory_space<semaphore_mem>>, %arg12: memref<!tpu.dma_semaphore, #tpu.memory_space<semaphore_mem>>, %arg13: memref<!tpu.dma_semaphore, #tpu.memory_space<semaphore_mem>>, %arg14: memref<!tpu.dma_semaphore, #tpu.memory_space<semaphore_mem>>) attributes {dimension_semantics = [#tpu.dimension_semantics<core_parallel>, #tpu.dimension_semantics<subcore_parallel>], iteration_bounds = array<i64: 2, 16>, scalar_prefetch = 0 : i64, scratch_operands = 9 : i64, tpu.core_type = #tpu.core_type<sc_vector_subcore>, window_params = [{transform_indices = #map}, {transform_indices = #map1}, {transform_indices = #map1}, {transform_indices = #map1}]} {
    %mul3A = arith.constant 2 : i32
    %mul3A_0 = arith.muli %arg1, %mul3A : i32
    %add3A = arith.addi %mul3A_0, %arg0 : i32
    %dma_start3A = arith.constant 0 : i32
    %dma_start3A_1 = arith.constant 0 : i32
    %dma_start3A_2 = tpu.memref_slice %arg3[%add3A, %dma_start3A, %dma_start3A_1] : memref<32x100x100xi32, #tpu.memory_space<hbm>> -> memref<1x100x100xi32, #tpu.memory_space<hbm>>
    %dma_start3A_3 = tpu.memref_squeeze %dma_start3A_2 : memref<1x100x100xi32, #tpu.memory_space<hbm>> -> memref<100x100xi32, #tpu.memory_space<hbm>>
    %dma_start3A_4 = arith.constant 0 : i32
    %dma_start3A_5 = arith.constant 0 : i32
    %dma_start3A_6 = tpu.memref_slice %arg3[%add3A, %dma_start3A_4, %dma_start3A_5] : memref<32x100x100xi32, #tpu.memory_space<hbm>> -> memref<1x100x100xi32, #tpu.memory_space<hbm>>
    %dma_start3A_7 = tpu.memref_squeeze %dma_start3A_6 : memref<1x100x100xi32, #tpu.memory_space<hbm>> -> memref<100x100xi32, #tpu.memory_space<hbm>>
    tpu.enqueue_dma source(%dma_start3A_7 : memref<100x100xi32, #tpu.memory_space<hbm>>) target(%arg6 : memref<100x100xi32, #tpu.memory_space<vmem>>) target_semaphore(%arg13 : memref<!tpu.dma_semaphore, #tpu.memory_space<semaphore_mem>>)
    %dma_start3A_8 = arith.constant 0 : i32
    %dma_start3A_9 = arith.constant 0 : i32
    %dma_start3A_10 = tpu.memref_slice %arg4[%add3A, %dma_start3A_8, %dma_start3A_9] : memref<32x100x100xi32, #tpu.memory_space<hbm>> -> memref<1x100x100xi32, #tpu.memory_space<hbm>>
    %dma_start3A_11 = tpu.memref_squeeze %dma_start3A_10 : memref<1x100x100xi32, #tpu.memory_space<hbm>> -> memref<100x100xi32, #tpu.memory_space<hbm>>
    %dma_start3A_12 = arith.constant 0 : i32
    %dma_start3A_13 = arith.constant 0 : i32
    %dma_start3A_14 = tpu.memref_slice %arg4[%add3A, %dma_start3A_12, %dma_start3A_13] : memref<32x100x100xi32, #tpu.memory_space<hbm>> -> memref<1x100x100xi32, #tpu.memory_space<hbm>>
    %dma_start3A_15 = tpu.memref_squeeze %dma_start3A_14 : memref<1x100x100xi32, #tpu.memory_space<hbm>> -> memref<100x100xi32, #tpu.memory_space<hbm>>
    tpu.enqueue_dma source(%dma_start3A_15 : memref<100x100xi32, #tpu.memory_space<hbm>>) target(%arg7 : memref<100x100xi32, #tpu.memory_space<vmem>>) target_semaphore(%arg14 : memref<!tpu.dma_semaphore, #tpu.memory_space<semaphore_mem>>)
    %scan3A = arith.constant 0 : i32
    %scan3A_16 = arith.constant 0 : i32
    %scan3A_17 = arith.constant 100 : i32
    %scan3A_18 = arith.addi %scan3A_16, %scan3A_17 : i32
    %scan3A_19 = arith.constant 1 : i32
    %scan3A_20 = scf.for %scan3A_145 = %scan3A_16 to %scan3A_18 step %scan3A_19 iter_args(%scan3A_146 = %scan3A) -> (i32)  : i32 {
      %broadcast_in_dim3A = arith.constant 0.000000e+00 : f32
      %broadcast_in_dim3A_147 = vector.broadcast %broadcast_in_dim3A : f32 to vector<16xf32>
      %swap3A = arith.index_cast %scan3A_145 : i32 to index
      %swap3A_148 = arith.constant 0 : index
      %swap3A_149 = tpu.vector_load %arg8[%swap3A, %swap3A_148] {strides = array<i32>} : memref<100x128xf32, #tpu.memory_space<vmem>>, vector<16xf32>,
      tpu.vector_store %arg8[%swap3A, %swap3A_148], %broadcast_in_dim3A_147 {strides = array<i32>} : memref<100x128xf32, #tpu.memory_space<vmem>>, vector<16xf32>,
      %broadcast_in_dim3A_150 = arith.constant 0.000000e+00 : f32
      %broadcast_in_dim3A_151 = vector.broadcast %broadcast_in_dim3A_150 : f32 to vector<16xf32>
      %swap3A_152 = arith.index_cast %scan3A_145 : i32 to index
      %swap3A_153 = arith.constant 16 : index
      %swap3A_154 = tpu.vector_load %arg8[%swap3A_152, %swap3A_153] {strides = array<i32>} : memref<100x128xf32, #tpu.memory_space<vmem>>, vector<16xf32>,
      tpu.vector_store %arg8[%swap3A_152, %swap3A_153], %broadcast_in_dim3A_151 {strides = array<i32>} : memref<100x128xf32, #tpu.memory_space<vmem>>, vector<16xf32>,
      %broadcast_in_dim3A_155 = arith.constant 0.000000e+00 : f32
      %broadcast_in_dim3A_156 = vector.broadcast %broadcast_in_dim3A_155 : f32 to vector<16xf32>
      %swap3A_157 = arith.index_cast %scan3A_145 : i32 to index
      %swap3A_158 = arith.constant 32 : index
      %swap3A_159 = tpu.vector_load %arg8[%swap3A_157, %swap3A_158] {strides = array<i32>} : memref<100x128xf32, #tpu.memory_space<vmem>>, vector<16xf32>,
      tpu.vector_store %arg8[%swap3A_157, %swap3A_158], %broadcast_in_dim3A_156 {strides = array<i32>} : memref<100x128xf32, #tpu.memory_space<vmem>>, vector<16xf32>,
      %broadcast_in_dim3A_160 = arith.constant 0.000000e+00 : f32
      %broadcast_in_dim3A_161 = vector.broadcast %broadcast_in_dim3A_160 : f32 to vector<16xf32>
      %swap3A_162 = arith.index_cast %scan3A_145 : i32 to index
      %swap3A_163 = arith.constant 48 : index
      %swap3A_164 = tpu.vector_load %arg8[%swap3A_162, %swap3A_163] {strides = array<i32>} : memref<100x128xf32, #tpu.memory_space<vmem>>, vector<16xf32>,
      tpu.vector_store %arg8[%swap3A_162, %swap3A_163], %broadcast_in_dim3A_161 {strides = array<i32>} : memref<100x128xf32, #tpu.memory_space<vmem>>, vector<16xf32>,
      %broadcast_in_dim3A_165 = arith.constant 0.000000e+00 : f32
      %broadcast_in_dim3A_166 = vector.broadcast %broadcast_in_dim3A_165 : f32 to vector<16xf32>
      %swap3A_167 = arith.index_cast %scan3A_145 : i32 to index
      %swap3A_168 = arith.constant 64 : index
      %swap3A_169 = tpu.vector_load %arg8[%swap3A_167, %swap3A_168] {strides = array<i32>} : memref<100x128xf32, #tpu.memory_space<vmem>>, vector<16xf32>,
      tpu.vector_store %arg8[%swap3A_167, %swap3A_168], %broadcast_in_dim3A_166 {strides = array<i32>} : memref<100x128xf32, #tpu.memory_space<vmem>>, vector<16xf32>,
      %broadcast_in_dim3A_170 = arith.constant 0.000000e+00 : f32
      %broadcast_in_dim3A_171 = vector.broadcast %broadcast_in_dim3A_170 : f32 to vector<16xf32>
      %swap3A_172 = arith.index_cast %scan3A_145 : i32 to index
      %swap3A_173 = arith.constant 80 : index
      %swap3A_174 = tpu.vector_load %arg8[%swap3A_172, %swap3A_173] {strides = array<i32>} : memref<100x128xf32, #tpu.memory_space<vmem>>, vector<16xf32>,
      tpu.vector_store %arg8[%swap3A_172, %swap3A_173], %broadcast_in_dim3A_171 {strides = array<i32>} : memref<100x128xf32, #tpu.memory_space<vmem>>, vector<16xf32>,
      %broadcast_in_dim3A_175 = arith.constant 0.000000e+00 : f32
      %broadcast_in_dim3A_176 = vector.broadcast %broadcast_in_dim3A_175 : f32 to vector<16xf32>
      %swap3A_177 = arith.index_cast %scan3A_145 : i32 to index
      %swap3A_178 = arith.constant 96 : index
      %swap3A_179 = tpu.vector_load %arg8[%swap3A_177, %swap3A_178] {strides = array<i32>} : memref<100x128xf32, #tpu.memory_space<vmem>>, vector<16xf32>,
      tpu.vector_store %arg8[%swap3A_177, %swap3A_178], %broadcast_in_dim3A_176 {strides = array<i32>} : memref<100x128xf32, #tpu.memory_space<vmem>>, vector<16xf32>,
      %broadcast_in_dim3A_180 = arith.constant 0.000000e+00 : f32
      %broadcast_in_dim3A_181 = vector.broadcast %broadcast_in_dim3A_180 : f32 to vector<16xf32>
      %swap3A_182 = arith.index_cast %scan3A_145 : i32 to index
      %swap3A_183 = arith.constant 112 : index
      %swap3A_184 = tpu.vector_load %arg8[%swap3A_182, %swap3A_183] {strides = array<i32>} : memref<100x128xf32, #tpu.memory_space<vmem>>, vector<16xf32>,
      tpu.vector_store %arg8[%swap3A_182, %swap3A_183], %broadcast_in_dim3A_181 {strides = array<i32>} : memref<100x128xf32, #tpu.memory_space<vmem>>, vector<16xf32>,
      %scan3A_185 = arith.constant 0 : i32
      scf.yield %scan3A_185 : i32
    }
    %scan3A_21 = arith.constant 100 : i32
    %mul3A_22 = arith.constant 625 : i32
    %mul3A_23 = arith.muli %arg1, %mul3A_22 : i32
    %add3A_24 = arith.constant 0 : i32
    %add3A_25 = arith.addi %mul3A_23, %add3A_24 : i32
    %dma_start3A_26 = arith.constant 0 : i32
    %dma_start3A_27 = tpu.memref_slice %arg10[%add3A_25, %dma_start3A_26] : memref<10000x128xf32, #tpu.memory_space<vmem_shared>> -> memref<100x128xf32, #tpu.memory_space<vmem_shared>>
    %dma_start3A_28 = arith.constant 0 : i32
    %dma_start3A_29 = tpu.memref_slice %arg10[%add3A_25, %dma_start3A_28] : memref<10000x128xf32, #tpu.memory_space<vmem_shared>> -> memref<100x128xf32, #tpu.memory_space<vmem_shared>>
    tpu.enqueue_dma source(%arg8 : memref<100x128xf32, #tpu.memory_space<vmem>>) target(%dma_start3A_29 : memref<100x128xf32, #tpu.memory_space<vmem_shared>>) target_semaphore(%arg11 : memref<!tpu.dma_semaphore, #tpu.memory_space<semaphore_mem>>)
    %mul3A_30 = arith.constant 625 : i32
    %mul3A_31 = arith.muli %arg1, %mul3A_30 : i32
    %add3A_32 = arith.constant 100 : i32
    %add3A_33 = arith.addi %mul3A_31, %add3A_32 : i32
    %dma_start3A_34 = arith.constant 0 : i32
    %dma_start3A_35 = tpu.memref_slice %arg10[%add3A_33, %dma_start3A_34] : memref<10000x128xf32, #tpu.memory_space<vmem_shared>> -> memref<100x128xf32, #tpu.memory_space<vmem_shared>>
    %dma_start3A_36 = arith.constant 0 : i32
    %dma_start3A_37 = tpu.memref_slice %arg10[%add3A_33, %dma_start3A_36] : memref<10000x128xf32, #tpu.memory_space<vmem_shared>> -> memref<100x128xf32, #tpu.memory_space<vmem_shared>>
    tpu.enqueue_dma source(%arg8 : memref<100x128xf32, #tpu.memory_space<vmem>>) target(%dma_start3A_37 : memref<100x128xf32, #tpu.memory_space<vmem_shared>>) target_semaphore(%arg12 : memref<!tpu.dma_semaphore, #tpu.memory_space<semaphore_mem>>)
    %mul3A_38 = arith.constant 625 : i32
    %mul3A_39 = arith.muli %arg1, %mul3A_38 : i32
    %add3A_40 = arith.constant 200 : i32
    %add3A_41 = arith.addi %mul3A_39, %add3A_40 : i32
    %dma_start3A_42 = arith.constant 0 : i32
    %dma_start3A_43 = tpu.memref_slice %arg10[%add3A_41, %dma_start3A_42] : memref<10000x128xf32, #tpu.memory_space<vmem_shared>> -> memref<100x128xf32, #tpu.memory_space<vmem_shared>>
    %dma_start3A_44 = arith.constant 0 : i32
    %dma_start3A_45 = tpu.memref_slice %arg10[%add3A_41, %dma_start3A_44] : memref<10000x128xf32, #tpu.memory_space<vmem_shared>> -> memref<100x128xf32, #tpu.memory_space<vmem_shared>>
    tpu.enqueue_dma source(%arg8 : memref<100x128xf32, #tpu.memory_space<vmem>>) target(%dma_start3A_45 : memref<100x128xf32, #tpu.memory_space<vmem_shared>>) target_semaphore(%arg11 : memref<!tpu.dma_semaphore, #tpu.memory_space<semaphore_mem>>)
    %mul3A_46 = arith.constant 625 : i32
    %mul3A_47 = arith.muli %arg1, %mul3A_46 : i32
    %add3A_48 = arith.constant 300 : i32
    %add3A_49 = arith.addi %mul3A_47, %add3A_48 : i32
    %dma_start3A_50 = arith.constant 0 : i32
    %dma_start3A_51 = tpu.memref_slice %arg10[%add3A_49, %dma_start3A_50] : memref<10000x128xf32, #tpu.memory_space<vmem_shared>> -> memref<100x128xf32, #tpu.memory_space<vmem_shared>>
    %dma_start3A_52 = arith.constant 0 : i32
    %dma_start3A_53 = tpu.memref_slice %arg10[%add3A_49, %dma_start3A_52] : memref<10000x128xf32, #tpu.memory_space<vmem_shared>> -> memref<100x128xf32, #tpu.memory_space<vmem_shared>>
    tpu.enqueue_dma source(%arg8 : memref<100x128xf32, #tpu.memory_space<vmem>>) target(%dma_start3A_53 : memref<100x128xf32, #tpu.memory_space<vmem_shared>>) target_semaphore(%arg12 : memref<!tpu.dma_semaphore, #tpu.memory_space<semaphore_mem>>)
    %mul3A_54 = arith.constant 625 : i32
    %mul3A_55 = arith.muli %arg1, %mul3A_54 : i32
    %add3A_56 = arith.constant 400 : i32
    %add3A_57 = arith.addi %mul3A_55, %add3A_56 : i32
    %dma_start3A_58 = arith.constant 0 : i32
    %dma_start3A_59 = tpu.memref_slice %arg10[%add3A_57, %dma_start3A_58] : memref<10000x128xf32, #tpu.memory_space<vmem_shared>> -> memref<100x128xf32, #tpu.memory_space<vmem_shared>>
    %dma_start3A_60 = arith.constant 0 : i32
    %dma_start3A_61 = tpu.memref_slice %arg10[%add3A_57, %dma_start3A_60] : memref<10000x128xf32, #tpu.memory_space<vmem_shared>> -> memref<100x128xf32, #tpu.memory_space<vmem_shared>>
    tpu.enqueue_dma source(%arg8 : memref<100x128xf32, #tpu.memory_space<vmem>>) target(%dma_start3A_61 : memref<100x128xf32, #tpu.memory_space<vmem_shared>>) target_semaphore(%arg11 : memref<!tpu.dma_semaphore, #tpu.memory_space<semaphore_mem>>)
    %mul3A_62 = arith.constant 625 : i32
    %mul3A_63 = arith.muli %arg1, %mul3A_62 : i32
    %add3A_64 = arith.constant 500 : i32
    %add3A_65 = arith.addi %mul3A_63, %add3A_64 : i32
    %dma_start3A_66 = arith.constant 0 : i32
    %dma_start3A_67 = tpu.memref_slice %arg10[%add3A_65, %dma_start3A_66] : memref<10000x128xf32, #tpu.memory_space<vmem_shared>> -> memref<100x128xf32, #tpu.memory_space<vmem_shared>>
    %dma_start3A_68 = arith.constant 0 : i32
    %dma_start3A_69 = tpu.memref_slice %arg10[%add3A_65, %dma_start3A_68] : memref<10000x128xf32, #tpu.memory_space<vmem_shared>> -> memref<100x128xf32, #tpu.memory_space<vmem_shared>>
    tpu.enqueue_dma source(%arg8 : memref<100x128xf32, #tpu.memory_space<vmem>>) target(%dma_start3A_69 : memref<100x128xf32, #tpu.memory_space<vmem_shared>>) target_semaphore(%arg12 : memref<!tpu.dma_semaphore, #tpu.memory_space<semaphore_mem>>)
    %mul3A_70 = arith.constant 625 : i32
    %mul3A_71 = arith.muli %arg1, %mul3A_70 : i32
    %add3A_72 = arith.constant 600 : i32
    %add3A_73 = arith.addi %mul3A_71, %add3A_72 : i32
    %dma_start3A_74 = arith.constant 0 : i32
    %dma_start3A_75 = arith.constant 0 : i32
    %dma_start3A_76 = tpu.memref_slice %arg8[%dma_start3A_74, %dma_start3A_75] : memref<100x128xf32, #tpu.memory_space<vmem>> -> memref<25x128xf32, #tpu.memory_space<vmem>>
    %dma_start3A_77 = arith.constant 0 : i32
    %dma_start3A_78 = tpu.memref_slice %arg10[%add3A_73, %dma_start3A_77] : memref<10000x128xf32, #tpu.memory_space<vmem_shared>> -> memref<25x128xf32, #tpu.memory_space<vmem_shared>>
    %dma_start3A_79 = arith.constant 0 : i32
    %dma_start3A_80 = tpu.memref_slice %arg10[%add3A_73, %dma_start3A_79] : memref<10000x128xf32, #tpu.memory_space<vmem_shared>> -> memref<25x128xf32, #tpu.memory_space<vmem_shared>>
    %dma_start3A_81 = arith.constant 0 : i32
    %dma_start3A_82 = arith.constant 0 : i32
    %dma_start3A_83 = tpu.memref_slice %arg8[%dma_start3A_81, %dma_start3A_82] : memref<100x128xf32, #tpu.memory_space<vmem>> -> memref<25x128xf32, #tpu.memory_space<vmem>>
    tpu.enqueue_dma source(%dma_start3A_83 : memref<25x128xf32, #tpu.memory_space<vmem>>) target(%dma_start3A_80 : memref<25x128xf32, #tpu.memory_space<vmem_shared>>) target_semaphore(%arg11 : memref<!tpu.dma_semaphore, #tpu.memory_space<semaphore_mem>>)
    %dma_wait3A = arith.constant 0 : i32
    %dma_wait3A_84 = tpu.memref_slice %arg10[%add3A_25, %dma_wait3A] : memref<10000x128xf32, #tpu.memory_space<vmem_shared>> -> memref<100x128xf32, #tpu.memory_space<vmem_shared>>
    %dma_wait3A_85 = arith.constant 0 : i32
    %dma_wait3A_86 = tpu.memref_slice %arg10[%add3A_25, %dma_wait3A_85] : memref<10000x128xf32, #tpu.memory_space<vmem_shared>> -> memref<100x128xf32, #tpu.memory_space<vmem_shared>>
    tpu.wait_dma2 semaphore(%arg11 : memref<!tpu.dma_semaphore, #tpu.memory_space<semaphore_mem>>) src(%arg8 : memref<100x128xf32, #tpu.memory_space<vmem>>) dst(%dma_wait3A_86 : memref<100x128xf32, #tpu.memory_space<vmem_shared>>)
    %dma_wait3A_87 = arith.constant 0 : i32
    %dma_wait3A_88 = tpu.memref_slice %arg10[%add3A_33, %dma_wait3A_87] : memref<10000x128xf32, #tpu.memory_space<vmem_shared>> -> memref<100x128xf32, #tpu.memory_space<vmem_shared>>
    %dma_wait3A_89 = arith.constant 0 : i32
    %dma_wait3A_90 = tpu.memref_slice %arg10[%add3A_33, %dma_wait3A_89] : memref<10000x128xf32, #tpu.memory_space<vmem_shared>> -> memref<100x128xf32, #tpu.memory_space<vmem_shared>>
    tpu.wait_dma2 semaphore(%arg12 : memref<!tpu.dma_semaphore, #tpu.memory_space<semaphore_mem>>) src(%arg8 : memref<100x128xf32, #tpu.memory_space<vmem>>) dst(%dma_wait3A_90 : memref<100x128xf32, #tpu.memory_space<vmem_shared>>)
    %dma_wait3A_91 = arith.constant 0 : i32
    %dma_wait3A_92 = tpu.memref_slice %arg10[%add3A_41, %dma_wait3A_91] : memref<10000x128xf32, #tpu.memory_space<vmem_shared>> -> memref<100x128xf32, #tpu.memory_space<vmem_shared>>
    %dma_wait3A_93 = arith.constant 0 : i32
    %dma_wait3A_94 = tpu.memref_slice %arg10[%add3A_41, %dma_wait3A_93] : memref<10000x128xf32, #tpu.memory_space<vmem_shared>> -> memref<100x128xf32, #tpu.memory_space<vmem_shared>>
    tpu.wait_dma2 semaphore(%arg11 : memref<!tpu.dma_semaphore, #tpu.memory_space<semaphore_mem>>) src(%arg8 : memref<100x128xf32, #tpu.memory_space<vmem>>) dst(%dma_wait3A_94 : memref<100x128xf32, #tpu.memory_space<vmem_shared>>)
    %dma_wait3A_95 = arith.constant 0 : i32
    %dma_wait3A_96 = tpu.memref_slice %arg10[%add3A_49, %dma_wait3A_95] : memref<10000x128xf32, #tpu.memory_space<vmem_shared>> -> memref<100x128xf32, #tpu.memory_space<vmem_shared>>
    %dma_wait3A_97 = arith.constant 0 : i32
    %dma_wait3A_98 = tpu.memref_slice %arg10[%add3A_49, %dma_wait3A_97] : memref<10000x128xf32, #tpu.memory_space<vmem_shared>> -> memref<100x128xf32, #tpu.memory_space<vmem_shared>>
    tpu.wait_dma2 semaphore(%arg12 : memref<!tpu.dma_semaphore, #tpu.memory_space<semaphore_mem>>) src(%arg8 : memref<100x128xf32, #tpu.memory_space<vmem>>) dst(%dma_wait3A_98 : memref<100x128xf32, #tpu.memory_space<vmem_shared>>)
    %dma_wait3A_99 = arith.constant 0 : i32
    %dma_wait3A_100 = tpu.memref_slice %arg10[%add3A_57, %dma_wait3A_99] : memref<10000x128xf32, #tpu.memory_space<vmem_shared>> -> memref<100x128xf32, #tpu.memory_space<vmem_shared>>
    %dma_wait3A_101 = arith.constant 0 : i32
    %dma_wait3A_102 = tpu.memref_slice %arg10[%add3A_57, %dma_wait3A_101] : memref<10000x128xf32, #tpu.memory_space<vmem_shared>> -> memref<100x128xf32, #tpu.memory_space<vmem_shared>>
    tpu.wait_dma2 semaphore(%arg11 : memref<!tpu.dma_semaphore, #tpu.memory_space<semaphore_mem>>) src(%arg8 : memref<100x128xf32, #tpu.memory_space<vmem>>) dst(%dma_wait3A_102 : memref<100x128xf32, #tpu.memory_space<vmem_shared>>)
    %dma_wait3A_103 = arith.constant 0 : i32
    %dma_wait3A_104 = tpu.memref_slice %arg10[%add3A_65, %dma_wait3A_103] : memref<10000x128xf32, #tpu.memory_space<vmem_shared>> -> memref<100x128xf32, #tpu.memory_space<vmem_shared>>
    %dma_wait3A_105 = arith.constant 0 : i32
    %dma_wait3A_106 = tpu.memref_slice %arg10[%add3A_65, %dma_wait3A_105] : memref<10000x128xf32, #tpu.memory_space<vmem_shared>> -> memref<100x128xf32, #tpu.memory_space<vmem_shared>>
    tpu.wait_dma2 semaphore(%arg12 : memref<!tpu.dma_semaphore, #tpu.memory_space<semaphore_mem>>) src(%arg8 : memref<100x128xf32, #tpu.memory_space<vmem>>) dst(%dma_wait3A_106 : memref<100x128xf32, #tpu.memory_space<vmem_shared>>)
    %dma_wait3A_107 = arith.constant 0 : i32
    %dma_wait3A_108 = arith.constant 0 : i32
    %dma_wait3A_109 = tpu.memref_slice %arg8[%dma_wait3A_107, %dma_wait3A_108] : memref<100x128xf32, #tpu.memory_space<vmem>> -> memref<25x128xf32, #tpu.memory_space<vmem>>
    %dma_wait3A_110 = arith.constant 0 : i32
    %dma_wait3A_111 = tpu.memref_slice %arg10[%add3A_73, %dma_wait3A_110] : memref<10000x128xf32, #tpu.memory_space<vmem_shared>> -> memref<25x128xf32, #tpu.memory_space<vmem_shared>>
    %dma_wait3A_112 = arith.constant 0 : i32
    %dma_wait3A_113 = tpu.memref_slice %arg10[%add3A_73, %dma_wait3A_112] : memref<10000x128xf32, #tpu.memory_space<vmem_shared>> -> memref<25x128xf32, #tpu.memory_space<vmem_shared>>
    %dma_wait3A_114 = arith.constant 0 : i32
    %dma_wait3A_115 = arith.constant 0 : i32
    %dma_wait3A_116 = tpu.memref_slice %arg8[%dma_wait3A_114, %dma_wait3A_115] : memref<100x128xf32, #tpu.memory_space<vmem>> -> memref<25x128xf32, #tpu.memory_space<vmem>>
    tpu.wait_dma2 semaphore(%arg11 : memref<!tpu.dma_semaphore, #tpu.memory_space<semaphore_mem>>) src(%dma_wait3A_116 : memref<25x128xf32, #tpu.memory_space<vmem>>) dst(%dma_wait3A_113 : memref<25x128xf32, #tpu.memory_space<vmem_shared>>)
    %dma_wait3A_117 = arith.constant 0 : i32
    %dma_wait3A_118 = arith.constant 0 : i32
    %dma_wait3A_119 = tpu.memref_slice %arg3[%add3A, %dma_wait3A_117, %dma_wait3A_118] : memref<32x100x100xi32, #tpu.memory_space<hbm>> -> memref<1x100x100xi32, #tpu.memory_space<hbm>>
    %dma_wait3A_120 = tpu.memref_squeeze %dma_wait3A_119 : memref<1x100x100xi32, #tpu.memory_space<hbm>> -> memref<100x100xi32, #tpu.memory_space<hbm>>
    %dma_wait3A_121 = arith.constant 0 : i32
    %dma_wait3A_122 = arith.constant 0 : i32
    %dma_wait3A_123 = tpu.memref_slice %arg3[%add3A, %dma_wait3A_121, %dma_wait3A_122] : memref<32x100x100xi32, #tpu.memory_space<hbm>> -> memref<1x100x100xi32, #tpu.memory_space<hbm>>
    %dma_wait3A_124 = tpu.memref_squeeze %dma_wait3A_123 : memref<1x100x100xi32, #tpu.memory_space<hbm>> -> memref<100x100xi32, #tpu.memory_space<hbm>>
    tpu.wait_dma2 semaphore(%arg13 : memref<!tpu.dma_semaphore, #tpu.memory_space<semaphore_mem>>) src(%dma_wait3A_124 : memref<100x100xi32, #tpu.memory_space<hbm>>) dst(%arg6 : memref<100x100xi32, #tpu.memory_space<vmem>>)
    %dma_wait3A_125 = arith.constant 0 : i32
    %dma_wait3A_126 = arith.constant 0 : i32
    %dma_wait3A_127 = tpu.memref_slice %arg4[%add3A, %dma_wait3A_125, %dma_wait3A_126] : memref<32x100x100xi32, #tpu.memory_space<hbm>> -> memref<1x100x100xi32, #tpu.memory_space<hbm>>
    %dma_wait3A_128 = tpu.memref_squeeze %dma_wait3A_127 : memref<1x100x100xi32, #tpu.memory_space<hbm>> -> memref<100x100xi32, #tpu.memory_space<hbm>>
    %dma_wait3A_129 = arith.constant 0 : i32
    %dma_wait3A_130 = arith.constant 0 : i32
    %dma_wait3A_131 = tpu.memref_slice %arg4[%add3A, %dma_wait3A_129, %dma_wait3A_130] : memref<32x100x100xi32, #tpu.memory_space<hbm>> -> memref<1x100x100xi32, #tpu.memory_space<hbm>>
    %dma_wait3A_132 = tpu.memref_squeeze %dma_wait3A_131 : memref<1x100x100xi32, #tpu.memory_space<hbm>> -> memref<100x100xi32, #tpu.memory_space<hbm>>
    tpu.wait_dma2 semaphore(%arg14 : memref<!tpu.dma_semaphore, #tpu.memory_space<semaphore_mem>>) src(%dma_wait3A_132 : memref<100x100xi32, #tpu.memory_space<hbm>>) dst(%arg7 : memref<100x100xi32, #tpu.memory_space<vmem>>)
    %barrier3A = arith.constant 0 : index
    tpu.barrier barrier_id(%barrier3A)
    %scan3A_133 = arith.constant 0 : i32
    %scan3A_134 = arith.constant 0 : i32
    %scan3A_135 = arith.constant 5 : i32
    %scan3A_136 = arith.addi %scan3A_134, %scan3A_135 : i32
    %scan3A_137 = arith.constant 1 : i32
    %scan3A_138 = scf.for %scan3A_145 = %scan3A_134 to %scan3A_136 step %scan3A_137 iter_args(%scan3A_146 = %scan3A_133) -> (i32)  : i32 {
      %mul3A_147 = arith.constant 20 : i32
      %mul3A_148 = arith.muli %scan3A_145, %mul3A_147 : i32
      %dma_start3A_149 = arith.constant 0 : i32
      %dma_start3A_150 = tpu.memref_slice %arg6[%mul3A_148, %dma_start3A_149] : memref<100x100xi32, #tpu.memory_space<vmem>> -> memref<1x100xi32, #tpu.memory_space<vmem>>
      %dma_start3A_151 = tpu.memref_squeeze %dma_start3A_150 : memref<1x100xi32, #tpu.memory_space<vmem>> -> memref<100xi32, #tpu.memory_space<vmem>>
      %dma_start3A_152 = arith.constant 0 : i32
      %dma_start3A_153 = arith.constant 0 : i32
      %dma_start3A_154 = tpu.memref_slice %arg2[%dma_start3A_152, %dma_start3A_153] : memref<10000x128xf32, #tpu.memory_space<hbm>> -> memref<10000x128xf32, #tpu.memory_space<hbm>>
      tpu.enqueue_indirect_dma source(%dma_start3A_154 : memref<10000x128xf32, #tpu.memory_space<hbm>>) target(%arg8 : memref<100x128xf32, #tpu.memory_space<vmem>>) offsets(%dma_start3A_151 : memref<100xi32, #tpu.memory_space<vmem>>) semaphore(%arg11 : memref<!tpu.dma_semaphore, #tpu.memory_space<semaphore_mem>>)
      %add3A_155 = arith.constant 0 : i32
      %add3A_156 = arith.addi %mul3A_148, %add3A_155 : i32
      %add3A_157 = arith.constant 1 : i32
      %add3A_158 = arith.addi %add3A_156, %add3A_157 : i32
      %dma_start3A_159 = arith.constant 0 : i32
      %dma_start3A_160 = tpu.memref_slice %arg6[%add3A_158, %dma_start3A_159] : memref<100x100xi32, #tpu.memory_space<vmem>> -> memref<1x100xi32, #tpu.memory_space<vmem>>
      %dma_start3A_161 = tpu.memref_squeeze %dma_start3A_160 : memref<1x100xi32, #tpu.memory_space<vmem>> -> memref<100xi32, #tpu.memory_space<vmem>>
      %dma_start3A_162 = arith.constant 0 : i32
      %dma_start3A_163 = arith.constant 0 : i32
      %dma_start3A_164 = tpu.memref_slice %arg2[%dma_start3A_162, %dma_start3A_163] : memref<10000x128xf32, #tpu.memory_space<hbm>> -> memref<10000x128xf32, #tpu.memory_space<hbm>>
      tpu.enqueue_indirect_dma source(%dma_start3A_164 : memref<10000x128xf32, #tpu.memory_space<hbm>>) target(%arg9 : memref<100x128xf32, #tpu.memory_space<vmem>>) offsets(%dma_start3A_161 : memref<100xi32, #tpu.memory_space<vmem>>) semaphore(%arg12 : memref<!tpu.dma_semaphore, #tpu.memory_space<semaphore_mem>>)
      %dma_wait3A_165 = arith.constant 0 : i32
      %dma_wait3A_166 = tpu.memref_slice %arg6[%mul3A_148, %dma_wait3A_165] : memref<100x100xi32, #tpu.memory_space<vmem>> -> memref<1x100xi32, #tpu.memory_space<vmem>>
      %dma_wait3A_167 = tpu.memref_squeeze %dma_wait3A_166 : memref<1x100xi32, #tpu.memory_space<vmem>> -> memref<100xi32, #tpu.memory_space<vmem>>
      %dma_wait3A_168 = arith.constant 0 : i32
      %dma_wait3A_169 = arith.constant 0 : i32
      %dma_wait3A_170 = tpu.memref_slice %arg2[%dma_wait3A_168, %dma_wait3A_169] : memref<10000x128xf32, #tpu.memory_space<hbm>> -> memref<10000x128xf32, #tpu.memory_space<hbm>>
      tpu.wait_indirect_dma semaphore(%arg11 : memref<!tpu.dma_semaphore, #tpu.memory_space<semaphore_mem>>) src(%dma_wait3A_170 : memref<10000x128xf32, #tpu.memory_space<hbm>>) dst(%arg8 : memref<100x128xf32, #tpu.memory_space<vmem>>)
      %add3A_171 = arith.constant 0 : i32
      %add3A_172 = arith.addi %mul3A_148, %add3A_171 : i32
      %dma_start3A_173 = arith.constant 0 : i32
      %dma_start3A_174 = tpu.memref_slice %arg7[%add3A_172, %dma_start3A_173] : memref<100x100xi32, #tpu.memory_space<vmem>> -> memref<1x100xi32, #tpu.memory_space<vmem>>
      %dma_start3A_175 = tpu.memref_squeeze %dma_start3A_174 : memref<1x100xi32, #tpu.memory_space<vmem>> -> memref<100xi32, #tpu.memory_space<vmem>>
      %dma_start3A_176 = arith.constant 0 : i32
      %dma_start3A_177 = arith.constant 0 : i32
      %dma_start3A_178 = tpu.memref_slice %arg10[%dma_start3A_176, %dma_start3A_177] : memref<10000x128xf32, #tpu.memory_space<vmem_shared>> -> memref<10000x128xf32, #tpu.memory_space<vmem_shared>>
      tpu.enqueue_indirect_dma source(%arg8 : memref<100x128xf32, #tpu.memory_space<vmem>>) target(%dma_start3A_178 : memref<10000x128xf32, #tpu.memory_space<vmem_shared>>) offsets(%dma_start3A_175 : memref<100xi32, #tpu.memory_space<vmem>>) semaphore(%arg13 : memref<!tpu.dma_semaphore, #tpu.memory_space<semaphore_mem>>) {add = true}
      %dma_wait3A_179 = arith.constant 0 : i32
      %dma_wait3A_180 = tpu.memref_slice %arg7[%add3A_172, %dma_wait3A_179] : memref<100x100xi32, #tpu.memory_space<vmem>> -> memref<1x100xi32, #tpu.memory_space<vmem>>
      %dma_wait3A_181 = tpu.memref_squeeze %dma_wait3A_180 : memref<1x100xi32, #tpu.memory_space<vmem>> -> memref<100xi32, #tpu.memory_space<vmem>>
      %dma_wait3A_182 = arith.constant 0 : i32
      %dma_wait3A_183 = arith.constant 0 : i32
      %dma_wait3A_184 = tpu.memref_slice %arg10[%dma_wait3A_182, %dma_wait3A_183] : memref<10000x128xf32, #tpu.memory_space<vmem_shared>> -> memref<10000x128xf32, #tpu.memory_space<vmem_shared>>
      tpu.wait_indirect_dma semaphore(%arg13 : memref<!tpu.dma_semaphore, #tpu.memory_space<semaphore_mem>>) src(%arg8 : memref<100x128xf32, #tpu.memory_space<vmem>>) dst(%dma_wait3A_184 : memref<10000x128xf32, #tpu.memory_space<vmem_shared>>)
      %add3A_185 = arith.constant 1 : i32
      %add3A_186 = arith.addi %mul3A_148, %add3A_185 : i32
      %add3A_187 = arith.constant 1 : i32
      %add3A_188 = arith.addi %add3A_186, %add3A_187 : i32
      %dma_start3A_189 = arith.constant 0 : i32
      %dma_start3A_190 = tpu.memref_slice %arg6[%add3A_188, %dma_start3A_189] : memref<100x100xi32, #tpu.memory_space<vmem>> -> memref<1x100xi32, #tpu.memory_space<vmem>>
      %dma_start3A_191 = tpu.memref_squeeze %dma_start3A_190 : memref<1x100xi32, #tpu.memory_space<vmem>> -> memref<100xi32, #tpu.memory_space<vmem>>
      %dma_start3A_192 = arith.constant 0 : i32
      %dma_start3A_193 = arith.constant 0 : i32
      %dma_start3A_194 = tpu.memref_slice %arg2[%dma_start3A_192, %dma_start3A_193] : memref<10000x128xf32, #tpu.memory_space<hbm>> -> memref<10000x128xf32, #tpu.memory_space<hbm>>
      tpu.enqueue_indirect_dma source(%dma_start3A_194 : memref<10000x128xf32, #tpu.memory_space<hbm>>) target(%arg8 : memref<100x128xf32, #tpu.memory_space<vmem>>) offsets(%dma_start3A_191 : memref<100xi32, #tpu.memory_space<vmem>>) semaphore(%arg11 : memref<!tpu.dma_semaphore, #tpu.memory_space<semaphore_mem>>)
      %dma_wait3A_195 = arith.constant 0 : i32
      %dma_wait3A_196 = tpu.memref_slice %arg6[%add3A_158, %dma_wait3A_195] : memref<100x100xi32, #tpu.memory_space<vmem>> -> memref<1x100xi32, #tpu.memory_space<vmem>>
      %dma_wait3A_197 = tpu.memref_squeeze %dma_wait3A_196 : memref<1x100xi32, #tpu.memory_space<vmem>> -> memref<100xi32, #tpu.memory_space<vmem>>
      %dma_wait3A_198 = arith.constant 0 : i32
      %dma_wait3A_199 = arith.constant 0 : i32
      %dma_wait3A_200 = tpu.memref_slice %arg2[%dma_wait3A_198, %dma_wait3A_199] : memref<10000x128xf32, #tpu.memory_space<hbm>> -> memref<10000x128xf32, #tpu.memory_space<hbm>>
      tpu.wait_indirect_dma semaphore(%arg12 : memref<!tpu.dma_semaphore, #tpu.memory_space<semaphore_mem>>) src(%dma_wait3A_200 : memref<10000x128xf32, #tpu.memory_space<hbm>>) dst(%arg9 : memref<100x128xf32, #tpu.memory_space<vmem>>)
      %add3A_201 = arith.constant 1 : i32
      %add3A_202 = arith.addi %mul3A_148, %add3A_201 : i32
      %dma_start3A_203 = arith.constant 0 : i32
      %dma_start3A_204 = tpu.memref_slice %arg7[%add3A_202, %dma_start3A_203] : memref<100x100xi32, #tpu.memory_space<vmem>> -> memref<1x100xi32, #tpu.memory_space<vmem>>
      %dma_start3A_205 = tpu.memref_squeeze %dma_start3A_204 : memref<1x100xi32, #tpu.memory_space<vmem>> -> memref<100xi32, #tpu.memory_space<vmem>>
      %dma_start3A_206 = arith.constant 0 : i32
      %dma_start3A_207 = arith.constant 0 : i32
      %dma_start3A_208 = tpu.memref_slice %arg10[%dma_start3A_206, %dma_start3A_207] : memref<10000x128xf32, #tpu.memory_space<vmem_shared>> -> memref<10000x128xf32, #tpu.memory_space<vmem_shared>>
      tpu.enqueue_indirect_dma source(%arg9 : memref<100x128xf32, #tpu.memory_space<vmem>>) target(%dma_start3A_208 : memref<10000x128xf32, #tpu.memory_space<vmem_shared>>) offsets(%dma_start3A_205 : memref<100xi32, #tpu.memory_space<vmem>>) semaphore(%arg13 : memref<!tpu.dma_semaphore, #tpu.memory_space<semaphore_mem>>) {add = true}
      %dma_wait3A_209 = arith.constant 0 : i32
      %dma_wait3A_210 = tpu.memref_slice %arg7[%add3A_202, %dma_wait3A_209] : memref<100x100xi32, #tpu.memory_space<vmem>> -> memref<1x100xi32, #tpu.memory_space<vmem>>
      %dma_wait3A_211 = tpu.memref_squeeze %dma_wait3A_210 : memref<1x100xi32, #tpu.memory_space<vmem>> -> memref<100xi32, #tpu.memory_space<vmem>>
      %dma_wait3A_212 = arith.constant 0 : i32
      %dma_wait3A_213 = arith.constant 0 : i32
      %dma_wait3A_214 = tpu.memref_slice %arg10[%dma_wait3A_212, %dma_wait3A_213] : memref<10000x128xf32, #tpu.memory_space<vmem_shared>> -> memref<10000x128xf32, #tpu.memory_space<vmem_shared>>
      tpu.wait_indirect_dma semaphore(%arg13 : memref<!tpu.dma_semaphore, #tpu.memory_space<semaphore_mem>>) src(%arg9 : memref<100x128xf32, #tpu.memory_space<vmem>>) dst(%dma_wait3A_214 : memref<10000x128xf32, #tpu.memory_space<vmem_shared>>)
      %add3A_215 = arith.constant 2 : i32
      %add3A_216 = arith.addi %mul3A_148, %add3A_215 : i32
      %add3A_217 = arith.constant 1 : i32
      %add3A_218 = arith.addi %add3A_216, %add3A_217 : i32
      %dma_start3A_219 = arith.constant 0 : i32
      %dma_start3A_220 = tpu.memref_slice %arg6[%add3A_218, %dma_start3A_219] : memref<100x100xi32, #tpu.memory_space<vmem>> -> memref<1x100xi32, #tpu.memory_space<vmem>>
      %dma_start3A_221 = tpu.memref_squeeze %dma_start3A_220 : memref<1x100xi32, #tpu.memory_space<vmem>> -> memref<100xi32, #tpu.memory_space<vmem>>
      %dma_start3A_222 = arith.constant 0 : i32
      %dma_start3A_223 = arith.constant 0 : i32
      %dma_start3A_224 = tpu.memref_slice %arg2[%dma_start3A_222, %dma_start3A_223] : memref<10000x128xf32, #tpu.memory_space<hbm>> -> memref<10000x128xf32, #tpu.memory_space<hbm>>
      tpu.enqueue_indirect_dma source(%dma_start3A_224 : memref<10000x128xf32, #tpu.memory_space<hbm>>) target(%arg9 : memref<100x128xf32, #tpu.memory_space<vmem>>) offsets(%dma_start3A_221 : memref<100xi32, #tpu.memory_space<vmem>>) semaphore(%arg12 : memref<!tpu.dma_semaphore, #tpu.memory_space<semaphore_mem>>)
      %dma_wait3A_225 = arith.constant 0 : i32
      %dma_wait3A_226 = tpu.memref_slice %arg6[%add3A_188, %dma_wait3A_225] : memref<100x100xi32, #tpu.memory_space<vmem>> -> memref<1x100xi32, #tpu.memory_space<vmem>>
      %dma_wait3A_227 = tpu.memref_squeeze %dma_wait3A_226 : memref<1x100xi32, #tpu.memory_space<vmem>> -> memref<100xi32, #tpu.memory_space<vmem>>
      %dma_wait3A_228 = arith.constant 0 : i32
      %dma_wait3A_229 = arith.constant 0 : i32
      %dma_wait3A_230 = tpu.memref_slice %arg2[%dma_wait3A_228, %dma_wait3A_229] : memref<10000x128xf32, #tpu.memory_space<hbm>> -> memref<10000x128xf32, #tpu.memory_space<hbm>>
      tpu.wait_indirect_dma semaphore(%arg11 : memref<!tpu.dma_semaphore, #tpu.memory_space<semaphore_mem>>) src(%dma_wait3A_230 : memref<10000x128xf32, #tpu.memory_space<hbm>>) dst(%arg8 : memref<100x128xf32, #tpu.memory_space<vmem>>)
      %add3A_231 = arith.constant 2 : i32
      %add3A_232 = arith.addi %mul3A_148, %add3A_231 : i32
      %dma_start3A_233 = arith.constant 0 : i32
      %dma_start3A_234 = tpu.memref_slice %arg7[%add3A_232, %dma_start3A_233] : memref<100x100xi32, #tpu.memory_space<vmem>> -> memref<1x100xi32, #tpu.memory_space<vmem>>
      %dma_start3A_235 = tpu.memref_squeeze %dma_start3A_234 : memref<1x100xi32, #tpu.memory_space<vmem>> -> memref<100xi32, #tpu.memory_space<vmem>>
      %dma_start3A_236 = arith.constant 0 : i32
      %dma_start3A_237 = arith.constant 0 : i32
      %dma_start3A_238 = tpu.memref_slice %arg10[%dma_start3A_236, %dma_start3A_237] : memref<10000x128xf32, #tpu.memory_space<vmem_shared>> -> memref<10000x128xf32, #tpu.memory_space<vmem_shared>>
      tpu.enqueue_indirect_dma source(%arg8 : memref<100x128xf32, #tpu.memory_space<vmem>>) target(%dma_start3A_238 : memref<10000x128xf32, #tpu.memory_space<vmem_shared>>) offsets(%dma_start3A_235 : memref<100xi32, #tpu.memory_space<vmem>>) semaphore(%arg13 : memref<!tpu.dma_semaphore, #tpu.memory_space<semaphore_mem>>) {add = true}
      %dma_wait3A_239 = arith.constant 0 : i32
      %dma_wait3A_240 = tpu.memref_slice %arg7[%add3A_232, %dma_wait3A_239] : memref<100x100xi32, #tpu.memory_space<vmem>> -> memref<1x100xi32, #tpu.memory_space<vmem>>
      %dma_wait3A_241 = tpu.memref_squeeze %dma_wait3A_240 : memref<1x100xi32, #tpu.memory_space<vmem>> -> memref<100xi32, #tpu.memory_space<vmem>>
      %dma_wait3A_242 = arith.constant 0 : i32
      %dma_wait3A_243 = arith.constant 0 : i32
      %dma_wait3A_244 = tpu.memref_slice %arg10[%dma_wait3A_242, %dma_wait3A_243] : memref<10000x128xf32, #tpu.memory_space<vmem_shared>> -> memref<10000x128xf32, #tpu.memory_space<vmem_shared>>
      tpu.wait_indirect_dma semaphore(%arg13 : memref<!tpu.dma_semaphore, #tpu.memory_space<semaphore_mem>>) src(%arg8 : memref<100x128xf32, #tpu.memory_space<vmem>>) dst(%dma_wait3A_244 : memref<10000x128xf32, #tpu.memory_space<vmem_shared>>)
      %add3A_245 = arith.constant 3 : i32
      %add3A_246 = arith.addi %mul3A_148, %add3A_245 : i32
      %add3A_247 = arith.constant 1 : i32
      %add3A_248 = arith.addi %add3A_246, %add3A_247 : i32
      %dma_start3A_249 = arith.constant 0 : i32
      %dma_start3A_250 = tpu.memref_slice %arg6[%add3A_248, %dma_start3A_249] : memref<100x100xi32, #tpu.memory_space<vmem>> -> memref<1x100xi32, #tpu.memory_space<vmem>>
      %dma_start3A_251 = tpu.memref_squeeze %dma_start3A_250 : memref<1x100xi32, #tpu.memory_space<vmem>> -> memref<100xi32, #tpu.memory_space<vmem>>
      %dma_start3A_252 = arith.constant 0 : i32
      %dma_start3A_253 = arith.constant 0 : i32
      %dma_start3A_254 = tpu.memref_slice %arg2[%dma_start3A_252, %dma_start3A_253] : memref<10000x128xf32, #tpu.memory_space<hbm>> -> memref<10000x128xf32, #tpu.memory_space<hbm>>
      tpu.enqueue_indirect_dma source(%dma_start3A_254 : memref<10000x128xf32, #tpu.memory_space<hbm>>) target(%arg8 : memref<100x128xf32, #tpu.memory_space<vmem>>) offsets(%dma_start3A_251 : memref<100xi32, #tpu.memory_space<vmem>>) semaphore(%arg11 : memref<!tpu.dma_semaphore, #tpu.memory_space<semaphore_mem>>)
      %dma_wait3A_255 = arith.constant 0 : i32
      %dma_wait3A_256 = tpu.memref_slice %arg6[%add3A_218, %dma_wait3A_255] : memref<100x100xi32, #tpu.memory_space<vmem>> -> memref<1x100xi32, #tpu.memory_space<vmem>>
      %dma_wait3A_257 = tpu.memref_squeeze %dma_wait3A_256 : memref<1x100xi32, #tpu.memory_space<vmem>> -> memref<100xi32, #tpu.memory_space<vmem>>
      %dma_wait3A_258 = arith.constant 0 : i32
      %dma_wait3A_259 = arith.constant 0 : i32
      %dma_wait3A_260 = tpu.memref_slice %arg2[%dma_wait3A_258, %dma_wait3A_259] : memref<10000x128xf32, #tpu.memory_space<hbm>> -> memref<10000x128xf32, #tpu.memory_space<hbm>>
      tpu.wait_indirect_dma semaphore(%arg12 : memref<!tpu.dma_semaphore, #tpu.memory_space<semaphore_mem>>) src(%dma_wait3A_260 : memref<10000x128xf32, #tpu.memory_space<hbm>>) dst(%arg9 : memref<100x128xf32, #tpu.memory_space<vmem>>)
      %add3A_261 = arith.constant 3 : i32
      %add3A_262 = arith.addi %mul3A_148, %add3A_261 : i32
      %dma_start3A_263 = arith.constant 0 : i32
      %dma_start3A_264 = tpu.memref_slice %arg7[%add3A_262, %dma_start3A_263] : memref<100x100xi32, #tpu.memory_space<vmem>> -> memref<1x100xi32, #tpu.memory_space<vmem>>
      %dma_start3A_265 = tpu.memref_squeeze %dma_start3A_264 : memref<1x100xi32, #tpu.memory_space<vmem>> -> memref<100xi32, #tpu.memory_space<vmem>>
      %dma_start3A_266 = arith.constant 0 : i32
      %dma_start3A_267 = arith.constant 0 : i32
      %dma_start3A_268 = tpu.memref_slice %arg10[%dma_start3A_266, %dma_start3A_267] : memref<10000x128xf32, #tpu.memory_space<vmem_shared>> -> memref<10000x128xf32, #tpu.memory_space<vmem_shared>>
      tpu.enqueue_indirect_dma source(%arg9 : memref<100x128xf32, #tpu.memory_space<vmem>>) target(%dma_start3A_268 : memref<10000x128xf32, #tpu.memory_space<vmem_shared>>) offsets(%dma_start3A_265 : memref<100xi32, #tpu.memory_space<vmem>>) semaphore(%arg13 : memref<!tpu.dma_semaphore, #tpu.memory_space<semaphore_mem>>) {add = true}
      %dma_wait3A_269 = arith.constant 0 : i32
      %dma_wait3A_270 = tpu.memref_slice %arg7[%add3A_262, %dma_wait3A_269] : memref<100x100xi32, #tpu.memory_space<vmem>> -> memref<1x100xi32, #tpu.memory_space<vmem>>
      %dma_wait3A_271 = tpu.memref_squeeze %dma_wait3A_270 : memref<1x100xi32, #tpu.memory_space<vmem>> -> memref<100xi32, #tpu.memory_space<vmem>>
      %dma_wait3A_272 = arith.constant 0 : i32
      %dma_wait3A_273 = arith.constant 0 : i32
      %dma_wait3A_274 = tpu.memref_slice %arg10[%dma_wait3A_272, %dma_wait3A_273] : memref<10000x128xf32, #tpu.memory_space<vmem_shared>> -> memref<10000x128xf32, #tpu.memory_space<vmem_shared>>
      tpu.wait_indirect_dma semaphore(%arg13 : memref<!tpu.dma_semaphore, #tpu.memory_space<semaphore_mem>>) src(%arg9 : memref<100x128xf32, #tpu.memory_space<vmem>>) dst(%dma_wait3A_274 : memref<10000x128xf32, #tpu.memory_space<vmem_shared>>)
      %add3A_275 = arith.constant 4 : i32
      %add3A_276 = arith.addi %mul3A_148, %add3A_275 : i32
      %add3A_277 = arith.constant 1 : i32
      %add3A_278 = arith.addi %add3A_276, %add3A_277 : i32
      %dma_start3A_279 = arith.constant 0 : i32
      %dma_start3A_280 = tpu.memref_slice %arg6[%add3A_278, %dma_start3A_279] : memref<100x100xi32, #tpu.memory_space<vmem>> -> memref<1x100xi32, #tpu.memory_space<vmem>>
      %dma_start3A_281 = tpu.memref_squeeze %dma_start3A_280 : memref<1x100xi32, #tpu.memory_space<vmem>> -> memref<100xi32, #tpu.memory_space<vmem>>
      %dma_start3A_282 = arith.constant 0 : i32
      %dma_start3A_283 = arith.constant 0 : i32
      %dma_start3A_284 = tpu.memref_slice %arg2[%dma_start3A_282, %dma_start3A_283] : memref<10000x128xf32, #tpu.memory_space<hbm>> -> memref<10000x128xf32, #tpu.memory_space<hbm>>
      tpu.enqueue_indirect_dma source(%dma_start3A_284 : memref<10000x128xf32, #tpu.memory_space<hbm>>) target(%arg9 : memref<100x128xf32, #tpu.memory_space<vmem>>) offsets(%dma_start3A_281 : memref<100xi32, #tpu.memory_space<vmem>>) semaphore(%arg12 : memref<!tpu.dma_semaphore, #tpu.memory_space<semaphore_mem>>)
      %dma_wait3A_285 = arith.constant 0 : i32
      %dma_wait3A_286 = tpu.memref_slice %arg6[%add3A_248, %dma_wait3A_285] : memref<100x100xi32, #tpu.memory_space<vmem>> -> memref<1x100xi32, #tpu.memory_space<vmem>>
      %dma_wait3A_287 = tpu.memref_squeeze %dma_wait3A_286 : memref<1x100xi32, #tpu.memory_space<vmem>> -> memref<100xi32, #tpu.memory_space<vmem>>
      %dma_wait3A_288 = arith.constant 0 : i32
      %dma_wait3A_289 = arith.constant 0 : i32
      %dma_wait3A_290 = tpu.memref_slice %arg2[%dma_wait3A_288, %dma_wait3A_289] : memref<10000x128xf32, #tpu.memory_space<hbm>> -> memref<10000x128xf32, #tpu.memory_space<hbm>>
      tpu.wait_indirect_dma semaphore(%arg11 : memref<!tpu.dma_semaphore, #tpu.memory_space<semaphore_mem>>) src(%dma_wait3A_290 : memref<10000x128xf32, #tpu.memory_space<hbm>>) dst(%arg8 : memref<100x128xf32, #tpu.memory_space<vmem>>)
      %add3A_291 = arith.constant 4 : i32
      %add3A_292 = arith.addi %mul3A_148, %add3A_291 : i32
      %dma_start3A_293 = arith.constant 0 : i32
      %dma_start3A_294 = tpu.memref_slice %arg7[%add3A_292, %dma_start3A_293] : memref<100x100xi32, #tpu.memory_space<vmem>> -> memref<1x100xi32, #tpu.memory_space<vmem>>
      %dma_start3A_295 = tpu.memref_squeeze %dma_start3A_294 : memref<1x100xi32, #tpu.memory_space<vmem>> -> memref<100xi32, #tpu.memory_space<vmem>>
      %dma_start3A_296 = arith.constant 0 : i32
      %dma_start3A_297 = arith.constant 0 : i32
      %dma_start3A_298 = tpu.memref_slice %arg10[%dma_start3A_296, %dma_start3A_297] : memref<10000x128xf32, #tpu.memory_space<vmem_shared>> -> memref<10000x128xf32, #tpu.memory_space<vmem_shared>>
      tpu.enqueue_indirect_dma source(%arg8 : memref<100x128xf32, #tpu.memory_space<vmem>>) target(%dma_start3A_298 : memref<10000x128xf32, #tpu.memory_space<vmem_shared>>) offsets(%dma_start3A_295 : memref<100xi32, #tpu.memory_space<vmem>>) semaphore(%arg13 : memref<!tpu.dma_semaphore, #tpu.memory_space<semaphore_mem>>) {add = true}
      %dma_wait3A_299 = arith.constant 0 : i32
      %dma_wait3A_300 = tpu.memref_slice %arg7[%add3A_292, %dma_wait3A_299] : memref<100x100xi32, #tpu.memory_space<vmem>> -> memref<1x100xi32, #tpu.memory_space<vmem>>
      %dma_wait3A_301 = tpu.memref_squeeze %dma_wait3A_300 : memref<1x100xi32, #tpu.memory_space<vmem>> -> memref<100xi32, #tpu.memory_space<vmem>>
      %dma_wait3A_302 = arith.constant 0 : i32
      %dma_wait3A_303 = arith.constant 0 : i32
      %dma_wait3A_304 = tpu.memref_slice %arg10[%dma_wait3A_302, %dma_wait3A_303] : memref<10000x128xf32, #tpu.memory_space<vmem_shared>> -> memref<10000x128xf32, #tpu.memory_space<vmem_shared>>
      tpu.wait_indirect_dma semaphore(%arg13 : memref<!tpu.dma_semaphore, #tpu.memory_space<semaphore_mem>>) src(%arg8 : memref<100x128xf32, #tpu.memory_space<vmem>>) dst(%dma_wait3A_304 : memref<10000x128xf32, #tpu.memory_space<vmem_shared>>)
      %add3A_305 = arith.constant 5 : i32
      %add3A_306 = arith.addi %mul3A_148, %add3A_305 : i32
      %add3A_307 = arith.constant 1 : i32
      %add3A_308 = arith.addi %add3A_306, %add3A_307 : i32
      %dma_start3A_309 = arith.constant 0 : i32
      %dma_start3A_310 = tpu.memref_slice %arg6[%add3A_308, %dma_start3A_309] : memref<100x100xi32, #tpu.memory_space<vmem>> -> memref<1x100xi32, #tpu.memory_space<vmem>>
      %dma_start3A_311 = tpu.memref_squeeze %dma_start3A_310 : memref<1x100xi32, #tpu.memory_space<vmem>> -> memref<100xi32, #tpu.memory_space<vmem>>
      %dma_start3A_312 = arith.constant 0 : i32
      %dma_start3A_313 = arith.constant 0 : i32
      %dma_start3A_314 = tpu.memref_slice %arg2[%dma_start3A_312, %dma_start3A_313] : memref<10000x128xf32, #tpu.memory_space<hbm>> -> memref<10000x128xf32, #tpu.memory_space<hbm>>
      tpu.enqueue_indirect_dma source(%dma_start3A_314 : memref<10000x128xf32, #tpu.memory_space<hbm>>) target(%arg8 : memref<100x128xf32, #tpu.memory_space<vmem>>) offsets(%dma_start3A_311 : memref<100xi32, #tpu.memory_space<vmem>>) semaphore(%arg11 : memref<!tpu.dma_semaphore, #tpu.memory_space<semaphore_mem>>)
      %dma_wait3A_315 = arith.constant 0 : i32
      %dma_wait3A_316 = tpu.memref_slice %arg6[%add3A_278, %dma_wait3A_315] : memref<100x100xi32, #tpu.memory_space<vmem>> -> memref<1x100xi32, #tpu.memory_space<vmem>>
      %dma_wait3A_317 = tpu.memref_squeeze %dma_wait3A_316 : memref<1x100xi32, #tpu.memory_space<vmem>> -> memref<100xi32, #tpu.memory_space<vmem>>
      %dma_wait3A_318 = arith.constant 0 : i32
      %dma_wait3A_319 = arith.constant 0 : i32
      %dma_wait3A_320 = tpu.memref_slice %arg2[%dma_wait3A_318, %dma_wait3A_319] : memref<10000x128xf32, #tpu.memory_space<hbm>> -> memref<10000x128xf32, #tpu.memory_space<hbm>>
      tpu.wait_indirect_dma semaphore(%arg12 : memref<!tpu.dma_semaphore, #tpu.memory_space<semaphore_mem>>) src(%dma_wait3A_320 : memref<10000x128xf32, #tpu.memory_space<hbm>>) dst(%arg9 : memref<100x128xf32, #tpu.memory_space<vmem>>)
      %add3A_321 = arith.constant 5 : i32
      %add3A_322 = arith.addi %mul3A_148, %add3A_321 : i32
      %dma_start3A_323 = arith.constant 0 : i32
      %dma_start3A_324 = tpu.memref_slice %arg7[%add3A_322, %dma_start3A_323] : memref<100x100xi32, #tpu.memory_space<vmem>> -> memref<1x100xi32, #tpu.memory_space<vmem>>
      %dma_start3A_325 = tpu.memref_squeeze %dma_start3A_324 : memref<1x100xi32, #tpu.memory_space<vmem>> -> memref<100xi32, #tpu.memory_space<vmem>>
      %dma_start3A_326 = arith.constant 0 : i32
      %dma_start3A_327 = arith.constant 0 : i32
      %dma_start3A_328 = tpu.memref_slice %arg10[%dma_start3A_326, %dma_start3A_327] : memref<10000x128xf32, #tpu.memory_space<vmem_shared>> -> memref<10000x128xf32, #tpu.memory_space<vmem_shared>>
      tpu.enqueue_indirect_dma source(%arg9 : memref<100x128xf32, #tpu.memory_space<vmem>>) target(%dma_start3A_328 : memref<10000x128xf32, #tpu.memory_space<vmem_shared>>) offsets(%dma_start3A_325 : memref<100xi32, #tpu.memory_space<vmem>>) semaphore(%arg13 : memref<!tpu.dma_semaphore, #tpu.memory_space<semaphore_mem>>) {add = true}
      %dma_wait3A_329 = arith.constant 0 : i32
      %dma_wait3A_330 = tpu.memref_slice %arg7[%add3A_322, %dma_wait3A_329] : memref<100x100xi32, #tpu.memory_space<vmem>> -> memref<1x100xi32, #tpu.memory_space<vmem>>
      %dma_wait3A_331 = tpu.memref_squeeze %dma_wait3A_330 : memref<1x100xi32, #tpu.memory_space<vmem>> -> memref<100xi32, #tpu.memory_space<vmem>>
      %dma_wait3A_332 = arith.constant 0 : i32
      %dma_wait3A_333 = arith.constant 0 : i32
      %dma_wait3A_334 = tpu.memref_slice %arg10[%dma_wait3A_332, %dma_wait3A_333] : memref<10000x128xf32, #tpu.memory_space<vmem_shared>> -> memref<10000x128xf32, #tpu.memory_space<vmem_shared>>
      tpu.wait_indirect_dma semaphore(%arg13 : memref<!tpu.dma_semaphore, #tpu.memory_space<semaphore_mem>>) src(%arg9 : memref<100x128xf32, #tpu.memory_space<vmem>>) dst(%dma_wait3A_334 : memref<10000x128xf32, #tpu.memory_space<vmem_shared>>)
      %add3A_335 = arith.constant 6 : i32
      %add3A_336 = arith.addi %mul3A_148, %add3A_335 : i32
      %add3A_337 = arith.constant 1 : i32
      %add3A_338 = arith.addi %add3A_336, %add3A_337 : i32
      %dma_start3A_339 = arith.constant 0 : i32
      %dma_start3A_340 = tpu.memref_slice %arg6[%add3A_338, %dma_start3A_339] : memref<100x100xi32, #tpu.memory_space<vmem>> -> memref<1x100xi32, #tpu.memory_space<vmem>>
      %dma_start3A_341 = tpu.memref_squeeze %dma_start3A_340 : memref<1x100xi32, #tpu.memory_space<vmem>> -> memref<100xi32, #tpu.memory_space<vmem>>
      %dma_start3A_342 = arith.constant 0 : i32
      %dma_start3A_343 = arith.constant 0 : i32
      %dma_start3A_344 = tpu.memref_slice %arg2[%dma_start3A_342, %dma_start3A_343] : memref<10000x128xf32, #tpu.memory_space<hbm>> -> memref<10000x128xf32, #tpu.memory_space<hbm>>
      tpu.enqueue_indirect_dma source(%dma_start3A_344 : memref<10000x128xf32, #tpu.memory_space<hbm>>) target(%arg9 : memref<100x128xf32, #tpu.memory_space<vmem>>) offsets(%dma_start3A_341 : memref<100xi32, #tpu.memory_space<vmem>>) semaphore(%arg12 : memref<!tpu.dma_semaphore, #tpu.memory_space<semaphore_mem>>)
      %dma_wait3A_345 = arith.constant 0 : i32
      %dma_wait3A_346 = tpu.memref_slice %arg6[%add3A_308, %dma_wait3A_345] : memref<100x100xi32, #tpu.memory_space<vmem>> -> memref<1x100xi32, #tpu.memory_space<vmem>>
      %dma_wait3A_347 = tpu.memref_squeeze %dma_wait3A_346 : memref<1x100xi32, #tpu.memory_space<vmem>> -> memref<100xi32, #tpu.memory_space<vmem>>
      %dma_wait3A_348 = arith.constant 0 : i32
      %dma_wait3A_349 = arith.constant 0 : i32
      %dma_wait3A_350 = tpu.memref_slice %arg2[%dma_wait3A_348, %dma_wait3A_349] : memref<10000x128xf32, #tpu.memory_space<hbm>> -> memref<10000x128xf32, #tpu.memory_space<hbm>>
      tpu.wait_indirect_dma semaphore(%arg11 : memref<!tpu.dma_semaphore, #tpu.memory_space<semaphore_mem>>) src(%dma_wait3A_350 : memref<10000x128xf32, #tpu.memory_space<hbm>>) dst(%arg8 : memref<100x128xf32, #tpu.memory_space<vmem>>)
      %add3A_351 = arith.constant 6 : i32
      %add3A_352 = arith.addi %mul3A_148, %add3A_351 : i32
      %dma_start3A_353 = arith.constant 0 : i32
      %dma_start3A_354 = tpu.memref_slice %arg7[%add3A_352, %dma_start3A_353] : memref<100x100xi32, #tpu.memory_space<vmem>> -> memref<1x100xi32, #tpu.memory_space<vmem>>
      %dma_start3A_355 = tpu.memref_squeeze %dma_start3A_354 : memref<1x100xi32, #tpu.memory_space<vmem>> -> memref<100xi32, #tpu.memory_space<vmem>>
      %dma_start3A_356 = arith.constant 0 : i32
      %dma_start3A_357 = arith.constant 0 : i32
      %dma_start3A_358 = tpu.memref_slice %arg10[%dma_start3A_356, %dma_start3A_357] : memref<10000x128xf32, #tpu.memory_space<vmem_shared>> -> memref<10000x128xf32, #tpu.memory_space<vmem_shared>>
      tpu.enqueue_indirect_dma source(%arg8 : memref<100x128xf32, #tpu.memory_space<vmem>>) target(%dma_start3A_358 : memref<10000x128xf32, #tpu.memory_space<vmem_shared>>) offsets(%dma_start3A_355 : memref<100xi32, #tpu.memory_space<vmem>>) semaphore(%arg13 : memref<!tpu.dma_semaphore, #tpu.memory_space<semaphore_mem>>) {add = true}
      %dma_wait3A_359 = arith.constant 0 : i32
      %dma_wait3A_360 = tpu.memref_slice %arg7[%add3A_352, %dma_wait3A_359] : memref<100x100xi32, #tpu.memory_space<vmem>> -> memref<1x100xi32, #tpu.memory_space<vmem>>
      %dma_wait3A_361 = tpu.memref_squeeze %dma_wait3A_360 : memref<1x100xi32, #tpu.memory_space<vmem>> -> memref<100xi32, #tpu.memory_space<vmem>>
      %dma_wait3A_362 = arith.constant 0 : i32
      %dma_wait3A_363 = arith.constant 0 : i32
      %dma_wait3A_364 = tpu.memref_slice %arg10[%dma_wait3A_362, %dma_wait3A_363] : memref<10000x128xf32, #tpu.memory_space<vmem_shared>> -> memref<10000x128xf32, #tpu.memory_space<vmem_shared>>
      tpu.wait_indirect_dma semaphore(%arg13 : memref<!tpu.dma_semaphore, #tpu.memory_space<semaphore_mem>>) src(%arg8 : memref<100x128xf32, #tpu.memory_space<vmem>>) dst(%dma_wait3A_364 : memref<10000x128xf32, #tpu.memory_space<vmem_shared>>)
      %add3A_365 = arith.constant 7 : i32
      %add3A_366 = arith.addi %mul3A_148, %add3A_365 : i32
      %add3A_367 = arith.constant 1 : i32
      %add3A_368 = arith.addi %add3A_366, %add3A_367 : i32
      %dma_start3A_369 = arith.constant 0 : i32
      %dma_start3A_370 = tpu.memref_slice %arg6[%add3A_368, %dma_start3A_369] : memref<100x100xi32, #tpu.memory_space<vmem>> -> memref<1x100xi32, #tpu.memory_space<vmem>>
      %dma_start3A_371 = tpu.memref_squeeze %dma_start3A_370 : memref<1x100xi32, #tpu.memory_space<vmem>> -> memref<100xi32, #tpu.memory_space<vmem>>
      %dma_start3A_372 = arith.constant 0 : i32
      %dma_start3A_373 = arith.constant 0 : i32
      %dma_start3A_374 = tpu.memref_slice %arg2[%dma_start3A_372, %dma_start3A_373] : memref<10000x128xf32, #tpu.memory_space<hbm>> -> memref<10000x128xf32, #tpu.memory_space<hbm>>
      tpu.enqueue_indirect_dma source(%dma_start3A_374 : memref<10000x128xf32, #tpu.memory_space<hbm>>) target(%arg8 : memref<100x128xf32, #tpu.memory_space<vmem>>) offsets(%dma_start3A_371 : memref<100xi32, #tpu.memory_space<vmem>>) semaphore(%arg11 : memref<!tpu.dma_semaphore, #tpu.memory_space<semaphore_mem>>)
      %dma_wait3A_375 = arith.constant 0 : i32
      %dma_wait3A_376 = tpu.memref_slice %arg6[%add3A_338, %dma_wait3A_375] : memref<100x100xi32, #tpu.memory_space<vmem>> -> memref<1x100xi32, #tpu.memory_space<vmem>>
      %dma_wait3A_377 = tpu.memref_squeeze %dma_wait3A_376 : memref<1x100xi32, #tpu.memory_space<vmem>> -> memref<100xi32, #tpu.memory_space<vmem>>
      %dma_wait3A_378 = arith.constant 0 : i32
      %dma_wait3A_379 = arith.constant 0 : i32
      %dma_wait3A_380 = tpu.memref_slice %arg2[%dma_wait3A_378, %dma_wait3A_379] : memref<10000x128xf32, #tpu.memory_space<hbm>> -> memref<10000x128xf32, #tpu.memory_space<hbm>>
      tpu.wait_indirect_dma semaphore(%arg12 : memref<!tpu.dma_semaphore, #tpu.memory_space<semaphore_mem>>) src(%dma_wait3A_380 : memref<10000x128xf32, #tpu.memory_space<hbm>>) dst(%arg9 : memref<100x128xf32, #tpu.memory_space<vmem>>)
      %add3A_381 = arith.constant 7 : i32
      %add3A_382 = arith.addi %mul3A_148, %add3A_381 : i32
      %dma_start3A_383 = arith.constant 0 : i32
      %dma_start3A_384 = tpu.memref_slice %arg7[%add3A_382, %dma_start3A_383] : memref<100x100xi32, #tpu.memory_space<vmem>> -> memref<1x100xi32, #tpu.memory_space<vmem>>
      %dma_start3A_385 = tpu.memref_squeeze %dma_start3A_384 : memref<1x100xi32, #tpu.memory_space<vmem>> -> memref<100xi32, #tpu.memory_space<vmem>>
      %dma_start3A_386 = arith.constant 0 : i32
      %dma_start3A_387 = arith.constant 0 : i32
      %dma_start3A_388 = tpu.memref_slice %arg10[%dma_start3A_386, %dma_start3A_387] : memref<10000x128xf32, #tpu.memory_space<vmem_shared>> -> memref<10000x128xf32, #tpu.memory_space<vmem_shared>>
      tpu.enqueue_indirect_dma source(%arg9 : memref<100x128xf32, #tpu.memory_space<vmem>>) target(%dma_start3A_388 : memref<10000x128xf32, #tpu.memory_space<vmem_shared>>) offsets(%dma_start3A_385 : memref<100xi32, #tpu.memory_space<vmem>>) semaphore(%arg13 : memref<!tpu.dma_semaphore, #tpu.memory_space<semaphore_mem>>) {add = true}
      %dma_wait3A_389 = arith.constant 0 : i32
      %dma_wait3A_390 = tpu.memref_slice %arg7[%add3A_382, %dma_wait3A_389] : memref<100x100xi32, #tpu.memory_space<vmem>> -> memref<1x100xi32, #tpu.memory_space<vmem>>
      %dma_wait3A_391 = tpu.memref_squeeze %dma_wait3A_390 : memref<1x100xi32, #tpu.memory_space<vmem>> -> memref<100xi32, #tpu.memory_space<vmem>>
      %dma_wait3A_392 = arith.constant 0 : i32
      %dma_wait3A_393 = arith.constant 0 : i32
      %dma_wait3A_394 = tpu.memref_slice %arg10[%dma_wait3A_392, %dma_wait3A_393] : memref<10000x128xf32, #tpu.memory_space<vmem_shared>> -> memref<10000x128xf32, #tpu.memory_space<vmem_shared>>
      tpu.wait_indirect_dma semaphore(%arg13 : memref<!tpu.dma_semaphore, #tpu.memory_space<semaphore_mem>>) src(%arg9 : memref<100x128xf32, #tpu.memory_space<vmem>>) dst(%dma_wait3A_394 : memref<10000x128xf32, #tpu.memory_space<vmem_shared>>)
      %add3A_395 = arith.constant 8 : i32
      %add3A_396 = arith.addi %mul3A_148, %add3A_395 : i32
      %add3A_397 = arith.constant 1 : i32
      %add3A_398 = arith.addi %add3A_396, %add3A_397 : i32
      %dma_start3A_399 = arith.constant 0 : i32
      %dma_start3A_400 = tpu.memref_slice %arg6[%add3A_398, %dma_start3A_399] : memref<100x100xi32, #tpu.memory_space<vmem>> -> memref<1x100xi32, #tpu.memory_space<vmem>>
      %dma_start3A_401 = tpu.memref_squeeze %dma_start3A_400 : memref<1x100xi32, #tpu.memory_space<vmem>> -> memref<100xi32, #tpu.memory_space<vmem>>
      %dma_start3A_402 = arith.constant 0 : i32
      %dma_start3A_403 = arith.constant 0 : i32
      %dma_start3A_404 = tpu.memref_slice %arg2[%dma_start3A_402, %dma_start3A_403] : memref<10000x128xf32, #tpu.memory_space<hbm>> -> memref<10000x128xf32, #tpu.memory_space<hbm>>
      tpu.enqueue_indirect_dma source(%dma_start3A_404 : memref<10000x128xf32, #tpu.memory_space<hbm>>) target(%arg9 : memref<100x128xf32, #tpu.memory_space<vmem>>) offsets(%dma_start3A_401 : memref<100xi32, #tpu.memory_space<vmem>>) semaphore(%arg12 : memref<!tpu.dma_semaphore, #tpu.memory_space<semaphore_mem>>)
      %dma_wait3A_405 = arith.constant 0 : i32
      %dma_wait3A_406 = tpu.memref_slice %arg6[%add3A_368, %dma_wait3A_405] : memref<100x100xi32, #tpu.memory_space<vmem>> -> memref<1x100xi32, #tpu.memory_space<vmem>>
      %dma_wait3A_407 = tpu.memref_squeeze %dma_wait3A_406 : memref<1x100xi32, #tpu.memory_space<vmem>> -> memref<100xi32, #tpu.memory_space<vmem>>
      %dma_wait3A_408 = arith.constant 0 : i32
      %dma_wait3A_409 = arith.constant 0 : i32
      %dma_wait3A_410 = tpu.memref_slice %arg2[%dma_wait3A_408, %dma_wait3A_409] : memref<10000x128xf32, #tpu.memory_space<hbm>> -> memref<10000x128xf32, #tpu.memory_space<hbm>>
      tpu.wait_indirect_dma semaphore(%arg11 : memref<!tpu.dma_semaphore, #tpu.memory_space<semaphore_mem>>) src(%dma_wait3A_410 : memref<10000x128xf32, #tpu.memory_space<hbm>>) dst(%arg8 : memref<100x128xf32, #tpu.memory_space<vmem>>)
      %add3A_411 = arith.constant 8 : i32
      %add3A_412 = arith.addi %mul3A_148, %add3A_411 : i32
      %dma_start3A_413 = arith.constant 0 : i32
      %dma_start3A_414 = tpu.memref_slice %arg7[%add3A_412, %dma_start3A_413] : memref<100x100xi32, #tpu.memory_space<vmem>> -> memref<1x100xi32, #tpu.memory_space<vmem>>
      %dma_start3A_415 = tpu.memref_squeeze %dma_start3A_414 : memref<1x100xi32, #tpu.memory_space<vmem>> -> memref<100xi32, #tpu.memory_space<vmem>>
      %dma_start3A_416 = arith.constant 0 : i32
      %dma_start3A_417 = arith.constant 0 : i32
      %dma_start3A_418 = tpu.memref_slice %arg10[%dma_start3A_416, %dma_start3A_417] : memref<10000x128xf32, #tpu.memory_space<vmem_shared>> -> memref<10000x128xf32, #tpu.memory_space<vmem_shared>>
      tpu.enqueue_indirect_dma source(%arg8 : memref<100x128xf32, #tpu.memory_space<vmem>>) target(%dma_start3A_418 : memref<10000x128xf32, #tpu.memory_space<vmem_shared>>) offsets(%dma_start3A_415 : memref<100xi32, #tpu.memory_space<vmem>>) semaphore(%arg13 : memref<!tpu.dma_semaphore, #tpu.memory_space<semaphore_mem>>) {add = true}
      %dma_wait3A_419 = arith.constant 0 : i32
      %dma_wait3A_420 = tpu.memref_slice %arg7[%add3A_412, %dma_wait3A_419] : memref<100x100xi32, #tpu.memory_space<vmem>> -> memref<1x100xi32, #tpu.memory_space<vmem>>
      %dma_wait3A_421 = tpu.memref_squeeze %dma_wait3A_420 : memref<1x100xi32, #tpu.memory_space<vmem>> -> memref<100xi32, #tpu.memory_space<vmem>>
      %dma_wait3A_422 = arith.constant 0 : i32
      %dma_wait3A_423 = arith.constant 0 : i32
      %dma_wait3A_424 = tpu.memref_slice %arg10[%dma_wait3A_422, %dma_wait3A_423] : memref<10000x128xf32, #tpu.memory_space<vmem_shared>> -> memref<10000x128xf32, #tpu.memory_space<vmem_shared>>
      tpu.wait_indirect_dma semaphore(%arg13 : memref<!tpu.dma_semaphore, #tpu.memory_space<semaphore_mem>>) src(%arg8 : memref<100x128xf32, #tpu.memory_space<vmem>>) dst(%dma_wait3A_424 : memref<10000x128xf32, #tpu.memory_space<vmem_shared>>)
      %add3A_425 = arith.constant 9 : i32
      %add3A_426 = arith.addi %mul3A_148, %add3A_425 : i32
      %add3A_427 = arith.constant 1 : i32
      %add3A_428 = arith.addi %add3A_426, %add3A_427 : i32
      %dma_start3A_429 = arith.constant 0 : i32
      %dma_start3A_430 = tpu.memref_slice %arg6[%add3A_428, %dma_start3A_429] : memref<100x100xi32, #tpu.memory_space<vmem>> -> memref<1x100xi32, #tpu.memory_space<vmem>>
      %dma_start3A_431 = tpu.memref_squeeze %dma_start3A_430 : memref<1x100xi32, #tpu.memory_space<vmem>> -> memref<100xi32, #tpu.memory_space<vmem>>
      %dma_start3A_432 = arith.constant 0 : i32
      %dma_start3A_433 = arith.constant 0 : i32
      %dma_start3A_434 = tpu.memref_slice %arg2[%dma_start3A_432, %dma_start3A_433] : memref<10000x128xf32, #tpu.memory_space<hbm>> -> memref<10000x128xf32, #tpu.memory_space<hbm>>
      tpu.enqueue_indirect_dma source(%dma_start3A_434 : memref<10000x128xf32, #tpu.memory_space<hbm>>) target(%arg8 : memref<100x128xf32, #tpu.memory_space<vmem>>) offsets(%dma_start3A_431 : memref<100xi32, #tpu.memory_space<vmem>>) semaphore(%arg11 : memref<!tpu.dma_semaphore, #tpu.memory_space<semaphore_mem>>)
      %dma_wait3A_435 = arith.constant 0 : i32
      %dma_wait3A_436 = tpu.memref_slice %arg6[%add3A_398, %dma_wait3A_435] : memref<100x100xi32, #tpu.memory_space<vmem>> -> memref<1x100xi32, #tpu.memory_space<vmem>>
      %dma_wait3A_437 = tpu.memref_squeeze %dma_wait3A_436 : memref<1x100xi32, #tpu.memory_space<vmem>> -> memref<100xi32, #tpu.memory_space<vmem>>
      %dma_wait3A_438 = arith.constant 0 : i32
      %dma_wait3A_439 = arith.constant 0 : i32
      %dma_wait3A_440 = tpu.memref_slice %arg2[%dma_wait3A_438, %dma_wait3A_439] : memref<10000x128xf32, #tpu.memory_space<hbm>> -> memref<10000x128xf32, #tpu.memory_space<hbm>>
      tpu.wait_indirect_dma semaphore(%arg12 : memref<!tpu.dma_semaphore, #tpu.memory_space<semaphore_mem>>) src(%dma_wait3A_440 : memref<10000x128xf32, #tpu.memory_space<hbm>>) dst(%arg9 : memref<100x128xf32, #tpu.memory_space<vmem>>)
      %add3A_441 = arith.constant 9 : i32
      %add3A_442 = arith.addi %mul3A_148, %add3A_441 : i32
      %dma_start3A_443 = arith.constant 0 : i32
      %dma_start3A_444 = tpu.memref_slice %arg7[%add3A_442, %dma_start3A_443] : memref<100x100xi32, #tpu.memory_space<vmem>> -> memref<1x100xi32, #tpu.memory_space<vmem>>
      %dma_start3A_445 = tpu.memref_squeeze %dma_start3A_444 : memref<1x100xi32, #tpu.memory_space<vmem>> -> memref<100xi32, #tpu.memory_space<vmem>>
      %dma_start3A_446 = arith.constant 0 : i32
      %dma_start3A_447 = arith.constant 0 : i32
      %dma_start3A_448 = tpu.memref_slice %arg10[%dma_start3A_446, %dma_start3A_447] : memref<10000x128xf32, #tpu.memory_space<vmem_shared>> -> memref<10000x128xf32, #tpu.memory_space<vmem_shared>>
      tpu.enqueue_indirect_dma source(%arg9 : memref<100x128xf32, #tpu.memory_space<vmem>>) target(%dma_start3A_448 : memref<10000x128xf32, #tpu.memory_space<vmem_shared>>) offsets(%dma_start3A_445 : memref<100xi32, #tpu.memory_space<vmem>>) semaphore(%arg13 : memref<!tpu.dma_semaphore, #tpu.memory_space<semaphore_mem>>) {add = true}
      %dma_wait3A_449 = arith.constant 0 : i32
      %dma_wait3A_450 = tpu.memref_slice %arg7[%add3A_442, %dma_wait3A_449] : memref<100x100xi32, #tpu.memory_space<vmem>> -> memref<1x100xi32, #tpu.memory_space<vmem>>
      %dma_wait3A_451 = tpu.memref_squeeze %dma_wait3A_450 : memref<1x100xi32, #tpu.memory_space<vmem>> -> memref<100xi32, #tpu.memory_space<vmem>>
      %dma_wait3A_452 = arith.constant 0 : i32
      %dma_wait3A_453 = arith.constant 0 : i32
      %dma_wait3A_454 = tpu.memref_slice %arg10[%dma_wait3A_452, %dma_wait3A_453] : memref<10000x128xf32, #tpu.memory_space<vmem_shared>> -> memref<10000x128xf32, #tpu.memory_space<vmem_shared>>
      tpu.wait_indirect_dma semaphore(%arg13 : memref<!tpu.dma_semaphore, #tpu.memory_space<semaphore_mem>>) src(%arg9 : memref<100x128xf32, #tpu.memory_space<vmem>>) dst(%dma_wait3A_454 : memref<10000x128xf32, #tpu.memory_space<vmem_shared>>)
      %add3A_455 = arith.constant 10 : i32
      %add3A_456 = arith.addi %mul3A_148, %add3A_455 : i32
      %add3A_457 = arith.constant 1 : i32
      %add3A_458 = arith.addi %add3A_456, %add3A_457 : i32
      %dma_start3A_459 = arith.constant 0 : i32
      %dma_start3A_460 = tpu.memref_slice %arg6[%add3A_458, %dma_start3A_459] : memref<100x100xi32, #tpu.memory_space<vmem>> -> memref<1x100xi32, #tpu.memory_space<vmem>>
      %dma_start3A_461 = tpu.memref_squeeze %dma_start3A_460 : memref<1x100xi32, #tpu.memory_space<vmem>> -> memref<100xi32, #tpu.memory_space<vmem>>
      %dma_start3A_462 = arith.constant 0 : i32
      %dma_start3A_463 = arith.constant 0 : i32
      %dma_start3A_464 = tpu.memref_slice %arg2[%dma_start3A_462, %dma_start3A_463] : memref<10000x128xf32, #tpu.memory_space<hbm>> -> memref<10000x128xf32, #tpu.memory_space<hbm>>
      tpu.enqueue_indirect_dma source(%dma_start3A_464 : memref<10000x128xf32, #tpu.memory_space<hbm>>) target(%arg9 : memref<100x128xf32, #tpu.memory_space<vmem>>) offsets(%dma_start3A_461 : memref<100xi32, #tpu.memory_space<vmem>>) semaphore(%arg12 : memref<!tpu.dma_semaphore, #tpu.memory_space<semaphore_mem>>)
      %dma_wait3A_465 = arith.constant 0 : i32
      %dma_wait3A_466 = tpu.memref_slice %arg6[%add3A_428, %dma_wait3A_465] : memref<100x100xi32, #tpu.memory_space<vmem>> -> memref<1x100xi32, #tpu.memory_space<vmem>>
      %dma_wait3A_467 = tpu.memref_squeeze %dma_wait3A_466 : memref<1x100xi32, #tpu.memory_space<vmem>> -> memref<100xi32, #tpu.memory_space<vmem>>
      %dma_wait3A_468 = arith.constant 0 : i32
      %dma_wait3A_469 = arith.constant 0 : i32
      %dma_wait3A_470 = tpu.memref_slice %arg2[%dma_wait3A_468, %dma_wait3A_469] : memref<10000x128xf32, #tpu.memory_space<hbm>> -> memref<10000x128xf32, #tpu.memory_space<hbm>>
      tpu.wait_indirect_dma semaphore(%arg11 : memref<!tpu.dma_semaphore, #tpu.memory_space<semaphore_mem>>) src(%dma_wait3A_470 : memref<10000x128xf32, #tpu.memory_space<hbm>>) dst(%arg8 : memref<100x128xf32, #tpu.memory_space<vmem>>)
      %add3A_471 = arith.constant 10 : i32
      %add3A_472 = arith.addi %mul3A_148, %add3A_471 : i32
      %dma_start3A_473 = arith.constant 0 : i32
      %dma_start3A_474 = tpu.memref_slice %arg7[%add3A_472, %dma_start3A_473] : memref<100x100xi32, #tpu.memory_space<vmem>> -> memref<1x100xi32, #tpu.memory_space<vmem>>
      %dma_start3A_475 = tpu.memref_squeeze %dma_start3A_474 : memref<1x100xi32, #tpu.memory_space<vmem>> -> memref<100xi32, #tpu.memory_space<vmem>>
      %dma_start3A_476 = arith.constant 0 : i32
      %dma_start3A_477 = arith.constant 0 : i32
      %dma_start3A_478 = tpu.memref_slice %arg10[%dma_start3A_476, %dma_start3A_477] : memref<10000x128xf32, #tpu.memory_space<vmem_shared>> -> memref<10000x128xf32, #tpu.memory_space<vmem_shared>>
      tpu.enqueue_indirect_dma source(%arg8 : memref<100x128xf32, #tpu.memory_space<vmem>>) target(%dma_start3A_478 : memref<10000x128xf32, #tpu.memory_space<vmem_shared>>) offsets(%dma_start3A_475 : memref<100xi32, #tpu.memory_space<vmem>>) semaphore(%arg13 : memref<!tpu.dma_semaphore, #tpu.memory_space<semaphore_mem>>) {add = true}
      %dma_wait3A_479 = arith.constant 0 : i32
      %dma_wait3A_480 = tpu.memref_slice %arg7[%add3A_472, %dma_wait3A_479] : memref<100x100xi32, #tpu.memory_space<vmem>> -> memref<1x100xi32, #tpu.memory_space<vmem>>
      %dma_wait3A_481 = tpu.memref_squeeze %dma_wait3A_480 : memref<1x100xi32, #tpu.memory_space<vmem>> -> memref<100xi32, #tpu.memory_space<vmem>>
      %dma_wait3A_482 = arith.constant 0 : i32
      %dma_wait3A_483 = arith.constant 0 : i32
      %dma_wait3A_484 = tpu.memref_slice %arg10[%dma_wait3A_482, %dma_wait3A_483] : memref<10000x128xf32, #tpu.memory_space<vmem_shared>> -> memref<10000x128xf32, #tpu.memory_space<vmem_shared>>
      tpu.wait_indirect_dma semaphore(%arg13 : memref<!tpu.dma_semaphore, #tpu.memory_space<semaphore_mem>>) src(%arg8 : memref<100x128xf32, #tpu.memory_space<vmem>>) dst(%dma_wait3A_484 : memref<10000x128xf32, #tpu.memory_space<vmem_shared>>)
      %add3A_485 = arith.constant 11 : i32
      %add3A_486 = arith.addi %mul3A_148, %add3A_485 : i32
      %add3A_487 = arith.constant 1 : i32
      %add3A_488 = arith.addi %add3A_486, %add3A_487 : i32
      %dma_start3A_489 = arith.constant 0 : i32
      %dma_start3A_490 = tpu.memref_slice %arg6[%add3A_488, %dma_start3A_489] : memref<100x100xi32, #tpu.memory_space<vmem>> -> memref<1x100xi32, #tpu.memory_space<vmem>>
      %dma_start3A_491 = tpu.memref_squeeze %dma_start3A_490 : memref<1x100xi32, #tpu.memory_space<vmem>> -> memref<100xi32, #tpu.memory_space<vmem>>
      %dma_start3A_492 = arith.constant 0 : i32
      %dma_start3A_493 = arith.constant 0 : i32
      %dma_start3A_494 = tpu.memref_slice %arg2[%dma_start3A_492, %dma_start3A_493] : memref<10000x128xf32, #tpu.memory_space<hbm>> -> memref<10000x128xf32, #tpu.memory_space<hbm>>
      tpu.enqueue_indirect_dma source(%dma_start3A_494 : memref<10000x128xf32, #tpu.memory_space<hbm>>) target(%arg8 : memref<100x128xf32, #tpu.memory_space<vmem>>) offsets(%dma_start3A_491 : memref<100xi32, #tpu.memory_space<vmem>>) semaphore(%arg11 : memref<!tpu.dma_semaphore, #tpu.memory_space<semaphore_mem>>)
      %dma_wait3A_495 = arith.constant 0 : i32
      %dma_wait3A_496 = tpu.memref_slice %arg6[%add3A_458, %dma_wait3A_495] : memref<100x100xi32, #tpu.memory_space<vmem>> -> memref<1x100xi32, #tpu.memory_space<vmem>>
      %dma_wait3A_497 = tpu.memref_squeeze %dma_wait3A_496 : memref<1x100xi32, #tpu.memory_space<vmem>> -> memref<100xi32, #tpu.memory_space<vmem>>
      %dma_wait3A_498 = arith.constant 0 : i32
      %dma_wait3A_499 = arith.constant 0 : i32
      %dma_wait3A_500 = tpu.memref_slice %arg2[%dma_wait3A_498, %dma_wait3A_499] : memref<10000x128xf32, #tpu.memory_space<hbm>> -> memref<10000x128xf32, #tpu.memory_space<hbm>>
      tpu.wait_indirect_dma semaphore(%arg12 : memref<!tpu.dma_semaphore, #tpu.memory_space<semaphore_mem>>) src(%dma_wait3A_500 : memref<10000x128xf32, #tpu.memory_space<hbm>>) dst(%arg9 : memref<100x128xf32, #tpu.memory_space<vmem>>)
      %add3A_501 = arith.constant 11 : i32
      %add3A_502 = arith.addi %mul3A_148, %add3A_501 : i32
      %dma_start3A_503 = arith.constant 0 : i32
      %dma_start3A_504 = tpu.memref_slice %arg7[%add3A_502, %dma_start3A_503] : memref<100x100xi32, #tpu.memory_space<vmem>> -> memref<1x100xi32, #tpu.memory_space<vmem>>
      %dma_start3A_505 = tpu.memref_squeeze %dma_start3A_504 : memref<1x100xi32, #tpu.memory_space<vmem>> -> memref<100xi32, #tpu.memory_space<vmem>>
      %dma_start3A_506 = arith.constant 0 : i32
      %dma_start3A_507 = arith.constant 0 : i32
      %dma_start3A_508 = tpu.memref_slice %arg10[%dma_start3A_506, %dma_start3A_507] : memref<10000x128xf32, #tpu.memory_space<vmem_shared>> -> memref<10000x128xf32, #tpu.memory_space<vmem_shared>>
      tpu.enqueue_indirect_dma source(%arg9 : memref<100x128xf32, #tpu.memory_space<vmem>>) target(%dma_start3A_508 : memref<10000x128xf32, #tpu.memory_space<vmem_shared>>) offsets(%dma_start3A_505 : memref<100xi32, #tpu.memory_space<vmem>>) semaphore(%arg13 : memref<!tpu.dma_semaphore, #tpu.memory_space<semaphore_mem>>) {add = true}
      %dma_wait3A_509 = arith.constant 0 : i32
      %dma_wait3A_510 = tpu.memref_slice %arg7[%add3A_502, %dma_wait3A_509] : memref<100x100xi32, #tpu.memory_space<vmem>> -> memref<1x100xi32, #tpu.memory_space<vmem>>
      %dma_wait3A_511 = tpu.memref_squeeze %dma_wait3A_510 : memref<1x100xi32, #tpu.memory_space<vmem>> -> memref<100xi32, #tpu.memory_space<vmem>>
      %dma_wait3A_512 = arith.constant 0 : i32
      %dma_wait3A_513 = arith.constant 0 : i32
      %dma_wait3A_514 = tpu.memref_slice %arg10[%dma_wait3A_512, %dma_wait3A_513] : memref<10000x128xf32, #tpu.memory_space<vmem_shared>> -> memref<10000x128xf32, #tpu.memory_space<vmem_shared>>
      tpu.wait_indirect_dma semaphore(%arg13 : memref<!tpu.dma_semaphore, #tpu.memory_space<semaphore_mem>>) src(%arg9 : memref<100x128xf32, #tpu.memory_space<vmem>>) dst(%dma_wait3A_514 : memref<10000x128xf32, #tpu.memory_space<vmem_shared>>)
      %add3A_515 = arith.constant 12 : i32
      %add3A_516 = arith.addi %mul3A_148, %add3A_515 : i32
      %add3A_517 = arith.constant 1 : i32
      %add3A_518 = arith.addi %add3A_516, %add3A_517 : i32
      %dma_start3A_519 = arith.constant 0 : i32
      %dma_start3A_520 = tpu.memref_slice %arg6[%add3A_518, %dma_start3A_519] : memref<100x100xi32, #tpu.memory_space<vmem>> -> memref<1x100xi32, #tpu.memory_space<vmem>>
      %dma_start3A_521 = tpu.memref_squeeze %dma_start3A_520 : memref<1x100xi32, #tpu.memory_space<vmem>> -> memref<100xi32, #tpu.memory_space<vmem>>
      %dma_start3A_522 = arith.constant 0 : i32
      %dma_start3A_523 = arith.constant 0 : i32
      %dma_start3A_524 = tpu.memref_slice %arg2[%dma_start3A_522, %dma_start3A_523] : memref<10000x128xf32, #tpu.memory_space<hbm>> -> memref<10000x128xf32, #tpu.memory_space<hbm>>
      tpu.enqueue_indirect_dma source(%dma_start3A_524 : memref<10000x128xf32, #tpu.memory_space<hbm>>) target(%arg9 : memref<100x128xf32, #tpu.memory_space<vmem>>) offsets(%dma_start3A_521 : memref<100xi32, #tpu.memory_space<vmem>>) semaphore(%arg12 : memref<!tpu.dma_semaphore, #tpu.memory_space<semaphore_mem>>)
      %dma_wait3A_525 = arith.constant 0 : i32
      %dma_wait3A_526 = tpu.memref_slice %arg6[%add3A_488, %dma_wait3A_525] : memref<100x100xi32, #tpu.memory_space<vmem>> -> memref<1x100xi32, #tpu.memory_space<vmem>>
      %dma_wait3A_527 = tpu.memref_squeeze %dma_wait3A_526 : memref<1x100xi32, #tpu.memory_space<vmem>> -> memref<100xi32, #tpu.memory_space<vmem>>
      %dma_wait3A_528 = arith.constant 0 : i32
      %dma_wait3A_529 = arith.constant 0 : i32
      %dma_wait3A_530 = tpu.memref_slice %arg2[%dma_wait3A_528, %dma_wait3A_529] : memref<10000x128xf32, #tpu.memory_space<hbm>> -> memref<10000x128xf32, #tpu.memory_space<hbm>>
      tpu.wait_indirect_dma semaphore(%arg11 : memref<!tpu.dma_semaphore, #tpu.memory_space<semaphore_mem>>) src(%dma_wait3A_530 : memref<10000x128xf32, #tpu.memory_space<hbm>>) dst(%arg8 : memref<100x128xf32, #tpu.memory_space<vmem>>)
      %add3A_531 = arith.constant 12 : i32
      %add3A_532 = arith.addi %mul3A_148, %add3A_531 : i32
      %dma_start3A_533 = arith.constant 0 : i32
      %dma_start3A_534 = tpu.memref_slice %arg7[%add3A_532, %dma_start3A_533] : memref<100x100xi32, #tpu.memory_space<vmem>> -> memref<1x100xi32, #tpu.memory_space<vmem>>
      %dma_start3A_535 = tpu.memref_squeeze %dma_start3A_534 : memref<1x100xi32, #tpu.memory_space<vmem>> -> memref<100xi32, #tpu.memory_space<vmem>>
      %dma_start3A_536 = arith.constant 0 : i32
      %dma_start3A_537 = arith.constant 0 : i32
      %dma_start3A_538 = tpu.memref_slice %arg10[%dma_start3A_536, %dma_start3A_537] : memref<10000x128xf32, #tpu.memory_space<vmem_shared>> -> memref<10000x128xf32, #tpu.memory_space<vmem_shared>>
      tpu.enqueue_indirect_dma source(%arg8 : memref<100x128xf32, #tpu.memory_space<vmem>>) target(%dma_start3A_538 : memref<10000x128xf32, #tpu.memory_space<vmem_shared>>) offsets(%dma_start3A_535 : memref<100xi32, #tpu.memory_space<vmem>>) semaphore(%arg13 : memref<!tpu.dma_semaphore, #tpu.memory_space<semaphore_mem>>) {add = true}
      %dma_wait3A_539 = arith.constant 0 : i32
      %dma_wait3A_540 = tpu.memref_slice %arg7[%add3A_532, %dma_wait3A_539] : memref<100x100xi32, #tpu.memory_space<vmem>> -> memref<1x100xi32, #tpu.memory_space<vmem>>
      %dma_wait3A_541 = tpu.memref_squeeze %dma_wait3A_540 : memref<1x100xi32, #tpu.memory_space<vmem>> -> memref<100xi32, #tpu.memory_space<vmem>>
      %dma_wait3A_542 = arith.constant 0 : i32
      %dma_wait3A_543 = arith.constant 0 : i32
      %dma_wait3A_544 = tpu.memref_slice %arg10[%dma_wait3A_542, %dma_wait3A_543] : memref<10000x128xf32, #tpu.memory_space<vmem_shared>> -> memref<10000x128xf32, #tpu.memory_space<vmem_shared>>
      tpu.wait_indirect_dma semaphore(%arg13 : memref<!tpu.dma_semaphore, #tpu.memory_space<semaphore_mem>>) src(%arg8 : memref<100x128xf32, #tpu.memory_space<vmem>>) dst(%dma_wait3A_544 : memref<10000x128xf32, #tpu.memory_space<vmem_shared>>)
      %add3A_545 = arith.constant 13 : i32
      %add3A_546 = arith.addi %mul3A_148, %add3A_545 : i32
      %add3A_547 = arith.constant 1 : i32
      %add3A_548 = arith.addi %add3A_546, %add3A_547 : i32
      %dma_start3A_549 = arith.constant 0 : i32
      %dma_start3A_550 = tpu.memref_slice %arg6[%add3A_548, %dma_start3A_549] : memref<100x100xi32, #tpu.memory_space<vmem>> -> memref<1x100xi32, #tpu.memory_space<vmem>>
      %dma_start3A_551 = tpu.memref_squeeze %dma_start3A_550 : memref<1x100xi32, #tpu.memory_space<vmem>> -> memref<100xi32, #tpu.memory_space<vmem>>
      %dma_start3A_552 = arith.constant 0 : i32
      %dma_start3A_553 = arith.constant 0 : i32
      %dma_start3A_554 = tpu.memref_slice %arg2[%dma_start3A_552, %dma_start3A_553] : memref<10000x128xf32, #tpu.memory_space<hbm>> -> memref<10000x128xf32, #tpu.memory_space<hbm>>
      tpu.enqueue_indirect_dma source(%dma_start3A_554 : memref<10000x128xf32, #tpu.memory_space<hbm>>) target(%arg8 : memref<100x128xf32, #tpu.memory_space<vmem>>) offsets(%dma_start3A_551 : memref<100xi32, #tpu.memory_space<vmem>>) semaphore(%arg11 : memref<!tpu.dma_semaphore, #tpu.memory_space<semaphore_mem>>)
      %dma_wait3A_555 = arith.constant 0 : i32
      %dma_wait3A_556 = tpu.memref_slice %arg6[%add3A_518, %dma_wait3A_555] : memref<100x100xi32, #tpu.memory_space<vmem>> -> memref<1x100xi32, #tpu.memory_space<vmem>>
      %dma_wait3A_557 = tpu.memref_squeeze %dma_wait3A_556 : memref<1x100xi32, #tpu.memory_space<vmem>> -> memref<100xi32, #tpu.memory_space<vmem>>
      %dma_wait3A_558 = arith.constant 0 : i32
      %dma_wait3A_559 = arith.constant 0 : i32
      %dma_wait3A_560 = tpu.memref_slice %arg2[%dma_wait3A_558, %dma_wait3A_559] : memref<10000x128xf32, #tpu.memory_space<hbm>> -> memref<10000x128xf32, #tpu.memory_space<hbm>>
      tpu.wait_indirect_dma semaphore(%arg12 : memref<!tpu.dma_semaphore, #tpu.memory_space<semaphore_mem>>) src(%dma_wait3A_560 : memref<10000x128xf32, #tpu.memory_space<hbm>>) dst(%arg9 : memref<100x128xf32, #tpu.memory_space<vmem>>)
      %add3A_561 = arith.constant 13 : i32
      %add3A_562 = arith.addi %mul3A_148, %add3A_561 : i32
      %dma_start3A_563 = arith.constant 0 : i32
      %dma_start3A_564 = tpu.memref_slice %arg7[%add3A_562, %dma_start3A_563] : memref<100x100xi32, #tpu.memory_space<vmem>> -> memref<1x100xi32, #tpu.memory_space<vmem>>
      %dma_start3A_565 = tpu.memref_squeeze %dma_start3A_564 : memref<1x100xi32, #tpu.memory_space<vmem>> -> memref<100xi32, #tpu.memory_space<vmem>>
      %dma_start3A_566 = arith.constant 0 : i32
      %dma_start3A_567 = arith.constant 0 : i32
      %dma_start3A_568 = tpu.memref_slice %arg10[%dma_start3A_566, %dma_start3A_567] : memref<10000x128xf32, #tpu.memory_space<vmem_shared>> -> memref<10000x128xf32, #tpu.memory_space<vmem_shared>>
      tpu.enqueue_indirect_dma source(%arg9 : memref<100x128xf32, #tpu.memory_space<vmem>>) target(%dma_start3A_568 : memref<10000x128xf32, #tpu.memory_space<vmem_shared>>) offsets(%dma_start3A_565 : memref<100xi32, #tpu.memory_space<vmem>>) semaphore(%arg13 : memref<!tpu.dma_semaphore, #tpu.memory_space<semaphore_mem>>) {add = true}
      %dma_wait3A_569 = arith.constant 0 : i32
      %dma_wait3A_570 = tpu.memref_slice %arg7[%add3A_562, %dma_wait3A_569] : memref<100x100xi32, #tpu.memory_space<vmem>> -> memref<1x100xi32, #tpu.memory_space<vmem>>
      %dma_wait3A_571 = tpu.memref_squeeze %dma_wait3A_570 : memref<1x100xi32, #tpu.memory_space<vmem>> -> memref<100xi32, #tpu.memory_space<vmem>>
      %dma_wait3A_572 = arith.constant 0 : i32
      %dma_wait3A_573 = arith.constant 0 : i32
      %dma_wait3A_574 = tpu.memref_slice %arg10[%dma_wait3A_572, %dma_wait3A_573] : memref<10000x128xf32, #tpu.memory_space<vmem_shared>> -> memref<10000x128xf32, #tpu.memory_space<vmem_shared>>
      tpu.wait_indirect_dma semaphore(%arg13 : memref<!tpu.dma_semaphore, #tpu.memory_space<semaphore_mem>>) src(%arg9 : memref<100x128xf32, #tpu.memory_space<vmem>>) dst(%dma_wait3A_574 : memref<10000x128xf32, #tpu.memory_space<vmem_shared>>)
      %add3A_575 = arith.constant 14 : i32
      %add3A_576 = arith.addi %mul3A_148, %add3A_575 : i32
      %add3A_577 = arith.constant 1 : i32
      %add3A_578 = arith.addi %add3A_576, %add3A_577 : i32
      %dma_start3A_579 = arith.constant 0 : i32
      %dma_start3A_580 = tpu.memref_slice %arg6[%add3A_578, %dma_start3A_579] : memref<100x100xi32, #tpu.memory_space<vmem>> -> memref<1x100xi32, #tpu.memory_space<vmem>>
      %dma_start3A_581 = tpu.memref_squeeze %dma_start3A_580 : memref<1x100xi32, #tpu.memory_space<vmem>> -> memref<100xi32, #tpu.memory_space<vmem>>
      %dma_start3A_582 = arith.constant 0 : i32
      %dma_start3A_583 = arith.constant 0 : i32
      %dma_start3A_584 = tpu.memref_slice %arg2[%dma_start3A_582, %dma_start3A_583] : memref<10000x128xf32, #tpu.memory_space<hbm>> -> memref<10000x128xf32, #tpu.memory_space<hbm>>
      tpu.enqueue_indirect_dma source(%dma_start3A_584 : memref<10000x128xf32, #tpu.memory_space<hbm>>) target(%arg9 : memref<100x128xf32, #tpu.memory_space<vmem>>) offsets(%dma_start3A_581 : memref<100xi32, #tpu.memory_space<vmem>>) semaphore(%arg12 : memref<!tpu.dma_semaphore, #tpu.memory_space<semaphore_mem>>)
      %dma_wait3A_585 = arith.constant 0 : i32
      %dma_wait3A_586 = tpu.memref_slice %arg6[%add3A_548, %dma_wait3A_585] : memref<100x100xi32, #tpu.memory_space<vmem>> -> memref<1x100xi32, #tpu.memory_space<vmem>>
      %dma_wait3A_587 = tpu.memref_squeeze %dma_wait3A_586 : memref<1x100xi32, #tpu.memory_space<vmem>> -> memref<100xi32, #tpu.memory_space<vmem>>
      %dma_wait3A_588 = arith.constant 0 : i32
      %dma_wait3A_589 = arith.constant 0 : i32
      %dma_wait3A_590 = tpu.memref_slice %arg2[%dma_wait3A_588, %dma_wait3A_589] : memref<10000x128xf32, #tpu.memory_space<hbm>> -> memref<10000x128xf32, #tpu.memory_space<hbm>>
      tpu.wait_indirect_dma semaphore(%arg11 : memref<!tpu.dma_semaphore, #tpu.memory_space<semaphore_mem>>) src(%dma_wait3A_590 : memref<10000x128xf32, #tpu.memory_space<hbm>>) dst(%arg8 : memref<100x128xf32, #tpu.memory_space<vmem>>)
      %add3A_591 = arith.constant 14 : i32
      %add3A_592 = arith.addi %mul3A_148, %add3A_591 : i32
      %dma_start3A_593 = arith.constant 0 : i32
      %dma_start3A_594 = tpu.memref_slice %arg7[%add3A_592, %dma_start3A_593] : memref<100x100xi32, #tpu.memory_space<vmem>> -> memref<1x100xi32, #tpu.memory_space<vmem>>
      %dma_start3A_595 = tpu.memref_squeeze %dma_start3A_594 : memref<1x100xi32, #tpu.memory_space<vmem>> -> memref<100xi32, #tpu.memory_space<vmem>>
      %dma_start3A_596 = arith.constant 0 : i32
      %dma_start3A_597 = arith.constant 0 : i32
      %dma_start3A_598 = tpu.memref_slice %arg10[%dma_start3A_596, %dma_start3A_597] : memref<10000x128xf32, #tpu.memory_space<vmem_shared>> -> memref<10000x128xf32, #tpu.memory_space<vmem_shared>>
      tpu.enqueue_indirect_dma source(%arg8 : memref<100x128xf32, #tpu.memory_space<vmem>>) target(%dma_start3A_598 : memref<10000x128xf32, #tpu.memory_space<vmem_shared>>) offsets(%dma_start3A_595 : memref<100xi32, #tpu.memory_space<vmem>>) semaphore(%arg13 : memref<!tpu.dma_semaphore, #tpu.memory_space<semaphore_mem>>) {add = true}
      %dma_wait3A_599 = arith.constant 0 : i32
      %dma_wait3A_600 = tpu.memref_slice %arg7[%add3A_592, %dma_wait3A_599] : memref<100x100xi32, #tpu.memory_space<vmem>> -> memref<1x100xi32, #tpu.memory_space<vmem>>
      %dma_wait3A_601 = tpu.memref_squeeze %dma_wait3A_600 : memref<1x100xi32, #tpu.memory_space<vmem>> -> memref<100xi32, #tpu.memory_space<vmem>>
      %dma_wait3A_602 = arith.constant 0 : i32
      %dma_wait3A_603 = arith.constant 0 : i32
      %dma_wait3A_604 = tpu.memref_slice %arg10[%dma_wait3A_602, %dma_wait3A_603] : memref<10000x128xf32, #tpu.memory_space<vmem_shared>> -> memref<10000x128xf32, #tpu.memory_space<vmem_shared>>
      tpu.wait_indirect_dma semaphore(%arg13 : memref<!tpu.dma_semaphore, #tpu.memory_space<semaphore_mem>>) src(%arg8 : memref<100x128xf32, #tpu.memory_space<vmem>>) dst(%dma_wait3A_604 : memref<10000x128xf32, #tpu.memory_space<vmem_shared>>)
      %add3A_605 = arith.constant 15 : i32
      %add3A_606 = arith.addi %mul3A_148, %add3A_605 : i32
      %add3A_607 = arith.constant 1 : i32
      %add3A_608 = arith.addi %add3A_606, %add3A_607 : i32
      %dma_start3A_609 = arith.constant 0 : i32
      %dma_start3A_610 = tpu.memref_slice %arg6[%add3A_608, %dma_start3A_609] : memref<100x100xi32, #tpu.memory_space<vmem>> -> memref<1x100xi32, #tpu.memory_space<vmem>>
      %dma_start3A_611 = tpu.memref_squeeze %dma_start3A_610 : memref<1x100xi32, #tpu.memory_space<vmem>> -> memref<100xi32, #tpu.memory_space<vmem>>
      %dma_start3A_612 = arith.constant 0 : i32
      %dma_start3A_613 = arith.constant 0 : i32
      %dma_start3A_614 = tpu.memref_slice %arg2[%dma_start3A_612, %dma_start3A_613] : memref<10000x128xf32, #tpu.memory_space<hbm>> -> memref<10000x128xf32, #tpu.memory_space<hbm>>
      tpu.enqueue_indirect_dma source(%dma_start3A_614 : memref<10000x128xf32, #tpu.memory_space<hbm>>) target(%arg8 : memref<100x128xf32, #tpu.memory_space<vmem>>) offsets(%dma_start3A_611 : memref<100xi32, #tpu.memory_space<vmem>>) semaphore(%arg11 : memref<!tpu.dma_semaphore, #tpu.memory_space<semaphore_mem>>)
      %dma_wait3A_615 = arith.constant 0 : i32
      %dma_wait3A_616 = tpu.memref_slice %arg6[%add3A_578, %dma_wait3A_615] : memref<100x100xi32, #tpu.memory_space<vmem>> -> memref<1x100xi32, #tpu.memory_space<vmem>>
      %dma_wait3A_617 = tpu.memref_squeeze %dma_wait3A_616 : memref<1x100xi32, #tpu.memory_space<vmem>> -> memref<100xi32, #tpu.memory_space<vmem>>
      %dma_wait3A_618 = arith.constant 0 : i32
      %dma_wait3A_619 = arith.constant 0 : i32
      %dma_wait3A_620 = tpu.memref_slice %arg2[%dma_wait3A_618, %dma_wait3A_619] : memref<10000x128xf32, #tpu.memory_space<hbm>> -> memref<10000x128xf32, #tpu.memory_space<hbm>>
      tpu.wait_indirect_dma semaphore(%arg12 : memref<!tpu.dma_semaphore, #tpu.memory_space<semaphore_mem>>) src(%dma_wait3A_620 : memref<10000x128xf32, #tpu.memory_space<hbm>>) dst(%arg9 : memref<100x128xf32, #tpu.memory_space<vmem>>)
      %add3A_621 = arith.constant 15 : i32
      %add3A_622 = arith.addi %mul3A_148, %add3A_621 : i32
      %dma_start3A_623 = arith.constant 0 : i32
      %dma_start3A_624 = tpu.memref_slice %arg7[%add3A_622, %dma_start3A_623] : memref<100x100xi32, #tpu.memory_space<vmem>> -> memref<1x100xi32, #tpu.memory_space<vmem>>
      %dma_start3A_625 = tpu.memref_squeeze %dma_start3A_624 : memref<1x100xi32, #tpu.memory_space<vmem>> -> memref<100xi32, #tpu.memory_space<vmem>>
      %dma_start3A_626 = arith.constant 0 : i32
      %dma_start3A_627 = arith.constant 0 : i32
      %dma_start3A_628 = tpu.memref_slice %arg10[%dma_start3A_626, %dma_start3A_627] : memref<10000x128xf32, #tpu.memory_space<vmem_shared>> -> memref<10000x128xf32, #tpu.memory_space<vmem_shared>>
      tpu.enqueue_indirect_dma source(%arg9 : memref<100x128xf32, #tpu.memory_space<vmem>>) target(%dma_start3A_628 : memref<10000x128xf32, #tpu.memory_space<vmem_shared>>) offsets(%dma_start3A_625 : memref<100xi32, #tpu.memory_space<vmem>>) semaphore(%arg13 : memref<!tpu.dma_semaphore, #tpu.memory_space<semaphore_mem>>) {add = true}
      %dma_wait3A_629 = arith.constant 0 : i32
      %dma_wait3A_630 = tpu.memref_slice %arg7[%add3A_622, %dma_wait3A_629] : memref<100x100xi32, #tpu.memory_space<vmem>> -> memref<1x100xi32, #tpu.memory_space<vmem>>
      %dma_wait3A_631 = tpu.memref_squeeze %dma_wait3A_630 : memref<1x100xi32, #tpu.memory_space<vmem>> -> memref<100xi32, #tpu.memory_space<vmem>>
      %dma_wait3A_632 = arith.constant 0 : i32
      %dma_wait3A_633 = arith.constant 0 : i32
      %dma_wait3A_634 = tpu.memref_slice %arg10[%dma_wait3A_632, %dma_wait3A_633] : memref<10000x128xf32, #tpu.memory_space<vmem_shared>> -> memref<10000x128xf32, #tpu.memory_space<vmem_shared>>
      tpu.wait_indirect_dma semaphore(%arg13 : memref<!tpu.dma_semaphore, #tpu.memory_space<semaphore_mem>>) src(%arg9 : memref<100x128xf32, #tpu.memory_space<vmem>>) dst(%dma_wait3A_634 : memref<10000x128xf32, #tpu.memory_space<vmem_shared>>)
      %add3A_635 = arith.constant 16 : i32
      %add3A_636 = arith.addi %mul3A_148, %add3A_635 : i32
      %add3A_637 = arith.constant 1 : i32
      %add3A_638 = arith.addi %add3A_636, %add3A_637 : i32
      %dma_start3A_639 = arith.constant 0 : i32
      %dma_start3A_640 = tpu.memref_slice %arg6[%add3A_638, %dma_start3A_639] : memref<100x100xi32, #tpu.memory_space<vmem>> -> memref<1x100xi32, #tpu.memory_space<vmem>>
      %dma_start3A_641 = tpu.memref_squeeze %dma_start3A_640 : memref<1x100xi32, #tpu.memory_space<vmem>> -> memref<100xi32, #tpu.memory_space<vmem>>
      %dma_start3A_642 = arith.constant 0 : i32
      %dma_start3A_643 = arith.constant 0 : i32
      %dma_start3A_644 = tpu.memref_slice %arg2[%dma_start3A_642, %dma_start3A_643] : memref<10000x128xf32, #tpu.memory_space<hbm>> -> memref<10000x128xf32, #tpu.memory_space<hbm>>
      tpu.enqueue_indirect_dma source(%dma_start3A_644 : memref<10000x128xf32, #tpu.memory_space<hbm>>) target(%arg9 : memref<100x128xf32, #tpu.memory_space<vmem>>) offsets(%dma_start3A_641 : memref<100xi32, #tpu.memory_space<vmem>>) semaphore(%arg12 : memref<!tpu.dma_semaphore, #tpu.memory_space<semaphore_mem>>)
      %dma_wait3A_645 = arith.constant 0 : i32
      %dma_wait3A_646 = tpu.memref_slice %arg6[%add3A_608, %dma_wait3A_645] : memref<100x100xi32, #tpu.memory_space<vmem>> -> memref<1x100xi32, #tpu.memory_space<vmem>>
      %dma_wait3A_647 = tpu.memref_squeeze %dma_wait3A_646 : memref<1x100xi32, #tpu.memory_space<vmem>> -> memref<100xi32, #tpu.memory_space<vmem>>
      %dma_wait3A_648 = arith.constant 0 : i32
      %dma_wait3A_649 = arith.constant 0 : i32
      %dma_wait3A_650 = tpu.memref_slice %arg2[%dma_wait3A_648, %dma_wait3A_649] : memref<10000x128xf32, #tpu.memory_space<hbm>> -> memref<10000x128xf32, #tpu.memory_space<hbm>>
      tpu.wait_indirect_dma semaphore(%arg11 : memref<!tpu.dma_semaphore, #tpu.memory_space<semaphore_mem>>) src(%dma_wait3A_650 : memref<10000x128xf32, #tpu.memory_space<hbm>>) dst(%arg8 : memref<100x128xf32, #tpu.memory_space<vmem>>)
      %add3A_651 = arith.constant 16 : i32
      %add3A_652 = arith.addi %mul3A_148, %add3A_651 : i32
      %dma_start3A_653 = arith.constant 0 : i32
      %dma_start3A_654 = tpu.memref_slice %arg7[%add3A_652, %dma_start3A_653] : memref<100x100xi32, #tpu.memory_space<vmem>> -> memref<1x100xi32, #tpu.memory_space<vmem>>
      %dma_start3A_655 = tpu.memref_squeeze %dma_start3A_654 : memref<1x100xi32, #tpu.memory_space<vmem>> -> memref<100xi32, #tpu.memory_space<vmem>>
      %dma_start3A_656 = arith.constant 0 : i32
      %dma_start3A_657 = arith.constant 0 : i32
      %dma_start3A_658 = tpu.memref_slice %arg10[%dma_start3A_656, %dma_start3A_657] : memref<10000x128xf32, #tpu.memory_space<vmem_shared>> -> memref<10000x128xf32, #tpu.memory_space<vmem_shared>>
      tpu.enqueue_indirect_dma source(%arg8 : memref<100x128xf32, #tpu.memory_space<vmem>>) target(%dma_start3A_658 : memref<10000x128xf32, #tpu.memory_space<vmem_shared>>) offsets(%dma_start3A_655 : memref<100xi32, #tpu.memory_space<vmem>>) semaphore(%arg13 : memref<!tpu.dma_semaphore, #tpu.memory_space<semaphore_mem>>) {add = true}
      %dma_wait3A_659 = arith.constant 0 : i32
      %dma_wait3A_660 = tpu.memref_slice %arg7[%add3A_652, %dma_wait3A_659] : memref<100x100xi32, #tpu.memory_space<vmem>> -> memref<1x100xi32, #tpu.memory_space<vmem>>
      %dma_wait3A_661 = tpu.memref_squeeze %dma_wait3A_660 : memref<1x100xi32, #tpu.memory_space<vmem>> -> memref<100xi32, #tpu.memory_space<vmem>>
      %dma_wait3A_662 = arith.constant 0 : i32
      %dma_wait3A_663 = arith.constant 0 : i32
      %dma_wait3A_664 = tpu.memref_slice %arg10[%dma_wait3A_662, %dma_wait3A_663] : memref<10000x128xf32, #tpu.memory_space<vmem_shared>> -> memref<10000x128xf32, #tpu.memory_space<vmem_shared>>
      tpu.wait_indirect_dma semaphore(%arg13 : memref<!tpu.dma_semaphore, #tpu.memory_space<semaphore_mem>>) src(%arg8 : memref<100x128xf32, #tpu.memory_space<vmem>>) dst(%dma_wait3A_664 : memref<10000x128xf32, #tpu.memory_space<vmem_shared>>)
      %add3A_665 = arith.constant 17 : i32
      %add3A_666 = arith.addi %mul3A_148, %add3A_665 : i32
      %add3A_667 = arith.constant 1 : i32
      %add3A_668 = arith.addi %add3A_666, %add3A_667 : i32
      %dma_start3A_669 = arith.constant 0 : i32
      %dma_start3A_670 = tpu.memref_slice %arg6[%add3A_668, %dma_start3A_669] : memref<100x100xi32, #tpu.memory_space<vmem>> -> memref<1x100xi32, #tpu.memory_space<vmem>>
      %dma_start3A_671 = tpu.memref_squeeze %dma_start3A_670 : memref<1x100xi32, #tpu.memory_space<vmem>> -> memref<100xi32, #tpu.memory_space<vmem>>
      %dma_start3A_672 = arith.constant 0 : i32
      %dma_start3A_673 = arith.constant 0 : i32
      %dma_start3A_674 = tpu.memref_slice %arg2[%dma_start3A_672, %dma_start3A_673] : memref<10000x128xf32, #tpu.memory_space<hbm>> -> memref<10000x128xf32, #tpu.memory_space<hbm>>
      tpu.enqueue_indirect_dma source(%dma_start3A_674 : memref<10000x128xf32, #tpu.memory_space<hbm>>) target(%arg8 : memref<100x128xf32, #tpu.memory_space<vmem>>) offsets(%dma_start3A_671 : memref<100xi32, #tpu.memory_space<vmem>>) semaphore(%arg11 : memref<!tpu.dma_semaphore, #tpu.memory_space<semaphore_mem>>)
      %dma_wait3A_675 = arith.constant 0 : i32
      %dma_wait3A_676 = tpu.memref_slice %arg6[%add3A_638, %dma_wait3A_675] : memref<100x100xi32, #tpu.memory_space<vmem>> -> memref<1x100xi32, #tpu.memory_space<vmem>>
      %dma_wait3A_677 = tpu.memref_squeeze %dma_wait3A_676 : memref<1x100xi32, #tpu.memory_space<vmem>> -> memref<100xi32, #tpu.memory_space<vmem>>
      %dma_wait3A_678 = arith.constant 0 : i32
      %dma_wait3A_679 = arith.constant 0 : i32
      %dma_wait3A_680 = tpu.memref_slice %arg2[%dma_wait3A_678, %dma_wait3A_679] : memref<10000x128xf32, #tpu.memory_space<hbm>> -> memref<10000x128xf32, #tpu.memory_space<hbm>>
      tpu.wait_indirect_dma semaphore(%arg12 : memref<!tpu.dma_semaphore, #tpu.memory_space<semaphore_mem>>) src(%dma_wait3A_680 : memref<10000x128xf32, #tpu.memory_space<hbm>>) dst(%arg9 : memref<100x128xf32, #tpu.memory_space<vmem>>)
      %add3A_681 = arith.constant 17 : i32
      %add3A_682 = arith.addi %mul3A_148, %add3A_681 : i32
      %dma_start3A_683 = arith.constant 0 : i32
      %dma_start3A_684 = tpu.memref_slice %arg7[%add3A_682, %dma_start3A_683] : memref<100x100xi32, #tpu.memory_space<vmem>> -> memref<1x100xi32, #tpu.memory_space<vmem>>
      %dma_start3A_685 = tpu.memref_squeeze %dma_start3A_684 : memref<1x100xi32, #tpu.memory_space<vmem>> -> memref<100xi32, #tpu.memory_space<vmem>>
      %dma_start3A_686 = arith.constant 0 : i32
      %dma_start3A_687 = arith.constant 0 : i32
      %dma_start3A_688 = tpu.memref_slice %arg10[%dma_start3A_686, %dma_start3A_687] : memref<10000x128xf32, #tpu.memory_space<vmem_shared>> -> memref<10000x128xf32, #tpu.memory_space<vmem_shared>>
      tpu.enqueue_indirect_dma source(%arg9 : memref<100x128xf32, #tpu.memory_space<vmem>>) target(%dma_start3A_688 : memref<10000x128xf32, #tpu.memory_space<vmem_shared>>) offsets(%dma_start3A_685 : memref<100xi32, #tpu.memory_space<vmem>>) semaphore(%arg13 : memref<!tpu.dma_semaphore, #tpu.memory_space<semaphore_mem>>) {add = true}
      %dma_wait3A_689 = arith.constant 0 : i32
      %dma_wait3A_690 = tpu.memref_slice %arg7[%add3A_682, %dma_wait3A_689] : memref<100x100xi32, #tpu.memory_space<vmem>> -> memref<1x100xi32, #tpu.memory_space<vmem>>
      %dma_wait3A_691 = tpu.memref_squeeze %dma_wait3A_690 : memref<1x100xi32, #tpu.memory_space<vmem>> -> memref<100xi32, #tpu.memory_space<vmem>>
      %dma_wait3A_692 = arith.constant 0 : i32
      %dma_wait3A_693 = arith.constant 0 : i32
      %dma_wait3A_694 = tpu.memref_slice %arg10[%dma_wait3A_692, %dma_wait3A_693] : memref<10000x128xf32, #tpu.memory_space<vmem_shared>> -> memref<10000x128xf32, #tpu.memory_space<vmem_shared>>
      tpu.wait_indirect_dma semaphore(%arg13 : memref<!tpu.dma_semaphore, #tpu.memory_space<semaphore_mem>>) src(%arg9 : memref<100x128xf32, #tpu.memory_space<vmem>>) dst(%dma_wait3A_694 : memref<10000x128xf32, #tpu.memory_space<vmem_shared>>)
      %add3A_695 = arith.constant 18 : i32
      %add3A_696 = arith.addi %mul3A_148, %add3A_695 : i32
      %add3A_697 = arith.constant 1 : i32
      %add3A_698 = arith.addi %add3A_696, %add3A_697 : i32
      %dma_start3A_699 = arith.constant 0 : i32
      %dma_start3A_700 = tpu.memref_slice %arg6[%add3A_698, %dma_start3A_699] : memref<100x100xi32, #tpu.memory_space<vmem>> -> memref<1x100xi32, #tpu.memory_space<vmem>>
      %dma_start3A_701 = tpu.memref_squeeze %dma_start3A_700 : memref<1x100xi32, #tpu.memory_space<vmem>> -> memref<100xi32, #tpu.memory_space<vmem>>
      %dma_start3A_702 = arith.constant 0 : i32
      %dma_start3A_703 = arith.constant 0 : i32
      %dma_start3A_704 = tpu.memref_slice %arg2[%dma_start3A_702, %dma_start3A_703] : memref<10000x128xf32, #tpu.memory_space<hbm>> -> memref<10000x128xf32, #tpu.memory_space<hbm>>
      tpu.enqueue_indirect_dma source(%dma_start3A_704 : memref<10000x128xf32, #tpu.memory_space<hbm>>) target(%arg9 : memref<100x128xf32, #tpu.memory_space<vmem>>) offsets(%dma_start3A_701 : memref<100xi32, #tpu.memory_space<vmem>>) semaphore(%arg12 : memref<!tpu.dma_semaphore, #tpu.memory_space<semaphore_mem>>)
      %dma_wait3A_705 = arith.constant 0 : i32
      %dma_wait3A_706 = tpu.memref_slice %arg6[%add3A_668, %dma_wait3A_705] : memref<100x100xi32, #tpu.memory_space<vmem>> -> memref<1x100xi32, #tpu.memory_space<vmem>>
      %dma_wait3A_707 = tpu.memref_squeeze %dma_wait3A_706 : memref<1x100xi32, #tpu.memory_space<vmem>> -> memref<100xi32, #tpu.memory_space<vmem>>
      %dma_wait3A_708 = arith.constant 0 : i32
      %dma_wait3A_709 = arith.constant 0 : i32
      %dma_wait3A_710 = tpu.memref_slice %arg2[%dma_wait3A_708, %dma_wait3A_709] : memref<10000x128xf32, #tpu.memory_space<hbm>> -> memref<10000x128xf32, #tpu.memory_space<hbm>>
      tpu.wait_indirect_dma semaphore(%arg11 : memref<!tpu.dma_semaphore, #tpu.memory_space<semaphore_mem>>) src(%dma_wait3A_710 : memref<10000x128xf32, #tpu.memory_space<hbm>>) dst(%arg8 : memref<100x128xf32, #tpu.memory_space<vmem>>)
      %add3A_711 = arith.constant 18 : i32
      %add3A_712 = arith.addi %mul3A_148, %add3A_711 : i32
      %dma_start3A_713 = arith.constant 0 : i32
      %dma_start3A_714 = tpu.memref_slice %arg7[%add3A_712, %dma_start3A_713] : memref<100x100xi32, #tpu.memory_space<vmem>> -> memref<1x100xi32, #tpu.memory_space<vmem>>
      %dma_start3A_715 = tpu.memref_squeeze %dma_start3A_714 : memref<1x100xi32, #tpu.memory_space<vmem>> -> memref<100xi32, #tpu.memory_space<vmem>>
      %dma_start3A_716 = arith.constant 0 : i32
      %dma_start3A_717 = arith.constant 0 : i32
      %dma_start3A_718 = tpu.memref_slice %arg10[%dma_start3A_716, %dma_start3A_717] : memref<10000x128xf32, #tpu.memory_space<vmem_shared>> -> memref<10000x128xf32, #tpu.memory_space<vmem_shared>>
      tpu.enqueue_indirect_dma source(%arg8 : memref<100x128xf32, #tpu.memory_space<vmem>>) target(%dma_start3A_718 : memref<10000x128xf32, #tpu.memory_space<vmem_shared>>) offsets(%dma_start3A_715 : memref<100xi32, #tpu.memory_space<vmem>>) semaphore(%arg13 : memref<!tpu.dma_semaphore, #tpu.memory_space<semaphore_mem>>) {add = true}
      %dma_wait3A_719 = arith.constant 0 : i32
      %dma_wait3A_720 = tpu.memref_slice %arg7[%add3A_712, %dma_wait3A_719] : memref<100x100xi32, #tpu.memory_space<vmem>> -> memref<1x100xi32, #tpu.memory_space<vmem>>
      %dma_wait3A_721 = tpu.memref_squeeze %dma_wait3A_720 : memref<1x100xi32, #tpu.memory_space<vmem>> -> memref<100xi32, #tpu.memory_space<vmem>>
      %dma_wait3A_722 = arith.constant 0 : i32
      %dma_wait3A_723 = arith.constant 0 : i32
      %dma_wait3A_724 = tpu.memref_slice %arg10[%dma_wait3A_722, %dma_wait3A_723] : memref<10000x128xf32, #tpu.memory_space<vmem_shared>> -> memref<10000x128xf32, #tpu.memory_space<vmem_shared>>
      tpu.wait_indirect_dma semaphore(%arg13 : memref<!tpu.dma_semaphore, #tpu.memory_space<semaphore_mem>>) src(%arg8 : memref<100x128xf32, #tpu.memory_space<vmem>>) dst(%dma_wait3A_724 : memref<10000x128xf32, #tpu.memory_space<vmem_shared>>)
      %dma_wait3A_725 = arith.constant 0 : i32
      %dma_wait3A_726 = tpu.memref_slice %arg6[%add3A_698, %dma_wait3A_725] : memref<100x100xi32, #tpu.memory_space<vmem>> -> memref<1x100xi32, #tpu.memory_space<vmem>>
      %dma_wait3A_727 = tpu.memref_squeeze %dma_wait3A_726 : memref<1x100xi32, #tpu.memory_space<vmem>> -> memref<100xi32, #tpu.memory_space<vmem>>
      %dma_wait3A_728 = arith.constant 0 : i32
      %dma_wait3A_729 = arith.constant 0 : i32
      %dma_wait3A_730 = tpu.memref_slice %arg2[%dma_wait3A_728, %dma_wait3A_729] : memref<10000x128xf32, #tpu.memory_space<hbm>> -> memref<10000x128xf32, #tpu.memory_space<hbm>>
      tpu.wait_indirect_dma semaphore(%arg12 : memref<!tpu.dma_semaphore, #tpu.memory_space<semaphore_mem>>) src(%dma_wait3A_730 : memref<10000x128xf32, #tpu.memory_space<hbm>>) dst(%arg9 : memref<100x128xf32, #tpu.memory_space<vmem>>)
      %add3A_731 = arith.constant 19 : i32
      %add3A_732 = arith.addi %mul3A_148, %add3A_731 : i32
      %dma_start3A_733 = arith.constant 0 : i32
      %dma_start3A_734 = tpu.memref_slice %arg7[%add3A_732, %dma_start3A_733] : memref<100x100xi32, #tpu.memory_space<vmem>> -> memref<1x100xi32, #tpu.memory_space<vmem>>
      %dma_start3A_735 = tpu.memref_squeeze %dma_start3A_734 : memref<1x100xi32, #tpu.memory_space<vmem>> -> memref<100xi32, #tpu.memory_space<vmem>>
      %dma_start3A_736 = arith.constant 0 : i32
      %dma_start3A_737 = arith.constant 0 : i32
      %dma_start3A_738 = tpu.memref_slice %arg10[%dma_start3A_736, %dma_start3A_737] : memref<10000x128xf32, #tpu.memory_space<vmem_shared>> -> memref<10000x128xf32, #tpu.memory_space<vmem_shared>>
      tpu.enqueue_indirect_dma source(%arg9 : memref<100x128xf32, #tpu.memory_space<vmem>>) target(%dma_start3A_738 : memref<10000x128xf32, #tpu.memory_space<vmem_shared>>) offsets(%dma_start3A_735 : memref<100xi32, #tpu.memory_space<vmem>>) semaphore(%arg13 : memref<!tpu.dma_semaphore, #tpu.memory_space<semaphore_mem>>) {add = true}
      %dma_wait3A_739 = arith.constant 0 : i32
      %dma_wait3A_740 = tpu.memref_slice %arg7[%add3A_732, %dma_wait3A_739] : memref<100x100xi32, #tpu.memory_space<vmem>> -> memref<1x100xi32, #tpu.memory_space<vmem>>
      %dma_wait3A_741 = tpu.memref_squeeze %dma_wait3A_740 : memref<1x100xi32, #tpu.memory_space<vmem>> -> memref<100xi32, #tpu.memory_space<vmem>>
      %dma_wait3A_742 = arith.constant 0 : i32
      %dma_wait3A_743 = arith.constant 0 : i32
      %dma_wait3A_744 = tpu.memref_slice %arg10[%dma_wait3A_742, %dma_wait3A_743] : memref<10000x128xf32, #tpu.memory_space<vmem_shared>> -> memref<10000x128xf32, #tpu.memory_space<vmem_shared>>
      tpu.wait_indirect_dma semaphore(%arg13 : memref<!tpu.dma_semaphore, #tpu.memory_space<semaphore_mem>>) src(%arg9 : memref<100x128xf32, #tpu.memory_space<vmem>>) dst(%dma_wait3A_744 : memref<10000x128xf32, #tpu.memory_space<vmem_shared>>)
      %scan3A_745 = arith.constant 0 : i32
      scf.yield %scan3A_745 : i32
    }
    %scan3A_139 = arith.constant 5 : i32
    %barrier3A_140 = arith.constant 0 : index
    tpu.barrier barrier_id(%barrier3A_140)
    %mul3A_141 = arith.constant 625 : i32
    %mul3A_142 = arith.muli %arg1, %mul3A_141 : i32
    %mul3A_143 = arith.constant 625 : i32
    %mul3A_144 = arith.muli %arg1, %mul3A_143 : i32
    "tpu.region"() ({
      %run_scoped3A = tpu.sem_alloc : memref<!tpu.dma_semaphore, #tpu.memory_space<semaphore_mem>>
      %dma_start3A_145 = arith.constant 0 : i32
      %dma_start3A_146 = arith.constant 0 : i32
      %dma_start3A_147 = tpu.memref_slice %arg5[%arg0, %dma_start3A_145, %dma_start3A_146] : memref<2x10000x128xf32, #tpu.memory_space<hbm>> -> memref<1x10000x128xf32, #tpu.memory_space<hbm>>
      %dma_start3A_148 = tpu.memref_squeeze %dma_start3A_147 : memref<1x10000x128xf32, #tpu.memory_space<hbm>> -> memref<10000x128xf32, #tpu.memory_space<hbm>>
      %dma_start3A_149 = arith.constant 0 : i32
      %dma_start3A_150 = tpu.memref_slice %dma_start3A_148[%mul3A_144, %dma_start3A_149] : memref<10000x128xf32, #tpu.memory_space<hbm>> -> memref<625x128xf32, #tpu.memory_space<hbm>>
      %dma_start3A_151 = arith.constant 0 : i32
      %dma_start3A_152 = tpu.memref_slice %arg10[%mul3A_142, %dma_start3A_151] : memref<10000x128xf32, #tpu.memory_space<vmem_shared>> -> memref<625x128xf32, #tpu.memory_space<vmem_shared>>
      tpu.enqueue_dma source(%dma_start3A_152 : memref<625x128xf32, #tpu.memory_space<vmem_shared>>) target(%dma_start3A_150 : memref<625x128xf32, #tpu.memory_space<hbm>>) target_semaphore(%run_scoped3A : memref<!tpu.dma_semaphore, #tpu.memory_space<semaphore_mem>>)
      %dma_wait3A_153 = arith.constant 0 : i32
      %dma_wait3A_154 = arith.constant 0 : i32
      %dma_wait3A_155 = tpu.memref_slice %arg5[%arg0, %dma_wait3A_153, %dma_wait3A_154] : memref<2x10000x128xf32, #tpu.memory_space<hbm>> -> memref<1x10000x128xf32, #tpu.memory_space<hbm>>
      %dma_wait3A_156 = tpu.memref_squeeze %dma_wait3A_155 : memref<1x10000x128xf32, #tpu.memory_space<hbm>> -> memref<10000x128xf32, #tpu.memory_space<hbm>>
      %dma_wait3A_157 = arith.constant 0 : i32
      %dma_wait3A_158 = tpu.memref_slice %dma_wait3A_156[%mul3A_144, %dma_wait3A_157] : memref<10000x128xf32, #tpu.memory_space<hbm>> -> memref<625x128xf32, #tpu.memory_space<hbm>>
      %dma_wait3A_159 = arith.constant 0 : i32
      %dma_wait3A_160 = tpu.memref_slice %arg10[%mul3A_142, %dma_wait3A_159] : memref<10000x128xf32, #tpu.memory_space<vmem_shared>> -> memref<625x128xf32, #tpu.memory_space<vmem_shared>>
      tpu.wait_dma2 semaphore(%run_scoped3A : memref<!tpu.dma_semaphore, #tpu.memory_space<semaphore_mem>>) src(%dma_wait3A_160 : memref<625x128xf32, #tpu.memory_space<vmem_shared>>) dst(%dma_wait3A_158 : memref<625x128xf32, #tpu.memory_space<hbm>>)
      tpu.yield
    }) : () -> ()
    return
  }
}

module attributes {stable_mosaic.version = 14 : i64} {
  func.func @_tc1_body(%arg0: memref<10000x128xf32, #tpu.memory_space<vmem>>, %arg1: memref<128x128xf32, #tpu.memory_space<vmem>>, %arg2: memref<10000x1xf32, #tpu.memory_space<vmem>>, %arg3: memref<10000x128xf32, #tpu.memory_space<vmem>>) attributes {dimension_semantics = [], scalar_prefetch = 0 : i64, scratch_operands = 0 : i64, tpu.core_type = #tpu.core_type<tc>} {
    %get3A = arith.constant 0 : index
    %get3A_0 = arith.constant 0 : index
    %get3A_1 = vector.load %arg0[%get3A, %get3A_0] : memref<10000x128xf32, #tpu.memory_space<vmem>>, vector<10000x128xf32>
    %get3A_2 = arith.constant 0 : index
    %get3A_3 = arith.constant 0 : index
    %get3A_4 = vector.load %arg1[%get3A_2, %get3A_3] : memref<128x128xf32, #tpu.memory_space<vmem>>, vector<128x128xf32>
    %dot_general3A = arith.constant dense<0.000000e+00> : vector<10000x128xf32>
    %dot_general3A_5 = tpu.matmul %get3A_1, %get3A_4, %dot_general3A {dimension_numbers = #tpu.dot_dimension_numbers<[1], [0], [0], [1], [0, 0, 1, 1], [], []>, transpose_lhs_hint = false} : vector<10000x128xf32>, vector<128x128xf32>, vector<10000x128xf32> -> vector<10000x128xf32>
    %get3A_6 = arith.constant 0 : index
    %get3A_7 = arith.constant 0 : index
    %get3A_8 = vector.load %arg2[%get3A_6, %get3A_7] : memref<10000x1xf32, #tpu.memory_space<vmem>>, vector<10000x1xf32>
    %mul3A = vector.broadcast %get3A_8 : vector<10000x1xf32> to vector<10000x128xf32>
    %mul3A_9 = arith.mulf %dot_general3A_5, %mul3A : vector<10000x128xf32>
    %swap3A = arith.constant 0 : index
    %swap3A_10 = arith.constant 0 : index
    %swap3A_11 = vector.load %arg3[%swap3A, %swap3A_10] : memref<10000x128xf32, #tpu.memory_space<vmem>>, vector<10000x128xf32>
    tpu.vector_store %arg3[%swap3A, %swap3A_10], %mul3A_9 {strides = array<i32>} : memref<10000x128xf32, #tpu.memory_space<vmem>>, vector<10000x128xf32>,
    return
  }
}

module attributes {stable_mosaic.version = 14 : i64} {
  func.func @_tc2_body(%arg0: memref<2x10000x128xf32, #tpu.memory_space<vmem>>, %arg1: memref<10000x128xf32, #tpu.memory_space<vmem>>, %arg2: memref<10000x1xf32, #tpu.memory_space<vmem>>, %arg3: memref<1x128xf32, #tpu.memory_space<vmem>>, %arg4: memref<128x128xf32, #tpu.memory_space<vmem>>, %arg5: memref<10000x128xf32, #tpu.memory_space<vmem>>) attributes {dimension_semantics = [], scalar_prefetch = 0 : i64, scratch_operands = 0 : i64, tpu.core_type = #tpu.core_type<tc>} {
    %get3A = arith.constant 0 : index
    %get3A_0 = arith.constant 0 : index
    %get3A_1 = arith.constant 0 : index
    %get3A_2 = vector.load %arg0[%get3A, %get3A_0, %get3A_1] : memref<2x10000x128xf32, #tpu.memory_space<vmem>>, vector<1x10000x128xf32>
    %get3A_3 = vector.shape_cast %get3A_2 : vector<1x10000x128xf32> to vector<10000x128xf32>
    %get3A_4 = arith.constant 1 : index
    %get3A_5 = arith.constant 0 : index
    %get3A_6 = arith.constant 0 : index
    %get3A_7 = vector.load %arg0[%get3A_4, %get3A_5, %get3A_6] : memref<2x10000x128xf32, #tpu.memory_space<vmem>>, vector<1x10000x128xf32>
    %get3A_8 = vector.shape_cast %get3A_7 : vector<1x10000x128xf32> to vector<10000x128xf32>
    %add3A = arith.addf %get3A_3, %get3A_8 : vector<10000x128xf32>
    %get3A_9 = arith.constant 0 : index
    %get3A_10 = arith.constant 0 : index
    %get3A_11 = vector.load %arg1[%get3A_9, %get3A_10] : memref<10000x128xf32, #tpu.memory_space<vmem>>, vector<10000x128xf32>
    %add3A_12 = arith.addf %add3A, %get3A_11 : vector<10000x128xf32>
    %get3A_13 = arith.constant 0 : index
    %get3A_14 = arith.constant 0 : index
    %get3A_15 = vector.load %arg2[%get3A_13, %get3A_14] : memref<10000x1xf32, #tpu.memory_space<vmem>>, vector<10000x1xf32>
    %mul3A = vector.broadcast %get3A_15 : vector<10000x1xf32> to vector<10000x128xf32>
    %mul3A_16 = arith.mulf %add3A_12, %mul3A : vector<10000x128xf32>
    %get3A_17 = arith.constant 0 : index
    %get3A_18 = arith.constant 0 : index
    %get3A_19 = vector.load %arg3[%get3A_17, %get3A_18] : memref<1x128xf32, #tpu.memory_space<vmem>>, vector<1x128xf32>
    %add3A_20 = vector.broadcast %get3A_19 : vector<1x128xf32> to vector<10000x128xf32>
    %add3A_21 = arith.addf %mul3A_16, %add3A_20 : vector<10000x128xf32>
    %max3A = arith.constant 0.000000e+00 : f32
    %max3A_22 = vector.broadcast %max3A : f32 to vector<10000x128xf32>
    %max3A_23 = arith.maximumf %add3A_21, %max3A_22 : vector<10000x128xf32>
    %get3A_24 = arith.constant 0 : index
    %get3A_25 = arith.constant 0 : index
    %get3A_26 = vector.load %arg4[%get3A_24, %get3A_25] : memref<128x128xf32, #tpu.memory_space<vmem>>, vector<128x128xf32>
    %dot_general3A = arith.constant dense<0.000000e+00> : vector<10000x128xf32>
    %dot_general3A_27 = tpu.matmul %max3A_23, %get3A_26, %dot_general3A {dimension_numbers = #tpu.dot_dimension_numbers<[1], [0], [0], [1], [0, 0, 1, 1], [], []>, transpose_lhs_hint = false} : vector<10000x128xf32>, vector<128x128xf32>, vector<10000x128xf32> -> vector<10000x128xf32>
    %get3A_28 = arith.constant 0 : index
    %get3A_29 = arith.constant 0 : index
    %get3A_30 = vector.load %arg2[%get3A_28, %get3A_29] : memref<10000x1xf32, #tpu.memory_space<vmem>>, vector<10000x1xf32>
    %mul3A_31 = vector.broadcast %get3A_30 : vector<10000x1xf32> to vector<10000x128xf32>
    %mul3A_32 = arith.mulf %dot_general3A_27, %mul3A_31 : vector<10000x128xf32>
    %swap3A = arith.constant 0 : index
    %swap3A_33 = arith.constant 0 : index
    %swap3A_34 = vector.load %arg5[%swap3A, %swap3A_33] : memref<10000x128xf32, #tpu.memory_space<vmem>>, vector<10000x128xf32>
    tpu.vector_store %arg5[%swap3A, %swap3A_33], %mul3A_32 {strides = array<i32>} : memref<10000x128xf32, #tpu.memory_space<vmem>>, vector<10000x128xf32>,
    return
  }
}

module attributes {stable_mosaic.version = 14 : i64} {
  func.func @_tc3_body(%arg0: memref<2x10000x128xf32, #tpu.memory_space<vmem>>, %arg1: memref<10000x128xf32, #tpu.memory_space<vmem>>, %arg2: memref<10000x1xf32, #tpu.memory_space<vmem>>, %arg3: memref<1x128xf32, #tpu.memory_space<vmem>>, %arg4: memref<10000x128xf32, #tpu.memory_space<vmem>>) attributes {dimension_semantics = [], scalar_prefetch = 0 : i64, scratch_operands = 0 : i64, tpu.core_type = #tpu.core_type<tc>} {
    %get3A = arith.constant 0 : index
    %get3A_0 = arith.constant 0 : index
    %get3A_1 = arith.constant 0 : index
    %get3A_2 = vector.load %arg0[%get3A, %get3A_0, %get3A_1] : memref<2x10000x128xf32, #tpu.memory_space<vmem>>, vector<1x10000x128xf32>
    %get3A_3 = vector.shape_cast %get3A_2 : vector<1x10000x128xf32> to vector<10000x128xf32>
    %get3A_4 = arith.constant 1 : index
    %get3A_5 = arith.constant 0 : index
    %get3A_6 = arith.constant 0 : index
    %get3A_7 = vector.load %arg0[%get3A_4, %get3A_5, %get3A_6] : memref<2x10000x128xf32, #tpu.memory_space<vmem>>, vector<1x10000x128xf32>
    %get3A_8 = vector.shape_cast %get3A_7 : vector<1x10000x128xf32> to vector<10000x128xf32>
    %add3A = arith.addf %get3A_3, %get3A_8 : vector<10000x128xf32>
    %get3A_9 = arith.constant 0 : index
    %get3A_10 = arith.constant 0 : index
    %get3A_11 = vector.load %arg1[%get3A_9, %get3A_10] : memref<10000x128xf32, #tpu.memory_space<vmem>>, vector<10000x128xf32>
    %add3A_12 = arith.addf %add3A, %get3A_11 : vector<10000x128xf32>
    %get3A_13 = arith.constant 0 : index
    %get3A_14 = arith.constant 0 : index
    %get3A_15 = vector.load %arg2[%get3A_13, %get3A_14] : memref<10000x1xf32, #tpu.memory_space<vmem>>, vector<10000x1xf32>
    %mul3A = vector.broadcast %get3A_15 : vector<10000x1xf32> to vector<10000x128xf32>
    %mul3A_16 = arith.mulf %add3A_12, %mul3A : vector<10000x128xf32>
    %get3A_17 = arith.constant 0 : index
    %get3A_18 = arith.constant 0 : index
    %get3A_19 = vector.load %arg3[%get3A_17, %get3A_18] : memref<1x128xf32, #tpu.memory_space<vmem>>, vector<1x128xf32>
    %add3A_20 = vector.broadcast %get3A_19 : vector<1x128xf32> to vector<10000x128xf32>
    %add3A_21 = arith.addf %mul3A_16, %add3A_20 : vector<10000x128xf32>
    %swap3A = arith.constant 0 : index
    %swap3A_22 = arith.constant 0 : index
    %swap3A_23 = vector.load %arg4[%swap3A, %swap3A_22] : memref<10000x128xf32, #tpu.memory_space<vmem>>, vector<10000x128xf32>
    tpu.vector_store %arg4[%swap3A, %swap3A_22], %add3A_21 {strides = array<i32>} : memref<10000x128xf32, #tpu.memory_space<vmem>>, vector<10000x128xf32>,
    return
  }
}

</mosaic_0001>

<sc_bundles>
// kernel: kernel.11.cloned.1.call-start
scs
__scs_entry_jumppad:
0x0: {  	(pc) =	sbr.rel $0x88, $3  }
0x1: {  	(tag) =	ssettag $0x0;
	lr =	simm.s32 $0x1  }
0x2: {  	[smem:$0x3F9B] =	sst lr;
	_ =	strace $0xD0000000  }
0x3: {  	_ = 	snop  }
0x4: {  	_ = 	snop  }
0x5: {  	_ = 	snop  }
0x6: {  	_ = 	snop  }
0x7: {  	_ = 	snop  }
__scs_overlays_trampoline_lowered:
0x8: {  	[smem:$0x3FAA] =	sst s0  }
0x9: {  	[smem:$0x3FAB] =	sst s1  }
0xa: {  	[smem:$0x3FAC] =	sst s2  }
0xb: {  	[smem:$0x3FAD] =	sst s3  }
0xc: {  	[smem:$0x3FAE] =	sst s4  }
0xd: {  	[smem:$0x3FAF] =	sst s5  }
0xe: {  	[smem:$0x3FB0] =	sst s6  }
0xf: {  	[smem:$0x3FB1] =	sst s7  }
0x10: {  	[smem:$0x3FB2] =	sst s8  }
0x11: {  	[smem:$0x3FB3] =	sst s9;
	s0 =	simm.s32 @!p0 $0x0  }
0x12: {  	s1 =	sld [smem:$0x3F99];
	s0 =	simm.s32 @p0 $0x1  }
0x13: {  	[smem:$0x3FB4] =	sst s0;
	s0 =	simm.s32 @!p1 $0x0  }
0x14: {  	s2 =	sld [smem:$0x3F98];
	s0 =	simm.s32 @p1 $0x1  }
0x15: {  	[smem:$0x3FB5] =	sst s0;
	s0 =	simm.s32 @!p2 $0x0  }
0x16: {  	s3 =	sld [smem:$0x3FDB];
	s0 =	simm.s32 @p2 $0x1  }
0x17: {  	s4 =	simm.s32 $0x1BF5;
	[smem:$0x3FB7] =	sst s0  }
0x18: {  	s0 =	sld [smem:$0x3F9A];
	_ =	swait.ge [sflag:s4], $0x0  }
0x19: {  	s7 =	sld [smem:$0x3F9B]  }
0x1a: {  	s8 =	sadd.s32 $0xFFFFE003, lr  }
0x1b: {  	s9 =	sadd.s32 $0xFFFFFEF7, lr;
	s5 =	simm.s32 $0xFFFFFFFF;
	p2 =	slt.u32 s8, $0xFFFFF086  }
0x1c: {  	p1 =	slt.u32 s9, $0xF7A;
	s5 =	simm.s32 @!p2 $0x0  }
0x1d: {  	s5 =	simm.s32 @p1 $0x1;
	p0 =	seq.s32 s7, s2  }
0x1e: {  	s7 =	smul.u32 @!p0 $0xF7A, s2;
	p2 =	seq.s32 @!p0 s5, $0x0  }
0x1f: {  	s9 =	smul.u32 $0xF7A, s1;
	s8 =	simm.s32 @!p0 $0x1BF5;
	p2 =	por !p2, p0  }
0x20: {  	[sflag:s8] =	ssyncset.s32 @!p0 $0xFFFFF086;
	s6 =	sadd.s32 @!p0 s3, s7;
	s7 =	simm.s32 @!p0 $0x108  }
0x21: {  	s3 =	sadd.s32 s3, s9;
	s6 =	sadd.s32 @!p0 $0x88, s6;
	s7 =	simm.s32 @p2 $0x1082  }
0x22: {  	[simem:s7], [sflag:s8] =	dma.local @!p0 [hbm:s6], $0xF7A  }
0x23: {  	s9 =	sor.u32 $0xD0000000, s2;
	s6 =	simm.s32 $0x108;
	_ =	swait.ge @!p0 [sflag:s8], $0x0  }
0x24: {  	s3 =	sadd.s32 $0x88, s3;
	s6 =	simm.s32 @!p1 $0x1082;
	[sflag:s4] =	ssyncset.s32 $0xFFFFF086  }
0x25: {  	[simem:s6], [sflag:s4] =	dma.local [hbm:s3], $0xF7A  }
0x26: {  	[smem:$0x3F9B] =	sst s1;
	(tag) =	ssettag s2;
	_ =	strace s9  }
0x27: {  	s1 =	sld [smem:$0x3FAB]  }
0x28: {  	s2 =	sld [smem:$0x3FAC]  }
0x29: {  	s4 =	sld [smem:$0x3FAE]  }
0x2a: {  	p0 =	seq.s32 s5, $0x0;
	s5 =	sld [smem:$0x3FAF]  }
0x2b: {  	s6 =	sld [smem:$0x3FB0]  }
0x2c: {  	s7 =	sld [smem:$0x3FB1]  }
0x2d: {  	s3 =	simm.s32 $0x108;
	s8 =	sld [smem:$0x3FB2]  }
0x2e: {  	s3 =	simm.s32 @!p0 $0x1082;
	s9 =	sld [smem:$0x3FB3]  }
0x2f: {  	lr =	sadd.s32 s0, s3;
	s0 =	sld [smem:$0x3FAA]  }
0x30: {  	s3 =	sld [smem:$0x3FAD]  }
0x31: {  	[smem:$0x3FB6] =	sst s10  }
0x32: {  	s10 =	sld [smem:$0x3FB4];
	_ =	sdelay $0x3  }
0x33: {  	p0 =	seq.s32 s10, $0x1;
	s10 =	sld [smem:$0x3FB6];
	_ =	sdelay $0x3  }
0x34: {  	[smem:$0x3FB6] =	sst s10  }
0x35: {  	s10 =	sld [smem:$0x3FB5];
	_ =	sdelay $0x3  }
0x36: {  	p1 =	seq.s32 s10, $0x1;
	s10 =	sld [smem:$0x3FB6];
	_ =	sdelay $0x3  }
0x37: {  	[smem:$0x3FB6] =	sst s10  }
0x38: {  	s10 =	sld [smem:$0x3FB7]  }
0x39: {  	_ = 	snop;
	(pc) =	sbr.ind lr, $3  }
0x3a: {  	_ = 	snop  }
0x3b: {  	_ = 	snop  }
0x3c: {  	p2 =	seq.s32 s10, $0x1;
	s10 =	sld [smem:$0x3FB6]  }
0x3d: {  	_ =	shalt  }
0x3e: {  	_ =	shalt  }
0x3f: {  	_ =	shalt  }
0x40: {  	_ =	shalt  }
0x41: {  	_ =	shalt  }
0x42: {  	_ =	shalt  }
0x43: {  	_ =	shalt  }
0x44: {  	_ =	shalt  }
0x45: {  	_ =	shalt  }
0x46: {  	_ =	shalt  }
0x47: {  	_ =	shalt  }
0x48: {  	_ =	shalt  }
0x49: {  	_ =	shalt  }
0x4a: {  	_ =	shalt  }
0x4b: {  	_ =	shalt  }
0x4c: {  	_ =	shalt  }
0x4d: {  	_ =	shalt  }
0x4e: {  	_ =	shalt  }
0x4f: {  	_ =	shalt  }
0x50: {  	_ =	shalt  }
0x51: {  	_ =	shalt  }
0x52: {  	_ =	shalt  }
0x53: {  	_ =	shalt  }
0x54: {  	_ =	shalt  }
0x55: {  	_ =	shalt  }
0x56: {  	_ =	shalt  }
0x57: {  	_ =	shalt  }
0x58: {  	_ =	shalt  }
0x59: {  	_ =	shalt  }
0x5a: {  	_ =	shalt  }
0x5b: {  	_ =	shalt  }
0x5c: {  	_ =	shalt  }
0x5d: {  	_ =	shalt  }
0x5e: {  	_ =	shalt  }
0x5f: {  	_ =	shalt  }
0x60: {  	_ =	shalt  }
0x61: {  	_ =	shalt  }
0x62: {  	_ =	shalt  }
0x63: {  	_ =	shalt  }
0x64: {  	_ =	shalt  }
0x65: {  	_ =	shalt  }
0x66: {  	_ =	shalt  }
0x67: {  	_ =	shalt  }
0x68: {  	_ =	shalt  }
0x69: {  	_ =	shalt  }
0x6a: {  	_ =	shalt  }
0x6b: {  	_ =	shalt  }
0x6c: {  	_ =	shalt  }
0x6d: {  	_ =	shalt  }
0x6e: {  	_ =	shalt  }
0x6f: {  	_ =	shalt  }
0x70: {  	_ =	shalt  }
0x71: {  	_ =	shalt  }
0x72: {  	_ =	shalt  }
0x73: {  	_ =	shalt  }
0x74: {  	_ =	shalt  }
0x75: {  	_ =	shalt  }
0x76: {  	_ =	shalt  }
0x77: {  	_ =	shalt  }
0x78: {  	_ =	shalt  }
0x79: {  	_ =	shalt  }
0x7a: {  	_ =	shalt  }
0x7b: {  	_ =	shalt  }
0x7c: {  	_ =	shalt  }
0x7d: {  	_ =	shalt  }
0x7e: {  	_ =	shalt  }
0x7f: {  	_ =	shalt  }
0x80: {  	_ =	shalt  }
0x81: {  	_ =	shalt  }
0x82: {  	_ =	shalt  }
0x83: {  	_ =	shalt  }
0x84: {  	_ =	shalt  }
0x85: {  	_ =	shalt  }
0x86: {  	_ =	shalt  }
0x87: {  	_ =	shalt  }
.Lfunc_end0:
.L_simem_size_0:
called_computation.1_lowered:
.L_overlay_start_0:
0x88: {  	s2 =	sld [smem:$0x3FD9]  }
0x89: {  	s3 =	sld [smem:$0x3FFE];
	_ =	sdelay $0x1  }
0x8a: {  	s1 =	srdreg.scid  }
0x8b: {  	s0 =	sand.u32 $0x1, s1  }
0x8c: {  	s17 =	sshll.u32 s0, $0xA;
	s2 =	sadd.s32 s3, s2  }
0x8d: {  	s2 =	sadd.s32 s2, s17  }
0x8e: {  	[smem:$0x3FC2] =	sst s2  }
0x8f: {  	_ = 	snop  }
0x90: {  	s2 =	sld [smem:$0x3FD0];
	(tm) =	ssettm $0x1  }
0x91: {  	s18 =	sld [smem:$0x3FFB];
	_ =	sdelay $0x3  }
0x92: {  	_ =	strace s18  }
0x93: {  	s3 =	sld [smem:$0x3FFC];
	_ =	sdelay $0x3  }
0x94: {  	_ =	strace s3  }
0x95: {  	s3 =	sld [smem:$0x3FFD];
	_ =	sdelay $0x3  }
0x96: {  	_ =	strace s3  }
0x97: {  	_ =	strace $0x8FFFFFFF  }
0x98: {  	s19 =	sld [smem:$0x3FDB];
	_ =	sdelay $0x1  }
0x99: {  	s4 =	simm.s32 $_scs_section_size  }
0x9a: {  	s5 =	simm.s32 $_size__tile_overlayer_lowered;
	s6 =	simm.s32 $_tile_overlayer_lowered  }
0x9b: {  	s22 =	simm.s32 $0x1BFF;
	s21 =	sshll.u32 s6, $0x1;
	s3 =	sadd.s32 s4, s19  }
0x9c: {  	s7 =	simm.s32 $0x0;
	s20 =	sshll.u32 s5, $0x1;
	s5 =	sadd.s32 s21, s3  }
0x9d: {  	[timem:s7], [sflag:s22] =	dma.local [hbm:s5], s20  }
0x9e: {  	_ =	swait.ge [sflag:s22], s20  }
0x9f: {  	s4 =	ssub.s32 $0x0, s20;
	[sflag:s22] =	ssyncset.done $0x0  }
0xa0: {  	[sflag:s22] =	ssyncadd.s32 s4;
	_ =	sdelay $0x1  }
0xa1: {  	s23 =	simm.s32 $0x1B8B  }
0xa2: {  	_ =	swait.ge [sflag:s23], $0x1  }
0xa3: {  	[sflag:s23] =	ssyncset.done $0x0  }
0xa4: {  	s25 =	simm.s32 $0x1B8E;
	s24 =	sld [smem:$0x3FFE];
	[sflag:s23] =	ssyncadd.s32 $0xFFFFFFFF  }
0xa5: {  	s26 =	simm.s32 $execute0_lowered;
	[smem:$0x3FD2] =	sst s25  }
0xa6: {  	s5 =	sshll.u32 s26, $0x1;
	_ =	strace $0x80000049;
	[dreg:$0x1] =	wrdreg $0xFFFFFFFF  }
0xa7: {  	s28 =	simm.s32 $_size_execute0_lowered;
	s3 =	sadd.s32 s3, s5;
	[dreg:$0x0] =	wrdreg $0x0  }
0xa8: {  	s5 =	sshll.u32 s28, $0x1;
	[dreg:$0x2] =	wrdreg s3  }
0xa9: {  	[dreg:$0x3] =	wrdreg s5  }
0xaa: {  	[dreg:$0x4] =	wrdreg $0xC0  }
0xab: {  	_ =	task [dreg:s7], $0x5FFFF  }
0xac: {  	[dreg:$0x1] =	wrdreg $0xFFFFFFFF  }
0xad: {  	[dreg:$0x0] =	wrdreg $0x60  }
0xae: {  	[dreg:$0x2] =	wrdreg s2  }
0xaf: {  	[dreg:$0x3] =	wrdreg s24  }
0xb0: {  	[dreg:$0x4] =	wrdreg $0xB5400  }
0xb1: {  	[dreg:$0x5] =	wrdreg $0x9  }
0xb2: {  	_ =	task.clear_ibuf [dreg:s7], $0x6FFFF;
	_ =	strace $0x90000049  }
0xb3: {  	s29 =	simm.s32 $0x9;
	_ =	strace $0x8000004B  }
0xb4: {  	_ =	swait.ge [sflag:s29], $0x1  }
0xb5: {  	[sflag:s29] =	ssyncadd.s32 $0xFFFFFFFF  }
0xb6: {  	_ =	strace $0x9000004B  }
0xb7: {  	_ =	sfence  }
0xb8: {  	s30 =	sld [smem:$0x0];
	_ =	sdelay $0x2  }
0xb9: {  	s31 =	sshll.u32 s1, $0xD;
	s1 =	sshrl.u32 s1, $0x2  }
0xba: {  	s3 =	sand.u32 $0x4000, s31;
	s1 =	sadd.s32 s1, s30  }
0xbb: {  	s0 =	sor.u32 s3, s0;
	s1 =	sshll.u32 s1, $0x11  }
0xbc: {  	s0 =	sor.u32 s1, s0  }
0xbd: {  	s0 =	sadd.s32 $0x8F2B, s0  }
0xbe: {  	[sflag:s0] =	ssyncadd.remote.s32 $0x1  }
0xbf: {  	_ =	sfence.sel $0xFFFF  }
0xc0: {  	[dreg:$0x0] =	wrdreg $0xFFFFFFFF;
	(pc) =	sbr.abs _section_cstart, $3  }
0xc1: {  	[dreg:$0x1] =	wrdreg $0xFFFFFFFF  }
0xc2: {  	_ =	task.clear_ibuf [dreg:s7], $0x2FFFF;
	_ =	strace $0x9FFFFFFF  }
0xc3: {  	(tm) =	ssettm $0x7FFFFFFF  }
tec
execute0_lowered:
.L_overlay_start_1:
0x0: {  	(tag) =	ssettag $0x1  }
0x1: {  	s1 =	rddreg [dreg:$0x0];
	s2 =	srdreg.scid  }
0x2: {  	s0 =	stileid.u32;
	s5 =	rddreg [dreg:$0x1]  }
0x3: {  	s3 =	rddreg [dreg:$0x2];
	s4 =	simm.s32 $0x0;
	s17 =	simm.s32 $0x1  }
0x4: {  	s18 =	simm.s32 $0x2;
	s19 =	simm.s32 $0x3;
	s20 =	simm.s32 $0x4  }
0x5: {  	s21 =	simm.s32 $0x64;
	s22 =	simm.s32 $0x8340;
	s25 =	simm.s32 $0x0  }
0x6: {  	s6 =	sand.u32 $0x1, s2;
	s2 =	rddreg [dreg:$0x3];
	s9 =	smul.u32 $0x4E200, s0  }
0x7: {  	s29 =	sshll.u32 s0, $0x1;
	[smem:$0x7FF] =	sst s4;
	s16 =	smul.u32 $0x13880, s0  }
0x8: {  	s7 =	sor.u32 s6, s29;
	s8 =	smul.u32 $0x27100, s6;
	s6 =	ssub.s32 $0x2, s6  }
0x9: {  	_ =	strace $0x8000004A;
	s7 =	smul.u32 $0x514, s7;
	s30 =	sshrl.u32 s6, $0x1  }
0xa: {  	s31 =	sshrl.u32 s9, $0x2;
	s24 =	sshrl.u32 s16, $0x3;
	s14 =	sadd.s32 s8, s5  }
0xb: {  	s15 =	ssub.s32 s6, s30;
	s13 =	sadd.s32 s31, s3;
	s7 =	sadd.s32 s7, s5  }
0xc: {  	s8 =	sadd.s32 $0x3200, s13;
	s9 =	sadd.s32 $0x6400, s13;
	s10 =	sadd.s32 $0x9600, s13  }
0xd: {  	s11 =	sadd.s32 $0xC800, s13;
	s12 =	sadd.s32 $0xFA00, s13;
	s13 =	sadd.s32 $0x12C00, s13  }
0xe: {  	s23 =	sadd.s32 $0x20C00, s14;
	s14 =	smax.u32 s15, $0x1;
	s15 =	simm.s32 $0x28A0  }
0xf: {  	s5 =	sadd.s32 $0xC400, s7;
	s6 =	sadd.s32 $0x16800, s7;
	s7 =	sadd.s32 s16, s3  }
0x10: {  	v0 =	vimm.f32 $0.0e+00;
	s16 =	simm.s32 $0x5140;
	s23 =	sadd.s32 s24, s23;
	s24 =	simm.s32 $0x5  }
.LBB2_1:
0x11: {  	[tilespmem:s4], [sflag:$0x3] =	stream.linear.gather [hbm4b:s5+s4], $0x28A0, $0x38;
	[tilespmem:$0x1EDC0] =	vst v63  }
0x12: {  	s26 =	simm.s32 $0x0;
	s28 =	simm.s32 $0x200  }
0x13: {  	[tilespmem:s15], [sflag:$0x4] =	stream.linear.gather [hbm4b:s6+s4], $0x28A0, $0x38;
	[tilespmem:$0x1EDC0] =	vst v63  }
.LBB2_2:
0x14: {  	p0 =	sne.s32 s28, $0xC600;
	[tilespmem:s26+$0x51B0] =	vst v0  }
0x15: {  	[tilespmem:s26+$0x5140] =	vst v0  }
0x16: {  	[tilespmem:s26+$0x5150] =	vst v0  }
.Ltmp0:
0x17: {  	[tilespmem:s26+$0x5160] =	vst v0;
	(pc) =	sbr.rel @p0 .LBB2_2-.Ltmp0, $4  }
0x18: {  	[tilespmem:s26+$0x5170] =	vst v0  }
0x19: {  	[tilespmem:s26+$0x5180] =	vst v0  }
0x1a: {  	[tilespmem:s26+$0x5190] =	vst v0  }
0x1b: {  	[tilespmem:s26+$0x51A0] =	vst v0;
	s26 =	sshra.s32 s28, $0x2;
	s28 =	sadd.s32 $0x200, s28  }
0x1c: {  	[tilespmem:s26+$0x51B0] =	vst v0  }
0x1d: {  	[tilespmem:s26+$0x5140] =	vst v0  }
0x1e: {  	[tilespmem:s26+$0x5150] =	vst v0  }
0x1f: {  	[tilespmem:s26+$0x5160] =	vst v0  }
0x20: {  	[tilespmem:s26+$0x5170] =	vst v0  }
0x21: {  	[tilespmem:s26+$0x5180] =	vst v0  }
0x22: {  	[tilespmem:s26+$0x5190] =	vst v0  }
0x23: {  	[tilespmem:s26+$0x51A0] =	vst v0  }
0x24: {  	[spmem:s7] =	stream.linear.scatter [tilespmem:s16], [sflag:$0x1], $0x3200, $0x38;
	[tilespmem:$0x1EDC0] =	vst v63  }
0x25: {  	_ = 	snop  }
0x26: {  	[spmem:s8] =	stream.linear.scatter [tilespmem:s16], [sflag:$0x2], $0x3200, $0x38;
	[tilespmem:$0x1EDC0] =	vst v63  }
0x27: {  	_ = 	snop  }
0x28: {  	[spmem:s9] =	stream.linear.scatter [tilespmem:s16], [sflag:$0x1], $0x3200, $0x38;
	[tilespmem:$0x1EDC0] =	vst v63  }
0x29: {  	_ = 	snop  }
0x2a: {  	[spmem:s10] =	stream.linear.scatter [tilespmem:s16], [sflag:$0x2], $0x3200, $0x38;
	[tilespmem:$0x1EDC0] =	vst v63  }
0x2b: {  	_ = 	snop  }
0x2c: {  	[spmem:s11] =	stream.linear.scatter [tilespmem:s16], [sflag:$0x1], $0x3200, $0x38;
	[tilespmem:$0x1EDC0] =	vst v63  }
0x2d: {  	_ = 	snop  }
0x2e: {  	[spmem:s12] =	stream.linear.scatter [tilespmem:s16], [sflag:$0x2], $0x3200, $0x38;
	[tilespmem:$0x1EDC0] =	vst v63  }
0x2f: {  	_ = 	snop  }
0x30: {  	[spmem:s13] =	stream.linear.scatter [tilespmem:s16], [sflag:$0x1], $0xC80, $0x38;
	[tilespmem:$0x1EDC0] =	vst v63  }
0x31: {  	_ =	swait.ge [sflag:s17], $0x3200  }
0x32: {  	[sflag:s17] =	ssyncset.done $0x0  }
0x33: {  	[sflag:s17] =	ssyncadd.s32 $0xFFFFCE00  }
0x34: {  	_ =	swait.ge [sflag:s18], $0x3200  }
0x35: {  	[sflag:s18] =	ssyncset.done $0x0  }
0x36: {  	[sflag:s18] =	ssyncadd.s32 $0xFFFFCE00  }
0x37: {  	_ =	swait.ge [sflag:s17], $0x3200  }
0x38: {  	[sflag:s17] =	ssyncset.done $0x0  }
0x39: {  	[sflag:s17] =	ssyncadd.s32 $0xFFFFCE00  }
0x3a: {  	_ =	swait.ge [sflag:s18], $0x3200  }
0x3b: {  	[sflag:s18] =	ssyncset.done $0x0  }
0x3c: {  	[sflag:s18] =	ssyncadd.s32 $0xFFFFCE00  }
0x3d: {  	_ =	swait.ge [sflag:s17], $0x3200  }
0x3e: {  	[sflag:s17] =	ssyncset.done $0x0  }
0x3f: {  	[sflag:s17] =	ssyncadd.s32 $0xFFFFCE00  }
0x40: {  	_ =	swait.ge [sflag:s18], $0x3200  }
0x41: {  	[sflag:s18] =	ssyncset.done $0x0  }
0x42: {  	[sflag:s18] =	ssyncadd.s32 $0xFFFFCE00  }
0x43: {  	_ =	swait.ge [sflag:s17], $0xC80  }
0x44: {  	[sflag:s17] =	ssyncset.done $0x0  }
0x45: {  	[sflag:s17] =	ssyncadd.s32 $0xFFFFF380  }
0x46: {  	_ =	swait.ge [sflag:s19], $0x28A0  }
0x47: {  	[sflag:s19] =	ssyncset.done $0x0  }
0x48: {  	[sflag:s19] =	ssyncadd.s32 $0xFFFFD760  }
0x49: {  	_ =	swait.ge [sflag:s20], $0x28A0  }
0x4a: {  	[sflag:s20] =	ssyncset.done $0x0  }
0x4b: {  	[sflag:s20] =	ssyncadd.s32 $0xFFFFD760  }
0x4c: {  	s31 =	simm.s32 $0x0;
	[bflag:$0x0] =	sbarrier.arrive $0xFFFF  }
0x4d: {  	[tilespmem:s16], [sflag:$0x1] =	stream.indirect.gather [hbm4b:s1+s21], $0x80, s31, s21, $0xb8;
	[tilespmem:$0x1EDC0] =	vst v63  }
0x4e: {  	s28 =	simm.s32 $0x68  }
0x4f: {  	[tilespmem:s22], [sflag:$0x2] =	stream.indirect.gather [hbm4b:s1+s21], $0x80, s28, s21, $0xb8;
	[tilespmem:$0x1EDC0] =	vst v63  }
0x50: {  	_ =	swait.ge [sflag:s17], $0x3200  }
0x51: {  	[sflag:s17] =	ssyncset.done $0x0  }
0x52: {  	s29 =	simm.s32 $0x28A0;
	[sflag:s17] =	ssyncadd.s32 $0xFFFFCE00  }
0x53: {  	[spmem:s3] =	stream.indirect.scatter.add.f32 [tilespmem:s16], [sflag:$0x3], $0x80, s29, s21, $0xb8;
	[tilespmem:$0x1EDC0] =	vst v63  }
0x54: {  	_ =	swait.ge [sflag:s19], $0x3200  }
0x55: {  	[sflag:s19] =	ssyncset.done $0x0  }
0x56: {  	s31 =	simm.s32 $0xD0;
	[sflag:s19] =	ssyncadd.s32 $0xFFFFCE00  }
0x57: {  	[tilespmem:s16], [sflag:$0x1] =	stream.indirect.gather [hbm4b:s1+s21], $0x80, s31, s21, $0xb8;
	[tilespmem:$0x1EDC0] =	vst v63  }
0x58: {  	_ =	swait.ge [sflag:s18], $0x3200  }
0x59: {  	[sflag:s18] =	ssyncset.done $0x0  }
0x5a: {  	s28 =	simm.s32 $0x2908;
	[sflag:s18] =	ssyncadd.s32 $0xFFFFCE00  }
0x5b: {  	[spmem:s3] =	stream.indirect.scatter.add.f32 [tilespmem:s22], [sflag:$0x3], $0x80, s28, s21, $0xb8;
	[tilespmem:$0x1EDC0] =	vst v63  }
0x5c: {  	_ =	swait.ge [sflag:s19], $0x3200  }
0x5d: {  	[sflag:s19] =	ssyncset.done $0x0  }
0x5e: {  	s29 =	simm.s32 $0x138;
	[sflag:s19] =	ssyncadd.s32 $0xFFFFCE00  }
0x5f: {  	[tilespmem:s22], [sflag:$0x2] =	stream.indirect.gather [hbm4b:s1+s21], $0x80, s29, s21, $0xb8;
	[tilespmem:$0x1EDC0] =	vst v63  }
0x60: {  	_ =	swait.ge [sflag:s17], $0x3200  }
0x61: {  	[sflag:s17] =	ssyncset.done $0x0  }
0x62: {  	s31 =	simm.s32 $0x2970;
	[sflag:s17] =	ssyncadd.s32 $0xFFFFCE00  }
0x63: {  	[spmem:s3] =	stream.indirect.scatter.add.f32 [tilespmem:s16], [sflag:$0x3], $0x80, s31, s21, $0xb8;
	[tilespmem:$0x1EDC0] =	vst v63  }
0x64: {  	_ =	swait.ge [sflag:s19], $0x3200  }
0x65: {  	[sflag:s19] =	ssyncset.done $0x0  }
0x66: {  	s28 =	simm.s32 $0x1A0;
	[sflag:s19] =	ssyncadd.s32 $0xFFFFCE00  }
0x67: {  	[tilespmem:s16], [sflag:$0x1] =	stream.indirect.gather [hbm4b:s1+s21], $0x80, s28, s21, $0xb8;
	[tilespmem:$0x1EDC0] =	vst v63  }
0x68: {  	_ =	swait.ge [sflag:s18], $0x3200  }
0x69: {  	[sflag:s18] =	ssyncset.done $0x0  }
0x6a: {  	s29 =	simm.s32 $0x29D8;
	[sflag:s18] =	ssyncadd.s32 $0xFFFFCE00  }
0x6b: {  	[spmem:s3] =	stream.indirect.scatter.add.f32 [tilespmem:s22], [sflag:$0x3], $0x80, s29, s21, $0xb8;
	[tilespmem:$0x1EDC0] =	vst v63  }
0x6c: {  	_ =	swait.ge [sflag:s19], $0x3200  }
0x6d: {  	[sflag:s19] =	ssyncset.done $0x0  }
0x6e: {  	s31 =	simm.s32 $0x208;
	[sflag:s19] =	ssyncadd.s32 $0xFFFFCE00  }
0x6f: {  	[tilespmem:s22], [sflag:$0x2] =	stream.indirect.gather [hbm4b:s1+s21], $0x80, s31, s21, $0xb8;
	[tilespmem:$0x1EDC0] =	vst v63  }
0x70: {  	_ =	swait.ge [sflag:s17], $0x3200  }
0x71: {  	[sflag:s17] =	ssyncset.done $0x0  }
0x72: {  	s28 =	simm.s32 $0x2A40;
	[sflag:s17] =	ssyncadd.s32 $0xFFFFCE00  }
0x73: {  	[spmem:s3] =	stream.indirect.scatter.add.f32 [tilespmem:s16], [sflag:$0x3], $0x80, s28, s21, $0xb8;
	[tilespmem:$0x1EDC0] =	vst v63  }
0x74: {  	_ =	swait.ge [sflag:s19], $0x3200  }
0x75: {  	[sflag:s19] =	ssyncset.done $0x0  }
0x76: {  	s29 =	simm.s32 $0x270;
	[sflag:s19] =	ssyncadd.s32 $0xFFFFCE00  }
0x77: {  	[tilespmem:s16], [sflag:$0x1] =	stream.indirect.gather [hbm4b:s1+s21], $0x80, s29, s21, $0xb8;
	[tilespmem:$0x1EDC0] =	vst v63  }
0x78: {  	_ =	swait.ge [sflag:s18], $0x3200  }
0x79: {  	[sflag:s18] =	ssyncset.done $0x0  }
0x7a: {  	s31 =	simm.s32 $0x2AA8;
	[sflag:s18] =	ssyncadd.s32 $0xFFFFCE00  }
0x7b: {  	[spmem:s3] =	stream.indirect.scatter.add.f32 [tilespmem:s22], [sflag:$0x3], $0x80, s31, s21, $0xb8;
	[tilespmem:$0x1EDC0] =	vst v63  }
0x7c: {  	_ =	swait.ge [sflag:s19], $0x3200  }
0x7d: {  	[sflag:s19] =	ssyncset.done $0x0  }
0x7e: {  	s28 =	simm.s32 $0x2D8;
	[sflag:s19] =	ssyncadd.s32 $0xFFFFCE00  }
0x7f: {  	[tilespmem:s22], [sflag:$0x2] =	stream.indirect.gather [hbm4b:s1+s21], $0x80, s28, s21, $0xb8;
	[tilespmem:$0x1EDC0] =	vst v63  }
0x80: {  	_ =	swait.ge [sflag:s17], $0x3200  }
0x81: {  	[sflag:s17] =	ssyncset.done $0x0  }
0x82: {  	s29 =	simm.s32 $0x2B10;
	[sflag:s17] =	ssyncadd.s32 $0xFFFFCE00  }
0x83: {  	[spmem:s3] =	stream.indirect.scatter.add.f32 [tilespmem:s16], [sflag:$0x3], $0x80, s29, s21, $0xb8;
	[tilespmem:$0x1EDC0] =	vst v63  }
0x84: {  	_ =	swait.ge [sflag:s19], $0x3200  }
0x85: {  	[sflag:s19] =	ssyncset.done $0x0  }
0x86: {  	s31 =	simm.s32 $0x340;
	[sflag:s19] =	ssyncadd.s32 $0xFFFFCE00  }
0x87: {  	[tilespmem:s16], [sflag:$0x1] =	stream.indirect.gather [hbm4b:s1+s21], $0x80, s31, s21, $0xb8;
	[tilespmem:$0x1EDC0] =	vst v63  }
0x88: {  	_ =	swait.ge [sflag:s18], $0x3200  }
0x89: {  	[sflag:s18] =	ssyncset.done $0x0  }
0x8a: {  	s28 =	simm.s32 $0x2B78;
	[sflag:s18] =	ssyncadd.s32 $0xFFFFCE00  }
0x8b: {  	[spmem:s3] =	stream.indirect.scatter.add.f32 [tilespmem:s22], [sflag:$0x3], $0x80, s28, s21, $0xb8;
	[tilespmem:$0x1EDC0] =	vst v63  }
0x8c: {  	_ =	swait.ge [sflag:s19], $0x3200  }
0x8d: {  	[sflag:s19] =	ssyncset.done $0x0  }
0x8e: {  	s29 =	simm.s32 $0x3A8;
	[sflag:s19] =	ssyncadd.s32 $0xFFFFCE00  }
0x8f: {  	[tilespmem:s22], [sflag:$0x2] =	stream.indirect.gather [hbm4b:s1+s21], $0x80, s29, s21, $0xb8;
	[tilespmem:$0x1EDC0] =	vst v63  }
0x90: {  	_ =	swait.ge [sflag:s17], $0x3200  }
0x91: {  	[sflag:s17] =	ssyncset.done $0x0  }
0x92: {  	s31 =	simm.s32 $0x2BE0;
	[sflag:s17] =	ssyncadd.s32 $0xFFFFCE00  }
0x93: {  	[spmem:s3] =	stream.indirect.scatter.add.f32 [tilespmem:s16], [sflag:$0x3], $0x80, s31, s21, $0xb8;
	[tilespmem:$0x1EDC0] =	vst v63  }
0x94: {  	_ =	swait.ge [sflag:s19], $0x3200  }
0x95: {  	[sflag:s19] =	ssyncset.done $0x0  }
0x96: {  	s28 =	simm.s32 $0x410;
	[sflag:s19] =	ssyncadd.s32 $0xFFFFCE00  }
0x97: {  	[tilespmem:s16], [sflag:$0x1] =	stream.indirect.gather [hbm4b:s1+s21], $0x80, s28, s21, $0xb8;
	[tilespmem:$0x1EDC0] =	vst v63  }
0x98: {  	_ =	swait.ge [sflag:s18], $0x3200  }
0x99: {  	[sflag:s18] =	ssyncset.done $0x0  }
0x9a: {  	s29 =	simm.s32 $0x2C48;
	[sflag:s18] =	ssyncadd.s32 $0xFFFFCE00  }
0x9b: {  	[spmem:s3] =	stream.indirect.scatter.add.f32 [tilespmem:s22], [sflag:$0x3], $0x80, s29, s21, $0xb8;
	[tilespmem:$0x1EDC0] =	vst v63  }
0x9c: {  	_ =	swait.ge [sflag:s19], $0x3200  }
0x9d: {  	[sflag:s19] =	ssyncset.done $0x0  }
0x9e: {  	s31 =	simm.s32 $0x478;
	[sflag:s19] =	ssyncadd.s32 $0xFFFFCE00  }
0x9f: {  	[tilespmem:s22], [sflag:$0x2] =	stream.indirect.gather [hbm4b:s1+s21], $0x80, s31, s21, $0xb8;
	[tilespmem:$0x1EDC0] =	vst v63  }
0xa0: {  	_ =	swait.ge [sflag:s17], $0x3200  }
0xa1: {  	[sflag:s17] =	ssyncset.done $0x0  }
0xa2: {  	s28 =	simm.s32 $0x2CB0;
	[sflag:s17] =	ssyncadd.s32 $0xFFFFCE00  }
0xa3: {  	[spmem:s3] =	stream.indirect.scatter.add.f32 [tilespmem:s16], [sflag:$0x3], $0x80, s28, s21, $0xb8;
	[tilespmem:$0x1EDC0] =	vst v63  }
0xa4: {  	_ =	swait.ge [sflag:s19], $0x3200  }
0xa5: {  	[sflag:s19] =	ssyncset.done $0x0  }
0xa6: {  	s29 =	simm.s32 $0x4E0;
	[sflag:s19] =	ssyncadd.s32 $0xFFFFCE00  }
0xa7: {  	[tilespmem:s16], [sflag:$0x1] =	stream.indirect.gather [hbm4b:s1+s21], $0x80, s29, s21, $0xb8;
	[tilespmem:$0x1EDC0] =	vst v63  }
0xa8: {  	_ =	swait.ge [sflag:s18], $0x3200  }
0xa9: {  	[sflag:s18] =	ssyncset.done $0x0  }
0xaa: {  	s31 =	simm.s32 $0x2D18;
	[sflag:s18] =	ssyncadd.s32 $0xFFFFCE00  }
0xab: {  	[spmem:s3] =	stream.indirect.scatter.add.f32 [tilespmem:s22], [sflag:$0x3], $0x80, s31, s21, $0xb8;
	[tilespmem:$0x1EDC0] =	vst v63  }
0xac: {  	_ =	swait.ge [sflag:s19], $0x3200  }
0xad: {  	[sflag:s19] =	ssyncset.done $0x0  }
0xae: {  	s28 =	simm.s32 $0x548;
	[sflag:s19] =	ssyncadd.s32 $0xFFFFCE00  }
0xaf: {  	[tilespmem:s22], [sflag:$0x2] =	stream.indirect.gather [hbm4b:s1+s21], $0x80, s28, s21, $0xb8;
	[tilespmem:$0x1EDC0] =	vst v63  }
0xb0: {  	_ =	swait.ge [sflag:s17], $0x3200  }
0xb1: {  	[sflag:s17] =	ssyncset.done $0x0  }
0xb2: {  	s29 =	simm.s32 $0x2D80;
	[sflag:s17] =	ssyncadd.s32 $0xFFFFCE00  }
0xb3: {  	[spmem:s3] =	stream.indirect.scatter.add.f32 [tilespmem:s16], [sflag:$0x3], $0x80, s29, s21, $0xb8;
	[tilespmem:$0x1EDC0] =	vst v63  }
0xb4: {  	_ =	swait.ge [sflag:s19], $0x3200  }
0xb5: {  	[sflag:s19] =	ssyncset.done $0x0  }
0xb6: {  	s31 =	simm.s32 $0x5B0;
	[sflag:s19] =	ssyncadd.s32 $0xFFFFCE00  }
0xb7: {  	[tilespmem:s16], [sflag:$0x1] =	stream.indirect.gather [hbm4b:s1+s21], $0x80, s31, s21, $0xb8;
	[tilespmem:$0x1EDC0] =	vst v63  }
0xb8: {  	_ =	swait.ge [sflag:s18], $0x3200  }
0xb9: {  	[sflag:s18] =	ssyncset.done $0x0  }
0xba: {  	s28 =	simm.s32 $0x2DE8;
	[sflag:s18] =	ssyncadd.s32 $0xFFFFCE00  }
0xbb: {  	[spmem:s3] =	stream.indirect.scatter.add.f32 [tilespmem:s22], [sflag:$0x3], $0x80, s28, s21, $0xb8;
	[tilespmem:$0x1EDC0] =	vst v63  }
0xbc: {  	_ =	swait.ge [sflag:s19], $0x3200  }
0xbd: {  	[sflag:s19] =	ssyncset.done $0x0  }
0xbe: {  	s29 =	simm.s32 $0x618;
	[sflag:s19] =	ssyncadd.s32 $0xFFFFCE00  }
0xbf: {  	[tilespmem:s22], [sflag:$0x2] =	stream.indirect.gather [hbm4b:s1+s21], $0x80, s29, s21, $0xb8;
	[tilespmem:$0x1EDC0] =	vst v63  }
0xc0: {  	_ =	swait.ge [sflag:s17], $0x3200  }
0xc1: {  	[sflag:s17] =	ssyncset.done $0x0  }
0xc2: {  	s31 =	simm.s32 $0x2E50;
	[sflag:s17] =	ssyncadd.s32 $0xFFFFCE00  }
0xc3: {  	[spmem:s3] =	stream.indirect.scatter.add.f32 [tilespmem:s16], [sflag:$0x3], $0x80, s31, s21, $0xb8;
	[tilespmem:$0x1EDC0] =	vst v63  }
0xc4: {  	_ =	swait.ge [sflag:s19], $0x3200  }
0xc5: {  	[sflag:s19] =	ssyncset.done $0x0  }
0xc6: {  	s28 =	simm.s32 $0x680;
	[sflag:s19] =	ssyncadd.s32 $0xFFFFCE00  }
0xc7: {  	[tilespmem:s16], [sflag:$0x1] =	stream.indirect.gather [hbm4b:s1+s21], $0x80, s28, s21, $0xb8;
	[tilespmem:$0x1EDC0] =	vst v63  }
0xc8: {  	_ =	swait.ge [sflag:s18], $0x3200  }
0xc9: {  	[sflag:s18] =	ssyncset.done $0x0  }
0xca: {  	s29 =	simm.s32 $0x2EB8;
	[sflag:s18] =	ssyncadd.s32 $0xFFFFCE00  }
0xcb: {  	[spmem:s3] =	stream.indirect.scatter.add.f32 [tilespmem:s22], [sflag:$0x3], $0x80, s29, s21, $0xb8;
	[tilespmem:$0x1EDC0] =	vst v63  }
0xcc: {  	_ =	swait.ge [sflag:s19], $0x3200  }
0xcd: {  	[sflag:s19] =	ssyncset.done $0x0  }
0xce: {  	s31 =	simm.s32 $0x6E8;
	[sflag:s19] =	ssyncadd.s32 $0xFFFFCE00  }
0xcf: {  	[tilespmem:s22], [sflag:$0x2] =	stream.indirect.gather [hbm4b:s1+s21], $0x80, s31, s21, $0xb8;
	[tilespmem:$0x1EDC0] =	vst v63  }
0xd0: {  	_ =	swait.ge [sflag:s17], $0x3200  }
0xd1: {  	[sflag:s17] =	ssyncset.done $0x0  }
0xd2: {  	s28 =	simm.s32 $0x2F20;
	[sflag:s17] =	ssyncadd.s32 $0xFFFFCE00  }
0xd3: {  	[spmem:s3] =	stream.indirect.scatter.add.f32 [tilespmem:s16], [sflag:$0x3], $0x80, s28, s21, $0xb8;
	[tilespmem:$0x1EDC0] =	vst v63  }
0xd4: {  	_ =	swait.ge [sflag:s19], $0x3200  }
0xd5: {  	[sflag:s19] =	ssyncset.done $0x0  }
0xd6: {  	s29 =	simm.s32 $0x750;
	[sflag:s19] =	ssyncadd.s32 $0xFFFFCE00  }
0xd7: {  	[tilespmem:s16], [sflag:$0x1] =	stream.indirect.gather [hbm4b:s1+s21], $0x80, s29, s21, $0xb8;
	[tilespmem:$0x1EDC0] =	vst v63  }
0xd8: {  	_ =	swait.ge [sflag:s18], $0x3200  }
0xd9: {  	[sflag:s18] =	ssyncset.done $0x0  }
0xda: {  	s31 =	simm.s32 $0x2F88;
	[sflag:s18] =	ssyncadd.s32 $0xFFFFCE00  }
0xdb: {  	[spmem:s3] =	stream.indirect.scatter.add.f32 [tilespmem:s22], [sflag:$0x3], $0x80, s31, s21, $0xb8;
	[tilespmem:$0x1EDC0] =	vst v63  }
0xdc: {  	_ =	swait.ge [sflag:s19], $0x3200  }
0xdd: {  	[sflag:s19] =	ssyncset.done $0x0  }
0xde: {  	s28 =	simm.s32 $0x7B8;
	[sflag:s19] =	ssyncadd.s32 $0xFFFFCE00  }
0xdf: {  	[tilespmem:s22], [sflag:$0x2] =	stream.indirect.gather [hbm4b:s1+s21], $0x80, s28, s21, $0xb8;
	[tilespmem:$0x1EDC0] =	vst v63  }
0xe0: {  	_ =	swait.ge [sflag:s17], $0x3200  }
0xe1: {  	[sflag:s17] =	ssyncset.done $0x0  }
0xe2: {  	s29 =	simm.s32 $0x2FF0;
	[sflag:s17] =	ssyncadd.s32 $0xFFFFCE00  }
0xe3: {  	[spmem:s3] =	stream.indirect.scatter.add.f32 [tilespmem:s16], [sflag:$0x3], $0x80, s29, s21, $0xb8;
	[tilespmem:$0x1EDC0] =	vst v63  }
0xe4: {  	_ =	swait.ge [sflag:s19], $0x3200  }
0xe5: {  	[sflag:s19] =	ssyncset.done $0x0  }
0xe6: {  	[sflag:s19] =	ssyncadd.s32 $0xFFFFCE00  }
0xe7: {  	_ =	swait.ge [sflag:s18], $0x3200  }
0xe8: {  	[sflag:s18] =	ssyncset.done $0x0  }
0xe9: {  	s31 =	simm.s32 $0x3058;
	[sflag:s18] =	ssyncadd.s32 $0xFFFFCE00  }
0xea: {  	[spmem:s3] =	stream.indirect.scatter.add.f32 [tilespmem:s22], [sflag:$0x3], $0x80, s31, s21, $0xb8;
	[tilespmem:$0x1EDC0] =	vst v63  }
0xeb: {  	_ =	swait.ge [sflag:s19], $0x3200  }
0xec: {  	s26 =	simm.s32 $0x2080;
	s30 =	simm.s32 $0x4100;
	[sflag:s19] =	ssyncset.done $0x0  }
.LBB2_4:
0xed: {  	s29 =	sshra.s32 s26, $0x2  }
0xee: {  	[sflag:s19] =	ssyncadd.s32 $0xFFFFCE00;
	s26 =	smov.u32 s30;
	s28 =	sadd.s32 $0x2080, s30  }
0xef: {  	[tilespmem:s16], [sflag:$0x1] =	stream.indirect.gather [hbm4b:s1+s21], $0x80, s29, s21, $0xb8;
	[tilespmem:$0x1EDC0] =	vst v63  }
0xf0: {  	p0 =	sne.s32 s30, $0x8200;
	s30 =	sadd.s32 $0x68, s29  }
0xf1: {  	[tilespmem:s22], [sflag:$0x2] =	stream.indirect.gather [hbm4b:s1+s21], $0x80, s30, s21, $0xb8;
	[tilespmem:$0x1EDC0] =	vst v63  }
0xf2: {  	_ =	swait.ge [sflag:s17], $0x3200  }
0xf3: {  	[sflag:s17] =	ssyncset.done $0x0  }
0xf4: {  	s30 =	sadd.s32 $0x28A0, s29;
	[sflag:s17] =	ssyncadd.s32 $0xFFFFCE00  }
0xf5: {  	[spmem:s3] =	stream.indirect.scatter.add.f32 [tilespmem:s16], [sflag:$0x3], $0x80, s30, s21, $0xb8;
	[tilespmem:$0x1EDC0] =	vst v63  }
0xf6: {  	_ =	swait.ge [sflag:s19], $0x3200  }
0xf7: {  	[sflag:s19] =	ssyncset.done $0x0  }
0xf8: {  	s30 =	sadd.s32 $0xD0, s29;
	[sflag:s19] =	ssyncadd.s32 $0xFFFFCE00  }
0xf9: {  	[tilespmem:s16], [sflag:$0x1] =	stream.indirect.gather [hbm4b:s1+s21], $0x80, s30, s21, $0xb8;
	[tilespmem:$0x1EDC0] =	vst v63  }
0xfa: {  	_ =	swait.ge [sflag:s18], $0x3200  }
0xfb: {  	[sflag:s18] =	ssyncset.done $0x0  }
0xfc: {  	s30 =	sadd.s32 $0x2908, s29;
	[sflag:s18] =	ssyncadd.s32 $0xFFFFCE00  }
0xfd: {  	[spmem:s3] =	stream.indirect.scatter.add.f32 [tilespmem:s22], [sflag:$0x3], $0x80, s30, s21, $0xb8;
	[tilespmem:$0x1EDC0] =	vst v63  }
0xfe: {  	_ =	swait.ge [sflag:s19], $0x3200  }
0xff: {  	[sflag:s19] =	ssyncset.done $0x0  }
0x100: {  	s30 =	sadd.s32 $0x138, s29;
	[sflag:s19] =	ssyncadd.s32 $0xFFFFCE00  }
0x101: {  	[tilespmem:s22], [sflag:$0x2] =	stream.indirect.gather [hbm4b:s1+s21], $0x80, s30, s21, $0xb8;
	[tilespmem:$0x1EDC0] =	vst v63  }
0x102: {  	_ =	swait.ge [sflag:s17], $0x3200  }
0x103: {  	[sflag:s17] =	ssyncset.done $0x0  }
0x104: {  	s30 =	sadd.s32 $0x2970, s29;
	[sflag:s17] =	ssyncadd.s32 $0xFFFFCE00  }
0x105: {  	[spmem:s3] =	stream.indirect.scatter.add.f32 [tilespmem:s16], [sflag:$0x3], $0x80, s30, s21, $0xb8;
	[tilespmem:$0x1EDC0] =	vst v63  }
0x106: {  	_ =	swait.ge [sflag:s19], $0x3200  }
0x107: {  	[sflag:s19] =	ssyncset.done $0x0  }
0x108: {  	s30 =	sadd.s32 $0x1A0, s29;
	[sflag:s19] =	ssyncadd.s32 $0xFFFFCE00  }
0x109: {  	[tilespmem:s16], [sflag:$0x1] =	stream.indirect.gather [hbm4b:s1+s21], $0x80, s30, s21, $0xb8;
	[tilespmem:$0x1EDC0] =	vst v63  }
0x10a: {  	_ =	swait.ge [sflag:s18], $0x3200  }
0x10b: {  	[sflag:s18] =	ssyncset.done $0x0  }
0x10c: {  	s30 =	sadd.s32 $0x29D8, s29;
	[sflag:s18] =	ssyncadd.s32 $0xFFFFCE00  }
0x10d: {  	[spmem:s3] =	stream.indirect.scatter.add.f32 [tilespmem:s22], [sflag:$0x3], $0x80, s30, s21, $0xb8;
	[tilespmem:$0x1EDC0] =	vst v63  }
0x10e: {  	_ =	swait.ge [sflag:s19], $0x3200  }
0x10f: {  	[sflag:s19] =	ssyncset.done $0x0  }
0x110: {  	s30 =	sadd.s32 $0x208, s29;
	[sflag:s19] =	ssyncadd.s32 $0xFFFFCE00  }
0x111: {  	[tilespmem:s22], [sflag:$0x2] =	stream.indirect.gather [hbm4b:s1+s21], $0x80, s30, s21, $0xb8;
	[tilespmem:$0x1EDC0] =	vst v63  }
0x112: {  	_ =	swait.ge [sflag:s17], $0x3200  }
0x113: {  	[sflag:s17] =	ssyncset.done $0x0  }
0x114: {  	s30 =	sadd.s32 $0x2A40, s29;
	[sflag:s17] =	ssyncadd.s32 $0xFFFFCE00  }
0x115: {  	[spmem:s3] =	stream.indirect.scatter.add.f32 [tilespmem:s16], [sflag:$0x3], $0x80, s30, s21, $0xb8;
	[tilespmem:$0x1EDC0] =	vst v63  }
0x116: {  	_ =	swait.ge [sflag:s19], $0x3200  }
0x117: {  	[sflag:s19] =	ssyncset.done $0x0  }
0x118: {  	s30 =	sadd.s32 $0x270, s29;
	[sflag:s19] =	ssyncadd.s32 $0xFFFFCE00  }
0x119: {  	[tilespmem:s16], [sflag:$0x1] =	stream.indirect.gather [hbm4b:s1+s21], $0x80, s30, s21, $0xb8;
	[tilespmem:$0x1EDC0] =	vst v63  }
0x11a: {  	_ =	swait.ge [sflag:s18], $0x3200  }
0x11b: {  	[sflag:s18] =	ssyncset.done $0x0  }
0x11c: {  	s30 =	sadd.s32 $0x2AA8, s29;
	[sflag:s18] =	ssyncadd.s32 $0xFFFFCE00  }
0x11d: {  	[spmem:s3] =	stream.indirect.scatter.add.f32 [tilespmem:s22], [sflag:$0x3], $0x80, s30, s21, $0xb8;
	[tilespmem:$0x1EDC0] =	vst v63  }
0x11e: {  	_ =	swait.ge [sflag:s19], $0x3200  }
0x11f: {  	[sflag:s19] =	ssyncset.done $0x0  }
0x120: {  	s30 =	sadd.s32 $0x2D8, s29;
	[sflag:s19] =	ssyncadd.s32 $0xFFFFCE00  }
0x121: {  	[tilespmem:s22], [sflag:$0x2] =	stream.indirect.gather [hbm4b:s1+s21], $0x80, s30, s21, $0xb8;
	[tilespmem:$0x1EDC0] =	vst v63  }
0x122: {  	_ =	swait.ge [sflag:s17], $0x3200  }
0x123: {  	[sflag:s17] =	ssyncset.done $0x0  }
0x124: {  	s30 =	sadd.s32 $0x2B10, s29;
	[sflag:s17] =	ssyncadd.s32 $0xFFFFCE00  }
0x125: {  	[spmem:s3] =	stream.indirect.scatter.add.f32 [tilespmem:s16], [sflag:$0x3], $0x80, s30, s21, $0xb8;
	[tilespmem:$0x1EDC0] =	vst v63  }
0x126: {  	_ =	swait.ge [sflag:s19], $0x3200  }
0x127: {  	[sflag:s19] =	ssyncset.done $0x0  }
0x128: {  	s30 =	sadd.s32 $0x340, s29;
	[sflag:s19] =	ssyncadd.s32 $0xFFFFCE00  }
0x129: {  	[tilespmem:s16], [sflag:$0x1] =	stream.indirect.gather [hbm4b:s1+s21], $0x80, s30, s21, $0xb8;
	[tilespmem:$0x1EDC0] =	vst v63  }
0x12a: {  	_ =	swait.ge [sflag:s18], $0x3200  }
0x12b: {  	[sflag:s18] =	ssyncset.done $0x0  }
0x12c: {  	s30 =	sadd.s32 $0x2B78, s29;
	[sflag:s18] =	ssyncadd.s32 $0xFFFFCE00  }
0x12d: {  	[spmem:s3] =	stream.indirect.scatter.add.f32 [tilespmem:s22], [sflag:$0x3], $0x80, s30, s21, $0xb8;
	[tilespmem:$0x1EDC0] =	vst v63  }
0x12e: {  	_ =	swait.ge [sflag:s19], $0x3200  }
0x12f: {  	[sflag:s19] =	ssyncset.done $0x0  }
0x130: {  	s30 =	sadd.s32 $0x3A8, s29;
	[sflag:s19] =	ssyncadd.s32 $0xFFFFCE00  }
0x131: {  	[tilespmem:s22], [sflag:$0x2] =	stream.indirect.gather [hbm4b:s1+s21], $0x80, s30, s21, $0xb8;
	[tilespmem:$0x1EDC0] =	vst v63  }
0x132: {  	_ =	swait.ge [sflag:s17], $0x3200  }
0x133: {  	[sflag:s17] =	ssyncset.done $0x0  }
0x134: {  	s30 =	sadd.s32 $0x2BE0, s29;
	[sflag:s17] =	ssyncadd.s32 $0xFFFFCE00  }
0x135: {  	[spmem:s3] =	stream.indirect.scatter.add.f32 [tilespmem:s16], [sflag:$0x3], $0x80, s30, s21, $0xb8;
	[tilespmem:$0x1EDC0] =	vst v63  }
0x136: {  	_ =	swait.ge [sflag:s19], $0x3200  }
0x137: {  	[sflag:s19] =	ssyncset.done $0x0  }
0x138: {  	s30 =	sadd.s32 $0x410, s29;
	[sflag:s19] =	ssyncadd.s32 $0xFFFFCE00  }
0x139: {  	[tilespmem:s16], [sflag:$0x1] =	stream.indirect.gather [hbm4b:s1+s21], $0x80, s30, s21, $0xb8;
	[tilespmem:$0x1EDC0] =	vst v63  }
0x13a: {  	_ =	swait.ge [sflag:s18], $0x3200  }
0x13b: {  	[sflag:s18] =	ssyncset.done $0x0  }
0x13c: {  	s30 =	sadd.s32 $0x2C48, s29;
	[sflag:s18] =	ssyncadd.s32 $0xFFFFCE00  }
0x13d: {  	[spmem:s3] =	stream.indirect.scatter.add.f32 [tilespmem:s22], [sflag:$0x3], $0x80, s30, s21, $0xb8;
	[tilespmem:$0x1EDC0] =	vst v63  }
0x13e: {  	_ =	swait.ge [sflag:s19], $0x3200  }
0x13f: {  	[sflag:s19] =	ssyncset.done $0x0  }
0x140: {  	s30 =	sadd.s32 $0x478, s29;
	[sflag:s19] =	ssyncadd.s32 $0xFFFFCE00  }
0x141: {  	[tilespmem:s22], [sflag:$0x2] =	stream.indirect.gather [hbm4b:s1+s21], $0x80, s30, s21, $0xb8;
	[tilespmem:$0x1EDC0] =	vst v63  }
0x142: {  	_ =	swait.ge [sflag:s17], $0x3200  }
0x143: {  	[sflag:s17] =	ssyncset.done $0x0  }
0x144: {  	s30 =	sadd.s32 $0x2CB0, s29;
	[sflag:s17] =	ssyncadd.s32 $0xFFFFCE00  }
0x145: {  	[spmem:s3] =	stream.indirect.scatter.add.f32 [tilespmem:s16], [sflag:$0x3], $0x80, s30, s21, $0xb8;
	[tilespmem:$0x1EDC0] =	vst v63  }
0x146: {  	_ =	swait.ge [sflag:s19], $0x3200  }
0x147: {  	[sflag:s19] =	ssyncset.done $0x0  }
0x148: {  	s30 =	sadd.s32 $0x4E0, s29;
	[sflag:s19] =	ssyncadd.s32 $0xFFFFCE00  }
0x149: {  	[tilespmem:s16], [sflag:$0x1] =	stream.indirect.gather [hbm4b:s1+s21], $0x80, s30, s21, $0xb8;
	[tilespmem:$0x1EDC0] =	vst v63  }
0x14a: {  	_ =	swait.ge [sflag:s18], $0x3200  }
0x14b: {  	[sflag:s18] =	ssyncset.done $0x0  }
0x14c: {  	s30 =	sadd.s32 $0x2D18, s29;
	[sflag:s18] =	ssyncadd.s32 $0xFFFFCE00  }
0x14d: {  	[spmem:s3] =	stream.indirect.scatter.add.f32 [tilespmem:s22], [sflag:$0x3], $0x80, s30, s21, $0xb8;
	[tilespmem:$0x1EDC0] =	vst v63  }
0x14e: {  	_ =	swait.ge [sflag:s19], $0x3200  }
0x14f: {  	[sflag:s19] =	ssyncset.done $0x0  }
0x150: {  	s30 =	sadd.s32 $0x548, s29;
	[sflag:s19] =	ssyncadd.s32 $0xFFFFCE00  }
0x151: {  	[tilespmem:s22], [sflag:$0x2] =	stream.indirect.gather [hbm4b:s1+s21], $0x80, s30, s21, $0xb8;
	[tilespmem:$0x1EDC0] =	vst v63  }
0x152: {  	_ =	swait.ge [sflag:s17], $0x3200  }
0x153: {  	[sflag:s17] =	ssyncset.done $0x0  }
0x154: {  	s30 =	sadd.s32 $0x2D80, s29;
	[sflag:s17] =	ssyncadd.s32 $0xFFFFCE00  }
0x155: {  	[spmem:s3] =	stream.indirect.scatter.add.f32 [tilespmem:s16], [sflag:$0x3], $0x80, s30, s21, $0xb8;
	[tilespmem:$0x1EDC0] =	vst v63  }
0x156: {  	_ =	swait.ge [sflag:s19], $0x3200  }
0x157: {  	[sflag:s19] =	ssyncset.done $0x0  }
0x158: {  	s30 =	sadd.s32 $0x5B0, s29;
	[sflag:s19] =	ssyncadd.s32 $0xFFFFCE00  }
0x159: {  	[tilespmem:s16], [sflag:$0x1] =	stream.indirect.gather [hbm4b:s1+s21], $0x80, s30, s21, $0xb8;
	[tilespmem:$0x1EDC0] =	vst v63  }
0x15a: {  	_ =	swait.ge [sflag:s18], $0x3200  }
0x15b: {  	[sflag:s18] =	ssyncset.done $0x0  }
0x15c: {  	s30 =	sadd.s32 $0x2DE8, s29;
	[sflag:s18] =	ssyncadd.s32 $0xFFFFCE00  }
0x15d: {  	[spmem:s3] =	stream.indirect.scatter.add.f32 [tilespmem:s22], [sflag:$0x3], $0x80, s30, s21, $0xb8;
	[tilespmem:$0x1EDC0] =	vst v63  }
0x15e: {  	_ =	swait.ge [sflag:s19], $0x3200  }
0x15f: {  	[sflag:s19] =	ssyncset.done $0x0  }
0x160: {  	s30 =	sadd.s32 $0x618, s29;
	[sflag:s19] =	ssyncadd.s32 $0xFFFFCE00  }
0x161: {  	[tilespmem:s22], [sflag:$0x2] =	stream.indirect.gather [hbm4b:s1+s21], $0x80, s30, s21, $0xb8;
	[tilespmem:$0x1EDC0] =	vst v63  }
0x162: {  	_ =	swait.ge [sflag:s17], $0x3200  }
0x163: {  	[sflag:s17] =	ssyncset.done $0x0  }
0x164: {  	s30 =	sadd.s32 $0x2E50, s29;
	[sflag:s17] =	ssyncadd.s32 $0xFFFFCE00  }
0x165: {  	[spmem:s3] =	stream.indirect.scatter.add.f32 [tilespmem:s16], [sflag:$0x3], $0x80, s30, s21, $0xb8;
	[tilespmem:$0x1EDC0] =	vst v63  }
0x166: {  	_ =	swait.ge [sflag:s19], $0x3200  }
0x167: {  	[sflag:s19] =	ssyncset.done $0x0  }
0x168: {  	s30 =	sadd.s32 $0x680, s29;
	[sflag:s19] =	ssyncadd.s32 $0xFFFFCE00  }
0x169: {  	[tilespmem:s16], [sflag:$0x1] =	stream.indirect.gather [hbm4b:s1+s21], $0x80, s30, s21, $0xb8;
	[tilespmem:$0x1EDC0] =	vst v63  }
0x16a: {  	_ =	swait.ge [sflag:s18], $0x3200  }
0x16b: {  	[sflag:s18] =	ssyncset.done $0x0  }
0x16c: {  	s30 =	sadd.s32 $0x2EB8, s29;
	[sflag:s18] =	ssyncadd.s32 $0xFFFFCE00  }
0x16d: {  	[spmem:s3] =	stream.indirect.scatter.add.f32 [tilespmem:s22], [sflag:$0x3], $0x80, s30, s21, $0xb8;
	[tilespmem:$0x1EDC0] =	vst v63  }
0x16e: {  	_ =	swait.ge [sflag:s19], $0x3200  }
0x16f: {  	[sflag:s19] =	ssyncset.done $0x0  }
0x170: {  	s30 =	sadd.s32 $0x6E8, s29;
	[sflag:s19] =	ssyncadd.s32 $0xFFFFCE00  }
0x171: {  	[tilespmem:s22], [sflag:$0x2] =	stream.indirect.gather [hbm4b:s1+s21], $0x80, s30, s21, $0xb8;
	[tilespmem:$0x1EDC0] =	vst v63  }
0x172: {  	_ =	swait.ge [sflag:s17], $0x3200  }
0x173: {  	[sflag:s17] =	ssyncset.done $0x0  }
0x174: {  	s30 =	sadd.s32 $0x2F20, s29;
	[sflag:s17] =	ssyncadd.s32 $0xFFFFCE00  }
0x175: {  	[spmem:s3] =	stream.indirect.scatter.add.f32 [tilespmem:s16], [sflag:$0x3], $0x80, s30, s21, $0xb8;
	[tilespmem:$0x1EDC0] =	vst v63  }
0x176: {  	_ =	swait.ge [sflag:s19], $0x3200  }
0x177: {  	[sflag:s19] =	ssyncset.done $0x0  }
0x178: {  	s30 =	sadd.s32 $0x750, s29;
	[sflag:s19] =	ssyncadd.s32 $0xFFFFCE00  }
0x179: {  	[tilespmem:s16], [sflag:$0x1] =	stream.indirect.gather [hbm4b:s1+s21], $0x80, s30, s21, $0xb8;
	[tilespmem:$0x1EDC0] =	vst v63  }
0x17a: {  	_ =	swait.ge [sflag:s18], $0x3200  }
0x17b: {  	[sflag:s18] =	ssyncset.done $0x0  }
0x17c: {  	s30 =	sadd.s32 $0x2F88, s29;
	[sflag:s18] =	ssyncadd.s32 $0xFFFFCE00  }
0x17d: {  	[spmem:s3] =	stream.indirect.scatter.add.f32 [tilespmem:s22], [sflag:$0x3], $0x80, s30, s21, $0xb8;
	[tilespmem:$0x1EDC0] =	vst v63  }
0x17e: {  	_ =	swait.ge [sflag:s19], $0x3200  }
0x17f: {  	[sflag:s19] =	ssyncset.done $0x0  }
0x180: {  	s30 =	sadd.s32 $0x7B8, s29;
	[sflag:s19] =	ssyncadd.s32 $0xFFFFCE00  }
0x181: {  	[tilespmem:s22], [sflag:$0x2] =	stream.indirect.gather [hbm4b:s1+s21], $0x80, s30, s21, $0xb8;
	[tilespmem:$0x1EDC0] =	vst v63  }
0x182: {  	_ =	swait.ge [sflag:s17], $0x3200  }
0x183: {  	[sflag:s17] =	ssyncset.done $0x0  }
0x184: {  	s30 =	sadd.s32 $0x2FF0, s29;
	[sflag:s17] =	ssyncadd.s32 $0xFFFFCE00  }
0x185: {  	[spmem:s3] =	stream.indirect.scatter.add.f32 [tilespmem:s16], [sflag:$0x3], $0x80, s30, s21, $0xb8;
	[tilespmem:$0x1EDC0] =	vst v63  }
0x186: {  	_ =	swait.ge [sflag:s19], $0x3200  }
0x187: {  	[sflag:s19] =	ssyncset.done $0x0  }
0x188: {  	[sflag:s19] =	ssyncadd.s32 $0xFFFFCE00  }
0x189: {  	_ =	swait.ge [sflag:s18], $0x3200  }
.Ltmp1:
0x18a: {  	[sflag:s18] =	ssyncset.done $0x0;
	(pc) =	sbr.rel @p0 .LBB2_4-.Ltmp1, $4  }
0x18b: {  	s29 =	sadd.s32 $0x3058, s29;
	[sflag:s18] =	ssyncadd.s32 $0xFFFFCE00  }
0x18c: {  	[spmem:s3] =	stream.indirect.scatter.add.f32 [tilespmem:s22], [sflag:$0x3], $0x80, s29, s21, $0xb8;
	[tilespmem:$0x1EDC0] =	vst v63  }
0x18d: {  	_ =	swait.ge [sflag:s19], $0x3200  }
0x18e: {  	s30 =	smov.u32 s28;
	[sflag:s19] =	ssyncset.done $0x0  }
0x18f: {  	s26 =	sshra.s32 s26, $0x2;
	[sflag:s19] =	ssyncadd.s32 $0xFFFFCE00  }
0x190: {  	[tilespmem:s16], [sflag:$0x1] =	stream.indirect.gather [hbm4b:s1+s21], $0x80, s26, s21, $0xb8;
	[tilespmem:$0x1EDC0] =	vst v63  }
0x191: {  	s28 =	sadd.s32 $0x68, s26  }
0x192: {  	[tilespmem:s22], [sflag:$0x2] =	stream.indirect.gather [hbm4b:s1+s21], $0x80, s28, s21, $0xb8;
	[tilespmem:$0x1EDC0] =	vst v63  }
0x193: {  	_ =	swait.ge [sflag:s17], $0x3200  }
0x194: {  	[sflag:s17] =	ssyncset.done $0x0  }
0x195: {  	s29 =	sadd.s32 $0x28A0, s26;
	[sflag:s17] =	ssyncadd.s32 $0xFFFFCE00  }
0x196: {  	[spmem:s3] =	stream.indirect.scatter.add.f32 [tilespmem:s16], [sflag:$0x3], $0x80, s29, s21, $0xb8;
	[tilespmem:$0x1EDC0] =	vst v63  }
0x197: {  	_ =	swait.ge [sflag:s19], $0x3200  }
0x198: {  	[sflag:s19] =	ssyncset.done $0x0  }
0x199: {  	s30 =	sadd.s32 $0xD0, s26;
	[sflag:s19] =	ssyncadd.s32 $0xFFFFCE00  }
0x19a: {  	[tilespmem:s16], [sflag:$0x1] =	stream.indirect.gather [hbm4b:s1+s21], $0x80, s30, s21, $0xb8;
	[tilespmem:$0x1EDC0] =	vst v63  }
0x19b: {  	_ =	swait.ge [sflag:s18], $0x3200  }
0x19c: {  	[sflag:s18] =	ssyncset.done $0x0  }
0x19d: {  	s31 =	sadd.s32 $0x2908, s26;
	[sflag:s18] =	ssyncadd.s32 $0xFFFFCE00  }
0x19e: {  	[spmem:s3] =	stream.indirect.scatter.add.f32 [tilespmem:s22], [sflag:$0x3], $0x80, s31, s21, $0xb8;
	[tilespmem:$0x1EDC0] =	vst v63  }
0x19f: {  	_ =	swait.ge [sflag:s19], $0x3200  }
0x1a0: {  	[sflag:s19] =	ssyncset.done $0x0  }
0x1a1: {  	s29 =	sadd.s32 $0x138, s26;
	[sflag:s19] =	ssyncadd.s32 $0xFFFFCE00  }
0x1a2: {  	[tilespmem:s22], [sflag:$0x2] =	stream.indirect.gather [hbm4b:s1+s21], $0x80, s29, s21, $0xb8;
	[tilespmem:$0x1EDC0] =	vst v63  }
0x1a3: {  	_ =	swait.ge [sflag:s17], $0x3200  }
0x1a4: {  	[sflag:s17] =	ssyncset.done $0x0  }
0x1a5: {  	s30 =	sadd.s32 $0x2970, s26;
	[sflag:s17] =	ssyncadd.s32 $0xFFFFCE00  }
0x1a6: {  	[spmem:s3] =	stream.indirect.scatter.add.f32 [tilespmem:s16], [sflag:$0x3], $0x80, s30, s21, $0xb8;
	[tilespmem:$0x1EDC0] =	vst v63  }
0x1a7: {  	_ =	swait.ge [sflag:s19], $0x3200  }
0x1a8: {  	[sflag:s19] =	ssyncset.done $0x0  }
0x1a9: {  	s31 =	sadd.s32 $0x1A0, s26;
	[sflag:s19] =	ssyncadd.s32 $0xFFFFCE00  }
0x1aa: {  	[tilespmem:s16], [sflag:$0x1] =	stream.indirect.gather [hbm4b:s1+s21], $0x80, s31, s21, $0xb8;
	[tilespmem:$0x1EDC0] =	vst v63  }
0x1ab: {  	_ =	swait.ge [sflag:s18], $0x3200  }
0x1ac: {  	[sflag:s18] =	ssyncset.done $0x0  }
0x1ad: {  	s29 =	sadd.s32 $0x29D8, s26;
	[sflag:s18] =	ssyncadd.s32 $0xFFFFCE00  }
0x1ae: {  	[spmem:s3] =	stream.indirect.scatter.add.f32 [tilespmem:s22], [sflag:$0x3], $0x80, s29, s21, $0xb8;
	[tilespmem:$0x1EDC0] =	vst v63  }
0x1af: {  	_ =	swait.ge [sflag:s19], $0x3200  }
0x1b0: {  	[sflag:s19] =	ssyncset.done $0x0  }
0x1b1: {  	s30 =	sadd.s32 $0x208, s26;
	[sflag:s19] =	ssyncadd.s32 $0xFFFFCE00  }
0x1b2: {  	[tilespmem:s22], [sflag:$0x2] =	stream.indirect.gather [hbm4b:s1+s21], $0x80, s30, s21, $0xb8;
	[tilespmem:$0x1EDC0] =	vst v63  }
0x1b3: {  	_ =	swait.ge [sflag:s17], $0x3200  }
0x1b4: {  	[sflag:s17] =	ssyncset.done $0x0  }
0x1b5: {  	s31 =	sadd.s32 $0x2A40, s26;
	[sflag:s17] =	ssyncadd.s32 $0xFFFFCE00  }
0x1b6: {  	[spmem:s3] =	stream.indirect.scatter.add.f32 [tilespmem:s16], [sflag:$0x3], $0x80, s31, s21, $0xb8;
	[tilespmem:$0x1EDC0] =	vst v63  }
0x1b7: {  	_ =	swait.ge [sflag:s19], $0x3200  }
0x1b8: {  	[sflag:s19] =	ssyncset.done $0x0  }
0x1b9: {  	s29 =	sadd.s32 $0x270, s26;
	[sflag:s19] =	ssyncadd.s32 $0xFFFFCE00  }
0x1ba: {  	[tilespmem:s16], [sflag:$0x1] =	stream.indirect.gather [hbm4b:s1+s21], $0x80, s29, s21, $0xb8;
	[tilespmem:$0x1EDC0] =	vst v63  }
0x1bb: {  	_ =	swait.ge [sflag:s18], $0x3200  }
0x1bc: {  	[sflag:s18] =	ssyncset.done $0x0  }
0x1bd: {  	s30 =	sadd.s32 $0x2AA8, s26;
	[sflag:s18] =	ssyncadd.s32 $0xFFFFCE00  }
0x1be: {  	[spmem:s3] =	stream.indirect.scatter.add.f32 [tilespmem:s22], [sflag:$0x3], $0x80, s30, s21, $0xb8;
	[tilespmem:$0x1EDC0] =	vst v63  }
0x1bf: {  	_ =	swait.ge [sflag:s19], $0x3200  }
0x1c0: {  	[sflag:s19] =	ssyncset.done $0x0  }
0x1c1: {  	s31 =	sadd.s32 $0x2D8, s26;
	[sflag:s19] =	ssyncadd.s32 $0xFFFFCE00  }
0x1c2: {  	[tilespmem:s22], [sflag:$0x2] =	stream.indirect.gather [hbm4b:s1+s21], $0x80, s31, s21, $0xb8;
	[tilespmem:$0x1EDC0] =	vst v63  }
0x1c3: {  	_ =	swait.ge [sflag:s17], $0x3200  }
0x1c4: {  	[sflag:s17] =	ssyncset.done $0x0  }
0x1c5: {  	s29 =	sadd.s32 $0x2B10, s26;
	[sflag:s17] =	ssyncadd.s32 $0xFFFFCE00  }
0x1c6: {  	[spmem:s3] =	stream.indirect.scatter.add.f32 [tilespmem:s16], [sflag:$0x3], $0x80, s29, s21, $0xb8;
	[tilespmem:$0x1EDC0] =	vst v63  }
0x1c7: {  	_ =	swait.ge [sflag:s19], $0x3200  }
0x1c8: {  	[sflag:s19] =	ssyncset.done $0x0  }
0x1c9: {  	s30 =	sadd.s32 $0x340, s26;
	[sflag:s19] =	ssyncadd.s32 $0xFFFFCE00  }
0x1ca: {  	[tilespmem:s16], [sflag:$0x1] =	stream.indirect.gather [hbm4b:s1+s21], $0x80, s30, s21, $0xb8;
	[tilespmem:$0x1EDC0] =	vst v63  }
0x1cb: {  	_ =	swait.ge [sflag:s18], $0x3200  }
0x1cc: {  	[sflag:s18] =	ssyncset.done $0x0  }
0x1cd: {  	s31 =	sadd.s32 $0x2B78, s26;
	[sflag:s18] =	ssyncadd.s32 $0xFFFFCE00  }
0x1ce: {  	[spmem:s3] =	stream.indirect.scatter.add.f32 [tilespmem:s22], [sflag:$0x3], $0x80, s31, s21, $0xb8;
	[tilespmem:$0x1EDC0] =	vst v63  }
0x1cf: {  	_ =	swait.ge [sflag:s19], $0x3200  }
0x1d0: {  	[sflag:s19] =	ssyncset.done $0x0  }
0x1d1: {  	s29 =	sadd.s32 $0x3A8, s26;
	[sflag:s19] =	ssyncadd.s32 $0xFFFFCE00  }
0x1d2: {  	[tilespmem:s22], [sflag:$0x2] =	stream.indirect.gather [hbm4b:s1+s21], $0x80, s29, s21, $0xb8;
	[tilespmem:$0x1EDC0] =	vst v63  }
0x1d3: {  	_ =	swait.ge [sflag:s17], $0x3200  }
0x1d4: {  	[sflag:s17] =	ssyncset.done $0x0  }
0x1d5: {  	s30 =	sadd.s32 $0x2BE0, s26;
	[sflag:s17] =	ssyncadd.s32 $0xFFFFCE00  }
0x1d6: {  	[spmem:s3] =	stream.indirect.scatter.add.f32 [tilespmem:s16], [sflag:$0x3], $0x80, s30, s21, $0xb8;
	[tilespmem:$0x1EDC0] =	vst v63  }
0x1d7: {  	_ =	swait.ge [sflag:s19], $0x3200  }
0x1d8: {  	[sflag:s19] =	ssyncset.done $0x0  }
0x1d9: {  	s31 =	sadd.s32 $0x410, s26;
	[sflag:s19] =	ssyncadd.s32 $0xFFFFCE00  }
0x1da: {  	[tilespmem:s16], [sflag:$0x1] =	stream.indirect.gather [hbm4b:s1+s21], $0x80, s31, s21, $0xb8;
	[tilespmem:$0x1EDC0] =	vst v63  }
0x1db: {  	_ =	swait.ge [sflag:s18], $0x3200  }
0x1dc: {  	[sflag:s18] =	ssyncset.done $0x0  }
0x1dd: {  	s29 =	sadd.s32 $0x2C48, s26;
	[sflag:s18] =	ssyncadd.s32 $0xFFFFCE00  }
0x1de: {  	[spmem:s3] =	stream.indirect.scatter.add.f32 [tilespmem:s22], [sflag:$0x3], $0x80, s29, s21, $0xb8;
	[tilespmem:$0x1EDC0] =	vst v63  }
0x1df: {  	_ =	swait.ge [sflag:s19], $0x3200  }
0x1e0: {  	[sflag:s19] =	ssyncset.done $0x0  }
0x1e1: {  	s30 =	sadd.s32 $0x478, s26;
	[sflag:s19] =	ssyncadd.s32 $0xFFFFCE00  }
0x1e2: {  	[tilespmem:s22], [sflag:$0x2] =	stream.indirect.gather [hbm4b:s1+s21], $0x80, s30, s21, $0xb8;
	[tilespmem:$0x1EDC0] =	vst v63  }
0x1e3: {  	_ =	swait.ge [sflag:s17], $0x3200  }
0x1e4: {  	[sflag:s17] =	ssyncset.done $0x0  }
0x1e5: {  	s31 =	sadd.s32 $0x2CB0, s26;
	[sflag:s17] =	ssyncadd.s32 $0xFFFFCE00  }
0x1e6: {  	[spmem:s3] =	stream.indirect.scatter.add.f32 [tilespmem:s16], [sflag:$0x3], $0x80, s31, s21, $0xb8;
	[tilespmem:$0x1EDC0] =	vst v63  }
0x1e7: {  	_ =	swait.ge [sflag:s19], $0x3200  }
0x1e8: {  	[sflag:s19] =	ssyncset.done $0x0  }
0x1e9: {  	s29 =	sadd.s32 $0x4E0, s26;
	[sflag:s19] =	ssyncadd.s32 $0xFFFFCE00  }
0x1ea: {  	[tilespmem:s16], [sflag:$0x1] =	stream.indirect.gather [hbm4b:s1+s21], $0x80, s29, s21, $0xb8;
	[tilespmem:$0x1EDC0] =	vst v63  }
0x1eb: {  	_ =	swait.ge [sflag:s18], $0x3200  }
0x1ec: {  	[sflag:s18] =	ssyncset.done $0x0  }
0x1ed: {  	s30 =	sadd.s32 $0x2D18, s26;
	[sflag:s18] =	ssyncadd.s32 $0xFFFFCE00  }
0x1ee: {  	[spmem:s3] =	stream.indirect.scatter.add.f32 [tilespmem:s22], [sflag:$0x3], $0x80, s30, s21, $0xb8;
	[tilespmem:$0x1EDC0] =	vst v63  }
0x1ef: {  	_ =	swait.ge [sflag:s19], $0x3200  }
0x1f0: {  	[sflag:s19] =	ssyncset.done $0x0  }
0x1f1: {  	s31 =	sadd.s32 $0x548, s26;
	[sflag:s19] =	ssyncadd.s32 $0xFFFFCE00  }
0x1f2: {  	[tilespmem:s22], [sflag:$0x2] =	stream.indirect.gather [hbm4b:s1+s21], $0x80, s31, s21, $0xb8;
	[tilespmem:$0x1EDC0] =	vst v63  }
0x1f3: {  	_ =	swait.ge [sflag:s17], $0x3200  }
0x1f4: {  	[sflag:s17] =	ssyncset.done $0x0  }
0x1f5: {  	s29 =	sadd.s32 $0x2D80, s26;
	[sflag:s17] =	ssyncadd.s32 $0xFFFFCE00  }
0x1f6: {  	[spmem:s3] =	stream.indirect.scatter.add.f32 [tilespmem:s16], [sflag:$0x3], $0x80, s29, s21, $0xb8;
	[tilespmem:$0x1EDC0] =	vst v63  }
0x1f7: {  	_ =	swait.ge [sflag:s19], $0x3200  }
0x1f8: {  	[sflag:s19] =	ssyncset.done $0x0  }
0x1f9: {  	s30 =	sadd.s32 $0x5B0, s26;
	[sflag:s19] =	ssyncadd.s32 $0xFFFFCE00  }
0x1fa: {  	[tilespmem:s16], [sflag:$0x1] =	stream.indirect.gather [hbm4b:s1+s21], $0x80, s30, s21, $0xb8;
	[tilespmem:$0x1EDC0] =	vst v63  }
0x1fb: {  	_ =	swait.ge [sflag:s18], $0x3200  }
0x1fc: {  	[sflag:s18] =	ssyncset.done $0x0  }
0x1fd: {  	s31 =	sadd.s32 $0x2DE8, s26;
	[sflag:s18] =	ssyncadd.s32 $0xFFFFCE00  }
0x1fe: {  	[spmem:s3] =	stream.indirect.scatter.add.f32 [tilespmem:s22], [sflag:$0x3], $0x80, s31, s21, $0xb8;
	[tilespmem:$0x1EDC0] =	vst v63  }
0x1ff: {  	_ =	swait.ge [sflag:s19], $0x3200  }
0x200: {  	[sflag:s19] =	ssyncset.done $0x0  }
0x201: {  	s29 =	sadd.s32 $0x618, s26;
	[sflag:s19] =	ssyncadd.s32 $0xFFFFCE00  }
0x202: {  	[tilespmem:s22], [sflag:$0x2] =	stream.indirect.gather [hbm4b:s1+s21], $0x80, s29, s21, $0xb8;
	[tilespmem:$0x1EDC0] =	vst v63  }
0x203: {  	_ =	swait.ge [sflag:s17], $0x3200  }
0x204: {  	[sflag:s17] =	ssyncset.done $0x0  }
0x205: {  	s30 =	sadd.s32 $0x2E50, s26;
	[sflag:s17] =	ssyncadd.s32 $0xFFFFCE00  }
0x206: {  	[spmem:s3] =	stream.indirect.scatter.add.f32 [tilespmem:s16], [sflag:$0x3], $0x80, s30, s21, $0xb8;
	[tilespmem:$0x1EDC0] =	vst v63  }
0x207: {  	_ =	swait.ge [sflag:s19], $0x3200  }
0x208: {  	[sflag:s19] =	ssyncset.done $0x0  }
0x209: {  	s31 =	sadd.s32 $0x680, s26;
	[sflag:s19] =	ssyncadd.s32 $0xFFFFCE00  }
0x20a: {  	[tilespmem:s16], [sflag:$0x1] =	stream.indirect.gather [hbm4b:s1+s21], $0x80, s31, s21, $0xb8;
	[tilespmem:$0x1EDC0] =	vst v63  }
0x20b: {  	_ =	swait.ge [sflag:s18], $0x3200  }
0x20c: {  	[sflag:s18] =	ssyncset.done $0x0  }
0x20d: {  	s29 =	sadd.s32 $0x2EB8, s26;
	[sflag:s18] =	ssyncadd.s32 $0xFFFFCE00  }
0x20e: {  	[spmem:s3] =	stream.indirect.scatter.add.f32 [tilespmem:s22], [sflag:$0x3], $0x80, s29, s21, $0xb8;
	[tilespmem:$0x1EDC0] =	vst v63  }
0x20f: {  	_ =	swait.ge [sflag:s19], $0x3200  }
0x210: {  	[sflag:s19] =	ssyncset.done $0x0  }
0x211: {  	s30 =	sadd.s32 $0x6E8, s26;
	[sflag:s19] =	ssyncadd.s32 $0xFFFFCE00  }
0x212: {  	[tilespmem:s22], [sflag:$0x2] =	stream.indirect.gather [hbm4b:s1+s21], $0x80, s30, s21, $0xb8;
	[tilespmem:$0x1EDC0] =	vst v63  }
0x213: {  	_ =	swait.ge [sflag:s17], $0x3200  }
0x214: {  	[sflag:s17] =	ssyncset.done $0x0  }
0x215: {  	s31 =	sadd.s32 $0x2F20, s26;
	[sflag:s17] =	ssyncadd.s32 $0xFFFFCE00  }
0x216: {  	[spmem:s3] =	stream.indirect.scatter.add.f32 [tilespmem:s16], [sflag:$0x3], $0x80, s31, s21, $0xb8;
	[tilespmem:$0x1EDC0] =	vst v63  }
0x217: {  	_ =	swait.ge [sflag:s19], $0x3200  }
0x218: {  	[sflag:s19] =	ssyncset.done $0x0  }
0x219: {  	s29 =	sadd.s32 $0x750, s26;
	[sflag:s19] =	ssyncadd.s32 $0xFFFFCE00  }
0x21a: {  	[tilespmem:s16], [sflag:$0x1] =	stream.indirect.gather [hbm4b:s1+s21], $0x80, s29, s21, $0xb8;
	[tilespmem:$0x1EDC0] =	vst v63  }
0x21b: {  	_ =	swait.ge [sflag:s18], $0x3200  }
0x21c: {  	[sflag:s18] =	ssyncset.done $0x0  }
0x21d: {  	s30 =	sadd.s32 $0x2F88, s26;
	[sflag:s18] =	ssyncadd.s32 $0xFFFFCE00  }
0x21e: {  	[spmem:s3] =	stream.indirect.scatter.add.f32 [tilespmem:s22], [sflag:$0x3], $0x80, s30, s21, $0xb8;
	[tilespmem:$0x1EDC0] =	vst v63  }
0x21f: {  	_ =	swait.ge [sflag:s19], $0x3200  }
0x220: {  	[sflag:s19] =	ssyncset.done $0x0  }
0x221: {  	s31 =	sadd.s32 $0x7B8, s26;
	[sflag:s19] =	ssyncadd.s32 $0xFFFFCE00  }
0x222: {  	[tilespmem:s22], [sflag:$0x2] =	stream.indirect.gather [hbm4b:s1+s21], $0x80, s31, s21, $0xb8;
	[tilespmem:$0x1EDC0] =	vst v63  }
0x223: {  	_ =	swait.ge [sflag:s17], $0x3200  }
0x224: {  	[sflag:s17] =	ssyncset.done $0x0  }
0x225: {  	s29 =	sadd.s32 $0x2FF0, s26;
	[sflag:s17] =	ssyncadd.s32 $0xFFFFCE00  }
0x226: {  	[spmem:s3] =	stream.indirect.scatter.add.f32 [tilespmem:s16], [sflag:$0x3], $0x80, s29, s21, $0xb8;
	[tilespmem:$0x1EDC0] =	vst v63  }
0x227: {  	_ =	swait.ge [sflag:s19], $0x3200  }
0x228: {  	[sflag:s19] =	ssyncset.done $0x0  }
0x229: {  	[sflag:s19] =	ssyncadd.s32 $0xFFFFCE00  }
0x22a: {  	_ =	swait.ge [sflag:s18], $0x3200  }
0x22b: {  	[sflag:s18] =	ssyncset.done $0x0  }
0x22c: {  	s26 =	sadd.s32 $0x3058, s26;
	[sflag:s18] =	ssyncadd.s32 $0xFFFFCE00  }
0x22d: {  	[spmem:s3] =	stream.indirect.scatter.add.f32 [tilespmem:s22], [sflag:$0x3], $0x80, s26, s21, $0xb8;
	[tilespmem:$0x1EDC0] =	vst v63  }
0x22e: {  	s25 =	sadd.s32 $0x1, s25;
	_ =	swait.ge [sflag:s19], $0x3200  }
0x22f: {  	p0 =	sne.s32 s25, s14;
	[sflag:s19] =	ssyncset.done $0x0  }
0x230: {  	s30 =	sshll.u32 s0, $0x6;
	s31 =	sshrl.u32 s7, $0x3;
	[sflag:s19] =	ssyncadd.s32 $0xFFFFCE00  }
.Ltmp2:
0x231: {  	s26 =	sor.u32 $0x1C05, s30;
	[bflag:$0x0] =	sbarrier.arrive $0xFFFF;
	(pc) =	sbr.rel @p0 .LBB2_1-.Ltmp2, $4  }
0x232: {  	[hbm:s23], [sflag:s26] =	dma.local [spmem:s31], $0x2710  }
0x233: {  	_ =	swait.ge [sflag:s24], $0x2710  }
0x234: {  	[sflag:s24] =	ssyncset.done $0x0  }
0x235: {  	[sflag:s24] =	ssyncadd.s32 $0xFFFFD8F0  }
0x236: {  	_ =	sfence.sel $0x180000  }
0x237: {  	[bflag:$0x0] =	sbarrier.arrive $0xFFFF  }
0x238: {  	p0 =	sne.s32 s0, $0x0;
	_ =	strace $0x9000004A  }
0x239: {  	s0 =	sadd.s32 @!p0 $0x100000, s2;
	[bflag:$0x2] =	sbarrier.arrive $0xFFFF  }
0x23a: {  	[sflag:s0] =	ssyncadd.tile.s32 @!p0 $0x1;
	_ =	shalt  }
.Lfunc_end2:
_tile_overlayer_lowered:
.L_overlay_start_2:
0x23b: {  	(tag) =	ssettag $0x2  }
0x23c: {  	s0 =	rddreg [dreg:$0x0];
	s2 =	stileid.u32  }
0x23d: {  	s1 =	rddreg [dreg:$0x1];
	p0 =	sne.s32 s2, $0x0  }
0x23e: {  	s3 =	rddreg [dreg:$0x2];
	[bflag:$0x3] =	sbarrier.arrive $0xFFFF;
	s2 =	simm.s32 @!p0 $0x1C05  }
0x23f: {  	[timem:s3], [sflag:s2] =	dma.local @!p0 [hbm:s0], s1  }
0x240: {  	s0 =	simm.s32 @!p0 $0x5  }
0x241: {  	_ =	swait.ge @!p0 [sflag:s0], s1  }
0x242: {  	s1 =	ssub.s32 @!p0 $0x0, s1;
	[sflag:s0] =	ssyncset.done @!p0 $0x0  }
0x243: {  	[sflag:s0] =	ssyncadd.s32 @!p0 s1  }
0x244: {  	[bflag:$0x3] =	sbarrier.arrive $0xFFFF  }
0x245: {  	_ =	shalt  }

// kernel: kernel.14.cloned.1.call-start
scs
__scs_entry_jumppad:
0x0: {  	(pc) =	sbr.rel $0x88, $3  }
0x1: {  	(tag) =	ssettag $0x0;
	lr =	simm.s32 $0x1  }
0x2: {  	[smem:$0x3F9B] =	sst lr;
	_ =	strace $0xD0000000  }
0x3: {  	_ = 	snop  }
0x4: {  	_ = 	snop  }
0x5: {  	_ = 	snop  }
0x6: {  	_ = 	snop  }
0x7: {  	_ = 	snop  }
__scs_overlays_trampoline_lowered:
0x8: {  	[smem:$0x3FAA] =	sst s0  }
0x9: {  	[smem:$0x3FAB] =	sst s1  }
0xa: {  	[smem:$0x3FAC] =	sst s2  }
0xb: {  	[smem:$0x3FAD] =	sst s3  }
0xc: {  	[smem:$0x3FAE] =	sst s4  }
0xd: {  	[smem:$0x3FAF] =	sst s5  }
0xe: {  	[smem:$0x3FB0] =	sst s6  }
0xf: {  	[smem:$0x3FB1] =	sst s7  }
0x10: {  	[smem:$0x3FB2] =	sst s8  }
0x11: {  	[smem:$0x3FB3] =	sst s9;
	s0 =	simm.s32 @!p0 $0x0  }
0x12: {  	s1 =	sld [smem:$0x3F99];
	s0 =	simm.s32 @p0 $0x1  }
0x13: {  	[smem:$0x3FB4] =	sst s0;
	s0 =	simm.s32 @!p1 $0x0  }
0x14: {  	s2 =	sld [smem:$0x3F98];
	s0 =	simm.s32 @p1 $0x1  }
0x15: {  	[smem:$0x3FB5] =	sst s0;
	s0 =	simm.s32 @!p2 $0x0  }
0x16: {  	s3 =	sld [smem:$0x3FDB];
	s0 =	simm.s32 @p2 $0x1  }
0x17: {  	s4 =	simm.s32 $0x1BF5;
	[smem:$0x3FB7] =	sst s0  }
0x18: {  	s0 =	sld [smem:$0x3F9A];
	_ =	swait.ge [sflag:s4], $0x0  }
0x19: {  	s7 =	sld [smem:$0x3F9B]  }
0x1a: {  	s8 =	sadd.s32 $0xFFFFE003, lr  }
0x1b: {  	s9 =	sadd.s32 $0xFFFFFEF7, lr;
	s5 =	simm.s32 $0xFFFFFFFF;
	p2 =	slt.u32 s8, $0xFFFFF086  }
0x1c: {  	p1 =	slt.u32 s9, $0xF7A;
	s5 =	simm.s32 @!p2 $0x0  }
0x1d: {  	s5 =	simm.s32 @p1 $0x1;
	p0 =	seq.s32 s7, s2  }
0x1e: {  	s7 =	smul.u32 @!p0 $0xF7A, s2;
	p2 =	seq.s32 @!p0 s5, $0x0  }
0x1f: {  	s9 =	smul.u32 $0xF7A, s1;
	s8 =	simm.s32 @!p0 $0x1BF5;
	p2 =	por !p2, p0  }
0x20: {  	[sflag:s8] =	ssyncset.s32 @!p0 $0xFFFFF086;
	s6 =	sadd.s32 @!p0 s3, s7;
	s7 =	simm.s32 @!p0 $0x108  }
0x21: {  	s3 =	sadd.s32 s3, s9;
	s6 =	sadd.s32 @!p0 $0x88, s6;
	s7 =	simm.s32 @p2 $0x1082  }
0x22: {  	[simem:s7], [sflag:s8] =	dma.local @!p0 [hbm:s6], $0xF7A  }
0x23: {  	s9 =	sor.u32 $0xD0000000, s2;
	s6 =	simm.s32 $0x108;
	_ =	swait.ge @!p0 [sflag:s8], $0x0  }
0x24: {  	s3 =	sadd.s32 $0x88, s3;
	s6 =	simm.s32 @!p1 $0x1082;
	[sflag:s4] =	ssyncset.s32 $0xFFFFF086  }
0x25: {  	[simem:s6], [sflag:s4] =	dma.local [hbm:s3], $0xF7A  }
0x26: {  	[smem:$0x3F9B] =	sst s1;
	(tag) =	ssettag s2;
	_ =	strace s9  }
0x27: {  	s1 =	sld [smem:$0x3FAB]  }
0x28: {  	s2 =	sld [smem:$0x3FAC]  }
0x29: {  	s4 =	sld [smem:$0x3FAE]  }
0x2a: {  	p0 =	seq.s32 s5, $0x0;
	s5 =	sld [smem:$0x3FAF]  }
0x2b: {  	s6 =	sld [smem:$0x3FB0]  }
0x2c: {  	s7 =	sld [smem:$0x3FB1]  }
0x2d: {  	s3 =	simm.s32 $0x108;
	s8 =	sld [smem:$0x3FB2]  }
0x2e: {  	s3 =	simm.s32 @!p0 $0x1082;
	s9 =	sld [smem:$0x3FB3]  }
0x2f: {  	lr =	sadd.s32 s0, s3;
	s0 =	sld [smem:$0x3FAA]  }
0x30: {  	s3 =	sld [smem:$0x3FAD]  }
0x31: {  	[smem:$0x3FB6] =	sst s10  }
0x32: {  	s10 =	sld [smem:$0x3FB4];
	_ =	sdelay $0x3  }
0x33: {  	p0 =	seq.s32 s10, $0x1;
	s10 =	sld [smem:$0x3FB6];
	_ =	sdelay $0x3  }
0x34: {  	[smem:$0x3FB6] =	sst s10  }
0x35: {  	s10 =	sld [smem:$0x3FB5];
	_ =	sdelay $0x3  }
0x36: {  	p1 =	seq.s32 s10, $0x1;
	s10 =	sld [smem:$0x3FB6];
	_ =	sdelay $0x3  }
0x37: {  	[smem:$0x3FB6] =	sst s10  }
0x38: {  	s10 =	sld [smem:$0x3FB7]  }
0x39: {  	_ = 	snop;
	(pc) =	sbr.ind lr, $3  }
0x3a: {  	_ = 	snop  }
0x3b: {  	_ = 	snop  }
0x3c: {  	p2 =	seq.s32 s10, $0x1;
	s10 =	sld [smem:$0x3FB6]  }
0x3d: {  	_ =	shalt  }
0x3e: {  	_ =	shalt  }
0x3f: {  	_ =	shalt  }
0x40: {  	_ =	shalt  }
0x41: {  	_ =	shalt  }
0x42: {  	_ =	shalt  }
0x43: {  	_ =	shalt  }
0x44: {  	_ =	shalt  }
0x45: {  	_ =	shalt  }
0x46: {  	_ =	shalt  }
0x47: {  	_ =	shalt  }
0x48: {  	_ =	shalt  }
0x49: {  	_ =	shalt  }
0x4a: {  	_ =	shalt  }
0x4b: {  	_ =	shalt  }
0x4c: {  	_ =	shalt  }
0x4d: {  	_ =	shalt  }
0x4e: {  	_ =	shalt  }
0x4f: {  	_ =	shalt  }
0x50: {  	_ =	shalt  }
0x51: {  	_ =	shalt  }
0x52: {  	_ =	shalt  }
0x53: {  	_ =	shalt  }
0x54: {  	_ =	shalt  }
0x55: {  	_ =	shalt  }
0x56: {  	_ =	shalt  }
0x57: {  	_ =	shalt  }
0x58: {  	_ =	shalt  }
0x59: {  	_ =	shalt  }
0x5a: {  	_ =	shalt  }
0x5b: {  	_ =	shalt  }
0x5c: {  	_ =	shalt  }
0x5d: {  	_ =	shalt  }
0x5e: {  	_ =	shalt  }
0x5f: {  	_ =	shalt  }
0x60: {  	_ =	shalt  }
0x61: {  	_ =	shalt  }
0x62: {  	_ =	shalt  }
0x63: {  	_ =	shalt  }
0x64: {  	_ =	shalt  }
0x65: {  	_ =	shalt  }
0x66: {  	_ =	shalt  }
0x67: {  	_ =	shalt  }
0x68: {  	_ =	shalt  }
0x69: {  	_ =	shalt  }
0x6a: {  	_ =	shalt  }
0x6b: {  	_ =	shalt  }
0x6c: {  	_ =	shalt  }
0x6d: {  	_ =	shalt  }
0x6e: {  	_ =	shalt  }
0x6f: {  	_ =	shalt  }
0x70: {  	_ =	shalt  }
0x71: {  	_ =	shalt  }
0x72: {  	_ =	shalt  }
0x73: {  	_ =	shalt  }
0x74: {  	_ =	shalt  }
0x75: {  	_ =	shalt  }
0x76: {  	_ =	shalt  }
0x77: {  	_ =	shalt  }
0x78: {  	_ =	shalt  }
0x79: {  	_ =	shalt  }
0x7a: {  	_ =	shalt  }
0x7b: {  	_ =	shalt  }
0x7c: {  	_ =	shalt  }
0x7d: {  	_ =	shalt  }
0x7e: {  	_ =	shalt  }
0x7f: {  	_ =	shalt  }
0x80: {  	_ =	shalt  }
0x81: {  	_ =	shalt  }
0x82: {  	_ =	shalt  }
0x83: {  	_ =	shalt  }
0x84: {  	_ =	shalt  }
0x85: {  	_ =	shalt  }
0x86: {  	_ =	shalt  }
0x87: {  	_ =	shalt  }
.Lfunc_end0:
.L_simem_size_0:
called_computation.2_lowered:
.L_overlay_start_0:
0x88: {  	s2 =	sld [smem:$0x3FD9]  }
0x89: {  	s3 =	sld [smem:$0x3FFE];
	_ =	sdelay $0x1  }
0x8a: {  	s1 =	srdreg.scid  }
0x8b: {  	s0 =	sand.u32 $0x1, s1  }
0x8c: {  	s17 =	sshll.u32 s0, $0xA;
	s2 =	sadd.s32 s3, s2  }
0x8d: {  	s2 =	sadd.s32 s2, s17  }
0x8e: {  	[smem:$0x3FC2] =	sst s2  }
0x8f: {  	_ = 	snop  }
0x90: {  	s2 =	sld [smem:$0x3FD0];
	(tm) =	ssettm $0x1  }
0x91: {  	s18 =	sld [smem:$0x3FFB];
	_ =	sdelay $0x3  }
0x92: {  	_ =	strace s18  }
0x93: {  	s3 =	sld [smem:$0x3FFC];
	_ =	sdelay $0x3  }
0x94: {  	_ =	strace s3  }
0x95: {  	s3 =	sld [smem:$0x3FFD];
	_ =	sdelay $0x3  }
0x96: {  	_ =	strace s3  }
0x97: {  	_ =	strace $0x8FFFFFFF  }
0x98: {  	s19 =	sld [smem:$0x3FDB];
	_ =	sdelay $0x1  }
0x99: {  	s4 =	simm.s32 $_scs_section_size  }
0x9a: {  	s5 =	simm.s32 $_size__tile_overlayer_lowered;
	s6 =	simm.s32 $_tile_overlayer_lowered  }
0x9b: {  	s22 =	simm.s32 $0x1BFF;
	s21 =	sshll.u32 s6, $0x1;
	s3 =	sadd.s32 s4, s19  }
0x9c: {  	s7 =	simm.s32 $0x0;
	s20 =	sshll.u32 s5, $0x1;
	s5 =	sadd.s32 s21, s3  }
0x9d: {  	[timem:s7], [sflag:s22] =	dma.local [hbm:s5], s20  }
0x9e: {  	_ =	swait.ge [sflag:s22], s20  }
0x9f: {  	s4 =	ssub.s32 $0x0, s20;
	[sflag:s22] =	ssyncset.done $0x0  }
0xa0: {  	[sflag:s22] =	ssyncadd.s32 s4;
	_ =	sdelay $0x1  }
0xa1: {  	s23 =	simm.s32 $0x1B8B  }
0xa2: {  	_ =	swait.ge [sflag:s23], $0x1  }
0xa3: {  	[sflag:s23] =	ssyncset.done $0x0  }
0xa4: {  	s25 =	simm.s32 $0x1B8E;
	s24 =	sld [smem:$0x3FFE];
	[sflag:s23] =	ssyncadd.s32 $0xFFFFFFFF  }
0xa5: {  	s26 =	simm.s32 $execute0_lowered;
	[smem:$0x3FD2] =	sst s25  }
0xa6: {  	s5 =	sshll.u32 s26, $0x1;
	_ =	strace $0x8000004C;
	[dreg:$0x1] =	wrdreg $0xFFFFFFFF  }
0xa7: {  	s28 =	simm.s32 $_size_execute0_lowered;
	s3 =	sadd.s32 s3, s5;
	[dreg:$0x0] =	wrdreg $0x0  }
0xa8: {  	s5 =	sshll.u32 s28, $0x1;
	[dreg:$0x2] =	wrdreg s3  }
0xa9: {  	[dreg:$0x3] =	wrdreg s5  }
0xaa: {  	[dreg:$0x4] =	wrdreg $0xC0  }
0xab: {  	_ =	task [dreg:s7], $0x5FFFF  }
0xac: {  	[dreg:$0x1] =	wrdreg $0xFFFFFFFF  }
0xad: {  	[dreg:$0x0] =	wrdreg $0x60  }
0xae: {  	[dreg:$0x2] =	wrdreg s2  }
0xaf: {  	[dreg:$0x3] =	wrdreg s24  }
0xb0: {  	[dreg:$0x4] =	wrdreg $0xB5400  }
0xb1: {  	[dreg:$0x5] =	wrdreg $0x9  }
0xb2: {  	_ =	task.clear_ibuf [dreg:s7], $0x6FFFF;
	_ =	strace $0x9000004C  }
0xb3: {  	s29 =	simm.s32 $0x9;
	_ =	strace $0x8000004E  }
0xb4: {  	_ =	swait.ge [sflag:s29], $0x1  }
0xb5: {  	[sflag:s29] =	ssyncadd.s32 $0xFFFFFFFF  }
0xb6: {  	_ =	strace $0x9000004E  }
0xb7: {  	_ =	sfence  }
0xb8: {  	s30 =	sld [smem:$0x0];
	_ =	sdelay $0x2  }
0xb9: {  	s31 =	sshll.u32 s1, $0xD;
	s1 =	sshrl.u32 s1, $0x2  }
0xba: {  	s3 =	sand.u32 $0x4000, s31;
	s1 =	sadd.s32 s1, s30  }
0xbb: {  	s0 =	sor.u32 s3, s0;
	s1 =	sshll.u32 s1, $0x11  }
0xbc: {  	s0 =	sor.u32 s1, s0  }
0xbd: {  	s0 =	sadd.s32 $0x8F2B, s0  }
0xbe: {  	[sflag:s0] =	ssyncadd.remote.s32 $0x1  }
0xbf: {  	_ =	sfence.sel $0xFFFF  }
0xc0: {  	[dreg:$0x0] =	wrdreg $0xFFFFFFFF;
	(pc) =	sbr.abs _section_cstart, $3  }
0xc1: {  	[dreg:$0x1] =	wrdreg $0xFFFFFFFF  }
0xc2: {  	_ =	task.clear_ibuf [dreg:s7], $0x2FFFF;
	_ =	strace $0x9FFFFFFF  }
0xc3: {  	(tm) =	ssettm $0x7FFFFFFF  }
tec
execute0_lowered:
.L_overlay_start_1:
0x0: {  	(tag) =	ssettag $0x1  }
0x1: {  	s1 =	rddreg [dreg:$0x0];
	s2 =	srdreg.scid  }
0x2: {  	s0 =	stileid.u32;
	s5 =	rddreg [dreg:$0x1]  }
0x3: {  	s3 =	rddreg [dreg:$0x2];
	s4 =	simm.s32 $0x0;
	s17 =	simm.s32 $0x1  }
0x4: {  	s18 =	simm.s32 $0x2;
	s19 =	simm.s32 $0x3;
	s20 =	simm.s32 $0x4  }
0x5: {  	s21 =	simm.s32 $0x64;
	s22 =	simm.s32 $0x8340;
	s25 =	simm.s32 $0x0  }
0x6: {  	s6 =	sand.u32 $0x1, s2;
	s2 =	rddreg [dreg:$0x3];
	s9 =	smul.u32 $0x4E200, s0  }
0x7: {  	s29 =	sshll.u32 s0, $0x1;
	[smem:$0x7FF] =	sst s4;
	s16 =	smul.u32 $0x13880, s0  }
0x8: {  	s7 =	sor.u32 s6, s29;
	s8 =	smul.u32 $0x27100, s6;
	s6 =	ssub.s32 $0x2, s6  }
0x9: {  	_ =	strace $0x8000004D;
	s7 =	smul.u32 $0x514, s7;
	s30 =	sshrl.u32 s6, $0x1  }
0xa: {  	s31 =	sshrl.u32 s9, $0x2;
	s24 =	sshrl.u32 s16, $0x3;
	s14 =	sadd.s32 s8, s5  }
0xb: {  	s15 =	ssub.s32 s6, s30;
	s13 =	sadd.s32 s31, s3;
	s7 =	sadd.s32 s7, s5  }
0xc: {  	s8 =	sadd.s32 $0x3200, s13;
	s9 =	sadd.s32 $0x6400, s13;
	s10 =	sadd.s32 $0x9600, s13  }
0xd: {  	s11 =	sadd.s32 $0xC800, s13;
	s12 =	sadd.s32 $0xFA00, s13;
	s13 =	sadd.s32 $0x12C00, s13  }
0xe: {  	s23 =	sadd.s32 $0x20C00, s14;
	s14 =	smax.u32 s15, $0x1;
	s15 =	simm.s32 $0x28A0  }
0xf: {  	s5 =	sadd.s32 $0xC400, s7;
	s6 =	sadd.s32 $0x16800, s7;
	s7 =	sadd.s32 s16, s3  }
0x10: {  	v0 =	vimm.f32 $0.0e+00;
	s16 =	simm.s32 $0x5140;
	s23 =	sadd.s32 s24, s23;
	s24 =	simm.s32 $0x5  }
.LBB2_1:
0x11: {  	[tilespmem:s4], [sflag:$0x3] =	stream.linear.gather [hbm4b:s5+s4], $0x28A0, $0x38;
	[tilespmem:$0x1EDC0] =	vst v63  }
0x12: {  	s26 =	simm.s32 $0x0;
	s28 =	simm.s32 $0x200  }
0x13: {  	[tilespmem:s15], [sflag:$0x4] =	stream.linear.gather [hbm4b:s6+s4], $0x28A0, $0x38;
	[tilespmem:$0x1EDC0] =	vst v63  }
.LBB2_2:
0x14: {  	p0 =	sne.s32 s28, $0xC600;
	[tilespmem:s26+$0x51B0] =	vst v0  }
0x15: {  	[tilespmem:s26+$0x5140] =	vst v0  }
0x16: {  	[tilespmem:s26+$0x5150] =	vst v0  }
.Ltmp0:
0x17: {  	[tilespmem:s26+$0x5160] =	vst v0;
	(pc) =	sbr.rel @p0 .LBB2_2-.Ltmp0, $4  }
0x18: {  	[tilespmem:s26+$0x5170] =	vst v0  }
0x19: {  	[tilespmem:s26+$0x5180] =	vst v0  }
0x1a: {  	[tilespmem:s26+$0x5190] =	vst v0  }
0x1b: {  	[tilespmem:s26+$0x51A0] =	vst v0;
	s26 =	sshra.s32 s28, $0x2;
	s28 =	sadd.s32 $0x200, s28  }
0x1c: {  	[tilespmem:s26+$0x51B0] =	vst v0  }
0x1d: {  	[tilespmem:s26+$0x5140] =	vst v0  }
0x1e: {  	[tilespmem:s26+$0x5150] =	vst v0  }
0x1f: {  	[tilespmem:s26+$0x5160] =	vst v0  }
0x20: {  	[tilespmem:s26+$0x5170] =	vst v0  }
0x21: {  	[tilespmem:s26+$0x5180] =	vst v0  }
0x22: {  	[tilespmem:s26+$0x5190] =	vst v0  }
0x23: {  	[tilespmem:s26+$0x51A0] =	vst v0  }
0x24: {  	[spmem:s7] =	stream.linear.scatter [tilespmem:s16], [sflag:$0x1], $0x3200, $0x38;
	[tilespmem:$0x1EDC0] =	vst v63  }
0x25: {  	_ = 	snop  }
0x26: {  	[spmem:s8] =	stream.linear.scatter [tilespmem:s16], [sflag:$0x2], $0x3200, $0x38;
	[tilespmem:$0x1EDC0] =	vst v63  }
0x27: {  	_ = 	snop  }
0x28: {  	[spmem:s9] =	stream.linear.scatter [tilespmem:s16], [sflag:$0x1], $0x3200, $0x38;
	[tilespmem:$0x1EDC0] =	vst v63  }
0x29: {  	_ = 	snop  }
0x2a: {  	[spmem:s10] =	stream.linear.scatter [tilespmem:s16], [sflag:$0x2], $0x3200, $0x38;
	[tilespmem:$0x1EDC0] =	vst v63  }
0x2b: {  	_ = 	snop  }
0x2c: {  	[spmem:s11] =	stream.linear.scatter [tilespmem:s16], [sflag:$0x1], $0x3200, $0x38;
	[tilespmem:$0x1EDC0] =	vst v63  }
0x2d: {  	_ = 	snop  }
0x2e: {  	[spmem:s12] =	stream.linear.scatter [tilespmem:s16], [sflag:$0x2], $0x3200, $0x38;
	[tilespmem:$0x1EDC0] =	vst v63  }
0x2f: {  	_ = 	snop  }
0x30: {  	[spmem:s13] =	stream.linear.scatter [tilespmem:s16], [sflag:$0x1], $0xC80, $0x38;
	[tilespmem:$0x1EDC0] =	vst v63  }
0x31: {  	_ =	swait.ge [sflag:s17], $0x3200  }
0x32: {  	[sflag:s17] =	ssyncset.done $0x0  }
0x33: {  	[sflag:s17] =	ssyncadd.s32 $0xFFFFCE00  }
0x34: {  	_ =	swait.ge [sflag:s18], $0x3200  }
0x35: {  	[sflag:s18] =	ssyncset.done $0x0  }
0x36: {  	[sflag:s18] =	ssyncadd.s32 $0xFFFFCE00  }
0x37: {  	_ =	swait.ge [sflag:s17], $0x3200  }
0x38: {  	[sflag:s17] =	ssyncset.done $0x0  }
0x39: {  	[sflag:s17] =	ssyncadd.s32 $0xFFFFCE00  }
0x3a: {  	_ =	swait.ge [sflag:s18], $0x3200  }
0x3b: {  	[sflag:s18] =	ssyncset.done $0x0  }
0x3c: {  	[sflag:s18] =	ssyncadd.s32 $0xFFFFCE00  }
0x3d: {  	_ =	swait.ge [sflag:s17], $0x3200  }
0x3e: {  	[sflag:s17] =	ssyncset.done $0x0  }
0x3f: {  	[sflag:s17] =	ssyncadd.s32 $0xFFFFCE00  }
0x40: {  	_ =	swait.ge [sflag:s18], $0x3200  }
0x41: {  	[sflag:s18] =	ssyncset.done $0x0  }
0x42: {  	[sflag:s18] =	ssyncadd.s32 $0xFFFFCE00  }
0x43: {  	_ =	swait.ge [sflag:s17], $0xC80  }
0x44: {  	[sflag:s17] =	ssyncset.done $0x0  }
0x45: {  	[sflag:s17] =	ssyncadd.s32 $0xFFFFF380  }
0x46: {  	_ =	swait.ge [sflag:s19], $0x28A0  }
0x47: {  	[sflag:s19] =	ssyncset.done $0x0  }
0x48: {  	[sflag:s19] =	ssyncadd.s32 $0xFFFFD760  }
0x49: {  	_ =	swait.ge [sflag:s20], $0x28A0  }
0x4a: {  	[sflag:s20] =	ssyncset.done $0x0  }
0x4b: {  	[sflag:s20] =	ssyncadd.s32 $0xFFFFD760  }
0x4c: {  	s31 =	simm.s32 $0x0;
	[bflag:$0x0] =	sbarrier.arrive $0xFFFF  }
0x4d: {  	[tilespmem:s16], [sflag:$0x1] =	stream.indirect.gather [hbm4b:s1+s21], $0x80, s31, s21, $0xb8;
	[tilespmem:$0x1EDC0] =	vst v63  }
0x4e: {  	s28 =	simm.s32 $0x68  }
0x4f: {  	[tilespmem:s22], [sflag:$0x2] =	stream.indirect.gather [hbm4b:s1+s21], $0x80, s28, s21, $0xb8;
	[tilespmem:$0x1EDC0] =	vst v63  }
0x50: {  	_ =	swait.ge [sflag:s17], $0x3200  }
0x51: {  	[sflag:s17] =	ssyncset.done $0x0  }
0x52: {  	s29 =	simm.s32 $0x28A0;
	[sflag:s17] =	ssyncadd.s32 $0xFFFFCE00  }
0x53: {  	[spmem:s3] =	stream.indirect.scatter.add.f32 [tilespmem:s16], [sflag:$0x3], $0x80, s29, s21, $0xb8;
	[tilespmem:$0x1EDC0] =	vst v63  }
0x54: {  	_ =	swait.ge [sflag:s19], $0x3200  }
0x55: {  	[sflag:s19] =	ssyncset.done $0x0  }
0x56: {  	s31 =	simm.s32 $0xD0;
	[sflag:s19] =	ssyncadd.s32 $0xFFFFCE00  }
0x57: {  	[tilespmem:s16], [sflag:$0x1] =	stream.indirect.gather [hbm4b:s1+s21], $0x80, s31, s21, $0xb8;
	[tilespmem:$0x1EDC0] =	vst v63  }
0x58: {  	_ =	swait.ge [sflag:s18], $0x3200  }
0x59: {  	[sflag:s18] =	ssyncset.done $0x0  }
0x5a: {  	s28 =	simm.s32 $0x2908;
	[sflag:s18] =	ssyncadd.s32 $0xFFFFCE00  }
0x5b: {  	[spmem:s3] =	stream.indirect.scatter.add.f32 [tilespmem:s22], [sflag:$0x3], $0x80, s28, s21, $0xb8;
	[tilespmem:$0x1EDC0] =	vst v63  }
0x5c: {  	_ =	swait.ge [sflag:s19], $0x3200  }
0x5d: {  	[sflag:s19] =	ssyncset.done $0x0  }
0x5e: {  	s29 =	simm.s32 $0x138;
	[sflag:s19] =	ssyncadd.s32 $0xFFFFCE00  }
0x5f: {  	[tilespmem:s22], [sflag:$0x2] =	stream.indirect.gather [hbm4b:s1+s21], $0x80, s29, s21, $0xb8;
	[tilespmem:$0x1EDC0] =	vst v63  }
0x60: {  	_ =	swait.ge [sflag:s17], $0x3200  }
0x61: {  	[sflag:s17] =	ssyncset.done $0x0  }
0x62: {  	s31 =	simm.s32 $0x2970;
	[sflag:s17] =	ssyncadd.s32 $0xFFFFCE00  }
0x63: {  	[spmem:s3] =	stream.indirect.scatter.add.f32 [tilespmem:s16], [sflag:$0x3], $0x80, s31, s21, $0xb8;
	[tilespmem:$0x1EDC0] =	vst v63  }
0x64: {  	_ =	swait.ge [sflag:s19], $0x3200  }
0x65: {  	[sflag:s19] =	ssyncset.done $0x0  }
0x66: {  	s28 =	simm.s32 $0x1A0;
	[sflag:s19] =	ssyncadd.s32 $0xFFFFCE00  }
0x67: {  	[tilespmem:s16], [sflag:$0x1] =	stream.indirect.gather [hbm4b:s1+s21], $0x80, s28, s21, $0xb8;
	[tilespmem:$0x1EDC0] =	vst v63  }
0x68: {  	_ =	swait.ge [sflag:s18], $0x3200  }
0x69: {  	[sflag:s18] =	ssyncset.done $0x0  }
0x6a: {  	s29 =	simm.s32 $0x29D8;
	[sflag:s18] =	ssyncadd.s32 $0xFFFFCE00  }
0x6b: {  	[spmem:s3] =	stream.indirect.scatter.add.f32 [tilespmem:s22], [sflag:$0x3], $0x80, s29, s21, $0xb8;
	[tilespmem:$0x1EDC0] =	vst v63  }
0x6c: {  	_ =	swait.ge [sflag:s19], $0x3200  }
0x6d: {  	[sflag:s19] =	ssyncset.done $0x0  }
0x6e: {  	s31 =	simm.s32 $0x208;
	[sflag:s19] =	ssyncadd.s32 $0xFFFFCE00  }
0x6f: {  	[tilespmem:s22], [sflag:$0x2] =	stream.indirect.gather [hbm4b:s1+s21], $0x80, s31, s21, $0xb8;
	[tilespmem:$0x1EDC0] =	vst v63  }
0x70: {  	_ =	swait.ge [sflag:s17], $0x3200  }
0x71: {  	[sflag:s17] =	ssyncset.done $0x0  }
0x72: {  	s28 =	simm.s32 $0x2A40;
	[sflag:s17] =	ssyncadd.s32 $0xFFFFCE00  }
0x73: {  	[spmem:s3] =	stream.indirect.scatter.add.f32 [tilespmem:s16], [sflag:$0x3], $0x80, s28, s21, $0xb8;
	[tilespmem:$0x1EDC0] =	vst v63  }
0x74: {  	_ =	swait.ge [sflag:s19], $0x3200  }
0x75: {  	[sflag:s19] =	ssyncset.done $0x0  }
0x76: {  	s29 =	simm.s32 $0x270;
	[sflag:s19] =	ssyncadd.s32 $0xFFFFCE00  }
0x77: {  	[tilespmem:s16], [sflag:$0x1] =	stream.indirect.gather [hbm4b:s1+s21], $0x80, s29, s21, $0xb8;
	[tilespmem:$0x1EDC0] =	vst v63  }
0x78: {  	_ =	swait.ge [sflag:s18], $0x3200  }
0x79: {  	[sflag:s18] =	ssyncset.done $0x0  }
0x7a: {  	s31 =	simm.s32 $0x2AA8;
	[sflag:s18] =	ssyncadd.s32 $0xFFFFCE00  }
0x7b: {  	[spmem:s3] =	stream.indirect.scatter.add.f32 [tilespmem:s22], [sflag:$0x3], $0x80, s31, s21, $0xb8;
	[tilespmem:$0x1EDC0] =	vst v63  }
0x7c: {  	_ =	swait.ge [sflag:s19], $0x3200  }
0x7d: {  	[sflag:s19] =	ssyncset.done $0x0  }
0x7e: {  	s28 =	simm.s32 $0x2D8;
	[sflag:s19] =	ssyncadd.s32 $0xFFFFCE00  }
0x7f: {  	[tilespmem:s22], [sflag:$0x2] =	stream.indirect.gather [hbm4b:s1+s21], $0x80, s28, s21, $0xb8;
	[tilespmem:$0x1EDC0] =	vst v63  }
0x80: {  	_ =	swait.ge [sflag:s17], $0x3200  }
0x81: {  	[sflag:s17] =	ssyncset.done $0x0  }
0x82: {  	s29 =	simm.s32 $0x2B10;
	[sflag:s17] =	ssyncadd.s32 $0xFFFFCE00  }
0x83: {  	[spmem:s3] =	stream.indirect.scatter.add.f32 [tilespmem:s16], [sflag:$0x3], $0x80, s29, s21, $0xb8;
	[tilespmem:$0x1EDC0] =	vst v63  }
0x84: {  	_ =	swait.ge [sflag:s19], $0x3200  }
0x85: {  	[sflag:s19] =	ssyncset.done $0x0  }
0x86: {  	s31 =	simm.s32 $0x340;
	[sflag:s19] =	ssyncadd.s32 $0xFFFFCE00  }
0x87: {  	[tilespmem:s16], [sflag:$0x1] =	stream.indirect.gather [hbm4b:s1+s21], $0x80, s31, s21, $0xb8;
	[tilespmem:$0x1EDC0] =	vst v63  }
0x88: {  	_ =	swait.ge [sflag:s18], $0x3200  }
0x89: {  	[sflag:s18] =	ssyncset.done $0x0  }
0x8a: {  	s28 =	simm.s32 $0x2B78;
	[sflag:s18] =	ssyncadd.s32 $0xFFFFCE00  }
0x8b: {  	[spmem:s3] =	stream.indirect.scatter.add.f32 [tilespmem:s22], [sflag:$0x3], $0x80, s28, s21, $0xb8;
	[tilespmem:$0x1EDC0] =	vst v63  }
0x8c: {  	_ =	swait.ge [sflag:s19], $0x3200  }
0x8d: {  	[sflag:s19] =	ssyncset.done $0x0  }
0x8e: {  	s29 =	simm.s32 $0x3A8;
	[sflag:s19] =	ssyncadd.s32 $0xFFFFCE00  }
0x8f: {  	[tilespmem:s22], [sflag:$0x2] =	stream.indirect.gather [hbm4b:s1+s21], $0x80, s29, s21, $0xb8;
	[tilespmem:$0x1EDC0] =	vst v63  }
0x90: {  	_ =	swait.ge [sflag:s17], $0x3200  }
0x91: {  	[sflag:s17] =	ssyncset.done $0x0  }
0x92: {  	s31 =	simm.s32 $0x2BE0;
	[sflag:s17] =	ssyncadd.s32 $0xFFFFCE00  }
0x93: {  	[spmem:s3] =	stream.indirect.scatter.add.f32 [tilespmem:s16], [sflag:$0x3], $0x80, s31, s21, $0xb8;
	[tilespmem:$0x1EDC0] =	vst v63  }
0x94: {  	_ =	swait.ge [sflag:s19], $0x3200  }
0x95: {  	[sflag:s19] =	ssyncset.done $0x0  }
0x96: {  	s28 =	simm.s32 $0x410;
	[sflag:s19] =	ssyncadd.s32 $0xFFFFCE00  }
0x97: {  	[tilespmem:s16], [sflag:$0x1] =	stream.indirect.gather [hbm4b:s1+s21], $0x80, s28, s21, $0xb8;
	[tilespmem:$0x1EDC0] =	vst v63  }
0x98: {  	_ =	swait.ge [sflag:s18], $0x3200  }
0x99: {  	[sflag:s18] =	ssyncset.done $0x0  }
0x9a: {  	s29 =	simm.s32 $0x2C48;
	[sflag:s18] =	ssyncadd.s32 $0xFFFFCE00  }
0x9b: {  	[spmem:s3] =	stream.indirect.scatter.add.f32 [tilespmem:s22], [sflag:$0x3], $0x80, s29, s21, $0xb8;
	[tilespmem:$0x1EDC0] =	vst v63  }
0x9c: {  	_ =	swait.ge [sflag:s19], $0x3200  }
0x9d: {  	[sflag:s19] =	ssyncset.done $0x0  }
0x9e: {  	s31 =	simm.s32 $0x478;
	[sflag:s19] =	ssyncadd.s32 $0xFFFFCE00  }
0x9f: {  	[tilespmem:s22], [sflag:$0x2] =	stream.indirect.gather [hbm4b:s1+s21], $0x80, s31, s21, $0xb8;
	[tilespmem:$0x1EDC0] =	vst v63  }
0xa0: {  	_ =	swait.ge [sflag:s17], $0x3200  }
0xa1: {  	[sflag:s17] =	ssyncset.done $0x0  }
0xa2: {  	s28 =	simm.s32 $0x2CB0;
	[sflag:s17] =	ssyncadd.s32 $0xFFFFCE00  }
0xa3: {  	[spmem:s3] =	stream.indirect.scatter.add.f32 [tilespmem:s16], [sflag:$0x3], $0x80, s28, s21, $0xb8;
	[tilespmem:$0x1EDC0] =	vst v63  }
0xa4: {  	_ =	swait.ge [sflag:s19], $0x3200  }
0xa5: {  	[sflag:s19] =	ssyncset.done $0x0  }
0xa6: {  	s29 =	simm.s32 $0x4E0;
	[sflag:s19] =	ssyncadd.s32 $0xFFFFCE00  }
0xa7: {  	[tilespmem:s16], [sflag:$0x1] =	stream.indirect.gather [hbm4b:s1+s21], $0x80, s29, s21, $0xb8;
	[tilespmem:$0x1EDC0] =	vst v63  }
0xa8: {  	_ =	swait.ge [sflag:s18], $0x3200  }
0xa9: {  	[sflag:s18] =	ssyncset.done $0x0  }
0xaa: {  	s31 =	simm.s32 $0x2D18;
	[sflag:s18] =	ssyncadd.s32 $0xFFFFCE00  }
0xab: {  	[spmem:s3] =	stream.indirect.scatter.add.f32 [tilespmem:s22], [sflag:$0x3], $0x80, s31, s21, $0xb8;
	[tilespmem:$0x1EDC0] =	vst v63  }
0xac: {  	_ =	swait.ge [sflag:s19], $0x3200  }
0xad: {  	[sflag:s19] =	ssyncset.done $0x0  }
0xae: {  	s28 =	simm.s32 $0x548;
	[sflag:s19] =	ssyncadd.s32 $0xFFFFCE00  }
0xaf: {  	[tilespmem:s22], [sflag:$0x2] =	stream.indirect.gather [hbm4b:s1+s21], $0x80, s28, s21, $0xb8;
	[tilespmem:$0x1EDC0] =	vst v63  }
0xb0: {  	_ =	swait.ge [sflag:s17], $0x3200  }
0xb1: {  	[sflag:s17] =	ssyncset.done $0x0  }
0xb2: {  	s29 =	simm.s32 $0x2D80;
	[sflag:s17] =	ssyncadd.s32 $0xFFFFCE00  }
0xb3: {  	[spmem:s3] =	stream.indirect.scatter.add.f32 [tilespmem:s16], [sflag:$0x3], $0x80, s29, s21, $0xb8;
	[tilespmem:$0x1EDC0] =	vst v63  }
0xb4: {  	_ =	swait.ge [sflag:s19], $0x3200  }
0xb5: {  	[sflag:s19] =	ssyncset.done $0x0  }
0xb6: {  	s31 =	simm.s32 $0x5B0;
	[sflag:s19] =	ssyncadd.s32 $0xFFFFCE00  }
0xb7: {  	[tilespmem:s16], [sflag:$0x1] =	stream.indirect.gather [hbm4b:s1+s21], $0x80, s31, s21, $0xb8;
	[tilespmem:$0x1EDC0] =	vst v63  }
0xb8: {  	_ =	swait.ge [sflag:s18], $0x3200  }
0xb9: {  	[sflag:s18] =	ssyncset.done $0x0  }
0xba: {  	s28 =	simm.s32 $0x2DE8;
	[sflag:s18] =	ssyncadd.s32 $0xFFFFCE00  }
0xbb: {  	[spmem:s3] =	stream.indirect.scatter.add.f32 [tilespmem:s22], [sflag:$0x3], $0x80, s28, s21, $0xb8;
	[tilespmem:$0x1EDC0] =	vst v63  }
0xbc: {  	_ =	swait.ge [sflag:s19], $0x3200  }
0xbd: {  	[sflag:s19] =	ssyncset.done $0x0  }
0xbe: {  	s29 =	simm.s32 $0x618;
	[sflag:s19] =	ssyncadd.s32 $0xFFFFCE00  }
0xbf: {  	[tilespmem:s22], [sflag:$0x2] =	stream.indirect.gather [hbm4b:s1+s21], $0x80, s29, s21, $0xb8;
	[tilespmem:$0x1EDC0] =	vst v63  }
0xc0: {  	_ =	swait.ge [sflag:s17], $0x3200  }
0xc1: {  	[sflag:s17] =	ssyncset.done $0x0  }
0xc2: {  	s31 =	simm.s32 $0x2E50;
	[sflag:s17] =	ssyncadd.s32 $0xFFFFCE00  }
0xc3: {  	[spmem:s3] =	stream.indirect.scatter.add.f32 [tilespmem:s16], [sflag:$0x3], $0x80, s31, s21, $0xb8;
	[tilespmem:$0x1EDC0] =	vst v63  }
0xc4: {  	_ =	swait.ge [sflag:s19], $0x3200  }
0xc5: {  	[sflag:s19] =	ssyncset.done $0x0  }
0xc6: {  	s28 =	simm.s32 $0x680;
	[sflag:s19] =	ssyncadd.s32 $0xFFFFCE00  }
0xc7: {  	[tilespmem:s16], [sflag:$0x1] =	stream.indirect.gather [hbm4b:s1+s21], $0x80, s28, s21, $0xb8;
	[tilespmem:$0x1EDC0] =	vst v63  }
0xc8: {  	_ =	swait.ge [sflag:s18], $0x3200  }
0xc9: {  	[sflag:s18] =	ssyncset.done $0x0  }
0xca: {  	s29 =	simm.s32 $0x2EB8;
	[sflag:s18] =	ssyncadd.s32 $0xFFFFCE00  }
0xcb: {  	[spmem:s3] =	stream.indirect.scatter.add.f32 [tilespmem:s22], [sflag:$0x3], $0x80, s29, s21, $0xb8;
	[tilespmem:$0x1EDC0] =	vst v63  }
0xcc: {  	_ =	swait.ge [sflag:s19], $0x3200  }
0xcd: {  	[sflag:s19] =	ssyncset.done $0x0  }
0xce: {  	s31 =	simm.s32 $0x6E8;
	[sflag:s19] =	ssyncadd.s32 $0xFFFFCE00  }
0xcf: {  	[tilespmem:s22], [sflag:$0x2] =	stream.indirect.gather [hbm4b:s1+s21], $0x80, s31, s21, $0xb8;
	[tilespmem:$0x1EDC0] =	vst v63  }
0xd0: {  	_ =	swait.ge [sflag:s17], $0x3200  }
0xd1: {  	[sflag:s17] =	ssyncset.done $0x0  }
0xd2: {  	s28 =	simm.s32 $0x2F20;
	[sflag:s17] =	ssyncadd.s32 $0xFFFFCE00  }
0xd3: {  	[spmem:s3] =	stream.indirect.scatter.add.f32 [tilespmem:s16], [sflag:$0x3], $0x80, s28, s21, $0xb8;
	[tilespmem:$0x1EDC0] =	vst v63  }
0xd4: {  	_ =	swait.ge [sflag:s19], $0x3200  }
0xd5: {  	[sflag:s19] =	ssyncset.done $0x0  }
0xd6: {  	s29 =	simm.s32 $0x750;
	[sflag:s19] =	ssyncadd.s32 $0xFFFFCE00  }
0xd7: {  	[tilespmem:s16], [sflag:$0x1] =	stream.indirect.gather [hbm4b:s1+s21], $0x80, s29, s21, $0xb8;
	[tilespmem:$0x1EDC0] =	vst v63  }
0xd8: {  	_ =	swait.ge [sflag:s18], $0x3200  }
0xd9: {  	[sflag:s18] =	ssyncset.done $0x0  }
0xda: {  	s31 =	simm.s32 $0x2F88;
	[sflag:s18] =	ssyncadd.s32 $0xFFFFCE00  }
0xdb: {  	[spmem:s3] =	stream.indirect.scatter.add.f32 [tilespmem:s22], [sflag:$0x3], $0x80, s31, s21, $0xb8;
	[tilespmem:$0x1EDC0] =	vst v63  }
0xdc: {  	_ =	swait.ge [sflag:s19], $0x3200  }
0xdd: {  	[sflag:s19] =	ssyncset.done $0x0  }
0xde: {  	s28 =	simm.s32 $0x7B8;
	[sflag:s19] =	ssyncadd.s32 $0xFFFFCE00  }
0xdf: {  	[tilespmem:s22], [sflag:$0x2] =	stream.indirect.gather [hbm4b:s1+s21], $0x80, s28, s21, $0xb8;
	[tilespmem:$0x1EDC0] =	vst v63  }
0xe0: {  	_ =	swait.ge [sflag:s17], $0x3200  }
0xe1: {  	[sflag:s17] =	ssyncset.done $0x0  }
0xe2: {  	s29 =	simm.s32 $0x2FF0;
	[sflag:s17] =	ssyncadd.s32 $0xFFFFCE00  }
0xe3: {  	[spmem:s3] =	stream.indirect.scatter.add.f32 [tilespmem:s16], [sflag:$0x3], $0x80, s29, s21, $0xb8;
	[tilespmem:$0x1EDC0] =	vst v63  }
0xe4: {  	_ =	swait.ge [sflag:s19], $0x3200  }
0xe5: {  	[sflag:s19] =	ssyncset.done $0x0  }
0xe6: {  	[sflag:s19] =	ssyncadd.s32 $0xFFFFCE00  }
0xe7: {  	_ =	swait.ge [sflag:s18], $0x3200  }
0xe8: {  	[sflag:s18] =	ssyncset.done $0x0  }
0xe9: {  	s31 =	simm.s32 $0x3058;
	[sflag:s18] =	ssyncadd.s32 $0xFFFFCE00  }
0xea: {  	[spmem:s3] =	stream.indirect.scatter.add.f32 [tilespmem:s22], [sflag:$0x3], $0x80, s31, s21, $0xb8;
	[tilespmem:$0x1EDC0] =	vst v63  }
0xeb: {  	_ =	swait.ge [sflag:s19], $0x3200  }
0xec: {  	s26 =	simm.s32 $0x2080;
	s30 =	simm.s32 $0x4100;
	[sflag:s19] =	ssyncset.done $0x0  }
.LBB2_4:
0xed: {  	s29 =	sshra.s32 s26, $0x2  }
0xee: {  	[sflag:s19] =	ssyncadd.s32 $0xFFFFCE00;
	s26 =	smov.u32 s30;
	s28 =	sadd.s32 $0x2080, s30  }
0xef: {  	[tilespmem:s16], [sflag:$0x1] =	stream.indirect.gather [hbm4b:s1+s21], $0x80, s29, s21, $0xb8;
	[tilespmem:$0x1EDC0] =	vst v63  }
0xf0: {  	p0 =	sne.s32 s30, $0x8200;
	s30 =	sadd.s32 $0x68, s29  }
0xf1: {  	[tilespmem:s22], [sflag:$0x2] =	stream.indirect.gather [hbm4b:s1+s21], $0x80, s30, s21, $0xb8;
	[tilespmem:$0x1EDC0] =	vst v63  }
0xf2: {  	_ =	swait.ge [sflag:s17], $0x3200  }
0xf3: {  	[sflag:s17] =	ssyncset.done $0x0  }
0xf4: {  	s30 =	sadd.s32 $0x28A0, s29;
	[sflag:s17] =	ssyncadd.s32 $0xFFFFCE00  }
0xf5: {  	[spmem:s3] =	stream.indirect.scatter.add.f32 [tilespmem:s16], [sflag:$0x3], $0x80, s30, s21, $0xb8;
	[tilespmem:$0x1EDC0] =	vst v63  }
0xf6: {  	_ =	swait.ge [sflag:s19], $0x3200  }
0xf7: {  	[sflag:s19] =	ssyncset.done $0x0  }
0xf8: {  	s30 =	sadd.s32 $0xD0, s29;
	[sflag:s19] =	ssyncadd.s32 $0xFFFFCE00  }
0xf9: {  	[tilespmem:s16], [sflag:$0x1] =	stream.indirect.gather [hbm4b:s1+s21], $0x80, s30, s21, $0xb8;
	[tilespmem:$0x1EDC0] =	vst v63  }
0xfa: {  	_ =	swait.ge [sflag:s18], $0x3200  }
0xfb: {  	[sflag:s18] =	ssyncset.done $0x0  }
0xfc: {  	s30 =	sadd.s32 $0x2908, s29;
	[sflag:s18] =	ssyncadd.s32 $0xFFFFCE00  }
0xfd: {  	[spmem:s3] =	stream.indirect.scatter.add.f32 [tilespmem:s22], [sflag:$0x3], $0x80, s30, s21, $0xb8;
	[tilespmem:$0x1EDC0] =	vst v63  }
0xfe: {  	_ =	swait.ge [sflag:s19], $0x3200  }
0xff: {  	[sflag:s19] =	ssyncset.done $0x0  }
0x100: {  	s30 =	sadd.s32 $0x138, s29;
	[sflag:s19] =	ssyncadd.s32 $0xFFFFCE00  }
0x101: {  	[tilespmem:s22], [sflag:$0x2] =	stream.indirect.gather [hbm4b:s1+s21], $0x80, s30, s21, $0xb8;
	[tilespmem:$0x1EDC0] =	vst v63  }
0x102: {  	_ =	swait.ge [sflag:s17], $0x3200  }
0x103: {  	[sflag:s17] =	ssyncset.done $0x0  }
0x104: {  	s30 =	sadd.s32 $0x2970, s29;
	[sflag:s17] =	ssyncadd.s32 $0xFFFFCE00  }
0x105: {  	[spmem:s3] =	stream.indirect.scatter.add.f32 [tilespmem:s16], [sflag:$0x3], $0x80, s30, s21, $0xb8;
	[tilespmem:$0x1EDC0] =	vst v63  }
0x106: {  	_ =	swait.ge [sflag:s19], $0x3200  }
0x107: {  	[sflag:s19] =	ssyncset.done $0x0  }
0x108: {  	s30 =	sadd.s32 $0x1A0, s29;
	[sflag:s19] =	ssyncadd.s32 $0xFFFFCE00  }
0x109: {  	[tilespmem:s16], [sflag:$0x1] =	stream.indirect.gather [hbm4b:s1+s21], $0x80, s30, s21, $0xb8;
	[tilespmem:$0x1EDC0] =	vst v63  }
0x10a: {  	_ =	swait.ge [sflag:s18], $0x3200  }
0x10b: {  	[sflag:s18] =	ssyncset.done $0x0  }
0x10c: {  	s30 =	sadd.s32 $0x29D8, s29;
	[sflag:s18] =	ssyncadd.s32 $0xFFFFCE00  }
0x10d: {  	[spmem:s3] =	stream.indirect.scatter.add.f32 [tilespmem:s22], [sflag:$0x3], $0x80, s30, s21, $0xb8;
	[tilespmem:$0x1EDC0] =	vst v63  }
0x10e: {  	_ =	swait.ge [sflag:s19], $0x3200  }
0x10f: {  	[sflag:s19] =	ssyncset.done $0x0  }
0x110: {  	s30 =	sadd.s32 $0x208, s29;
	[sflag:s19] =	ssyncadd.s32 $0xFFFFCE00  }
0x111: {  	[tilespmem:s22], [sflag:$0x2] =	stream.indirect.gather [hbm4b:s1+s21], $0x80, s30, s21, $0xb8;
	[tilespmem:$0x1EDC0] =	vst v63  }
0x112: {  	_ =	swait.ge [sflag:s17], $0x3200  }
0x113: {  	[sflag:s17] =	ssyncset.done $0x0  }
0x114: {  	s30 =	sadd.s32 $0x2A40, s29;
	[sflag:s17] =	ssyncadd.s32 $0xFFFFCE00  }
0x115: {  	[spmem:s3] =	stream.indirect.scatter.add.f32 [tilespmem:s16], [sflag:$0x3], $0x80, s30, s21, $0xb8;
	[tilespmem:$0x1EDC0] =	vst v63  }
0x116: {  	_ =	swait.ge [sflag:s19], $0x3200  }
0x117: {  	[sflag:s19] =	ssyncset.done $0x0  }
0x118: {  	s30 =	sadd.s32 $0x270, s29;
	[sflag:s19] =	ssyncadd.s32 $0xFFFFCE00  }
0x119: {  	[tilespmem:s16], [sflag:$0x1] =	stream.indirect.gather [hbm4b:s1+s21], $0x80, s30, s21, $0xb8;
	[tilespmem:$0x1EDC0] =	vst v63  }
0x11a: {  	_ =	swait.ge [sflag:s18], $0x3200  }
0x11b: {  	[sflag:s18] =	ssyncset.done $0x0  }
0x11c: {  	s30 =	sadd.s32 $0x2AA8, s29;
	[sflag:s18] =	ssyncadd.s32 $0xFFFFCE00  }
0x11d: {  	[spmem:s3] =	stream.indirect.scatter.add.f32 [tilespmem:s22], [sflag:$0x3], $0x80, s30, s21, $0xb8;
	[tilespmem:$0x1EDC0] =	vst v63  }
0x11e: {  	_ =	swait.ge [sflag:s19], $0x3200  }
0x11f: {  	[sflag:s19] =	ssyncset.done $0x0  }
0x120: {  	s30 =	sadd.s32 $0x2D8, s29;
	[sflag:s19] =	ssyncadd.s32 $0xFFFFCE00  }
0x121: {  	[tilespmem:s22], [sflag:$0x2] =	stream.indirect.gather [hbm4b:s1+s21], $0x80, s30, s21, $0xb8;
	[tilespmem:$0x1EDC0] =	vst v63  }
0x122: {  	_ =	swait.ge [sflag:s17], $0x3200  }
0x123: {  	[sflag:s17] =	ssyncset.done $0x0  }
0x124: {  	s30 =	sadd.s32 $0x2B10, s29;
	[sflag:s17] =	ssyncadd.s32 $0xFFFFCE00  }
0x125: {  	[spmem:s3] =	stream.indirect.scatter.add.f32 [tilespmem:s16], [sflag:$0x3], $0x80, s30, s21, $0xb8;
	[tilespmem:$0x1EDC0] =	vst v63  }
0x126: {  	_ =	swait.ge [sflag:s19], $0x3200  }
0x127: {  	[sflag:s19] =	ssyncset.done $0x0  }
0x128: {  	s30 =	sadd.s32 $0x340, s29;
	[sflag:s19] =	ssyncadd.s32 $0xFFFFCE00  }
0x129: {  	[tilespmem:s16], [sflag:$0x1] =	stream.indirect.gather [hbm4b:s1+s21], $0x80, s30, s21, $0xb8;
	[tilespmem:$0x1EDC0] =	vst v63  }
0x12a: {  	_ =	swait.ge [sflag:s18], $0x3200  }
0x12b: {  	[sflag:s18] =	ssyncset.done $0x0  }
0x12c: {  	s30 =	sadd.s32 $0x2B78, s29;
	[sflag:s18] =	ssyncadd.s32 $0xFFFFCE00  }
0x12d: {  	[spmem:s3] =	stream.indirect.scatter.add.f32 [tilespmem:s22], [sflag:$0x3], $0x80, s30, s21, $0xb8;
	[tilespmem:$0x1EDC0] =	vst v63  }
0x12e: {  	_ =	swait.ge [sflag:s19], $0x3200  }
0x12f: {  	[sflag:s19] =	ssyncset.done $0x0  }
0x130: {  	s30 =	sadd.s32 $0x3A8, s29;
	[sflag:s19] =	ssyncadd.s32 $0xFFFFCE00  }
0x131: {  	[tilespmem:s22], [sflag:$0x2] =	stream.indirect.gather [hbm4b:s1+s21], $0x80, s30, s21, $0xb8;
	[tilespmem:$0x1EDC0] =	vst v63  }
0x132: {  	_ =	swait.ge [sflag:s17], $0x3200  }
0x133: {  	[sflag:s17] =	ssyncset.done $0x0  }
0x134: {  	s30 =	sadd.s32 $0x2BE0, s29;
	[sflag:s17] =	ssyncadd.s32 $0xFFFFCE00  }
0x135: {  	[spmem:s3] =	stream.indirect.scatter.add.f32 [tilespmem:s16], [sflag:$0x3], $0x80, s30, s21, $0xb8;
	[tilespmem:$0x1EDC0] =	vst v63  }
0x136: {  	_ =	swait.ge [sflag:s19], $0x3200  }
0x137: {  	[sflag:s19] =	ssyncset.done $0x0  }
0x138: {  	s30 =	sadd.s32 $0x410, s29;
	[sflag:s19] =	ssyncadd.s32 $0xFFFFCE00  }
0x139: {  	[tilespmem:s16], [sflag:$0x1] =	stream.indirect.gather [hbm4b:s1+s21], $0x80, s30, s21, $0xb8;
	[tilespmem:$0x1EDC0] =	vst v63  }
0x13a: {  	_ =	swait.ge [sflag:s18], $0x3200  }
0x13b: {  	[sflag:s18] =	ssyncset.done $0x0  }
0x13c: {  	s30 =	sadd.s32 $0x2C48, s29;
	[sflag:s18] =	ssyncadd.s32 $0xFFFFCE00  }
0x13d: {  	[spmem:s3] =	stream.indirect.scatter.add.f32 [tilespmem:s22], [sflag:$0x3], $0x80, s30, s21, $0xb8;
	[tilespmem:$0x1EDC0] =	vst v63  }
0x13e: {  	_ =	swait.ge [sflag:s19], $0x3200  }
0x13f: {  	[sflag:s19] =	ssyncset.done $0x0  }
0x140: {  	s30 =	sadd.s32 $0x478, s29;
	[sflag:s19] =	ssyncadd.s32 $0xFFFFCE00  }
0x141: {  	[tilespmem:s22], [sflag:$0x2] =	stream.indirect.gather [hbm4b:s1+s21], $0x80, s30, s21, $0xb8;
	[tilespmem:$0x1EDC0] =	vst v63  }
0x142: {  	_ =	swait.ge [sflag:s17], $0x3200  }
0x143: {  	[sflag:s17] =	ssyncset.done $0x0  }
0x144: {  	s30 =	sadd.s32 $0x2CB0, s29;
	[sflag:s17] =	ssyncadd.s32 $0xFFFFCE00  }
0x145: {  	[spmem:s3] =	stream.indirect.scatter.add.f32 [tilespmem:s16], [sflag:$0x3], $0x80, s30, s21, $0xb8;
	[tilespmem:$0x1EDC0] =	vst v63  }
0x146: {  	_ =	swait.ge [sflag:s19], $0x3200  }
0x147: {  	[sflag:s19] =	ssyncset.done $0x0  }
0x148: {  	s30 =	sadd.s32 $0x4E0, s29;
	[sflag:s19] =	ssyncadd.s32 $0xFFFFCE00  }
0x149: {  	[tilespmem:s16], [sflag:$0x1] =	stream.indirect.gather [hbm4b:s1+s21], $0x80, s30, s21, $0xb8;
	[tilespmem:$0x1EDC0] =	vst v63  }
0x14a: {  	_ =	swait.ge [sflag:s18], $0x3200  }
0x14b: {  	[sflag:s18] =	ssyncset.done $0x0  }
0x14c: {  	s30 =	sadd.s32 $0x2D18, s29;
	[sflag:s18] =	ssyncadd.s32 $0xFFFFCE00  }
0x14d: {  	[spmem:s3] =	stream.indirect.scatter.add.f32 [tilespmem:s22], [sflag:$0x3], $0x80, s30, s21, $0xb8;
	[tilespmem:$0x1EDC0] =	vst v63  }
0x14e: {  	_ =	swait.ge [sflag:s19], $0x3200  }
0x14f: {  	[sflag:s19] =	ssyncset.done $0x0  }
0x150: {  	s30 =	sadd.s32 $0x548, s29;
	[sflag:s19] =	ssyncadd.s32 $0xFFFFCE00  }
0x151: {  	[tilespmem:s22], [sflag:$0x2] =	stream.indirect.gather [hbm4b:s1+s21], $0x80, s30, s21, $0xb8;
	[tilespmem:$0x1EDC0] =	vst v63  }
0x152: {  	_ =	swait.ge [sflag:s17], $0x3200  }
0x153: {  	[sflag:s17] =	ssyncset.done $0x0  }
0x154: {  	s30 =	sadd.s32 $0x2D80, s29;
	[sflag:s17] =	ssyncadd.s32 $0xFFFFCE00  }
0x155: {  	[spmem:s3] =	stream.indirect.scatter.add.f32 [tilespmem:s16], [sflag:$0x3], $0x80, s30, s21, $0xb8;
	[tilespmem:$0x1EDC0] =	vst v63  }
0x156: {  	_ =	swait.ge [sflag:s19], $0x3200  }
0x157: {  	[sflag:s19] =	ssyncset.done $0x0  }
0x158: {  	s30 =	sadd.s32 $0x5B0, s29;
	[sflag:s19] =	ssyncadd.s32 $0xFFFFCE00  }
0x159: {  	[tilespmem:s16], [sflag:$0x1] =	stream.indirect.gather [hbm4b:s1+s21], $0x80, s30, s21, $0xb8;
	[tilespmem:$0x1EDC0] =	vst v63  }
0x15a: {  	_ =	swait.ge [sflag:s18], $0x3200  }
0x15b: {  	[sflag:s18] =	ssyncset.done $0x0  }
0x15c: {  	s30 =	sadd.s32 $0x2DE8, s29;
	[sflag:s18] =	ssyncadd.s32 $0xFFFFCE00  }
0x15d: {  	[spmem:s3] =	stream.indirect.scatter.add.f32 [tilespmem:s22], [sflag:$0x3], $0x80, s30, s21, $0xb8;
	[tilespmem:$0x1EDC0] =	vst v63  }
0x15e: {  	_ =	swait.ge [sflag:s19], $0x3200  }
0x15f: {  	[sflag:s19] =	ssyncset.done $0x0  }
0x160: {  	s30 =	sadd.s32 $0x618, s29;
	[sflag:s19] =	ssyncadd.s32 $0xFFFFCE00  }
0x161: {  	[tilespmem:s22], [sflag:$0x2] =	stream.indirect.gather [hbm4b:s1+s21], $0x80, s30, s21, $0xb8;
	[tilespmem:$0x1EDC0] =	vst v63  }
0x162: {  	_ =	swait.ge [sflag:s17], $0x3200  }
0x163: {  	[sflag:s17] =	ssyncset.done $0x0  }
0x164: {  	s30 =	sadd.s32 $0x2E50, s29;
	[sflag:s17] =	ssyncadd.s32 $0xFFFFCE00  }
0x165: {  	[spmem:s3] =	stream.indirect.scatter.add.f32 [tilespmem:s16], [sflag:$0x3], $0x80, s30, s21, $0xb8;
	[tilespmem:$0x1EDC0] =	vst v63  }
0x166: {  	_ =	swait.ge [sflag:s19], $0x3200  }
0x167: {  	[sflag:s19] =	ssyncset.done $0x0  }
0x168: {  	s30 =	sadd.s32 $0x680, s29;
	[sflag:s19] =	ssyncadd.s32 $0xFFFFCE00  }
0x169: {  	[tilespmem:s16], [sflag:$0x1] =	stream.indirect.gather [hbm4b:s1+s21], $0x80, s30, s21, $0xb8;
	[tilespmem:$0x1EDC0] =	vst v63  }
0x16a: {  	_ =	swait.ge [sflag:s18], $0x3200  }
0x16b: {  	[sflag:s18] =	ssyncset.done $0x0  }
0x16c: {  	s30 =	sadd.s32 $0x2EB8, s29;
	[sflag:s18] =	ssyncadd.s32 $0xFFFFCE00  }
0x16d: {  	[spmem:s3] =	stream.indirect.scatter.add.f32 [tilespmem:s22], [sflag:$0x3], $0x80, s30, s21, $0xb8;
	[tilespmem:$0x1EDC0] =	vst v63  }
0x16e: {  	_ =	swait.ge [sflag:s19], $0x3200  }
0x16f: {  	[sflag:s19] =	ssyncset.done $0x0  }
0x170: {  	s30 =	sadd.s32 $0x6E8, s29;
	[sflag:s19] =	ssyncadd.s32 $0xFFFFCE00  }
0x171: {  	[tilespmem:s22], [sflag:$0x2] =	stream.indirect.gather [hbm4b:s1+s21], $0x80, s30, s21, $0xb8;
	[tilespmem:$0x1EDC0] =	vst v63  }
0x172: {  	_ =	swait.ge [sflag:s17], $0x3200  }
0x173: {  	[sflag:s17] =	ssyncset.done $0x0  }
0x174: {  	s30 =	sadd.s32 $0x2F20, s29;
	[sflag:s17] =	ssyncadd.s32 $0xFFFFCE00  }
0x175: {  	[spmem:s3] =	stream.indirect.scatter.add.f32 [tilespmem:s16], [sflag:$0x3], $0x80, s30, s21, $0xb8;
	[tilespmem:$0x1EDC0] =	vst v63  }
0x176: {  	_ =	swait.ge [sflag:s19], $0x3200  }
0x177: {  	[sflag:s19] =	ssyncset.done $0x0  }
0x178: {  	s30 =	sadd.s32 $0x750, s29;
	[sflag:s19] =	ssyncadd.s32 $0xFFFFCE00  }
0x179: {  	[tilespmem:s16], [sflag:$0x1] =	stream.indirect.gather [hbm4b:s1+s21], $0x80, s30, s21, $0xb8;
	[tilespmem:$0x1EDC0] =	vst v63  }
0x17a: {  	_ =	swait.ge [sflag:s18], $0x3200  }
0x17b: {  	[sflag:s18] =	ssyncset.done $0x0  }
0x17c: {  	s30 =	sadd.s32 $0x2F88, s29;
	[sflag:s18] =	ssyncadd.s32 $0xFFFFCE00  }
0x17d: {  	[spmem:s3] =	stream.indirect.scatter.add.f32 [tilespmem:s22], [sflag:$0x3], $0x80, s30, s21, $0xb8;
	[tilespmem:$0x1EDC0] =	vst v63  }
0x17e: {  	_ =	swait.ge [sflag:s19], $0x3200  }
0x17f: {  	[sflag:s19] =	ssyncset.done $0x0  }
0x180: {  	s30 =	sadd.s32 $0x7B8, s29;
	[sflag:s19] =	ssyncadd.s32 $0xFFFFCE00  }
0x181: {  	[tilespmem:s22], [sflag:$0x2] =	stream.indirect.gather [hbm4b:s1+s21], $0x80, s30, s21, $0xb8;
	[tilespmem:$0x1EDC0] =	vst v63  }
0x182: {  	_ =	swait.ge [sflag:s17], $0x3200  }
0x183: {  	[sflag:s17] =	ssyncset.done $0x0  }
0x184: {  	s30 =	sadd.s32 $0x2FF0, s29;
	[sflag:s17] =	ssyncadd.s32 $0xFFFFCE00  }
0x185: {  	[spmem:s3] =	stream.indirect.scatter.add.f32 [tilespmem:s16], [sflag:$0x3], $0x80, s30, s21, $0xb8;
	[tilespmem:$0x1EDC0] =	vst v63  }
0x186: {  	_ =	swait.ge [sflag:s19], $0x3200  }
0x187: {  	[sflag:s19] =	ssyncset.done $0x0  }
0x188: {  	[sflag:s19] =	ssyncadd.s32 $0xFFFFCE00  }
0x189: {  	_ =	swait.ge [sflag:s18], $0x3200  }
.Ltmp1:
0x18a: {  	[sflag:s18] =	ssyncset.done $0x0;
	(pc) =	sbr.rel @p0 .LBB2_4-.Ltmp1, $4  }
0x18b: {  	s29 =	sadd.s32 $0x3058, s29;
	[sflag:s18] =	ssyncadd.s32 $0xFFFFCE00  }
0x18c: {  	[spmem:s3] =	stream.indirect.scatter.add.f32 [tilespmem:s22], [sflag:$0x3], $0x80, s29, s21, $0xb8;
	[tilespmem:$0x1EDC0] =	vst v63  }
0x18d: {  	_ =	swait.ge [sflag:s19], $0x3200  }
0x18e: {  	s30 =	smov.u32 s28;
	[sflag:s19] =	ssyncset.done $0x0  }
0x18f: {  	s26 =	sshra.s32 s26, $0x2;
	[sflag:s19] =	ssyncadd.s32 $0xFFFFCE00  }
0x190: {  	[tilespmem:s16], [sflag:$0x1] =	stream.indirect.gather [hbm4b:s1+s21], $0x80, s26, s21, $0xb8;
	[tilespmem:$0x1EDC0] =	vst v63  }
0x191: {  	s28 =	sadd.s32 $0x68, s26  }
0x192: {  	[tilespmem:s22], [sflag:$0x2] =	stream.indirect.gather [hbm4b:s1+s21], $0x80, s28, s21, $0xb8;
	[tilespmem:$0x1EDC0] =	vst v63  }
0x193: {  	_ =	swait.ge [sflag:s17], $0x3200  }
0x194: {  	[sflag:s17] =	ssyncset.done $0x0  }
0x195: {  	s29 =	sadd.s32 $0x28A0, s26;
	[sflag:s17] =	ssyncadd.s32 $0xFFFFCE00  }
0x196: {  	[spmem:s3] =	stream.indirect.scatter.add.f32 [tilespmem:s16], [sflag:$0x3], $0x80, s29, s21, $0xb8;
	[tilespmem:$0x1EDC0] =	vst v63  }
0x197: {  	_ =	swait.ge [sflag:s19], $0x3200  }
0x198: {  	[sflag:s19] =	ssyncset.done $0x0  }
0x199: {  	s30 =	sadd.s32 $0xD0, s26;
	[sflag:s19] =	ssyncadd.s32 $0xFFFFCE00  }
0x19a: {  	[tilespmem:s16], [sflag:$0x1] =	stream.indirect.gather [hbm4b:s1+s21], $0x80, s30, s21, $0xb8;
	[tilespmem:$0x1EDC0] =	vst v63  }
0x19b: {  	_ =	swait.ge [sflag:s18], $0x3200  }
0x19c: {  	[sflag:s18] =	ssyncset.done $0x0  }
0x19d: {  	s31 =	sadd.s32 $0x2908, s26;
	[sflag:s18] =	ssyncadd.s32 $0xFFFFCE00  }
0x19e: {  	[spmem:s3] =	stream.indirect.scatter.add.f32 [tilespmem:s22], [sflag:$0x3], $0x80, s31, s21, $0xb8;
	[tilespmem:$0x1EDC0] =	vst v63  }
0x19f: {  	_ =	swait.ge [sflag:s19], $0x3200  }
0x1a0: {  	[sflag:s19] =	ssyncset.done $0x0  }
0x1a1: {  	s29 =	sadd.s32 $0x138, s26;
	[sflag:s19] =	ssyncadd.s32 $0xFFFFCE00  }
0x1a2: {  	[tilespmem:s22], [sflag:$0x2] =	stream.indirect.gather [hbm4b:s1+s21], $0x80, s29, s21, $0xb8;
	[tilespmem:$0x1EDC0] =	vst v63  }
0x1a3: {  	_ =	swait.ge [sflag:s17], $0x3200  }
0x1a4: {  	[sflag:s17] =	ssyncset.done $0x0  }
0x1a5: {  	s30 =	sadd.s32 $0x2970, s26;
	[sflag:s17] =	ssyncadd.s32 $0xFFFFCE00  }
0x1a6: {  	[spmem:s3] =	stream.indirect.scatter.add.f32 [tilespmem:s16], [sflag:$0x3], $0x80, s30, s21, $0xb8;
	[tilespmem:$0x1EDC0] =	vst v63  }
0x1a7: {  	_ =	swait.ge [sflag:s19], $0x3200  }
0x1a8: {  	[sflag:s19] =	ssyncset.done $0x0  }
0x1a9: {  	s31 =	sadd.s32 $0x1A0, s26;
	[sflag:s19] =	ssyncadd.s32 $0xFFFFCE00  }
0x1aa: {  	[tilespmem:s16], [sflag:$0x1] =	stream.indirect.gather [hbm4b:s1+s21], $0x80, s31, s21, $0xb8;
	[tilespmem:$0x1EDC0] =	vst v63  }
0x1ab: {  	_ =	swait.ge [sflag:s18], $0x3200  }
0x1ac: {  	[sflag:s18] =	ssyncset.done $0x0  }
0x1ad: {  	s29 =	sadd.s32 $0x29D8, s26;
	[sflag:s18] =	ssyncadd.s32 $0xFFFFCE00  }
0x1ae: {  	[spmem:s3] =	stream.indirect.scatter.add.f32 [tilespmem:s22], [sflag:$0x3], $0x80, s29, s21, $0xb8;
	[tilespmem:$0x1EDC0] =	vst v63  }
0x1af: {  	_ =	swait.ge [sflag:s19], $0x3200  }
0x1b0: {  	[sflag:s19] =	ssyncset.done $0x0  }
0x1b1: {  	s30 =	sadd.s32 $0x208, s26;
	[sflag:s19] =	ssyncadd.s32 $0xFFFFCE00  }
0x1b2: {  	[tilespmem:s22], [sflag:$0x2] =	stream.indirect.gather [hbm4b:s1+s21], $0x80, s30, s21, $0xb8;
	[tilespmem:$0x1EDC0] =	vst v63  }
0x1b3: {  	_ =	swait.ge [sflag:s17], $0x3200  }
0x1b4: {  	[sflag:s17] =	ssyncset.done $0x0  }
0x1b5: {  	s31 =	sadd.s32 $0x2A40, s26;
	[sflag:s17] =	ssyncadd.s32 $0xFFFFCE00  }
0x1b6: {  	[spmem:s3] =	stream.indirect.scatter.add.f32 [tilespmem:s16], [sflag:$0x3], $0x80, s31, s21, $0xb8;
	[tilespmem:$0x1EDC0] =	vst v63  }
0x1b7: {  	_ =	swait.ge [sflag:s19], $0x3200  }
0x1b8: {  	[sflag:s19] =	ssyncset.done $0x0  }
0x1b9: {  	s29 =	sadd.s32 $0x270, s26;
	[sflag:s19] =	ssyncadd.s32 $0xFFFFCE00  }
0x1ba: {  	[tilespmem:s16], [sflag:$0x1] =	stream.indirect.gather [hbm4b:s1+s21], $0x80, s29, s21, $0xb8;
	[tilespmem:$0x1EDC0] =	vst v63  }
0x1bb: {  	_ =	swait.ge [sflag:s18], $0x3200  }
0x1bc: {  	[sflag:s18] =	ssyncset.done $0x0  }
0x1bd: {  	s30 =	sadd.s32 $0x2AA8, s26;
	[sflag:s18] =	ssyncadd.s32 $0xFFFFCE00  }
0x1be: {  	[spmem:s3] =	stream.indirect.scatter.add.f32 [tilespmem:s22], [sflag:$0x3], $0x80, s30, s21, $0xb8;
	[tilespmem:$0x1EDC0] =	vst v63  }
0x1bf: {  	_ =	swait.ge [sflag:s19], $0x3200  }
0x1c0: {  	[sflag:s19] =	ssyncset.done $0x0  }
0x1c1: {  	s31 =	sadd.s32 $0x2D8, s26;
	[sflag:s19] =	ssyncadd.s32 $0xFFFFCE00  }
0x1c2: {  	[tilespmem:s22], [sflag:$0x2] =	stream.indirect.gather [hbm4b:s1+s21], $0x80, s31, s21, $0xb8;
	[tilespmem:$0x1EDC0] =	vst v63  }
0x1c3: {  	_ =	swait.ge [sflag:s17], $0x3200  }
0x1c4: {  	[sflag:s17] =	ssyncset.done $0x0  }
0x1c5: {  	s29 =	sadd.s32 $0x2B10, s26;
	[sflag:s17] =	ssyncadd.s32 $0xFFFFCE00  }
0x1c6: {  	[spmem:s3] =	stream.indirect.scatter.add.f32 [tilespmem:s16], [sflag:$0x3], $0x80, s29, s21, $0xb8;
	[tilespmem:$0x1EDC0] =	vst v63  }
0x1c7: {  	_ =	swait.ge [sflag:s19], $0x3200  }
0x1c8: {  	[sflag:s19] =	ssyncset.done $0x0  }
0x1c9: {  	s30 =	sadd.s32 $0x340, s26;
	[sflag:s19] =	ssyncadd.s32 $0xFFFFCE00  }
0x1ca: {  	[tilespmem:s16], [sflag:$0x1] =	stream.indirect.gather [hbm4b:s1+s21], $0x80, s30, s21, $0xb8;
	[tilespmem:$0x1EDC0] =	vst v63  }
0x1cb: {  	_ =	swait.ge [sflag:s18], $0x3200  }
0x1cc: {  	[sflag:s18] =	ssyncset.done $0x0  }
0x1cd: {  	s31 =	sadd.s32 $0x2B78, s26;
	[sflag:s18] =	ssyncadd.s32 $0xFFFFCE00  }
0x1ce: {  	[spmem:s3] =	stream.indirect.scatter.add.f32 [tilespmem:s22], [sflag:$0x3], $0x80, s31, s21, $0xb8;
	[tilespmem:$0x1EDC0] =	vst v63  }
0x1cf: {  	_ =	swait.ge [sflag:s19], $0x3200  }
0x1d0: {  	[sflag:s19] =	ssyncset.done $0x0  }
0x1d1: {  	s29 =	sadd.s32 $0x3A8, s26;
	[sflag:s19] =	ssyncadd.s32 $0xFFFFCE00  }
0x1d2: {  	[tilespmem:s22], [sflag:$0x2] =	stream.indirect.gather [hbm4b:s1+s21], $0x80, s29, s21, $0xb8;
	[tilespmem:$0x1EDC0] =	vst v63  }
0x1d3: {  	_ =	swait.ge [sflag:s17], $0x3200  }
0x1d4: {  	[sflag:s17] =	ssyncset.done $0x0  }
0x1d5: {  	s30 =	sadd.s32 $0x2BE0, s26;
	[sflag:s17] =	ssyncadd.s32 $0xFFFFCE00  }
0x1d6: {  	[spmem:s3] =	stream.indirect.scatter.add.f32 [tilespmem:s16], [sflag:$0x3], $0x80, s30, s21, $0xb8;
	[tilespmem:$0x1EDC0] =	vst v63  }
0x1d7: {  	_ =	swait.ge [sflag:s19], $0x3200  }
0x1d8: {  	[sflag:s19] =	ssyncset.done $0x0  }
0x1d9: {  	s31 =	sadd.s32 $0x410, s26;
	[sflag:s19] =	ssyncadd.s32 $0xFFFFCE00  }
0x1da: {  	[tilespmem:s16], [sflag:$0x1] =	stream.indirect.gather [hbm4b:s1+s21], $0x80, s31, s21, $0xb8;
	[tilespmem:$0x1EDC0] =	vst v63  }
0x1db: {  	_ =	swait.ge [sflag:s18], $0x3200  }
0x1dc: {  	[sflag:s18] =	ssyncset.done $0x0  }
0x1dd: {  	s29 =	sadd.s32 $0x2C48, s26;
	[sflag:s18] =	ssyncadd.s32 $0xFFFFCE00  }
0x1de: {  	[spmem:s3] =	stream.indirect.scatter.add.f32 [tilespmem:s22], [sflag:$0x3], $0x80, s29, s21, $0xb8;
	[tilespmem:$0x1EDC0] =	vst v63  }
0x1df: {  	_ =	swait.ge [sflag:s19], $0x3200  }
0x1e0: {  	[sflag:s19] =	ssyncset.done $0x0  }
0x1e1: {  	s30 =	sadd.s32 $0x478, s26;
	[sflag:s19] =	ssyncadd.s32 $0xFFFFCE00  }
0x1e2: {  	[tilespmem:s22], [sflag:$0x2] =	stream.indirect.gather [hbm4b:s1+s21], $0x80, s30, s21, $0xb8;
	[tilespmem:$0x1EDC0] =	vst v63  }
0x1e3: {  	_ =	swait.ge [sflag:s17], $0x3200  }
0x1e4: {  	[sflag:s17] =	ssyncset.done $0x0  }
0x1e5: {  	s31 =	sadd.s32 $0x2CB0, s26;
	[sflag:s17] =	ssyncadd.s32 $0xFFFFCE00  }
0x1e6: {  	[spmem:s3] =	stream.indirect.scatter.add.f32 [tilespmem:s16], [sflag:$0x3], $0x80, s31, s21, $0xb8;
	[tilespmem:$0x1EDC0] =	vst v63  }
0x1e7: {  	_ =	swait.ge [sflag:s19], $0x3200  }
0x1e8: {  	[sflag:s19] =	ssyncset.done $0x0  }
0x1e9: {  	s29 =	sadd.s32 $0x4E0, s26;
	[sflag:s19] =	ssyncadd.s32 $0xFFFFCE00  }
0x1ea: {  	[tilespmem:s16], [sflag:$0x1] =	stream.indirect.gather [hbm4b:s1+s21], $0x80, s29, s21, $0xb8;
	[tilespmem:$0x1EDC0] =	vst v63  }
0x1eb: {  	_ =	swait.ge [sflag:s18], $0x3200  }
0x1ec: {  	[sflag:s18] =	ssyncset.done $0x0  }
0x1ed: {  	s30 =	sadd.s32 $0x2D18, s26;
	[sflag:s18] =	ssyncadd.s32 $0xFFFFCE00  }
0x1ee: {  	[spmem:s3] =	stream.indirect.scatter.add.f32 [tilespmem:s22], [sflag:$0x3], $0x80, s30, s21, $0xb8;
	[tilespmem:$0x1EDC0] =	vst v63  }
0x1ef: {  	_ =	swait.ge [sflag:s19], $0x3200  }
0x1f0: {  	[sflag:s19] =	ssyncset.done $0x0  }
0x1f1: {  	s31 =	sadd.s32 $0x548, s26;
	[sflag:s19] =	ssyncadd.s32 $0xFFFFCE00  }
0x1f2: {  	[tilespmem:s22], [sflag:$0x2] =	stream.indirect.gather [hbm4b:s1+s21], $0x80, s31, s21, $0xb8;
	[tilespmem:$0x1EDC0] =	vst v63  }
0x1f3: {  	_ =	swait.ge [sflag:s17], $0x3200  }
0x1f4: {  	[sflag:s17] =	ssyncset.done $0x0  }
0x1f5: {  	s29 =	sadd.s32 $0x2D80, s26;
	[sflag:s17] =	ssyncadd.s32 $0xFFFFCE00  }
0x1f6: {  	[spmem:s3] =	stream.indirect.scatter.add.f32 [tilespmem:s16], [sflag:$0x3], $0x80, s29, s21, $0xb8;
	[tilespmem:$0x1EDC0] =	vst v63  }
0x1f7: {  	_ =	swait.ge [sflag:s19], $0x3200  }
0x1f8: {  	[sflag:s19] =	ssyncset.done $0x0  }
0x1f9: {  	s30 =	sadd.s32 $0x5B0, s26;
	[sflag:s19] =	ssyncadd.s32 $0xFFFFCE00  }
0x1fa: {  	[tilespmem:s16], [sflag:$0x1] =	stream.indirect.gather [hbm4b:s1+s21], $0x80, s30, s21, $0xb8;
	[tilespmem:$0x1EDC0] =	vst v63  }
0x1fb: {  	_ =	swait.ge [sflag:s18], $0x3200  }
0x1fc: {  	[sflag:s18] =	ssyncset.done $0x0  }
0x1fd: {  	s31 =	sadd.s32 $0x2DE8, s26;
	[sflag:s18] =	ssyncadd.s32 $0xFFFFCE00  }
0x1fe: {  	[spmem:s3] =	stream.indirect.scatter.add.f32 [tilespmem:s22], [sflag:$0x3], $0x80, s31, s21, $0xb8;
	[tilespmem:$0x1EDC0] =	vst v63  }
0x1ff: {  	_ =	swait.ge [sflag:s19], $0x3200  }
0x200: {  	[sflag:s19] =	ssyncset.done $0x0  }
0x201: {  	s29 =	sadd.s32 $0x618, s26;
	[sflag:s19] =	ssyncadd.s32 $0xFFFFCE00  }
0x202: {  	[tilespmem:s22], [sflag:$0x2] =	stream.indirect.gather [hbm4b:s1+s21], $0x80, s29, s21, $0xb8;
	[tilespmem:$0x1EDC0] =	vst v63  }
0x203: {  	_ =	swait.ge [sflag:s17], $0x3200  }
0x204: {  	[sflag:s17] =	ssyncset.done $0x0  }
0x205: {  	s30 =	sadd.s32 $0x2E50, s26;
	[sflag:s17] =	ssyncadd.s32 $0xFFFFCE00  }
0x206: {  	[spmem:s3] =	stream.indirect.scatter.add.f32 [tilespmem:s16], [sflag:$0x3], $0x80, s30, s21, $0xb8;
	[tilespmem:$0x1EDC0] =	vst v63  }
0x207: {  	_ =	swait.ge [sflag:s19], $0x3200  }
0x208: {  	[sflag:s19] =	ssyncset.done $0x0  }
0x209: {  	s31 =	sadd.s32 $0x680, s26;
	[sflag:s19] =	ssyncadd.s32 $0xFFFFCE00  }
0x20a: {  	[tilespmem:s16], [sflag:$0x1] =	stream.indirect.gather [hbm4b:s1+s21], $0x80, s31, s21, $0xb8;
	[tilespmem:$0x1EDC0] =	vst v63  }
0x20b: {  	_ =	swait.ge [sflag:s18], $0x3200  }
0x20c: {  	[sflag:s18] =	ssyncset.done $0x0  }
0x20d: {  	s29 =	sadd.s32 $0x2EB8, s26;
	[sflag:s18] =	ssyncadd.s32 $0xFFFFCE00  }
0x20e: {  	[spmem:s3] =	stream.indirect.scatter.add.f32 [tilespmem:s22], [sflag:$0x3], $0x80, s29, s21, $0xb8;
	[tilespmem:$0x1EDC0] =	vst v63  }
0x20f: {  	_ =	swait.ge [sflag:s19], $0x3200  }
0x210: {  	[sflag:s19] =	ssyncset.done $0x0  }
0x211: {  	s30 =	sadd.s32 $0x6E8, s26;
	[sflag:s19] =	ssyncadd.s32 $0xFFFFCE00  }
0x212: {  	[tilespmem:s22], [sflag:$0x2] =	stream.indirect.gather [hbm4b:s1+s21], $0x80, s30, s21, $0xb8;
	[tilespmem:$0x1EDC0] =	vst v63  }
0x213: {  	_ =	swait.ge [sflag:s17], $0x3200  }
0x214: {  	[sflag:s17] =	ssyncset.done $0x0  }
0x215: {  	s31 =	sadd.s32 $0x2F20, s26;
	[sflag:s17] =	ssyncadd.s32 $0xFFFFCE00  }
0x216: {  	[spmem:s3] =	stream.indirect.scatter.add.f32 [tilespmem:s16], [sflag:$0x3], $0x80, s31, s21, $0xb8;
	[tilespmem:$0x1EDC0] =	vst v63  }
0x217: {  	_ =	swait.ge [sflag:s19], $0x3200  }
0x218: {  	[sflag:s19] =	ssyncset.done $0x0  }
0x219: {  	s29 =	sadd.s32 $0x750, s26;
	[sflag:s19] =	ssyncadd.s32 $0xFFFFCE00  }
0x21a: {  	[tilespmem:s16], [sflag:$0x1] =	stream.indirect.gather [hbm4b:s1+s21], $0x80, s29, s21, $0xb8;
	[tilespmem:$0x1EDC0] =	vst v63  }
0x21b: {  	_ =	swait.ge [sflag:s18], $0x3200  }
0x21c: {  	[sflag:s18] =	ssyncset.done $0x0  }
0x21d: {  	s30 =	sadd.s32 $0x2F88, s26;
	[sflag:s18] =	ssyncadd.s32 $0xFFFFCE00  }
0x21e: {  	[spmem:s3] =	stream.indirect.scatter.add.f32 [tilespmem:s22], [sflag:$0x3], $0x80, s30, s21, $0xb8;
	[tilespmem:$0x1EDC0] =	vst v63  }
0x21f: {  	_ =	swait.ge [sflag:s19], $0x3200  }
0x220: {  	[sflag:s19] =	ssyncset.done $0x0  }
0x221: {  	s31 =	sadd.s32 $0x7B8, s26;
	[sflag:s19] =	ssyncadd.s32 $0xFFFFCE00  }
0x222: {  	[tilespmem:s22], [sflag:$0x2] =	stream.indirect.gather [hbm4b:s1+s21], $0x80, s31, s21, $0xb8;
	[tilespmem:$0x1EDC0] =	vst v63  }
0x223: {  	_ =	swait.ge [sflag:s17], $0x3200  }
0x224: {  	[sflag:s17] =	ssyncset.done $0x0  }
0x225: {  	s29 =	sadd.s32 $0x2FF0, s26;
	[sflag:s17] =	ssyncadd.s32 $0xFFFFCE00  }
0x226: {  	[spmem:s3] =	stream.indirect.scatter.add.f32 [tilespmem:s16], [sflag:$0x3], $0x80, s29, s21, $0xb8;
	[tilespmem:$0x1EDC0] =	vst v63  }
0x227: {  	_ =	swait.ge [sflag:s19], $0x3200  }
0x228: {  	[sflag:s19] =	ssyncset.done $0x0  }
0x229: {  	[sflag:s19] =	ssyncadd.s32 $0xFFFFCE00  }
0x22a: {  	_ =	swait.ge [sflag:s18], $0x3200  }
0x22b: {  	[sflag:s18] =	ssyncset.done $0x0  }
0x22c: {  	s26 =	sadd.s32 $0x3058, s26;
	[sflag:s18] =	ssyncadd.s32 $0xFFFFCE00  }
0x22d: {  	[spmem:s3] =	stream.indirect.scatter.add.f32 [tilespmem:s22], [sflag:$0x3], $0x80, s26, s21, $0xb8;
	[tilespmem:$0x1EDC0] =	vst v63  }
0x22e: {  	s25 =	sadd.s32 $0x1, s25;
	_ =	swait.ge [sflag:s19], $0x3200  }
0x22f: {  	p0 =	sne.s32 s25, s14;
	[sflag:s19] =	ssyncset.done $0x0  }
0x230: {  	s30 =	sshll.u32 s0, $0x6;
	s31 =	sshrl.u32 s7, $0x3;
	[sflag:s19] =	ssyncadd.s32 $0xFFFFCE00  }
.Ltmp2:
0x231: {  	s26 =	sor.u32 $0x1C05, s30;
	[bflag:$0x0] =	sbarrier.arrive $0xFFFF;
	(pc) =	sbr.rel @p0 .LBB2_1-.Ltmp2, $4  }
0x232: {  	[hbm:s23], [sflag:s26] =	dma.local [spmem:s31], $0x2710  }
0x233: {  	_ =	swait.ge [sflag:s24], $0x2710  }
0x234: {  	[sflag:s24] =	ssyncset.done $0x0  }
0x235: {  	[sflag:s24] =	ssyncadd.s32 $0xFFFFD8F0  }
0x236: {  	_ =	sfence.sel $0x180000  }
0x237: {  	[bflag:$0x0] =	sbarrier.arrive $0xFFFF  }
0x238: {  	p0 =	sne.s32 s0, $0x0;
	_ =	strace $0x9000004D  }
0x239: {  	s0 =	sadd.s32 @!p0 $0x100000, s2;
	[bflag:$0x2] =	sbarrier.arrive $0xFFFF  }
0x23a: {  	[sflag:s0] =	ssyncadd.tile.s32 @!p0 $0x1;
	_ =	shalt  }
.Lfunc_end2:
_tile_overlayer_lowered:
.L_overlay_start_2:
0x23b: {  	(tag) =	ssettag $0x2  }
0x23c: {  	s0 =	rddreg [dreg:$0x0];
	s2 =	stileid.u32  }
0x23d: {  	s1 =	rddreg [dreg:$0x1];
	p0 =	sne.s32 s2, $0x0  }
0x23e: {  	s3 =	rddreg [dreg:$0x2];
	[bflag:$0x3] =	sbarrier.arrive $0xFFFF;
	s2 =	simm.s32 @!p0 $0x1C05  }
0x23f: {  	[timem:s3], [sflag:s2] =	dma.local @!p0 [hbm:s0], s1  }
0x240: {  	s0 =	simm.s32 @!p0 $0x5  }
0x241: {  	_ =	swait.ge @!p0 [sflag:s0], s1  }
0x242: {  	s1 =	ssub.s32 @!p0 $0x0, s1;
	[sflag:s0] =	ssyncset.done @!p0 $0x0  }
0x243: {  	[sflag:s0] =	ssyncadd.s32 @!p0 s1  }
0x244: {  	[bflag:$0x3] =	sbarrier.arrive $0xFFFF  }
0x245: {  	_ =	shalt  }

// kernel: kernel.8.cloned.1.call-start
scs
__scs_entry_jumppad:
0x0: {  	(pc) =	sbr.rel $0x88, $3  }
0x1: {  	(tag) =	ssettag $0x0;
	lr =	simm.s32 $0x1  }
0x2: {  	[smem:$0x3F9B] =	sst lr;
	_ =	strace $0xD0000000  }
0x3: {  	_ = 	snop  }
0x4: {  	_ = 	snop  }
0x5: {  	_ = 	snop  }
0x6: {  	_ = 	snop  }
0x7: {  	_ = 	snop  }
__scs_overlays_trampoline_lowered:
0x8: {  	[smem:$0x3FAA] =	sst s0  }
0x9: {  	[smem:$0x3FAB] =	sst s1  }
0xa: {  	[smem:$0x3FAC] =	sst s2  }
0xb: {  	[smem:$0x3FAD] =	sst s3  }
0xc: {  	[smem:$0x3FAE] =	sst s4  }
0xd: {  	[smem:$0x3FAF] =	sst s5  }
0xe: {  	[smem:$0x3FB0] =	sst s6  }
0xf: {  	[smem:$0x3FB1] =	sst s7  }
0x10: {  	[smem:$0x3FB2] =	sst s8  }
0x11: {  	[smem:$0x3FB3] =	sst s9;
	s0 =	simm.s32 @!p0 $0x0  }
0x12: {  	s1 =	sld [smem:$0x3F99];
	s0 =	simm.s32 @p0 $0x1  }
0x13: {  	[smem:$0x3FB4] =	sst s0;
	s0 =	simm.s32 @!p1 $0x0  }
0x14: {  	s2 =	sld [smem:$0x3F98];
	s0 =	simm.s32 @p1 $0x1  }
0x15: {  	[smem:$0x3FB5] =	sst s0;
	s0 =	simm.s32 @!p2 $0x0  }
0x16: {  	s3 =	sld [smem:$0x3FDB];
	s0 =	simm.s32 @p2 $0x1  }
0x17: {  	s4 =	simm.s32 $0x1BF5;
	[smem:$0x3FB7] =	sst s0  }
0x18: {  	s0 =	sld [smem:$0x3F9A];
	_ =	swait.ge [sflag:s4], $0x0  }
0x19: {  	s7 =	sld [smem:$0x3F9B]  }
0x1a: {  	s8 =	sadd.s32 $0xFFFFE003, lr  }
0x1b: {  	s9 =	sadd.s32 $0xFFFFFEF7, lr;
	s5 =	simm.s32 $0xFFFFFFFF;
	p2 =	slt.u32 s8, $0xFFFFF086  }
0x1c: {  	p1 =	slt.u32 s9, $0xF7A;
	s5 =	simm.s32 @!p2 $0x0  }
0x1d: {  	s5 =	simm.s32 @p1 $0x1;
	p0 =	seq.s32 s7, s2  }
0x1e: {  	s7 =	smul.u32 @!p0 $0xF7A, s2;
	p2 =	seq.s32 @!p0 s5, $0x0  }
0x1f: {  	s9 =	smul.u32 $0xF7A, s1;
	s8 =	simm.s32 @!p0 $0x1BF5;
	p2 =	por !p2, p0  }
0x20: {  	[sflag:s8] =	ssyncset.s32 @!p0 $0xFFFFF086;
	s6 =	sadd.s32 @!p0 s3, s7;
	s7 =	simm.s32 @!p0 $0x108  }
0x21: {  	s3 =	sadd.s32 s3, s9;
	s6 =	sadd.s32 @!p0 $0x88, s6;
	s7 =	simm.s32 @p2 $0x1082  }
0x22: {  	[simem:s7], [sflag:s8] =	dma.local @!p0 [hbm:s6], $0xF7A  }
0x23: {  	s9 =	sor.u32 $0xD0000000, s2;
	s6 =	simm.s32 $0x108;
	_ =	swait.ge @!p0 [sflag:s8], $0x0  }
0x24: {  	s3 =	sadd.s32 $0x88, s3;
	s6 =	simm.s32 @!p1 $0x1082;
	[sflag:s4] =	ssyncset.s32 $0xFFFFF086  }
0x25: {  	[simem:s6], [sflag:s4] =	dma.local [hbm:s3], $0xF7A  }
0x26: {  	[smem:$0x3F9B] =	sst s1;
	(tag) =	ssettag s2;
	_ =	strace s9  }
0x27: {  	s1 =	sld [smem:$0x3FAB]  }
0x28: {  	s2 =	sld [smem:$0x3FAC]  }
0x29: {  	s4 =	sld [smem:$0x3FAE]  }
0x2a: {  	p0 =	seq.s32 s5, $0x0;
	s5 =	sld [smem:$0x3FAF]  }
0x2b: {  	s6 =	sld [smem:$0x3FB0]  }
0x2c: {  	s7 =	sld [smem:$0x3FB1]  }
0x2d: {  	s3 =	simm.s32 $0x108;
	s8 =	sld [smem:$0x3FB2]  }
0x2e: {  	s3 =	simm.s32 @!p0 $0x1082;
	s9 =	sld [smem:$0x3FB3]  }
0x2f: {  	lr =	sadd.s32 s0, s3;
	s0 =	sld [smem:$0x3FAA]  }
0x30: {  	s3 =	sld [smem:$0x3FAD]  }
0x31: {  	[smem:$0x3FB6] =	sst s10  }
0x32: {  	s10 =	sld [smem:$0x3FB4];
	_ =	sdelay $0x3  }
0x33: {  	p0 =	seq.s32 s10, $0x1;
	s10 =	sld [smem:$0x3FB6];
	_ =	sdelay $0x3  }
0x34: {  	[smem:$0x3FB6] =	sst s10  }
0x35: {  	s10 =	sld [smem:$0x3FB5];
	_ =	sdelay $0x3  }
0x36: {  	p1 =	seq.s32 s10, $0x1;
	s10 =	sld [smem:$0x3FB6];
	_ =	sdelay $0x3  }
0x37: {  	[smem:$0x3FB6] =	sst s10  }
0x38: {  	s10 =	sld [smem:$0x3FB7]  }
0x39: {  	_ = 	snop;
	(pc) =	sbr.ind lr, $3  }
0x3a: {  	_ = 	snop  }
0x3b: {  	_ = 	snop  }
0x3c: {  	p2 =	seq.s32 s10, $0x1;
	s10 =	sld [smem:$0x3FB6]  }
0x3d: {  	_ =	shalt  }
0x3e: {  	_ =	shalt  }
0x3f: {  	_ =	shalt  }
0x40: {  	_ =	shalt  }
0x41: {  	_ =	shalt  }
0x42: {  	_ =	shalt  }
0x43: {  	_ =	shalt  }
0x44: {  	_ =	shalt  }
0x45: {  	_ =	shalt  }
0x46: {  	_ =	shalt  }
0x47: {  	_ =	shalt  }
0x48: {  	_ =	shalt  }
0x49: {  	_ =	shalt  }
0x4a: {  	_ =	shalt  }
0x4b: {  	_ =	shalt  }
0x4c: {  	_ =	shalt  }
0x4d: {  	_ =	shalt  }
0x4e: {  	_ =	shalt  }
0x4f: {  	_ =	shalt  }
0x50: {  	_ =	shalt  }
0x51: {  	_ =	shalt  }
0x52: {  	_ =	shalt  }
0x53: {  	_ =	shalt  }
0x54: {  	_ =	shalt  }
0x55: {  	_ =	shalt  }
0x56: {  	_ =	shalt  }
0x57: {  	_ =	shalt  }
0x58: {  	_ =	shalt  }
0x59: {  	_ =	shalt  }
0x5a: {  	_ =	shalt  }
0x5b: {  	_ =	shalt  }
0x5c: {  	_ =	shalt  }
0x5d: {  	_ =	shalt  }
0x5e: {  	_ =	shalt  }
0x5f: {  	_ =	shalt  }
0x60: {  	_ =	shalt  }
0x61: {  	_ =	shalt  }
0x62: {  	_ =	shalt  }
0x63: {  	_ =	shalt  }
0x64: {  	_ =	shalt  }
0x65: {  	_ =	shalt  }
0x66: {  	_ =	shalt  }
0x67: {  	_ =	shalt  }
0x68: {  	_ =	shalt  }
0x69: {  	_ =	shalt  }
0x6a: {  	_ =	shalt  }
0x6b: {  	_ =	shalt  }
0x6c: {  	_ =	shalt  }
0x6d: {  	_ =	shalt  }
0x6e: {  	_ =	shalt  }
0x6f: {  	_ =	shalt  }
0x70: {  	_ =	shalt  }
0x71: {  	_ =	shalt  }
0x72: {  	_ =	shalt  }
0x73: {  	_ =	shalt  }
0x74: {  	_ =	shalt  }
0x75: {  	_ =	shalt  }
0x76: {  	_ =	shalt  }
0x77: {  	_ =	shalt  }
0x78: {  	_ =	shalt  }
0x79: {  	_ =	shalt  }
0x7a: {  	_ =	shalt  }
0x7b: {  	_ =	shalt  }
0x7c: {  	_ =	shalt  }
0x7d: {  	_ =	shalt  }
0x7e: {  	_ =	shalt  }
0x7f: {  	_ =	shalt  }
0x80: {  	_ =	shalt  }
0x81: {  	_ =	shalt  }
0x82: {  	_ =	shalt  }
0x83: {  	_ =	shalt  }
0x84: {  	_ =	shalt  }
0x85: {  	_ =	shalt  }
0x86: {  	_ =	shalt  }
0x87: {  	_ =	shalt  }
.Lfunc_end0:
.L_simem_size_0:
called_computation_lowered:
.L_overlay_start_0:
0x88: {  	s2 =	sld [smem:$0x3FD9]  }
0x89: {  	s3 =	sld [smem:$0x3FFE];
	_ =	sdelay $0x1  }
0x8a: {  	s1 =	srdreg.scid  }
0x8b: {  	s0 =	sand.u32 $0x1, s1  }
0x8c: {  	s17 =	sshll.u32 s0, $0xA;
	s2 =	sadd.s32 s3, s2  }
0x8d: {  	s2 =	sadd.s32 s2, s17  }
0x8e: {  	[smem:$0x3FC2] =	sst s2  }
0x8f: {  	_ = 	snop  }
0x90: {  	s2 =	sld [smem:$0x3FD0];
	(tm) =	ssettm $0x1  }
0x91: {  	s18 =	sld [smem:$0x3FFB];
	_ =	sdelay $0x3  }
0x92: {  	_ =	strace s18  }
0x93: {  	s3 =	sld [smem:$0x3FFC];
	_ =	sdelay $0x3  }
0x94: {  	_ =	strace s3  }
0x95: {  	s3 =	sld [smem:$0x3FFD];
	_ =	sdelay $0x3  }
0x96: {  	_ =	strace s3  }
0x97: {  	_ =	strace $0x8FFFFFFF  }
0x98: {  	s19 =	sld [smem:$0x3FDB];
	_ =	sdelay $0x1  }
0x99: {  	s4 =	simm.s32 $_scs_section_size  }
0x9a: {  	s5 =	simm.s32 $_size__tile_overlayer_lowered;
	s6 =	simm.s32 $_tile_overlayer_lowered  }
0x9b: {  	s22 =	simm.s32 $0x1BFF;
	s21 =	sshll.u32 s6, $0x1;
	s3 =	sadd.s32 s4, s19  }
0x9c: {  	s7 =	simm.s32 $0x0;
	s20 =	sshll.u32 s5, $0x1;
	s5 =	sadd.s32 s21, s3  }
0x9d: {  	[timem:s7], [sflag:s22] =	dma.local [hbm:s5], s20  }
0x9e: {  	_ =	swait.ge [sflag:s22], s20  }
0x9f: {  	s4 =	ssub.s32 $0x0, s20;
	[sflag:s22] =	ssyncset.done $0x0  }
0xa0: {  	[sflag:s22] =	ssyncadd.s32 s4;
	_ =	sdelay $0x1  }
0xa1: {  	s23 =	simm.s32 $0x1B8B  }
0xa2: {  	_ =	swait.ge [sflag:s23], $0x1  }
0xa3: {  	[sflag:s23] =	ssyncset.done $0x0  }
0xa4: {  	s25 =	simm.s32 $0x1B8E;
	s24 =	sld [smem:$0x3FFE];
	[sflag:s23] =	ssyncadd.s32 $0xFFFFFFFF  }
0xa5: {  	s26 =	simm.s32 $execute0_lowered;
	[smem:$0x3FD2] =	sst s25  }
0xa6: {  	s5 =	sshll.u32 s26, $0x1;
	_ =	strace $0x80000046;
	[dreg:$0x1] =	wrdreg $0xFFFFFFFF  }
0xa7: {  	s28 =	simm.s32 $_size_execute0_lowered;
	s3 =	sadd.s32 s3, s5;
	[dreg:$0x0] =	wrdreg $0x0  }
0xa8: {  	s5 =	sshll.u32 s28, $0x1;
	[dreg:$0x2] =	wrdreg s3  }
0xa9: {  	[dreg:$0x3] =	wrdreg s5  }
0xaa: {  	[dreg:$0x4] =	wrdreg $0xC0  }
0xab: {  	_ =	task [dreg:s7], $0x5FFFF  }
0xac: {  	[dreg:$0x1] =	wrdreg $0xFFFFFFFF  }
0xad: {  	[dreg:$0x0] =	wrdreg $0x60  }
0xae: {  	[dreg:$0x2] =	wrdreg s24  }
0xaf: {  	[dreg:$0x3] =	wrdreg s2  }
0xb0: {  	[dreg:$0x4] =	wrdreg $0x9  }
0xb1: {  	_ =	task.clear_ibuf [dreg:s7], $0x5FFFF;
	_ =	strace $0x90000046  }
0xb2: {  	s29 =	simm.s32 $0x9;
	_ =	strace $0x80000048  }
0xb3: {  	_ =	swait.ge [sflag:s29], $0x1  }
0xb4: {  	[sflag:s29] =	ssyncadd.s32 $0xFFFFFFFF  }
0xb5: {  	_ =	strace $0x90000048  }
0xb6: {  	_ =	sfence  }
0xb7: {  	s30 =	sld [smem:$0x0];
	_ =	sdelay $0x2  }
0xb8: {  	s31 =	sshll.u32 s1, $0xD;
	s1 =	sshrl.u32 s1, $0x2  }
0xb9: {  	s3 =	sand.u32 $0x4000, s31;
	s1 =	sadd.s32 s1, s30  }
0xba: {  	s0 =	sor.u32 s3, s0;
	s1 =	sshll.u32 s1, $0x11  }
0xbb: {  	s0 =	sor.u32 s1, s0  }
0xbc: {  	s0 =	sadd.s32 $0x8F2B, s0  }
0xbd: {  	[sflag:s0] =	ssyncadd.remote.s32 $0x1  }
0xbe: {  	_ =	sfence.sel $0xFFFF  }
0xbf: {  	[dreg:$0x0] =	wrdreg $0xFFFFFFFF;
	(pc) =	sbr.abs _section_cstart, $3  }
0xc0: {  	[dreg:$0x1] =	wrdreg $0xFFFFFFFF  }
0xc1: {  	_ =	task.clear_ibuf [dreg:s7], $0x2FFFF;
	_ =	strace $0x9FFFFFFF  }
0xc2: {  	(tm) =	ssettm $0x7FFFFFFF  }
0xc3: {  	_ =	shalt  }
tec
execute0_lowered:
.L_overlay_start_1:
0x0: {  	(tag) =	ssettag $0x1  }
0x1: {  	s3 =	rddreg [dreg:$0x0]  }
0x2: {  	s1 =	srdreg.scid;
	s0 =	stileid.u32  }
0x3: {  	s4 =	rddreg [dreg:$0x1];
	s5 =	sand.u32 $0x1, s1;
	s2 =	sshll.u32 s0, $0x1  }
0x4: {  	s1 =	rddreg [dreg:$0x2];
	s6 =	sor.u32 s5, s2  }
0x5: {  	s2 =	simm.s32 $0x0;
	s5 =	ssub.s32 $0x2, s5;
	s7 =	smul.u32 $0x4E2, s6  }
0x6: {  	[smem:$0x7FF] =	sst s2;
	s8 =	sshrl.u32 s5, $0x1;
	s6 =	smul.u32 $0x500, s6  }
0x7: {  	_ =	strace $0x80000047;
	s5 =	ssub.s32 s5, s8;
	s8 =	simm.s32 $0x0  }
0x8: {  	s3 =	sadd.s32 s7, s3;
	s4 =	sadd.s32 s4, s6;
	s5 =	smax.u32 s5, $0x1  }
0x9: {  	v0 =	vimm.f32 $0.0e+00;
	v1 =	vimm.f32 $1.000000000e+00;
	s6 =	simm.s32 $0x1;
	s7 =	simm.s32 $0x2710;
	s3 =	sadd.s32 $0x2600, s3  }
.LBB2_1:
0xa: {  	[tilespmem:s2], [sflag:$0x1] =	stream.linear.gather [hbm4b:s3+s2], $0x2710, $0x38;
	[tilespmem:$0x4F10] =	vst v63  }
0xb: {  	_ =	swait.ge [sflag:s6], $0x2710  }
0xc: {  	[sflag:s6] =	ssyncset.done $0x0  }
0xd: {  	s9 =	simm.s32 $0x0;
	[sflag:s6] =	ssyncadd.s32 $0xFFFFD8F0  }
.LBB2_2:
0xe: {  	p0 =	sne.s32 s9, $0x9FC0  }
.Ltmp0:
0xf: {  	_ = 	snop;
	(pc) =	sbr.rel @p0 .LBB2_2-.Ltmp0, $3  }
0x10: {  	_ =	sdelay $0x1  }
0x11: {  	s10 =	sshra.s32 s9, $0x2  }
0x12: {  	s9 =	sadd.s32 $0x40, s9;
	[tilespmem:s10+$0x2710] =	vst v0  }
0x13: {  	s10 =	simm.s32 $0x0;
	s9 =	simm.s32 $0x40  }
.LBB2_4:
0x14: {  	p0 =	sne.s32 s9, $0x9C00;
	v2 =	vld [tilespmem:s10+$0x0];
	_ =	sdelay $0x3  }
.Ltmp1:
0x15: {  	(pc) =	sbr.rel @p0 .LBB2_4-.Ltmp1, $2  }
0x16: {  	_ =	sdelay $0x2  }
0x17: {  	s10 =	sshra.s32 s9, $0x2;
	s9 =	sadd.s32 $0x40, s9;
	[tilespmem:v2+s7+$0x0] =	vst.idx.add.f32.msk $0xffff, v1  }
0x18: {  	v2 =	vld [tilespmem:s10+$0x0];
	_ =	sdelay $0x5  }
0x19: {  	s8 =	sadd.s32 $0x1, s8  }
0x1a: {  	p0 =	sne.s32 s8, s5  }
.Ltmp2:
0x1b: {  	[tilespmem:v2+s7+$0x0] =	vst.idx.add.f32.msk $0xffff, v1;
	(pc) =	sbr.rel @p0 .LBB2_1-.Ltmp2, $4  }
0x1c: {  	[hbm4b:s4+s2] =	stream.linear.scatter [tilespmem:s7], [sflag:$0x1], $0x2800, $0x38;
	[tilespmem:$0x4F10] =	vst v63  }
0x1d: {  	_ =	swait.ge [sflag:s6], $0x2800  }
0x1e: {  	[sflag:s6] =	ssyncset.done $0x0  }
0x1f: {  	[sflag:s6] =	ssyncadd.s32 $0xFFFFD800  }
0x20: {  	_ =	sfence.sel $0x180000  }
0x21: {  	[bflag:$0x0] =	sbarrier.arrive $0xFFFF  }
0x22: {  	p0 =	sne.s32 s0, $0x0;
	_ =	strace $0x90000047  }
0x23: {  	s0 =	sadd.s32 @!p0 $0x100000, s1;
	[bflag:$0x2] =	sbarrier.arrive $0xFFFF  }
0x24: {  	[sflag:s0] =	ssyncadd.tile.s32 @!p0 $0x1;
	_ =	shalt  }
.Lfunc_end2:
_tile_overlayer_lowered:
.L_overlay_start_2:
0x25: {  	(tag) =	ssettag $0x2  }
0x26: {  	s0 =	rddreg [dreg:$0x0];
	s2 =	stileid.u32  }
0x27: {  	s1 =	rddreg [dreg:$0x1];
	p0 =	sne.s32 s2, $0x0  }
0x28: {  	s3 =	rddreg [dreg:$0x2];
	[bflag:$0x3] =	sbarrier.arrive $0xFFFF;
	s2 =	simm.s32 @!p0 $0x1C01  }
0x29: {  	[timem:s3], [sflag:s2] =	dma.local @!p0 [hbm:s0], s1  }
0x2a: {  	s0 =	simm.s32 @!p0 $0x1  }
0x2b: {  	_ =	swait.ge @!p0 [sflag:s0], s1  }
0x2c: {  	s1 =	ssub.s32 @!p0 $0x0, s1;
	[sflag:s0] =	ssyncset.done @!p0 $0x0  }
0x2d: {  	[sflag:s0] =	ssyncadd.s32 @!p0 s1  }
0x2e: {  	[bflag:$0x3] =	sbarrier.arrive $0xFFFF  }
0x2f: {  	_ =	shalt  }

</sc_bundles>
